<compile_context>
chip_gen: v7x
topology: tpu7x:2x2x1
jax: 0.10.2.dev20260603
libtpu: 0.0.44.dev20260713+nightly
codegen_flags: <defaults>
</compile_context>

<pallas_src>
import functools

import jax
import jax.numpy as jnp
from jax import lax
from jax.experimental import pallas as pl
from jax.experimental.pallas import tpu as pltpu
from jax.experimental.pallas import tpu_sc as plsc

N = 2048
H = 1024
E = 8
DFF = 2730
T = 256
NT = 23
P = NT * T
NW = 32
TPW = N // NW
CHUNK = 32
DH = 1408
MAX_TILES_PER_EXPERT = 16


def _router_body(x_ref, rw_ref, rb_ref, logits_ref, idx_ref, w_ref):
    x = x_ref[...]
    logits = jnp.dot(x, rw_ref[...], preferred_element_type=jnp.float32)
    logits = logits + rb_ref[...]
    logits_ref[...] = logits
    m = jnp.max(logits, axis=1, keepdims=True)
    p = jnp.exp(logits - m)
    probs = p / jnp.sum(p, axis=1, keepdims=True)
    eio = lax.broadcasted_iota(jnp.int32, (N, E), 1)
    p1 = jnp.max(probs, axis=1, keepdims=True)
    i1 = jnp.min(jnp.where(probs == p1, eio, E), axis=1, keepdims=True)
    masked = jnp.where(eio == i1, -1.0, probs)
    p2 = jnp.max(masked, axis=1, keepdims=True)
    i2 = jnp.min(jnp.where(masked == p2, eio, E), axis=1, keepdims=True)
    s = p1 + p2
    w_ref[...] = jnp.concatenate([p1 / s, p2 / s], axis=1)
    idx_ref[...] = jnp.concatenate([i1, i2], axis=1)


def _router(x2d, router_w, router_b):
    return pl.pallas_call(
        _router_body,
        out_shape=(
            jax.ShapeDtypeStruct((N, E), jnp.float32),
            jax.ShapeDtypeStruct((N, 2), jnp.int32),
            jax.ShapeDtypeStruct((N, 2), jnp.float32),
        ),
    )(x2d, router_w, router_b.reshape(1, E))


def _mlp_body(te_ref, xg_ref, wg_ref, bg_ref, wu_ref, bu_ref, wd_ref, bd_ref,
              y_ref):
    xb = xg_ref[...].astype(jnp.bfloat16)
    h1 = jnp.dot(xb, wg_ref[0].astype(jnp.bfloat16),
                 preferred_element_type=jnp.float32) + bg_ref[0]
    h2 = jnp.dot(h1.astype(jnp.bfloat16), wu_ref[0].astype(jnp.bfloat16),
                 preferred_element_type=jnp.float32) + bu_ref[0]
    h2 = h2 * jax.nn.sigmoid(h2)
    y_ref[...] = jnp.dot(h2.astype(jnp.bfloat16), wd_ref[0].astype(jnp.bfloat16),
                         preferred_element_type=jnp.float32) + bd_ref[0]


def _grouped_mlp(te, xg, Wg, bg, Wu, bu, Wd, bd):
    grid_spec = pltpu.PrefetchScalarGridSpec(
        num_scalar_prefetch=1,
        grid=(NT,),
        in_specs=[
            pl.BlockSpec((T, H), lambda i, te: (i, 0)),
            pl.BlockSpec((1, H, H), lambda i, te: (te[i], 0, 0)),
            pl.BlockSpec((1, 1, H), lambda i, te: (te[i], 0, 0)),
            pl.BlockSpec((1, H, DFF), lambda i, te: (te[i], 0, 0)),
            pl.BlockSpec((1, 1, DFF), lambda i, te: (te[i], 0, 0)),
            pl.BlockSpec((1, DFF, H), lambda i, te: (te[i], 0, 0)),
            pl.BlockSpec((1, 1, H), lambda i, te: (te[i], 0, 0)),
        ],
        out_specs=pl.BlockSpec((T, H), lambda i, te: (i, 0)),
    )
    return pl.pallas_call(
        _mlp_body,
        grid_spec=grid_spec,
        out_shape=jax.ShapeDtypeStruct((P, H), jnp.float32),
        compiler_params=pltpu.CompilerParams(
            dimension_semantics=("arbitrary",),
            vmem_limit_bytes=63 * 1024 * 1024),
    )(te, xg, Wg, bg.reshape(E, 1, H), Wu, bu.reshape(E, 1, DFF), Wd,
      bd.reshape(E, 1, H))


def _dispatch(x2d, d0r, d1r):
    mesh = plsc.VectorSubcoreMesh(core_axis_name="c", subcore_axis_name="s")

    @functools.partial(
        pl.kernel,
        mesh=mesh,
        out_type=jax.ShapeDtypeStruct((P, H), jnp.float32),
        scratch_types=[
            pltpu.VMEM((TPW, H), jnp.float32),
            pltpu.VMEM((TPW,), jnp.int32),
            pltpu.VMEM((TPW,), jnp.int32),
            pltpu.SemaphoreType.DMA,
            pltpu.SemaphoreType.DMA,
        ],
    )
    def k(x_hbm, d0_hbm, d1_hbm, xg_hbm, rows_v, idx0_v, idx1_v, s0, s1):
        wid = lax.axis_index("c") * 16 + lax.axis_index("s")
        base = wid * TPW
        pltpu.sync_copy(x_hbm.at[pl.ds(base, TPW)], rows_v)
        pltpu.sync_copy(d0_hbm.at[wid], idx0_v)
        pltpu.sync_copy(d1_hbm.at[wid], idx1_v)
        c0 = pltpu.async_copy(rows_v, xg_hbm.at[idx0_v], s0)
        c1 = pltpu.async_copy(rows_v, xg_hbm.at[idx1_v], s1)
        c0.wait()
        c1.wait()

    return k(x2d, d0r, d1r)


def _combine(y, d0c, d1c, w0b, w1b):
    mesh = plsc.VectorSubcoreMesh(core_axis_name="c", subcore_axis_name="s")
    nch = TPW // CHUNK

    @functools.partial(
        pl.kernel,
        mesh=mesh,
        out_type=jax.ShapeDtypeStruct((N, H), jnp.float32),
        scratch_types=[
            pltpu.VMEM((CHUNK, H), jnp.float32),
            pltpu.VMEM((CHUNK, H), jnp.float32),
            pltpu.VMEM((CHUNK,), jnp.int32),
            pltpu.VMEM((CHUNK,), jnp.int32),
            pltpu.VMEM((TPW, 16), jnp.float32),
            pltpu.VMEM((TPW, 16), jnp.float32),
            pltpu.SemaphoreType.DMA,
            pltpu.SemaphoreType.DMA,
        ],
    )
    def k(y_hbm, d0_hbm, d1_hbm, w0_hbm, w1_hbm, out_hbm,
          r0, r1, idx0_v, idx1_v, w0_v, w1_v, s0, s1):
        wid = lax.axis_index("c") * 16 + lax.axis_index("s")
        base = wid * TPW
        pltpu.sync_copy(w0_hbm.at[wid], w0_v)
        pltpu.sync_copy(w1_hbm.at[wid], w1_v)
        for c in range(nch):
            pltpu.sync_copy(d0_hbm.at[wid, c], idx0_v)
            pltpu.sync_copy(d1_hbm.at[wid, c], idx1_v)
            c0 = pltpu.async_copy(y_hbm.at[idx0_v], r0, s0)
            c1 = pltpu.async_copy(y_hbm.at[idx1_v], r1, s1)
            c0.wait()
            c1.wait()

            def body(t, _):
                w0vec = w0_v[c * CHUNK + t]
                w1vec = w1_v[c * CHUNK + t]
                for kk in range(H // 16):
                    sl = pl.ds(kk * 16, 16)
                    r0[t, sl] = w0vec * r0[t, sl] + w1vec * r1[t, sl]
                return 0

            lax.fori_loop(0, CHUNK, body, 0)
            pltpu.sync_copy(r0, out_hbm.at[pl.ds(base + c * CHUNK, CHUNK)])

    return k(y, d0c, d1c, w0b, w1b)


def kernel(x, router_w, router_b, Wg, bg, Wu, bu, Wd, bd):
    Bx, Sx, Hx = x.shape
    x2d = x.reshape(N, H)
    logits, idxs, ws = _router(x2d, router_w, router_b)

    e_pair = idxs.reshape(-1)
    oh = (e_pair[:, None] == jnp.arange(E, dtype=jnp.int32)[None, :])
    oh = oh.astype(jnp.int32)
    incl = jnp.cumsum(oh, axis=0)
    rank = jnp.sum(incl * oh, axis=1) - 1
    counts = incl[-1]
    pc = ((counts + T - 1) // T) * T
    pend = jnp.cumsum(pc)
    pstart = pend - pc
    dest = (pstart[e_pair] + rank).astype(jnp.int32)

    tstart = jnp.arange(NT, dtype=jnp.int32) * T
    te = jnp.sum((tstart[:, None] >= pend[None, :]).astype(jnp.int32), axis=1)
    te = jnp.clip(te, 0, E - 1)
    used = pend[-1]
    te_last = te[jnp.maximum(used // T - 1, 0)]
    te = jnp.where(tstart >= used, te_last, te).astype(jnp.int32)

    dtok = dest.reshape(N, 2)
    d0r = dtok[:, 0].reshape(NW, TPW)
    d1r = dtok[:, 1].reshape(NW, TPW)
    xg = _dispatch(x2d, d0r, d1r)

    y = _grouped_mlp(te, xg, Wg, bg, Wu, bu, Wd, bd)

    nch = TPW // CHUNK
    d0c = dtok[:, 0].reshape(NW, nch, CHUNK)
    d1c = dtok[:, 1].reshape(NW, nch, CHUNK)
    w0b = jnp.broadcast_to(ws[:, 0:1], (N, 16)).reshape(NW, TPW, 16)
    w1b = jnp.broadcast_to(ws[:, 1:2], (N, 16)).reshape(NW, TPW, 16)
    out2d = _combine(y, d0c, d1c, w0b, w1b)

    return out2d.reshape(Bx, Sx, Hx), logits.reshape(Bx, Sx, E)

# --- scband reference (transcript-rebuilt; emitter-appended) ---
"""Pipeline reference for scband-sparse-moe-62156766707958 (READ-ONLY COPY).

The authoritative reference and input builder live on the scoring server;
editing this copy changes nothing except your own understanding.
"""

import jax, jax.numpy as jnp
import numpy as np

B, S, H = 1, 2048, 1024
E, TOPK = 8, 2
DFF = H * 8 // 3  # 2730


def setup_inputs(seed: int = 0) -> dict:
    key = jax.random.key(seed)
    ks = jax.random.split(key, 10)
    x = jax.random.normal(ks[0], (B, S, H), dtype=jnp.float32)
    router_w = jax.random.normal(ks[1], (H, E), dtype=jnp.float32) * 0.02
    router_b = jnp.zeros((E,), dtype=jnp.float32)
    Wg = jax.random.normal(ks[2], (E, H, H), dtype=jnp.float32) * 0.02
    bg = jnp.zeros((E, H), dtype=jnp.float32)
    Wu = jax.random.normal(ks[3], (E, H, DFF), dtype=jnp.float32) * 0.02
    bu = jnp.zeros((E, DFF), dtype=jnp.float32)
    Wd = jax.random.normal(ks[4], (E, DFF, H), dtype=jnp.float32) * 0.02
    bd = jnp.zeros((E, H), dtype=jnp.float32)
    return {"x": x, "router_w": router_w, "router_b": router_b,
            "Wg": Wg, "bg": bg, "Wu": Wu, "bu": bu, "Wd": Wd, "bd": bd}


def reference(x, router_w, router_b, Wg, bg, Wu, bu, Wd, bd):
    Bx, Sx, Hx = x.shape
    hidden = x.reshape(Bx * Sx, Hx)
    # Router
    expert_weight = hidden @ router_w + router_b  # [N, E] raw logits
    router_prob = jax.nn.softmax(expert_weight, axis=-1)
    router_weight, selected_idx = jax.lax.top_k(router_prob, TOPK)  # [N, k]
    router_weight = router_weight / jnp.sum(router_weight, axis=-1, keepdims=True)
    # Expert mixing: per-token weight for expert e is sum over top-k slots
    final = jnp.zeros_like(hidden)
    for e in range(E):
        sel = (selected_idx == e)                      # [N, k] routing mask
        w_e = jnp.sum(router_weight * sel, axis=-1)    # [N] (0 if not routed)
        h = hidden @ Wg[e] + bg[e]                     # gate proj H->H
        h = jax.nn.silu(h @ Wu[e] + bu[e])             # up proj H->DFF, silu
        h = h @ Wd[e] + bd[e]                          # down proj DFF->H
        final = final + h * w_e[:, None]               # scatter-add by routing mask
    final = final.reshape(Bx, Sx, Hx)
    return final, expert_weight.reshape(Bx, Sx, E)

if __name__ == "__main__":
    import jax
    _d = setup_inputs()
    print(jax.jit(kernel)(*tuple(_d.values())))

</pallas_src>

<mosaic_0001>
#map = affine_map<(d0, d1) -> (0, 0)>
module attributes {stable_mosaic.version = 14 : i64} {
  func.func @k(%arg0: i32, %arg1: i32, %arg2: memref<2048x1024xf32, #tpu.memory_space<hbm>>, %arg3: memref<32x64xi32, #tpu.memory_space<hbm>>, %arg4: memref<32x64xi32, #tpu.memory_space<hbm>>, %arg5: memref<5888x1024xf32, #tpu.memory_space<hbm>>, %arg6: memref<64x1024xf32, #tpu.memory_space<vmem>>, %arg7: memref<64xi32, #tpu.memory_space<vmem>>, %arg8: memref<64xi32, #tpu.memory_space<vmem>>, %arg9: memref<!tpu.dma_semaphore, #tpu.memory_space<semaphore_mem>>, %arg10: memref<!tpu.dma_semaphore, #tpu.memory_space<semaphore_mem>>) attributes {dimension_semantics = [#tpu.dimension_semantics<core_parallel>, #tpu.dimension_semantics<subcore_parallel>], iteration_bounds = array<i64: 2, 16>, scalar_prefetch = 0 : i64, scratch_operands = 5 : i64, tpu.core_type = #tpu.core_type<sc_vector_subcore>, window_params = [{transform_indices = #map}, {transform_indices = #map}, {transform_indices = #map}, {transform_indices = #map}]} {
    %mul3A = arith.constant 16 : i32
    %mul3A_0 = arith.muli %arg0, %mul3A : i32
    %add3A = arith.addi %mul3A_0, %arg1 : i32
    %mul3A_1 = arith.constant 64 : i32
    %mul3A_2 = arith.muli %add3A, %mul3A_1 : i32
    "tpu.region"() ({
      %run_scoped3A = tpu.sem_alloc : memref<!tpu.dma_semaphore, #tpu.memory_space<semaphore_mem>>
      %dma_start3A_13 = arith.constant 0 : i32
      %dma_start3A_14 = tpu.memref_slice %arg2[%mul3A_2, %dma_start3A_13] : memref<2048x1024xf32, #tpu.memory_space<hbm>> -> memref<64x1024xf32, #tpu.memory_space<hbm>>
      %dma_start3A_15 = arith.constant 0 : i32
      %dma_start3A_16 = tpu.memref_slice %arg2[%mul3A_2, %dma_start3A_15] : memref<2048x1024xf32, #tpu.memory_space<hbm>> -> memref<64x1024xf32, #tpu.memory_space<hbm>>
      tpu.enqueue_dma source(%dma_start3A_16 : memref<64x1024xf32, #tpu.memory_space<hbm>>) target(%arg6 : memref<64x1024xf32, #tpu.memory_space<vmem>>) target_semaphore(%run_scoped3A : memref<!tpu.dma_semaphore, #tpu.memory_space<semaphore_mem>>)
      %dma_wait3A_17 = arith.constant 0 : i32
      %dma_wait3A_18 = tpu.memref_slice %arg2[%mul3A_2, %dma_wait3A_17] : memref<2048x1024xf32, #tpu.memory_space<hbm>> -> memref<64x1024xf32, #tpu.memory_space<hbm>>
      %dma_wait3A_19 = arith.constant 0 : i32
      %dma_wait3A_20 = tpu.memref_slice %arg2[%mul3A_2, %dma_wait3A_19] : memref<2048x1024xf32, #tpu.memory_space<hbm>> -> memref<64x1024xf32, #tpu.memory_space<hbm>>
      tpu.wait_dma2 semaphore(%run_scoped3A : memref<!tpu.dma_semaphore, #tpu.memory_space<semaphore_mem>>) src(%dma_wait3A_20 : memref<64x1024xf32, #tpu.memory_space<hbm>>) dst(%arg6 : memref<64x1024xf32, #tpu.memory_space<vmem>>)
      tpu.yield
    }) : () -> ()
    "tpu.region"() ({
      %run_scoped3A = tpu.sem_alloc : memref<!tpu.dma_semaphore, #tpu.memory_space<semaphore_mem>>
      %dma_start3A_13 = arith.constant 0 : i32
      %dma_start3A_14 = tpu.memref_slice %arg3[%add3A, %dma_start3A_13] : memref<32x64xi32, #tpu.memory_space<hbm>> -> memref<1x64xi32, #tpu.memory_space<hbm>>
      %dma_start3A_15 = tpu.memref_squeeze %dma_start3A_14 : memref<1x64xi32, #tpu.memory_space<hbm>> -> memref<64xi32, #tpu.memory_space<hbm>>
      %dma_start3A_16 = arith.constant 0 : i32
      %dma_start3A_17 = tpu.memref_slice %arg3[%add3A, %dma_start3A_16] : memref<32x64xi32, #tpu.memory_space<hbm>> -> memref<1x64xi32, #tpu.memory_space<hbm>>
      %dma_start3A_18 = tpu.memref_squeeze %dma_start3A_17 : memref<1x64xi32, #tpu.memory_space<hbm>> -> memref<64xi32, #tpu.memory_space<hbm>>
      tpu.enqueue_dma source(%dma_start3A_18 : memref<64xi32, #tpu.memory_space<hbm>>) target(%arg7 : memref<64xi32, #tpu.memory_space<vmem>>) target_semaphore(%run_scoped3A : memref<!tpu.dma_semaphore, #tpu.memory_space<semaphore_mem>>)
      %dma_wait3A_19 = arith.constant 0 : i32
      %dma_wait3A_20 = tpu.memref_slice %arg3[%add3A, %dma_wait3A_19] : memref<32x64xi32, #tpu.memory_space<hbm>> -> memref<1x64xi32, #tpu.memory_space<hbm>>
      %dma_wait3A_21 = tpu.memref_squeeze %dma_wait3A_20 : memref<1x64xi32, #tpu.memory_space<hbm>> -> memref<64xi32, #tpu.memory_space<hbm>>
      %dma_wait3A_22 = arith.constant 0 : i32
      %dma_wait3A_23 = tpu.memref_slice %arg3[%add3A, %dma_wait3A_22] : memref<32x64xi32, #tpu.memory_space<hbm>> -> memref<1x64xi32, #tpu.memory_space<hbm>>
      %dma_wait3A_24 = tpu.memref_squeeze %dma_wait3A_23 : memref<1x64xi32, #tpu.memory_space<hbm>> -> memref<64xi32, #tpu.memory_space<hbm>>
      tpu.wait_dma2 semaphore(%run_scoped3A : memref<!tpu.dma_semaphore, #tpu.memory_space<semaphore_mem>>) src(%dma_wait3A_24 : memref<64xi32, #tpu.memory_space<hbm>>) dst(%arg7 : memref<64xi32, #tpu.memory_space<vmem>>)
      tpu.yield
    }) : () -> ()
    "tpu.region"() ({
      %run_scoped3A = tpu.sem_alloc : memref<!tpu.dma_semaphore, #tpu.memory_space<semaphore_mem>>
      %dma_start3A_13 = arith.constant 0 : i32
      %dma_start3A_14 = tpu.memref_slice %arg4[%add3A, %dma_start3A_13] : memref<32x64xi32, #tpu.memory_space<hbm>> -> memref<1x64xi32, #tpu.memory_space<hbm>>
      %dma_start3A_15 = tpu.memref_squeeze %dma_start3A_14 : memref<1x64xi32, #tpu.memory_space<hbm>> -> memref<64xi32, #tpu.memory_space<hbm>>
      %dma_start3A_16 = arith.constant 0 : i32
      %dma_start3A_17 = tpu.memref_slice %arg4[%add3A, %dma_start3A_16] : memref<32x64xi32, #tpu.memory_space<hbm>> -> memref<1x64xi32, #tpu.memory_space<hbm>>
      %dma_start3A_18 = tpu.memref_squeeze %dma_start3A_17 : memref<1x64xi32, #tpu.memory_space<hbm>> -> memref<64xi32, #tpu.memory_space<hbm>>
      tpu.enqueue_dma source(%dma_start3A_18 : memref<64xi32, #tpu.memory_space<hbm>>) target(%arg8 : memref<64xi32, #tpu.memory_space<vmem>>) target_semaphore(%run_scoped3A : memref<!tpu.dma_semaphore, #tpu.memory_space<semaphore_mem>>)
      %dma_wait3A_19 = arith.constant 0 : i32
      %dma_wait3A_20 = tpu.memref_slice %arg4[%add3A, %dma_wait3A_19] : memref<32x64xi32, #tpu.memory_space<hbm>> -> memref<1x64xi32, #tpu.memory_space<hbm>>
      %dma_wait3A_21 = tpu.memref_squeeze %dma_wait3A_20 : memref<1x64xi32, #tpu.memory_space<hbm>> -> memref<64xi32, #tpu.memory_space<hbm>>
      %dma_wait3A_22 = arith.constant 0 : i32
      %dma_wait3A_23 = tpu.memref_slice %arg4[%add3A, %dma_wait3A_22] : memref<32x64xi32, #tpu.memory_space<hbm>> -> memref<1x64xi32, #tpu.memory_space<hbm>>
      %dma_wait3A_24 = tpu.memref_squeeze %dma_wait3A_23 : memref<1x64xi32, #tpu.memory_space<hbm>> -> memref<64xi32, #tpu.memory_space<hbm>>
      tpu.wait_dma2 semaphore(%run_scoped3A : memref<!tpu.dma_semaphore, #tpu.memory_space<semaphore_mem>>) src(%dma_wait3A_24 : memref<64xi32, #tpu.memory_space<hbm>>) dst(%arg8 : memref<64xi32, #tpu.memory_space<vmem>>)
      tpu.yield
    }) : () -> ()
    %dma_start3A = arith.constant 0 : i32
    %dma_start3A_3 = arith.constant 0 : i32
    %dma_start3A_4 = tpu.memref_slice %arg5[%dma_start3A, %dma_start3A_3] : memref<5888x1024xf32, #tpu.memory_space<hbm>> -> memref<5888x1024xf32, #tpu.memory_space<hbm>>
    tpu.enqueue_indirect_dma source(%arg6 : memref<64x1024xf32, #tpu.memory_space<vmem>>) target(%dma_start3A_4 : memref<5888x1024xf32, #tpu.memory_space<hbm>>) offsets(%arg7 : memref<64xi32, #tpu.memory_space<vmem>>) semaphore(%arg9 : memref<!tpu.dma_semaphore, #tpu.memory_space<semaphore_mem>>)
    %dma_start3A_5 = arith.constant 0 : i32
    %dma_start3A_6 = arith.constant 0 : i32
    %dma_start3A_7 = tpu.memref_slice %arg5[%dma_start3A_5, %dma_start3A_6] : memref<5888x1024xf32, #tpu.memory_space<hbm>> -> memref<5888x1024xf32, #tpu.memory_space<hbm>>
    tpu.enqueue_indirect_dma source(%arg6 : memref<64x1024xf32, #tpu.memory_space<vmem>>) target(%dma_start3A_7 : memref<5888x1024xf32, #tpu.memory_space<hbm>>) offsets(%arg8 : memref<64xi32, #tpu.memory_space<vmem>>) semaphore(%arg10 : memref<!tpu.dma_semaphore, #tpu.memory_space<semaphore_mem>>)
    %dma_wait3A = arith.constant 0 : i32
    %dma_wait3A_8 = arith.constant 0 : i32
    %dma_wait3A_9 = tpu.memref_slice %arg5[%dma_wait3A, %dma_wait3A_8] : memref<5888x1024xf32, #tpu.memory_space<hbm>> -> memref<5888x1024xf32, #tpu.memory_space<hbm>>
    tpu.wait_indirect_dma semaphore(%arg9 : memref<!tpu.dma_semaphore, #tpu.memory_space<semaphore_mem>>) src(%arg6 : memref<64x1024xf32, #tpu.memory_space<vmem>>) dst(%dma_wait3A_9 : memref<5888x1024xf32, #tpu.memory_space<hbm>>)
    %dma_wait3A_10 = arith.constant 0 : i32
    %dma_wait3A_11 = arith.constant 0 : i32
    %dma_wait3A_12 = tpu.memref_slice %arg5[%dma_wait3A_10, %dma_wait3A_11] : memref<5888x1024xf32, #tpu.memory_space<hbm>> -> memref<5888x1024xf32, #tpu.memory_space<hbm>>
    tpu.wait_indirect_dma semaphore(%arg10 : memref<!tpu.dma_semaphore, #tpu.memory_space<semaphore_mem>>) src(%arg6 : memref<64x1024xf32, #tpu.memory_space<vmem>>) dst(%dma_wait3A_12 : memref<5888x1024xf32, #tpu.memory_space<hbm>>)
    return
  }
}

#map = affine_map<(d0, d1) -> (0, 0)>
#map1 = affine_map<(d0, d1) -> (0, 0, 0)>
module attributes {stable_mosaic.version = 14 : i64} {
  func.func @k(%arg0: i32, %arg1: i32, %arg2: memref<5888x1024xf32, #tpu.memory_space<hbm>>, %arg3: memref<32x2x32xi32, #tpu.memory_space<hbm>>, %arg4: memref<32x2x32xi32, #tpu.memory_space<hbm>>, %arg5: memref<32x64x16xf32, #tpu.memory_space<hbm>>, %arg6: memref<32x64x16xf32, #tpu.memory_space<hbm>>, %arg7: memref<2048x1024xf32, #tpu.memory_space<hbm>>, %arg8: memref<32x1024xf32, #tpu.memory_space<vmem>>, %arg9: memref<32x1024xf32, #tpu.memory_space<vmem>>, %arg10: memref<32xi32, #tpu.memory_space<vmem>>, %arg11: memref<32xi32, #tpu.memory_space<vmem>>, %arg12: memref<64x16xf32, #tpu.memory_space<vmem>>, %arg13: memref<64x16xf32, #tpu.memory_space<vmem>>, %arg14: memref<!tpu.dma_semaphore, #tpu.memory_space<semaphore_mem>>, %arg15: memref<!tpu.dma_semaphore, #tpu.memory_space<semaphore_mem>>) attributes {dimension_semantics = [#tpu.dimension_semantics<core_parallel>, #tpu.dimension_semantics<subcore_parallel>], iteration_bounds = array<i64: 2, 16>, scalar_prefetch = 0 : i64, scratch_operands = 8 : i64, tpu.core_type = #tpu.core_type<sc_vector_subcore>, window_params = [{transform_indices = #map}, {transform_indices = #map1}, {transform_indices = #map1}, {transform_indices = #map1}, {transform_indices = #map1}, {transform_indices = #map}]} {
    %mul3A = arith.constant 16 : i32
    %mul3A_0 = arith.muli %arg0, %mul3A : i32
    %add3A = arith.addi %mul3A_0, %arg1 : i32
    %mul3A_1 = arith.constant 64 : i32
    %mul3A_2 = arith.muli %add3A, %mul3A_1 : i32
    "tpu.region"() ({
      %run_scoped3A_45 = tpu.sem_alloc : memref<!tpu.dma_semaphore, #tpu.memory_space<semaphore_mem>>
      %dma_start3A_46 = arith.constant 0 : i32
      %dma_start3A_47 = arith.constant 0 : i32
      %dma_start3A_48 = tpu.memref_slice %arg5[%add3A, %dma_start3A_46, %dma_start3A_47] : memref<32x64x16xf32, #tpu.memory_space<hbm>> -> memref<1x64x16xf32, #tpu.memory_space<hbm>>
      %dma_start3A_49 = tpu.memref_squeeze %dma_start3A_48 : memref<1x64x16xf32, #tpu.memory_space<hbm>> -> memref<64x16xf32, #tpu.memory_space<hbm>>
      %dma_start3A_50 = arith.constant 0 : i32
      %dma_start3A_51 = arith.constant 0 : i32
      %dma_start3A_52 = tpu.memref_slice %arg5[%add3A, %dma_start3A_50, %dma_start3A_51] : memref<32x64x16xf32, #tpu.memory_space<hbm>> -> memref<1x64x16xf32, #tpu.memory_space<hbm>>
      %dma_start3A_53 = tpu.memref_squeeze %dma_start3A_52 : memref<1x64x16xf32, #tpu.memory_space<hbm>> -> memref<64x16xf32, #tpu.memory_space<hbm>>
      tpu.enqueue_dma source(%dma_start3A_53 : memref<64x16xf32, #tpu.memory_space<hbm>>) target(%arg12 : memref<64x16xf32, #tpu.memory_space<vmem>>) target_semaphore(%run_scoped3A_45 : memref<!tpu.dma_semaphore, #tpu.memory_space<semaphore_mem>>)
      %dma_wait3A_54 = arith.constant 0 : i32
      %dma_wait3A_55 = arith.constant 0 : i32
      %dma_wait3A_56 = tpu.memref_slice %arg5[%add3A, %dma_wait3A_54, %dma_wait3A_55] : memref<32x64x16xf32, #tpu.memory_space<hbm>> -> memref<1x64x16xf32, #tpu.memory_space<hbm>>
      %dma_wait3A_57 = tpu.memref_squeeze %dma_wait3A_56 : memref<1x64x16xf32, #tpu.memory_space<hbm>> -> memref<64x16xf32, #tpu.memory_space<hbm>>
      %dma_wait3A_58 = arith.constant 0 : i32
      %dma_wait3A_59 = arith.constant 0 : i32
      %dma_wait3A_60 = tpu.memref_slice %arg5[%add3A, %dma_wait3A_58, %dma_wait3A_59] : memref<32x64x16xf32, #tpu.memory_space<hbm>> -> memref<1x64x16xf32, #tpu.memory_space<hbm>>
      %dma_wait3A_61 = tpu.memref_squeeze %dma_wait3A_60 : memref<1x64x16xf32, #tpu.memory_space<hbm>> -> memref<64x16xf32, #tpu.memory_space<hbm>>
      tpu.wait_dma2 semaphore(%run_scoped3A_45 : memref<!tpu.dma_semaphore, #tpu.memory_space<semaphore_mem>>) src(%dma_wait3A_61 : memref<64x16xf32, #tpu.memory_space<hbm>>) dst(%arg12 : memref<64x16xf32, #tpu.memory_space<vmem>>)
      tpu.yield
    }) : () -> ()
    "tpu.region"() ({
      %run_scoped3A_45 = tpu.sem_alloc : memref<!tpu.dma_semaphore, #tpu.memory_space<semaphore_mem>>
      %dma_start3A_46 = arith.constant 0 : i32
      %dma_start3A_47 = arith.constant 0 : i32
      %dma_start3A_48 = tpu.memref_slice %arg6[%add3A, %dma_start3A_46, %dma_start3A_47] : memref<32x64x16xf32, #tpu.memory_space<hbm>> -> memref<1x64x16xf32, #tpu.memory_space<hbm>>
      %dma_start3A_49 = tpu.memref_squeeze %dma_start3A_48 : memref<1x64x16xf32, #tpu.memory_space<hbm>> -> memref<64x16xf32, #tpu.memory_space<hbm>>
      %dma_start3A_50 = arith.constant 0 : i32
      %dma_start3A_51 = arith.constant 0 : i32
      %dma_start3A_52 = tpu.memref_slice %arg6[%add3A, %dma_start3A_50, %dma_start3A_51] : memref<32x64x16xf32, #tpu.memory_space<hbm>> -> memref<1x64x16xf32, #tpu.memory_space<hbm>>
      %dma_start3A_53 = tpu.memref_squeeze %dma_start3A_52 : memref<1x64x16xf32, #tpu.memory_space<hbm>> -> memref<64x16xf32, #tpu.memory_space<hbm>>
      tpu.enqueue_dma source(%dma_start3A_53 : memref<64x16xf32, #tpu.memory_space<hbm>>) target(%arg13 : memref<64x16xf32, #tpu.memory_space<vmem>>) target_semaphore(%run_scoped3A_45 : memref<!tpu.dma_semaphore, #tpu.memory_space<semaphore_mem>>)
      %dma_wait3A_54 = arith.constant 0 : i32
      %dma_wait3A_55 = arith.constant 0 : i32
      %dma_wait3A_56 = tpu.memref_slice %arg6[%add3A, %dma_wait3A_54, %dma_wait3A_55] : memref<32x64x16xf32, #tpu.memory_space<hbm>> -> memref<1x64x16xf32, #tpu.memory_space<hbm>>
      %dma_wait3A_57 = tpu.memref_squeeze %dma_wait3A_56 : memref<1x64x16xf32, #tpu.memory_space<hbm>> -> memref<64x16xf32, #tpu.memory_space<hbm>>
      %dma_wait3A_58 = arith.constant 0 : i32
      %dma_wait3A_59 = arith.constant 0 : i32
      %dma_wait3A_60 = tpu.memref_slice %arg6[%add3A, %dma_wait3A_58, %dma_wait3A_59] : memref<32x64x16xf32, #tpu.memory_space<hbm>> -> memref<1x64x16xf32, #tpu.memory_space<hbm>>
      %dma_wait3A_61 = tpu.memref_squeeze %dma_wait3A_60 : memref<1x64x16xf32, #tpu.memory_space<hbm>> -> memref<64x16xf32, #tpu.memory_space<hbm>>
      tpu.wait_dma2 semaphore(%run_scoped3A_45 : memref<!tpu.dma_semaphore, #tpu.memory_space<semaphore_mem>>) src(%dma_wait3A_61 : memref<64x16xf32, #tpu.memory_space<hbm>>) dst(%arg13 : memref<64x16xf32, #tpu.memory_space<vmem>>)
      tpu.yield
    }) : () -> ()
    %run_scoped3A = arith.constant 0 : i32
    "tpu.region"() ({
      %run_scoped3A_45 = tpu.sem_alloc : memref<!tpu.dma_semaphore, #tpu.memory_space<semaphore_mem>>
      %dma_start3A_46 = arith.constant 0 : i32
      %dma_start3A_47 = tpu.memref_slice %arg3[%add3A, %run_scoped3A, %dma_start3A_46] : memref<32x2x32xi32, #tpu.memory_space<hbm>> -> memref<1x1x32xi32, #tpu.memory_space<hbm>>
      %dma_start3A_48 = tpu.memref_squeeze %dma_start3A_47 : memref<1x1x32xi32, #tpu.memory_space<hbm>> -> memref<32xi32, #tpu.memory_space<hbm>>
      %dma_start3A_49 = arith.constant 0 : i32
      %dma_start3A_50 = tpu.memref_slice %arg3[%add3A, %run_scoped3A, %dma_start3A_49] : memref<32x2x32xi32, #tpu.memory_space<hbm>> -> memref<1x1x32xi32, #tpu.memory_space<hbm>>
      %dma_start3A_51 = tpu.memref_squeeze %dma_start3A_50 : memref<1x1x32xi32, #tpu.memory_space<hbm>> -> memref<32xi32, #tpu.memory_space<hbm>>
      tpu.enqueue_dma source(%dma_start3A_51 : memref<32xi32, #tpu.memory_space<hbm>>) target(%arg10 : memref<32xi32, #tpu.memory_space<vmem>>) target_semaphore(%run_scoped3A_45 : memref<!tpu.dma_semaphore, #tpu.memory_space<semaphore_mem>>)
      %dma_wait3A_52 = arith.constant 0 : i32
      %dma_wait3A_53 = tpu.memref_slice %arg3[%add3A, %run_scoped3A, %dma_wait3A_52] : memref<32x2x32xi32, #tpu.memory_space<hbm>> -> memref<1x1x32xi32, #tpu.memory_space<hbm>>
      %dma_wait3A_54 = tpu.memref_squeeze %dma_wait3A_53 : memref<1x1x32xi32, #tpu.memory_space<hbm>> -> memref<32xi32, #tpu.memory_space<hbm>>
      %dma_wait3A_55 = arith.constant 0 : i32
      %dma_wait3A_56 = tpu.memref_slice %arg3[%add3A, %run_scoped3A, %dma_wait3A_55] : memref<32x2x32xi32, #tpu.memory_space<hbm>> -> memref<1x1x32xi32, #tpu.memory_space<hbm>>
      %dma_wait3A_57 = tpu.memref_squeeze %dma_wait3A_56 : memref<1x1x32xi32, #tpu.memory_space<hbm>> -> memref<32xi32, #tpu.memory_space<hbm>>
      tpu.wait_dma2 semaphore(%run_scoped3A_45 : memref<!tpu.dma_semaphore, #tpu.memory_space<semaphore_mem>>) src(%dma_wait3A_57 : memref<32xi32, #tpu.memory_space<hbm>>) dst(%arg10 : memref<32xi32, #tpu.memory_space<vmem>>)
      tpu.yield
    }) : () -> ()
    %run_scoped3A_3 = arith.constant 0 : i32
    "tpu.region"() ({
      %run_scoped3A_45 = tpu.sem_alloc : memref<!tpu.dma_semaphore, #tpu.memory_space<semaphore_mem>>
      %dma_start3A_46 = arith.constant 0 : i32
      %dma_start3A_47 = tpu.memref_slice %arg4[%add3A, %run_scoped3A_3, %dma_start3A_46] : memref<32x2x32xi32, #tpu.memory_space<hbm>> -> memref<1x1x32xi32, #tpu.memory_space<hbm>>
      %dma_start3A_48 = tpu.memref_squeeze %dma_start3A_47 : memref<1x1x32xi32, #tpu.memory_space<hbm>> -> memref<32xi32, #tpu.memory_space<hbm>>
      %dma_start3A_49 = arith.constant 0 : i32
      %dma_start3A_50 = tpu.memref_slice %arg4[%add3A, %run_scoped3A_3, %dma_start3A_49] : memref<32x2x32xi32, #tpu.memory_space<hbm>> -> memref<1x1x32xi32, #tpu.memory_space<hbm>>
      %dma_start3A_51 = tpu.memref_squeeze %dma_start3A_50 : memref<1x1x32xi32, #tpu.memory_space<hbm>> -> memref<32xi32, #tpu.memory_space<hbm>>
      tpu.enqueue_dma source(%dma_start3A_51 : memref<32xi32, #tpu.memory_space<hbm>>) target(%arg11 : memref<32xi32, #tpu.memory_space<vmem>>) target_semaphore(%run_scoped3A_45 : memref<!tpu.dma_semaphore, #tpu.memory_space<semaphore_mem>>)
      %dma_wait3A_52 = arith.constant 0 : i32
      %dma_wait3A_53 = tpu.memref_slice %arg4[%add3A, %run_scoped3A_3, %dma_wait3A_52] : memref<32x2x32xi32, #tpu.memory_space<hbm>> -> memref<1x1x32xi32, #tpu.memory_space<hbm>>
      %dma_wait3A_54 = tpu.memref_squeeze %dma_wait3A_53 : memref<1x1x32xi32, #tpu.memory_space<hbm>> -> memref<32xi32, #tpu.memory_space<hbm>>
      %dma_wait3A_55 = arith.constant 0 : i32
      %dma_wait3A_56 = tpu.memref_slice %arg4[%add3A, %run_scoped3A_3, %dma_wait3A_55] : memref<32x2x32xi32, #tpu.memory_space<hbm>> -> memref<1x1x32xi32, #tpu.memory_space<hbm>>
      %dma_wait3A_57 = tpu.memref_squeeze %dma_wait3A_56 : memref<1x1x32xi32, #tpu.memory_space<hbm>> -> memref<32xi32, #tpu.memory_space<hbm>>
      tpu.wait_dma2 semaphore(%run_scoped3A_45 : memref<!tpu.dma_semaphore, #tpu.memory_space<semaphore_mem>>) src(%dma_wait3A_57 : memref<32xi32, #tpu.memory_space<hbm>>) dst(%arg11 : memref<32xi32, #tpu.memory_space<vmem>>)
      tpu.yield
    }) : () -> ()
    %dma_start3A = arith.constant 0 : i32
    %dma_start3A_4 = arith.constant 0 : i32
    %dma_start3A_5 = tpu.memref_slice %arg2[%dma_start3A, %dma_start3A_4] : memref<5888x1024xf32, #tpu.memory_space<hbm>> -> memref<5888x1024xf32, #tpu.memory_space<hbm>>
    tpu.enqueue_indirect_dma source(%dma_start3A_5 : memref<5888x1024xf32, #tpu.memory_space<hbm>>) target(%arg8 : memref<32x1024xf32, #tpu.memory_space<vmem>>) offsets(%arg10 : memref<32xi32, #tpu.memory_space<vmem>>) semaphore(%arg14 : memref<!tpu.dma_semaphore, #tpu.memory_space<semaphore_mem>>)
    %dma_start3A_6 = arith.constant 0 : i32
    %dma_start3A_7 = arith.constant 0 : i32
    %dma_start3A_8 = tpu.memref_slice %arg2[%dma_start3A_6, %dma_start3A_7] : memref<5888x1024xf32, #tpu.memory_space<hbm>> -> memref<5888x1024xf32, #tpu.memory_space<hbm>>
    tpu.enqueue_indirect_dma source(%dma_start3A_8 : memref<5888x1024xf32, #tpu.memory_space<hbm>>) target(%arg9 : memref<32x1024xf32, #tpu.memory_space<vmem>>) offsets(%arg11 : memref<32xi32, #tpu.memory_space<vmem>>) semaphore(%arg15 : memref<!tpu.dma_semaphore, #tpu.memory_space<semaphore_mem>>)
    %dma_wait3A = arith.constant 0 : i32
    %dma_wait3A_9 = arith.constant 0 : i32
    %dma_wait3A_10 = tpu.memref_slice %arg2[%dma_wait3A, %dma_wait3A_9] : memref<5888x1024xf32, #tpu.memory_space<hbm>> -> memref<5888x1024xf32, #tpu.memory_space<hbm>>
    tpu.wait_indirect_dma semaphore(%arg14 : memref<!tpu.dma_semaphore, #tpu.memory_space<semaphore_mem>>) src(%dma_wait3A_10 : memref<5888x1024xf32, #tpu.memory_space<hbm>>) dst(%arg8 : memref<32x1024xf32, #tpu.memory_space<vmem>>)
    %dma_wait3A_11 = arith.constant 0 : i32
    %dma_wait3A_12 = arith.constant 0 : i32
    %dma_wait3A_13 = tpu.memref_slice %arg2[%dma_wait3A_11, %dma_wait3A_12] : memref<5888x1024xf32, #tpu.memory_space<hbm>> -> memref<5888x1024xf32, #tpu.memory_space<hbm>>
    tpu.wait_indirect_dma semaphore(%arg15 : memref<!tpu.dma_semaphore, #tpu.memory_space<semaphore_mem>>) src(%dma_wait3A_13 : memref<5888x1024xf32, #tpu.memory_space<hbm>>) dst(%arg9 : memref<32x1024xf32, #tpu.memory_space<vmem>>)
    %scan3A = arith.constant 0 : i32
    %scan3A_14 = arith.constant 0 : i32
    %scan3A_15 = arith.constant 32 : i32
    %scan3A_16 = arith.addi %scan3A_14, %scan3A_15 : i32
    %scan3A_17 = arith.constant 1 : i32
    %scan3A_18 = scf.for %scan3A_45 = %scan3A_14 to %scan3A_16 step %scan3A_17 iter_args(%scan3A_46 = %scan3A) -> (i32)  : i32 {
      %add3A_47 = arith.constant 0 : i32
      %add3A_48 = arith.addi %add3A_47, %scan3A_45 : i32
      %get3A = arith.index_cast %add3A_48 : i32 to index
      %get3A_49 = arith.constant 0 : index
      %get3A_50 = tpu.vector_load %arg12[%get3A, %get3A_49] {strides = array<i32>} : memref<64x16xf32, #tpu.memory_space<vmem>>, vector<1x16xf32>,
      %get3A_51 = vector.shape_cast %get3A_50 : vector<1x16xf32> to vector<16xf32>
      %add3A_52 = arith.constant 0 : i32
      %add3A_53 = arith.addi %add3A_52, %scan3A_45 : i32
      %get3A_54 = arith.index_cast %add3A_53 : i32 to index
      %get3A_55 = arith.constant 0 : index
      %get3A_56 = tpu.vector_load %arg13[%get3A_54, %get3A_55] {strides = array<i32>} : memref<64x16xf32, #tpu.memory_space<vmem>>, vector<1x16xf32>,
      %get3A_57 = vector.shape_cast %get3A_56 : vector<1x16xf32> to vector<16xf32>
      %get3A_58 = arith.index_cast %scan3A_45 : i32 to index
      %get3A_59 = arith.constant 0 : index
      %get3A_60 = tpu.vector_load %arg8[%get3A_58, %get3A_59] {strides = array<i32>} : memref<32x1024xf32, #tpu.memory_space<vmem>>, vector<1x16xf32>,
      %get3A_61 = vector.shape_cast %get3A_60 : vector<1x16xf32> to vector<16xf32>
      %mul3A_62 = arith.mulf %get3A_51, %get3A_61 : vector<16xf32>
      %get3A_63 = arith.index_cast %scan3A_45 : i32 to index
      %get3A_64 = arith.constant 0 : index
      %get3A_65 = tpu.vector_load %arg9[%get3A_63, %get3A_64] {strides = array<i32>} : memref<32x1024xf32, #tpu.memory_space<vmem>>, vector<1x16xf32>,
      %get3A_66 = vector.shape_cast %get3A_65 : vector<1x16xf32> to vector<16xf32>
      %mul3A_67 = arith.mulf %get3A_57, %get3A_66 : vector<16xf32>
      %add3A_68 = arith.addf %mul3A_62, %mul3A_67 : vector<16xf32>
      %swap3A = arith.index_cast %scan3A_45 : i32 to index
      %swap3A_69 = arith.constant 0 : index
      %swap3A_70 = tpu.vector_load %arg8[%swap3A, %swap3A_69] {strides = array<i32>} : memref<32x1024xf32, #tpu.memory_space<vmem>>, vector<1x16xf32>,
      %swap3A_71 = vector.shape_cast %swap3A_70 : vector<1x16xf32> to vector<16xf32>
      %swap3A_72 = vector.shape_cast %add3A_68 : vector<16xf32> to vector<1x16xf32>
      tpu.vector_store %arg8[%swap3A, %swap3A_69], %swap3A_72 {strides = array<i32>} : memref<32x1024xf32, #tpu.memory_space<vmem>>, vector<1x16xf32>,
      %get3A_73 = arith.index_cast %scan3A_45 : i32 to index
      %get3A_74 = arith.constant 16 : index
      %get3A_75 = tpu.vector_load %arg8[%get3A_73, %get3A_74] {strides = array<i32>} : memref<32x1024xf32, #tpu.memory_space<vmem>>, vector<1x16xf32>,
      %get3A_76 = vector.shape_cast %get3A_75 : vector<1x16xf32> to vector<16xf32>
      %mul3A_77 = arith.mulf %get3A_51, %get3A_76 : vector<16xf32>
      %get3A_78 = arith.index_cast %scan3A_45 : i32 to index
      %get3A_79 = arith.constant 16 : index
      %get3A_80 = tpu.vector_load %arg9[%get3A_78, %get3A_79] {strides = array<i32>} : memref<32x1024xf32, #tpu.memory_space<vmem>>, vector<1x16xf32>,
      %get3A_81 = vector.shape_cast %get3A_80 : vector<1x16xf32> to vector<16xf32>
      %mul3A_82 = arith.mulf %get3A_57, %get3A_81 : vector<16xf32>
      %add3A_83 = arith.addf %mul3A_77, %mul3A_82 : vector<16xf32>
      %swap3A_84 = arith.index_cast %scan3A_45 : i32 to index
      %swap3A_85 = arith.constant 16 : index
      %swap3A_86 = tpu.vector_load %arg8[%swap3A_84, %swap3A_85] {strides = array<i32>} : memref<32x1024xf32, #tpu.memory_space<vmem>>, vector<1x16xf32>,
      %swap3A_87 = vector.shape_cast %swap3A_86 : vector<1x16xf32> to vector<16xf32>
      %swap3A_88 = vector.shape_cast %add3A_83 : vector<16xf32> to vector<1x16xf32>
      tpu.vector_store %arg8[%swap3A_84, %swap3A_85], %swap3A_88 {strides = array<i32>} : memref<32x1024xf32, #tpu.memory_space<vmem>>, vector<1x16xf32>,
      %get3A_89 = arith.index_cast %scan3A_45 : i32 to index
      %get3A_90 = arith.constant 32 : index
      %get3A_91 = tpu.vector_load %arg8[%get3A_89, %get3A_90] {strides = array<i32>} : memref<32x1024xf32, #tpu.memory_space<vmem>>, vector<1x16xf32>,
      %get3A_92 = vector.shape_cast %get3A_91 : vector<1x16xf32> to vector<16xf32>
      %mul3A_93 = arith.mulf %get3A_51, %get3A_92 : vector<16xf32>
      %get3A_94 = arith.index_cast %scan3A_45 : i32 to index
      %get3A_95 = arith.constant 32 : index
      %get3A_96 = tpu.vector_load %arg9[%get3A_94, %get3A_95] {strides = array<i32>} : memref<32x1024xf32, #tpu.memory_space<vmem>>, vector<1x16xf32>,
      %get3A_97 = vector.shape_cast %get3A_96 : vector<1x16xf32> to vector<16xf32>
      %mul3A_98 = arith.mulf %get3A_57, %get3A_97 : vector<16xf32>
      %add3A_99 = arith.addf %mul3A_93, %mul3A_98 : vector<16xf32>
      %swap3A_100 = arith.index_cast %scan3A_45 : i32 to index
      %swap3A_101 = arith.constant 32 : index
      %swap3A_102 = tpu.vector_load %arg8[%swap3A_100, %swap3A_101] {strides = array<i32>} : memref<32x1024xf32, #tpu.memory_space<vmem>>, vector<1x16xf32>,
      %swap3A_103 = vector.shape_cast %swap3A_102 : vector<1x16xf32> to vector<16xf32>
      %swap3A_104 = vector.shape_cast %add3A_99 : vector<16xf32> to vector<1x16xf32>
      tpu.vector_store %arg8[%swap3A_100, %swap3A_101], %swap3A_104 {strides = array<i32>} : memref<32x1024xf32, #tpu.memory_space<vmem>>, vector<1x16xf32>,
      %get3A_105 = arith.index_cast %scan3A_45 : i32 to index
      %get3A_106 = arith.constant 48 : index
      %get3A_107 = tpu.vector_load %arg8[%get3A_105, %get3A_106] {strides = array<i32>} : memref<32x1024xf32, #tpu.memory_space<vmem>>, vector<1x16xf32>,
      %get3A_108 = vector.shape_cast %get3A_107 : vector<1x16xf32> to vector<16xf32>
      %mul3A_109 = arith.mulf %get3A_51, %get3A_108 : vector<16xf32>
      %get3A_110 = arith.index_cast %scan3A_45 : i32 to index
      %get3A_111 = arith.constant 48 : index
      %get3A_112 = tpu.vector_load %arg9[%get3A_110, %get3A_111] {strides = array<i32>} : memref<32x1024xf32, #tpu.memory_space<vmem>>, vector<1x16xf32>,
      %get3A_113 = vector.shape_cast %get3A_112 : vector<1x16xf32> to vector<16xf32>
      %mul3A_114 = arith.mulf %get3A_57, %get3A_113 : vector<16xf32>
      %add3A_115 = arith.addf %mul3A_109, %mul3A_114 : vector<16xf32>
      %swap3A_116 = arith.index_cast %scan3A_45 : i32 to index
      %swap3A_117 = arith.constant 48 : index
      %swap3A_118 = tpu.vector_load %arg8[%swap3A_116, %swap3A_117] {strides = array<i32>} : memref<32x1024xf32, #tpu.memory_space<vmem>>, vector<1x16xf32>,
      %swap3A_119 = vector.shape_cast %swap3A_118 : vector<1x16xf32> to vector<16xf32>
      %swap3A_120 = vector.shape_cast %add3A_115 : vector<16xf32> to vector<1x16xf32>
      tpu.vector_store %arg8[%swap3A_116, %swap3A_117], %swap3A_120 {strides = array<i32>} : memref<32x1024xf32, #tpu.memory_space<vmem>>, vector<1x16xf32>,
      %get3A_121 = arith.index_cast %scan3A_45 : i32 to index
      %get3A_122 = arith.constant 64 : index
      %get3A_123 = tpu.vector_load %arg8[%get3A_121, %get3A_122] {strides = array<i32>} : memref<32x1024xf32, #tpu.memory_space<vmem>>, vector<1x16xf32>,
      %get3A_124 = vector.shape_cast %get3A_123 : vector<1x16xf32> to vector<16xf32>
      %mul3A_125 = arith.mulf %get3A_51, %get3A_124 : vector<16xf32>
      %get3A_126 = arith.index_cast %scan3A_45 : i32 to index
      %get3A_127 = arith.constant 64 : index
      %get3A_128 = tpu.vector_load %arg9[%get3A_126, %get3A_127] {strides = array<i32>} : memref<32x1024xf32, #tpu.memory_space<vmem>>, vector<1x16xf32>,
      %get3A_129 = vector.shape_cast %get3A_128 : vector<1x16xf32> to vector<16xf32>
      %mul3A_130 = arith.mulf %get3A_57, %get3A_129 : vector<16xf32>
      %add3A_131 = arith.addf %mul3A_125, %mul3A_130 : vector<16xf32>
      %swap3A_132 = arith.index_cast %scan3A_45 : i32 to index
      %swap3A_133 = arith.constant 64 : index
      %swap3A_134 = tpu.vector_load %arg8[%swap3A_132, %swap3A_133] {strides = array<i32>} : memref<32x1024xf32, #tpu.memory_space<vmem>>, vector<1x16xf32>,
      %swap3A_135 = vector.shape_cast %swap3A_134 : vector<1x16xf32> to vector<16xf32>
      %swap3A_136 = vector.shape_cast %add3A_131 : vector<16xf32> to vector<1x16xf32>
      tpu.vector_store %arg8[%swap3A_132, %swap3A_133], %swap3A_136 {strides = array<i32>} : memref<32x1024xf32, #tpu.memory_space<vmem>>, vector<1x16xf32>,
      %get3A_137 = arith.index_cast %scan3A_45 : i32 to index
      %get3A_138 = arith.constant 80 : index
      %get3A_139 = tpu.vector_load %arg8[%get3A_137, %get3A_138] {strides = array<i32>} : memref<32x1024xf32, #tpu.memory_space<vmem>>, vector<1x16xf32>,
      %get3A_140 = vector.shape_cast %get3A_139 : vector<1x16xf32> to vector<16xf32>
      %mul3A_141 = arith.mulf %get3A_51, %get3A_140 : vector<16xf32>
      %get3A_142 = arith.index_cast %scan3A_45 : i32 to index
      %get3A_143 = arith.constant 80 : index
      %get3A_144 = tpu.vector_load %arg9[%get3A_142, %get3A_143] {strides = array<i32>} : memref<32x1024xf32, #tpu.memory_space<vmem>>, vector<1x16xf32>,
      %get3A_145 = vector.shape_cast %get3A_144 : vector<1x16xf32> to vector<16xf32>
      %mul3A_146 = arith.mulf %get3A_57, %get3A_145 : vector<16xf32>
      %add3A_147 = arith.addf %mul3A_141, %mul3A_146 : vector<16xf32>
      %swap3A_148 = arith.index_cast %scan3A_45 : i32 to index
      %swap3A_149 = arith.constant 80 : index
      %swap3A_150 = tpu.vector_load %arg8[%swap3A_148, %swap3A_149] {strides = array<i32>} : memref<32x1024xf32, #tpu.memory_space<vmem>>, vector<1x16xf32>,
      %swap3A_151 = vector.shape_cast %swap3A_150 : vector<1x16xf32> to vector<16xf32>
      %swap3A_152 = vector.shape_cast %add3A_147 : vector<16xf32> to vector<1x16xf32>
      tpu.vector_store %arg8[%swap3A_148, %swap3A_149], %swap3A_152 {strides = array<i32>} : memref<32x1024xf32, #tpu.memory_space<vmem>>, vector<1x16xf32>,
      %get3A_153 = arith.index_cast %scan3A_45 : i32 to index
      %get3A_154 = arith.constant 96 : index
      %get3A_155 = tpu.vector_load %arg8[%get3A_153, %get3A_154] {strides = array<i32>} : memref<32x1024xf32, #tpu.memory_space<vmem>>, vector<1x16xf32>,
      %get3A_156 = vector.shape_cast %get3A_155 : vector<1x16xf32> to vector<16xf32>
      %mul3A_157 = arith.mulf %get3A_51, %get3A_156 : vector<16xf32>
      %get3A_158 = arith.index_cast %scan3A_45 : i32 to index
      %get3A_159 = arith.constant 96 : index
      %get3A_160 = tpu.vector_load %arg9[%get3A_158, %get3A_159] {strides = array<i32>} : memref<32x1024xf32, #tpu.memory_space<vmem>>, vector<1x16xf32>,
      %get3A_161 = vector.shape_cast %get3A_160 : vector<1x16xf32> to vector<16xf32>
      %mul3A_162 = arith.mulf %get3A_57, %get3A_161 : vector<16xf32>
      %add3A_163 = arith.addf %mul3A_157, %mul3A_162 : vector<16xf32>
      %swap3A_164 = arith.index_cast %scan3A_45 : i32 to index
      %swap3A_165 = arith.constant 96 : index
      %swap3A_166 = tpu.vector_load %arg8[%swap3A_164, %swap3A_165] {strides = array<i32>} : memref<32x1024xf32, #tpu.memory_space<vmem>>, vector<1x16xf32>,
      %swap3A_167 = vector.shape_cast %swap3A_166 : vector<1x16xf32> to vector<16xf32>
      %swap3A_168 = vector.shape_cast %add3A_163 : vector<16xf32> to vector<1x16xf32>
      tpu.vector_store %arg8[%swap3A_164, %swap3A_165], %swap3A_168 {strides = array<i32>} : memref<32x1024xf32, #tpu.memory_space<vmem>>, vector<1x16xf32>,
      %get3A_169 = arith.index_cast %scan3A_45 : i32 to index
      %get3A_170 = arith.constant 112 : index
      %get3A_171 = tpu.vector_load %arg8[%get3A_169, %get3A_170] {strides = array<i32>} : memref<32x1024xf32, #tpu.memory_space<vmem>>, vector<1x16xf32>,
      %get3A_172 = vector.shape_cast %get3A_171 : vector<1x16xf32> to vector<16xf32>
      %mul3A_173 = arith.mulf %get3A_51, %get3A_172 : vector<16xf32>
      %get3A_174 = arith.index_cast %scan3A_45 : i32 to index
      %get3A_175 = arith.constant 112 : index
      %get3A_176 = tpu.vector_load %arg9[%get3A_174, %get3A_175] {strides = array<i32>} : memref<32x1024xf32, #tpu.memory_space<vmem>>, vector<1x16xf32>,
      %get3A_177 = vector.shape_cast %get3A_176 : vector<1x16xf32> to vector<16xf32>
      %mul3A_178 = arith.mulf %get3A_57, %get3A_177 : vector<16xf32>
      %add3A_179 = arith.addf %mul3A_173, %mul3A_178 : vector<16xf32>
      %swap3A_180 = arith.index_cast %scan3A_45 : i32 to index
      %swap3A_181 = arith.constant 112 : index
      %swap3A_182 = tpu.vector_load %arg8[%swap3A_180, %swap3A_181] {strides = array<i32>} : memref<32x1024xf32, #tpu.memory_space<vmem>>, vector<1x16xf32>,
      %swap3A_183 = vector.shape_cast %swap3A_182 : vector<1x16xf32> to vector<16xf32>
      %swap3A_184 = vector.shape_cast %add3A_179 : vector<16xf32> to vector<1x16xf32>
      tpu.vector_store %arg8[%swap3A_180, %swap3A_181], %swap3A_184 {strides = array<i32>} : memref<32x1024xf32, #tpu.memory_space<vmem>>, vector<1x16xf32>,
      %get3A_185 = arith.index_cast %scan3A_45 : i32 to index
      %get3A_186 = arith.constant 128 : index
      %get3A_187 = tpu.vector_load %arg8[%get3A_185, %get3A_186] {strides = array<i32>} : memref<32x1024xf32, #tpu.memory_space<vmem>>, vector<1x16xf32>,
      %get3A_188 = vector.shape_cast %get3A_187 : vector<1x16xf32> to vector<16xf32>
      %mul3A_189 = arith.mulf %get3A_51, %get3A_188 : vector<16xf32>
      %get3A_190 = arith.index_cast %scan3A_45 : i32 to index
      %get3A_191 = arith.constant 128 : index
      %get3A_192 = tpu.vector_load %arg9[%get3A_190, %get3A_191] {strides = array<i32>} : memref<32x1024xf32, #tpu.memory_space<vmem>>, vector<1x16xf32>,
      %get3A_193 = vector.shape_cast %get3A_192 : vector<1x16xf32> to vector<16xf32>
      %mul3A_194 = arith.mulf %get3A_57, %get3A_193 : vector<16xf32>
      %add3A_195 = arith.addf %mul3A_189, %mul3A_194 : vector<16xf32>
      %swap3A_196 = arith.index_cast %scan3A_45 : i32 to index
      %swap3A_197 = arith.constant 128 : index
      %swap3A_198 = tpu.vector_load %arg8[%swap3A_196, %swap3A_197] {strides = array<i32>} : memref<32x1024xf32, #tpu.memory_space<vmem>>, vector<1x16xf32>,
      %swap3A_199 = vector.shape_cast %swap3A_198 : vector<1x16xf32> to vector<16xf32>
      %swap3A_200 = vector.shape_cast %add3A_195 : vector<16xf32> to vector<1x16xf32>
      tpu.vector_store %arg8[%swap3A_196, %swap3A_197], %swap3A_200 {strides = array<i32>} : memref<32x1024xf32, #tpu.memory_space<vmem>>, vector<1x16xf32>,
      %get3A_201 = arith.index_cast %scan3A_45 : i32 to index
      %get3A_202 = arith.constant 144 : index
      %get3A_203 = tpu.vector_load %arg8[%get3A_201, %get3A_202] {strides = array<i32>} : memref<32x1024xf32, #tpu.memory_space<vmem>>, vector<1x16xf32>,
      %get3A_204 = vector.shape_cast %get3A_203 : vector<1x16xf32> to vector<16xf32>
      %mul3A_205 = arith.mulf %get3A_51, %get3A_204 : vector<16xf32>
      %get3A_206 = arith.index_cast %scan3A_45 : i32 to index
      %get3A_207 = arith.constant 144 : index
      %get3A_208 = tpu.vector_load %arg9[%get3A_206, %get3A_207] {strides = array<i32>} : memref<32x1024xf32, #tpu.memory_space<vmem>>, vector<1x16xf32>,
      %get3A_209 = vector.shape_cast %get3A_208 : vector<1x16xf32> to vector<16xf32>
      %mul3A_210 = arith.mulf %get3A_57, %get3A_209 : vector<16xf32>
      %add3A_211 = arith.addf %mul3A_205, %mul3A_210 : vector<16xf32>
      %swap3A_212 = arith.index_cast %scan3A_45 : i32 to index
      %swap3A_213 = arith.constant 144 : index
      %swap3A_214 = tpu.vector_load %arg8[%swap3A_212, %swap3A_213] {strides = array<i32>} : memref<32x1024xf32, #tpu.memory_space<vmem>>, vector<1x16xf32>,
      %swap3A_215 = vector.shape_cast %swap3A_214 : vector<1x16xf32> to vector<16xf32>
      %swap3A_216 = vector.shape_cast %add3A_211 : vector<16xf32> to vector<1x16xf32>
      tpu.vector_store %arg8[%swap3A_212, %swap3A_213], %swap3A_216 {strides = array<i32>} : memref<32x1024xf32, #tpu.memory_space<vmem>>, vector<1x16xf32>,
      %get3A_217 = arith.index_cast %scan3A_45 : i32 to index
      %get3A_218 = arith.constant 160 : index
      %get3A_219 = tpu.vector_load %arg8[%get3A_217, %get3A_218] {strides = array<i32>} : memref<32x1024xf32, #tpu.memory_space<vmem>>, vector<1x16xf32>,
      %get3A_220 = vector.shape_cast %get3A_219 : vector<1x16xf32> to vector<16xf32>
      %mul3A_221 = arith.mulf %get3A_51, %get3A_220 : vector<16xf32>
      %get3A_222 = arith.index_cast %scan3A_45 : i32 to index
      %get3A_223 = arith.constant 160 : index
      %get3A_224 = tpu.vector_load %arg9[%get3A_222, %get3A_223] {strides = array<i32>} : memref<32x1024xf32, #tpu.memory_space<vmem>>, vector<1x16xf32>,
      %get3A_225 = vector.shape_cast %get3A_224 : vector<1x16xf32> to vector<16xf32>
      %mul3A_226 = arith.mulf %get3A_57, %get3A_225 : vector<16xf32>
      %add3A_227 = arith.addf %mul3A_221, %mul3A_226 : vector<16xf32>
      %swap3A_228 = arith.index_cast %scan3A_45 : i32 to index
      %swap3A_229 = arith.constant 160 : index
      %swap3A_230 = tpu.vector_load %arg8[%swap3A_228, %swap3A_229] {strides = array<i32>} : memref<32x1024xf32, #tpu.memory_space<vmem>>, vector<1x16xf32>,
      %swap3A_231 = vector.shape_cast %swap3A_230 : vector<1x16xf32> to vector<16xf32>
      %swap3A_232 = vector.shape_cast %add3A_227 : vector<16xf32> to vector<1x16xf32>
      tpu.vector_store %arg8[%swap3A_228, %swap3A_229], %swap3A_232 {strides = array<i32>} : memref<32x1024xf32, #tpu.memory_space<vmem>>, vector<1x16xf32>,
      %get3A_233 = arith.index_cast %scan3A_45 : i32 to index
      %get3A_234 = arith.constant 176 : index
      %get3A_235 = tpu.vector_load %arg8[%get3A_233, %get3A_234] {strides = array<i32>} : memref<32x1024xf32, #tpu.memory_space<vmem>>, vector<1x16xf32>,
      %get3A_236 = vector.shape_cast %get3A_235 : vector<1x16xf32> to vector<16xf32>
      %mul3A_237 = arith.mulf %get3A_51, %get3A_236 : vector<16xf32>
      %get3A_238 = arith.index_cast %scan3A_45 : i32 to index
      %get3A_239 = arith.constant 176 : index
      %get3A_240 = tpu.vector_load %arg9[%get3A_238, %get3A_239] {strides = array<i32>} : memref<32x1024xf32, #tpu.memory_space<vmem>>, vector<1x16xf32>,
      %get3A_241 = vector.shape_cast %get3A_240 : vector<1x16xf32> to vector<16xf32>
      %mul3A_242 = arith.mulf %get3A_57, %get3A_241 : vector<16xf32>
      %add3A_243 = arith.addf %mul3A_237, %mul3A_242 : vector<16xf32>
      %swap3A_244 = arith.index_cast %scan3A_45 : i32 to index
      %swap3A_245 = arith.constant 176 : index
      %swap3A_246 = tpu.vector_load %arg8[%swap3A_244, %swap3A_245] {strides = array<i32>} : memref<32x1024xf32, #tpu.memory_space<vmem>>, vector<1x16xf32>,
      %swap3A_247 = vector.shape_cast %swap3A_246 : vector<1x16xf32> to vector<16xf32>
      %swap3A_248 = vector.shape_cast %add3A_243 : vector<16xf32> to vector<1x16xf32>
      tpu.vector_store %arg8[%swap3A_244, %swap3A_245], %swap3A_248 {strides = array<i32>} : memref<32x1024xf32, #tpu.memory_space<vmem>>, vector<1x16xf32>,
      %get3A_249 = arith.index_cast %scan3A_45 : i32 to index
      %get3A_250 = arith.constant 192 : index
      %get3A_251 = tpu.vector_load %arg8[%get3A_249, %get3A_250] {strides = array<i32>} : memref<32x1024xf32, #tpu.memory_space<vmem>>, vector<1x16xf32>,
      %get3A_252 = vector.shape_cast %get3A_251 : vector<1x16xf32> to vector<16xf32>
      %mul3A_253 = arith.mulf %get3A_51, %get3A_252 : vector<16xf32>
      %get3A_254 = arith.index_cast %scan3A_45 : i32 to index
      %get3A_255 = arith.constant 192 : index
      %get3A_256 = tpu.vector_load %arg9[%get3A_254, %get3A_255] {strides = array<i32>} : memref<32x1024xf32, #tpu.memory_space<vmem>>, vector<1x16xf32>,
      %get3A_257 = vector.shape_cast %get3A_256 : vector<1x16xf32> to vector<16xf32>
      %mul3A_258 = arith.mulf %get3A_57, %get3A_257 : vector<16xf32>
      %add3A_259 = arith.addf %mul3A_253, %mul3A_258 : vector<16xf32>
      %swap3A_260 = arith.index_cast %scan3A_45 : i32 to index
      %swap3A_261 = arith.constant 192 : index
      %swap3A_262 = tpu.vector_load %arg8[%swap3A_260, %swap3A_261] {strides = array<i32>} : memref<32x1024xf32, #tpu.memory_space<vmem>>, vector<1x16xf32>,
      %swap3A_263 = vector.shape_cast %swap3A_262 : vector<1x16xf32> to vector<16xf32>
      %swap3A_264 = vector.shape_cast %add3A_259 : vector<16xf32> to vector<1x16xf32>
      tpu.vector_store %arg8[%swap3A_260, %swap3A_261], %swap3A_264 {strides = array<i32>} : memref<32x1024xf32, #tpu.memory_space<vmem>>, vector<1x16xf32>,
      %get3A_265 = arith.index_cast %scan3A_45 : i32 to index
      %get3A_266 = arith.constant 208 : index
      %get3A_267 = tpu.vector_load %arg8[%get3A_265, %get3A_266] {strides = array<i32>} : memref<32x1024xf32, #tpu.memory_space<vmem>>, vector<1x16xf32>,
      %get3A_268 = vector.shape_cast %get3A_267 : vector<1x16xf32> to vector<16xf32>
      %mul3A_269 = arith.mulf %get3A_51, %get3A_268 : vector<16xf32>
      %get3A_270 = arith.index_cast %scan3A_45 : i32 to index
      %get3A_271 = arith.constant 208 : index
      %get3A_272 = tpu.vector_load %arg9[%get3A_270, %get3A_271] {strides = array<i32>} : memref<32x1024xf32, #tpu.memory_space<vmem>>, vector<1x16xf32>,
      %get3A_273 = vector.shape_cast %get3A_272 : vector<1x16xf32> to vector<16xf32>
      %mul3A_274 = arith.mulf %get3A_57, %get3A_273 : vector<16xf32>
      %add3A_275 = arith.addf %mul3A_269, %mul3A_274 : vector<16xf32>
      %swap3A_276 = arith.index_cast %scan3A_45 : i32 to index
      %swap3A_277 = arith.constant 208 : index
      %swap3A_278 = tpu.vector_load %arg8[%swap3A_276, %swap3A_277] {strides = array<i32>} : memref<32x1024xf32, #tpu.memory_space<vmem>>, vector<1x16xf32>,
      %swap3A_279 = vector.shape_cast %swap3A_278 : vector<1x16xf32> to vector<16xf32>
      %swap3A_280 = vector.shape_cast %add3A_275 : vector<16xf32> to vector<1x16xf32>
      tpu.vector_store %arg8[%swap3A_276, %swap3A_277], %swap3A_280 {strides = array<i32>} : memref<32x1024xf32, #tpu.memory_space<vmem>>, vector<1x16xf32>,
      %get3A_281 = arith.index_cast %scan3A_45 : i32 to index
      %get3A_282 = arith.constant 224 : index
      %get3A_283 = tpu.vector_load %arg8[%get3A_281, %get3A_282] {strides = array<i32>} : memref<32x1024xf32, #tpu.memory_space<vmem>>, vector<1x16xf32>,
      %get3A_284 = vector.shape_cast %get3A_283 : vector<1x16xf32> to vector<16xf32>
      %mul3A_285 = arith.mulf %get3A_51, %get3A_284 : vector<16xf32>
      %get3A_286 = arith.index_cast %scan3A_45 : i32 to index
      %get3A_287 = arith.constant 224 : index
      %get3A_288 = tpu.vector_load %arg9[%get3A_286, %get3A_287] {strides = array<i32>} : memref<32x1024xf32, #tpu.memory_space<vmem>>, vector<1x16xf32>,
      %get3A_289 = vector.shape_cast %get3A_288 : vector<1x16xf32> to vector<16xf32>
      %mul3A_290 = arith.mulf %get3A_57, %get3A_289 : vector<16xf32>
      %add3A_291 = arith.addf %mul3A_285, %mul3A_290 : vector<16xf32>
      %swap3A_292 = arith.index_cast %scan3A_45 : i32 to index
      %swap3A_293 = arith.constant 224 : index
      %swap3A_294 = tpu.vector_load %arg8[%swap3A_292, %swap3A_293] {strides = array<i32>} : memref<32x1024xf32, #tpu.memory_space<vmem>>, vector<1x16xf32>,
      %swap3A_295 = vector.shape_cast %swap3A_294 : vector<1x16xf32> to vector<16xf32>
      %swap3A_296 = vector.shape_cast %add3A_291 : vector<16xf32> to vector<1x16xf32>
      tpu.vector_store %arg8[%swap3A_292, %swap3A_293], %swap3A_296 {strides = array<i32>} : memref<32x1024xf32, #tpu.memory_space<vmem>>, vector<1x16xf32>,
      %get3A_297 = arith.index_cast %scan3A_45 : i32 to index
      %get3A_298 = arith.constant 240 : index
      %get3A_299 = tpu.vector_load %arg8[%get3A_297, %get3A_298] {strides = array<i32>} : memref<32x1024xf32, #tpu.memory_space<vmem>>, vector<1x16xf32>,
      %get3A_300 = vector.shape_cast %get3A_299 : vector<1x16xf32> to vector<16xf32>
      %mul3A_301 = arith.mulf %get3A_51, %get3A_300 : vector<16xf32>
      %get3A_302 = arith.index_cast %scan3A_45 : i32 to index
      %get3A_303 = arith.constant 240 : index
      %get3A_304 = tpu.vector_load %arg9[%get3A_302, %get3A_303] {strides = array<i32>} : memref<32x1024xf32, #tpu.memory_space<vmem>>, vector<1x16xf32>,
      %get3A_305 = vector.shape_cast %get3A_304 : vector<1x16xf32> to vector<16xf32>
      %mul3A_306 = arith.mulf %get3A_57, %get3A_305 : vector<16xf32>
      %add3A_307 = arith.addf %mul3A_301, %mul3A_306 : vector<16xf32>
      %swap3A_308 = arith.index_cast %scan3A_45 : i32 to index
      %swap3A_309 = arith.constant 240 : index
      %swap3A_310 = tpu.vector_load %arg8[%swap3A_308, %swap3A_309] {strides = array<i32>} : memref<32x1024xf32, #tpu.memory_space<vmem>>, vector<1x16xf32>,
      %swap3A_311 = vector.shape_cast %swap3A_310 : vector<1x16xf32> to vector<16xf32>
      %swap3A_312 = vector.shape_cast %add3A_307 : vector<16xf32> to vector<1x16xf32>
      tpu.vector_store %arg8[%swap3A_308, %swap3A_309], %swap3A_312 {strides = array<i32>} : memref<32x1024xf32, #tpu.memory_space<vmem>>, vector<1x16xf32>,
      %get3A_313 = arith.index_cast %scan3A_45 : i32 to index
      %get3A_314 = arith.constant 256 : index
      %get3A_315 = tpu.vector_load %arg8[%get3A_313, %get3A_314] {strides = array<i32>} : memref<32x1024xf32, #tpu.memory_space<vmem>>, vector<1x16xf32>,
      %get3A_316 = vector.shape_cast %get3A_315 : vector<1x16xf32> to vector<16xf32>
      %mul3A_317 = arith.mulf %get3A_51, %get3A_316 : vector<16xf32>
      %get3A_318 = arith.index_cast %scan3A_45 : i32 to index
      %get3A_319 = arith.constant 256 : index
      %get3A_320 = tpu.vector_load %arg9[%get3A_318, %get3A_319] {strides = array<i32>} : memref<32x1024xf32, #tpu.memory_space<vmem>>, vector<1x16xf32>,
      %get3A_321 = vector.shape_cast %get3A_320 : vector<1x16xf32> to vector<16xf32>
      %mul3A_322 = arith.mulf %get3A_57, %get3A_321 : vector<16xf32>
      %add3A_323 = arith.addf %mul3A_317, %mul3A_322 : vector<16xf32>
      %swap3A_324 = arith.index_cast %scan3A_45 : i32 to index
      %swap3A_325 = arith.constant 256 : index
      %swap3A_326 = tpu.vector_load %arg8[%swap3A_324, %swap3A_325] {strides = array<i32>} : memref<32x1024xf32, #tpu.memory_space<vmem>>, vector<1x16xf32>,
      %swap3A_327 = vector.shape_cast %swap3A_326 : vector<1x16xf32> to vector<16xf32>
      %swap3A_328 = vector.shape_cast %add3A_323 : vector<16xf32> to vector<1x16xf32>
      tpu.vector_store %arg8[%swap3A_324, %swap3A_325], %swap3A_328 {strides = array<i32>} : memref<32x1024xf32, #tpu.memory_space<vmem>>, vector<1x16xf32>,
      %get3A_329 = arith.index_cast %scan3A_45 : i32 to index
      %get3A_330 = arith.constant 272 : index
      %get3A_331 = tpu.vector_load %arg8[%get3A_329, %get3A_330] {strides = array<i32>} : memref<32x1024xf32, #tpu.memory_space<vmem>>, vector<1x16xf32>,
      %get3A_332 = vector.shape_cast %get3A_331 : vector<1x16xf32> to vector<16xf32>
      %mul3A_333 = arith.mulf %get3A_51, %get3A_332 : vector<16xf32>
      %get3A_334 = arith.index_cast %scan3A_45 : i32 to index
      %get3A_335 = arith.constant 272 : index
      %get3A_336 = tpu.vector_load %arg9[%get3A_334, %get3A_335] {strides = array<i32>} : memref<32x1024xf32, #tpu.memory_space<vmem>>, vector<1x16xf32>,
      %get3A_337 = vector.shape_cast %get3A_336 : vector<1x16xf32> to vector<16xf32>
      %mul3A_338 = arith.mulf %get3A_57, %get3A_337 : vector<16xf32>
      %add3A_339 = arith.addf %mul3A_333, %mul3A_338 : vector<16xf32>
      %swap3A_340 = arith.index_cast %scan3A_45 : i32 to index
      %swap3A_341 = arith.constant 272 : index
      %swap3A_342 = tpu.vector_load %arg8[%swap3A_340, %swap3A_341] {strides = array<i32>} : memref<32x1024xf32, #tpu.memory_space<vmem>>, vector<1x16xf32>,
      %swap3A_343 = vector.shape_cast %swap3A_342 : vector<1x16xf32> to vector<16xf32>
      %swap3A_344 = vector.shape_cast %add3A_339 : vector<16xf32> to vector<1x16xf32>
      tpu.vector_store %arg8[%swap3A_340, %swap3A_341], %swap3A_344 {strides = array<i32>} : memref<32x1024xf32, #tpu.memory_space<vmem>>, vector<1x16xf32>,
      %get3A_345 = arith.index_cast %scan3A_45 : i32 to index
      %get3A_346 = arith.constant 288 : index
      %get3A_347 = tpu.vector_load %arg8[%get3A_345, %get3A_346] {strides = array<i32>} : memref<32x1024xf32, #tpu.memory_space<vmem>>, vector<1x16xf32>,
      %get3A_348 = vector.shape_cast %get3A_347 : vector<1x16xf32> to vector<16xf32>
      %mul3A_349 = arith.mulf %get3A_51, %get3A_348 : vector<16xf32>
      %get3A_350 = arith.index_cast %scan3A_45 : i32 to index
      %get3A_351 = arith.constant 288 : index
      %get3A_352 = tpu.vector_load %arg9[%get3A_350, %get3A_351] {strides = array<i32>} : memref<32x1024xf32, #tpu.memory_space<vmem>>, vector<1x16xf32>,
      %get3A_353 = vector.shape_cast %get3A_352 : vector<1x16xf32> to vector<16xf32>
      %mul3A_354 = arith.mulf %get3A_57, %get3A_353 : vector<16xf32>
      %add3A_355 = arith.addf %mul3A_349, %mul3A_354 : vector<16xf32>
      %swap3A_356 = arith.index_cast %scan3A_45 : i32 to index
      %swap3A_357 = arith.constant 288 : index
      %swap3A_358 = tpu.vector_load %arg8[%swap3A_356, %swap3A_357] {strides = array<i32>} : memref<32x1024xf32, #tpu.memory_space<vmem>>, vector<1x16xf32>,
      %swap3A_359 = vector.shape_cast %swap3A_358 : vector<1x16xf32> to vector<16xf32>
      %swap3A_360 = vector.shape_cast %add3A_355 : vector<16xf32> to vector<1x16xf32>
      tpu.vector_store %arg8[%swap3A_356, %swap3A_357], %swap3A_360 {strides = array<i32>} : memref<32x1024xf32, #tpu.memory_space<vmem>>, vector<1x16xf32>,
      %get3A_361 = arith.index_cast %scan3A_45 : i32 to index
      %get3A_362 = arith.constant 304 : index
      %get3A_363 = tpu.vector_load %arg8[%get3A_361, %get3A_362] {strides = array<i32>} : memref<32x1024xf32, #tpu.memory_space<vmem>>, vector<1x16xf32>,
      %get3A_364 = vector.shape_cast %get3A_363 : vector<1x16xf32> to vector<16xf32>
      %mul3A_365 = arith.mulf %get3A_51, %get3A_364 : vector<16xf32>
      %get3A_366 = arith.index_cast %scan3A_45 : i32 to index
      %get3A_367 = arith.constant 304 : index
      %get3A_368 = tpu.vector_load %arg9[%get3A_366, %get3A_367] {strides = array<i32>} : memref<32x1024xf32, #tpu.memory_space<vmem>>, vector<1x16xf32>,
      %get3A_369 = vector.shape_cast %get3A_368 : vector<1x16xf32> to vector<16xf32>
      %mul3A_370 = arith.mulf %get3A_57, %get3A_369 : vector<16xf32>
      %add3A_371 = arith.addf %mul3A_365, %mul3A_370 : vector<16xf32>
      %swap3A_372 = arith.index_cast %scan3A_45 : i32 to index
      %swap3A_373 = arith.constant 304 : index
      %swap3A_374 = tpu.vector_load %arg8[%swap3A_372, %swap3A_373] {strides = array<i32>} : memref<32x1024xf32, #tpu.memory_space<vmem>>, vector<1x16xf32>,
      %swap3A_375 = vector.shape_cast %swap3A_374 : vector<1x16xf32> to vector<16xf32>
      %swap3A_376 = vector.shape_cast %add3A_371 : vector<16xf32> to vector<1x16xf32>
      tpu.vector_store %arg8[%swap3A_372, %swap3A_373], %swap3A_376 {strides = array<i32>} : memref<32x1024xf32, #tpu.memory_space<vmem>>, vector<1x16xf32>,
      %get3A_377 = arith.index_cast %scan3A_45 : i32 to index
      %get3A_378 = arith.constant 320 : index
      %get3A_379 = tpu.vector_load %arg8[%get3A_377, %get3A_378] {strides = array<i32>} : memref<32x1024xf32, #tpu.memory_space<vmem>>, vector<1x16xf32>,
      %get3A_380 = vector.shape_cast %get3A_379 : vector<1x16xf32> to vector<16xf32>
      %mul3A_381 = arith.mulf %get3A_51, %get3A_380 : vector<16xf32>
      %get3A_382 = arith.index_cast %scan3A_45 : i32 to index
      %get3A_383 = arith.constant 320 : index
      %get3A_384 = tpu.vector_load %arg9[%get3A_382, %get3A_383] {strides = array<i32>} : memref<32x1024xf32, #tpu.memory_space<vmem>>, vector<1x16xf32>,
      %get3A_385 = vector.shape_cast %get3A_384 : vector<1x16xf32> to vector<16xf32>
      %mul3A_386 = arith.mulf %get3A_57, %get3A_385 : vector<16xf32>
      %add3A_387 = arith.addf %mul3A_381, %mul3A_386 : vector<16xf32>
      %swap3A_388 = arith.index_cast %scan3A_45 : i32 to index
      %swap3A_389 = arith.constant 320 : index
      %swap3A_390 = tpu.vector_load %arg8[%swap3A_388, %swap3A_389] {strides = array<i32>} : memref<32x1024xf32, #tpu.memory_space<vmem>>, vector<1x16xf32>,
      %swap3A_391 = vector.shape_cast %swap3A_390 : vector<1x16xf32> to vector<16xf32>
      %swap3A_392 = vector.shape_cast %add3A_387 : vector<16xf32> to vector<1x16xf32>
      tpu.vector_store %arg8[%swap3A_388, %swap3A_389], %swap3A_392 {strides = array<i32>} : memref<32x1024xf32, #tpu.memory_space<vmem>>, vector<1x16xf32>,
      %get3A_393 = arith.index_cast %scan3A_45 : i32 to index
      %get3A_394 = arith.constant 336 : index
      %get3A_395 = tpu.vector_load %arg8[%get3A_393, %get3A_394] {strides = array<i32>} : memref<32x1024xf32, #tpu.memory_space<vmem>>, vector<1x16xf32>,
      %get3A_396 = vector.shape_cast %get3A_395 : vector<1x16xf32> to vector<16xf32>
      %mul3A_397 = arith.mulf %get3A_51, %get3A_396 : vector<16xf32>
      %get3A_398 = arith.index_cast %scan3A_45 : i32 to index
      %get3A_399 = arith.constant 336 : index
      %get3A_400 = tpu.vector_load %arg9[%get3A_398, %get3A_399] {strides = array<i32>} : memref<32x1024xf32, #tpu.memory_space<vmem>>, vector<1x16xf32>,
      %get3A_401 = vector.shape_cast %get3A_400 : vector<1x16xf32> to vector<16xf32>
      %mul3A_402 = arith.mulf %get3A_57, %get3A_401 : vector<16xf32>
      %add3A_403 = arith.addf %mul3A_397, %mul3A_402 : vector<16xf32>
      %swap3A_404 = arith.index_cast %scan3A_45 : i32 to index
      %swap3A_405 = arith.constant 336 : index
      %swap3A_406 = tpu.vector_load %arg8[%swap3A_404, %swap3A_405] {strides = array<i32>} : memref<32x1024xf32, #tpu.memory_space<vmem>>, vector<1x16xf32>,
      %swap3A_407 = vector.shape_cast %swap3A_406 : vector<1x16xf32> to vector<16xf32>
      %swap3A_408 = vector.shape_cast %add3A_403 : vector<16xf32> to vector<1x16xf32>
      tpu.vector_store %arg8[%swap3A_404, %swap3A_405], %swap3A_408 {strides = array<i32>} : memref<32x1024xf32, #tpu.memory_space<vmem>>, vector<1x16xf32>,
      %get3A_409 = arith.index_cast %scan3A_45 : i32 to index
      %get3A_410 = arith.constant 352 : index
      %get3A_411 = tpu.vector_load %arg8[%get3A_409, %get3A_410] {strides = array<i32>} : memref<32x1024xf32, #tpu.memory_space<vmem>>, vector<1x16xf32>,
      %get3A_412 = vector.shape_cast %get3A_411 : vector<1x16xf32> to vector<16xf32>
      %mul3A_413 = arith.mulf %get3A_51, %get3A_412 : vector<16xf32>
      %get3A_414 = arith.index_cast %scan3A_45 : i32 to index
      %get3A_415 = arith.constant 352 : index
      %get3A_416 = tpu.vector_load %arg9[%get3A_414, %get3A_415] {strides = array<i32>} : memref<32x1024xf32, #tpu.memory_space<vmem>>, vector<1x16xf32>,
      %get3A_417 = vector.shape_cast %get3A_416 : vector<1x16xf32> to vector<16xf32>
      %mul3A_418 = arith.mulf %get3A_57, %get3A_417 : vector<16xf32>
      %add3A_419 = arith.addf %mul3A_413, %mul3A_418 : vector<16xf32>
      %swap3A_420 = arith.index_cast %scan3A_45 : i32 to index
      %swap3A_421 = arith.constant 352 : index
      %swap3A_422 = tpu.vector_load %arg8[%swap3A_420, %swap3A_421] {strides = array<i32>} : memref<32x1024xf32, #tpu.memory_space<vmem>>, vector<1x16xf32>,
      %swap3A_423 = vector.shape_cast %swap3A_422 : vector<1x16xf32> to vector<16xf32>
      %swap3A_424 = vector.shape_cast %add3A_419 : vector<16xf32> to vector<1x16xf32>
      tpu.vector_store %arg8[%swap3A_420, %swap3A_421], %swap3A_424 {strides = array<i32>} : memref<32x1024xf32, #tpu.memory_space<vmem>>, vector<1x16xf32>,
      %get3A_425 = arith.index_cast %scan3A_45 : i32 to index
      %get3A_426 = arith.constant 368 : index
      %get3A_427 = tpu.vector_load %arg8[%get3A_425, %get3A_426] {strides = array<i32>} : memref<32x1024xf32, #tpu.memory_space<vmem>>, vector<1x16xf32>,
      %get3A_428 = vector.shape_cast %get3A_427 : vector<1x16xf32> to vector<16xf32>
      %mul3A_429 = arith.mulf %get3A_51, %get3A_428 : vector<16xf32>
      %get3A_430 = arith.index_cast %scan3A_45 : i32 to index
      %get3A_431 = arith.constant 368 : index
      %get3A_432 = tpu.vector_load %arg9[%get3A_430, %get3A_431] {strides = array<i32>} : memref<32x1024xf32, #tpu.memory_space<vmem>>, vector<1x16xf32>,
      %get3A_433 = vector.shape_cast %get3A_432 : vector<1x16xf32> to vector<16xf32>
      %mul3A_434 = arith.mulf %get3A_57, %get3A_433 : vector<16xf32>
      %add3A_435 = arith.addf %mul3A_429, %mul3A_434 : vector<16xf32>
      %swap3A_436 = arith.index_cast %scan3A_45 : i32 to index
      %swap3A_437 = arith.constant 368 : index
      %swap3A_438 = tpu.vector_load %arg8[%swap3A_436, %swap3A_437] {strides = array<i32>} : memref<32x1024xf32, #tpu.memory_space<vmem>>, vector<1x16xf32>,
      %swap3A_439 = vector.shape_cast %swap3A_438 : vector<1x16xf32> to vector<16xf32>
      %swap3A_440 = vector.shape_cast %add3A_435 : vector<16xf32> to vector<1x16xf32>
      tpu.vector_store %arg8[%swap3A_436, %swap3A_437], %swap3A_440 {strides = array<i32>} : memref<32x1024xf32, #tpu.memory_space<vmem>>, vector<1x16xf32>,
      %get3A_441 = arith.index_cast %scan3A_45 : i32 to index
      %get3A_442 = arith.constant 384 : index
      %get3A_443 = tpu.vector_load %arg8[%get3A_441, %get3A_442] {strides = array<i32>} : memref<32x1024xf32, #tpu.memory_space<vmem>>, vector<1x16xf32>,
      %get3A_444 = vector.shape_cast %get3A_443 : vector<1x16xf32> to vector<16xf32>
      %mul3A_445 = arith.mulf %get3A_51, %get3A_444 : vector<16xf32>
      %get3A_446 = arith.index_cast %scan3A_45 : i32 to index
      %get3A_447 = arith.constant 384 : index
      %get3A_448 = tpu.vector_load %arg9[%get3A_446, %get3A_447] {strides = array<i32>} : memref<32x1024xf32, #tpu.memory_space<vmem>>, vector<1x16xf32>,
      %get3A_449 = vector.shape_cast %get3A_448 : vector<1x16xf32> to vector<16xf32>
      %mul3A_450 = arith.mulf %get3A_57, %get3A_449 : vector<16xf32>
      %add3A_451 = arith.addf %mul3A_445, %mul3A_450 : vector<16xf32>
      %swap3A_452 = arith.index_cast %scan3A_45 : i32 to index
      %swap3A_453 = arith.constant 384 : index
      %swap3A_454 = tpu.vector_load %arg8[%swap3A_452, %swap3A_453] {strides = array<i32>} : memref<32x1024xf32, #tpu.memory_space<vmem>>, vector<1x16xf32>,
      %swap3A_455 = vector.shape_cast %swap3A_454 : vector<1x16xf32> to vector<16xf32>
      %swap3A_456 = vector.shape_cast %add3A_451 : vector<16xf32> to vector<1x16xf32>
      tpu.vector_store %arg8[%swap3A_452, %swap3A_453], %swap3A_456 {strides = array<i32>} : memref<32x1024xf32, #tpu.memory_space<vmem>>, vector<1x16xf32>,
      %get3A_457 = arith.index_cast %scan3A_45 : i32 to index
      %get3A_458 = arith.constant 400 : index
      %get3A_459 = tpu.vector_load %arg8[%get3A_457, %get3A_458] {strides = array<i32>} : memref<32x1024xf32, #tpu.memory_space<vmem>>, vector<1x16xf32>,
      %get3A_460 = vector.shape_cast %get3A_459 : vector<1x16xf32> to vector<16xf32>
      %mul3A_461 = arith.mulf %get3A_51, %get3A_460 : vector<16xf32>
      %get3A_462 = arith.index_cast %scan3A_45 : i32 to index
      %get3A_463 = arith.constant 400 : index
      %get3A_464 = tpu.vector_load %arg9[%get3A_462, %get3A_463] {strides = array<i32>} : memref<32x1024xf32, #tpu.memory_space<vmem>>, vector<1x16xf32>,
      %get3A_465 = vector.shape_cast %get3A_464 : vector<1x16xf32> to vector<16xf32>
      %mul3A_466 = arith.mulf %get3A_57, %get3A_465 : vector<16xf32>
      %add3A_467 = arith.addf %mul3A_461, %mul3A_466 : vector<16xf32>
      %swap3A_468 = arith.index_cast %scan3A_45 : i32 to index
      %swap3A_469 = arith.constant 400 : index
      %swap3A_470 = tpu.vector_load %arg8[%swap3A_468, %swap3A_469] {strides = array<i32>} : memref<32x1024xf32, #tpu.memory_space<vmem>>, vector<1x16xf32>,
      %swap3A_471 = vector.shape_cast %swap3A_470 : vector<1x16xf32> to vector<16xf32>
      %swap3A_472 = vector.shape_cast %add3A_467 : vector<16xf32> to vector<1x16xf32>
      tpu.vector_store %arg8[%swap3A_468, %swap3A_469], %swap3A_472 {strides = array<i32>} : memref<32x1024xf32, #tpu.memory_space<vmem>>, vector<1x16xf32>,
      %get3A_473 = arith.index_cast %scan3A_45 : i32 to index
      %get3A_474 = arith.constant 416 : index
      %get3A_475 = tpu.vector_load %arg8[%get3A_473, %get3A_474] {strides = array<i32>} : memref<32x1024xf32, #tpu.memory_space<vmem>>, vector<1x16xf32>,
      %get3A_476 = vector.shape_cast %get3A_475 : vector<1x16xf32> to vector<16xf32>
      %mul3A_477 = arith.mulf %get3A_51, %get3A_476 : vector<16xf32>
      %get3A_478 = arith.index_cast %scan3A_45 : i32 to index
      %get3A_479 = arith.constant 416 : index
      %get3A_480 = tpu.vector_load %arg9[%get3A_478, %get3A_479] {strides = array<i32>} : memref<32x1024xf32, #tpu.memory_space<vmem>>, vector<1x16xf32>,
      %get3A_481 = vector.shape_cast %get3A_480 : vector<1x16xf32> to vector<16xf32>
      %mul3A_482 = arith.mulf %get3A_57, %get3A_481 : vector<16xf32>
      %add3A_483 = arith.addf %mul3A_477, %mul3A_482 : vector<16xf32>
      %swap3A_484 = arith.index_cast %scan3A_45 : i32 to index
      %swap3A_485 = arith.constant 416 : index
      %swap3A_486 = tpu.vector_load %arg8[%swap3A_484, %swap3A_485] {strides = array<i32>} : memref<32x1024xf32, #tpu.memory_space<vmem>>, vector<1x16xf32>,
      %swap3A_487 = vector.shape_cast %swap3A_486 : vector<1x16xf32> to vector<16xf32>
      %swap3A_488 = vector.shape_cast %add3A_483 : vector<16xf32> to vector<1x16xf32>
      tpu.vector_store %arg8[%swap3A_484, %swap3A_485], %swap3A_488 {strides = array<i32>} : memref<32x1024xf32, #tpu.memory_space<vmem>>, vector<1x16xf32>,
      %get3A_489 = arith.index_cast %scan3A_45 : i32 to index
      %get3A_490 = arith.constant 432 : index
      %get3A_491 = tpu.vector_load %arg8[%get3A_489, %get3A_490] {strides = array<i32>} : memref<32x1024xf32, #tpu.memory_space<vmem>>, vector<1x16xf32>,
      %get3A_492 = vector.shape_cast %get3A_491 : vector<1x16xf32> to vector<16xf32>
      %mul3A_493 = arith.mulf %get3A_51, %get3A_492 : vector<16xf32>
      %get3A_494 = arith.index_cast %scan3A_45 : i32 to index
      %get3A_495 = arith.constant 432 : index
      %get3A_496 = tpu.vector_load %arg9[%get3A_494, %get3A_495] {strides = array<i32>} : memref<32x1024xf32, #tpu.memory_space<vmem>>, vector<1x16xf32>,
      %get3A_497 = vector.shape_cast %get3A_496 : vector<1x16xf32> to vector<16xf32>
      %mul3A_498 = arith.mulf %get3A_57, %get3A_497 : vector<16xf32>
      %add3A_499 = arith.addf %mul3A_493, %mul3A_498 : vector<16xf32>
      %swap3A_500 = arith.index_cast %scan3A_45 : i32 to index
      %swap3A_501 = arith.constant 432 : index
      %swap3A_502 = tpu.vector_load %arg8[%swap3A_500, %swap3A_501] {strides = array<i32>} : memref<32x1024xf32, #tpu.memory_space<vmem>>, vector<1x16xf32>,
      %swap3A_503 = vector.shape_cast %swap3A_502 : vector<1x16xf32> to vector<16xf32>
      %swap3A_504 = vector.shape_cast %add3A_499 : vector<16xf32> to vector<1x16xf32>
      tpu.vector_store %arg8[%swap3A_500, %swap3A_501], %swap3A_504 {strides = array<i32>} : memref<32x1024xf32, #tpu.memory_space<vmem>>, vector<1x16xf32>,
      %get3A_505 = arith.index_cast %scan3A_45 : i32 to index
      %get3A_506 = arith.constant 448 : index
      %get3A_507 = tpu.vector_load %arg8[%get3A_505, %get3A_506] {strides = array<i32>} : memref<32x1024xf32, #tpu.memory_space<vmem>>, vector<1x16xf32>,
      %get3A_508 = vector.shape_cast %get3A_507 : vector<1x16xf32> to vector<16xf32>
      %mul3A_509 = arith.mulf %get3A_51, %get3A_508 : vector<16xf32>
      %get3A_510 = arith.index_cast %scan3A_45 : i32 to index
      %get3A_511 = arith.constant 448 : index
      %get3A_512 = tpu.vector_load %arg9[%get3A_510, %get3A_511] {strides = array<i32>} : memref<32x1024xf32, #tpu.memory_space<vmem>>, vector<1x16xf32>,
      %get3A_513 = vector.shape_cast %get3A_512 : vector<1x16xf32> to vector<16xf32>
      %mul3A_514 = arith.mulf %get3A_57, %get3A_513 : vector<16xf32>
      %add3A_515 = arith.addf %mul3A_509, %mul3A_514 : vector<16xf32>
      %swap3A_516 = arith.index_cast %scan3A_45 : i32 to index
      %swap3A_517 = arith.constant 448 : index
      %swap3A_518 = tpu.vector_load %arg8[%swap3A_516, %swap3A_517] {strides = array<i32>} : memref<32x1024xf32, #tpu.memory_space<vmem>>, vector<1x16xf32>,
      %swap3A_519 = vector.shape_cast %swap3A_518 : vector<1x16xf32> to vector<16xf32>
      %swap3A_520 = vector.shape_cast %add3A_515 : vector<16xf32> to vector<1x16xf32>
      tpu.vector_store %arg8[%swap3A_516, %swap3A_517], %swap3A_520 {strides = array<i32>} : memref<32x1024xf32, #tpu.memory_space<vmem>>, vector<1x16xf32>,
      %get3A_521 = arith.index_cast %scan3A_45 : i32 to index
      %get3A_522 = arith.constant 464 : index
      %get3A_523 = tpu.vector_load %arg8[%get3A_521, %get3A_522] {strides = array<i32>} : memref<32x1024xf32, #tpu.memory_space<vmem>>, vector<1x16xf32>,
      %get3A_524 = vector.shape_cast %get3A_523 : vector<1x16xf32> to vector<16xf32>
      %mul3A_525 = arith.mulf %get3A_51, %get3A_524 : vector<16xf32>
      %get3A_526 = arith.index_cast %scan3A_45 : i32 to index
      %get3A_527 = arith.constant 464 : index
      %get3A_528 = tpu.vector_load %arg9[%get3A_526, %get3A_527] {strides = array<i32>} : memref<32x1024xf32, #tpu.memory_space<vmem>>, vector<1x16xf32>,
      %get3A_529 = vector.shape_cast %get3A_528 : vector<1x16xf32> to vector<16xf32>
      %mul3A_530 = arith.mulf %get3A_57, %get3A_529 : vector<16xf32>
      %add3A_531 = arith.addf %mul3A_525, %mul3A_530 : vector<16xf32>
      %swap3A_532 = arith.index_cast %scan3A_45 : i32 to index
      %swap3A_533 = arith.constant 464 : index
      %swap3A_534 = tpu.vector_load %arg8[%swap3A_532, %swap3A_533] {strides = array<i32>} : memref<32x1024xf32, #tpu.memory_space<vmem>>, vector<1x16xf32>,
      %swap3A_535 = vector.shape_cast %swap3A_534 : vector<1x16xf32> to vector<16xf32>
      %swap3A_536 = vector.shape_cast %add3A_531 : vector<16xf32> to vector<1x16xf32>
      tpu.vector_store %arg8[%swap3A_532, %swap3A_533], %swap3A_536 {strides = array<i32>} : memref<32x1024xf32, #tpu.memory_space<vmem>>, vector<1x16xf32>,
      %get3A_537 = arith.index_cast %scan3A_45 : i32 to index
      %get3A_538 = arith.constant 480 : index
      %get3A_539 = tpu.vector_load %arg8[%get3A_537, %get3A_538] {strides = array<i32>} : memref<32x1024xf32, #tpu.memory_space<vmem>>, vector<1x16xf32>,
      %get3A_540 = vector.shape_cast %get3A_539 : vector<1x16xf32> to vector<16xf32>
      %mul3A_541 = arith.mulf %get3A_51, %get3A_540 : vector<16xf32>
      %get3A_542 = arith.index_cast %scan3A_45 : i32 to index
      %get3A_543 = arith.constant 480 : index
      %get3A_544 = tpu.vector_load %arg9[%get3A_542, %get3A_543] {strides = array<i32>} : memref<32x1024xf32, #tpu.memory_space<vmem>>, vector<1x16xf32>,
      %get3A_545 = vector.shape_cast %get3A_544 : vector<1x16xf32> to vector<16xf32>
      %mul3A_546 = arith.mulf %get3A_57, %get3A_545 : vector<16xf32>
      %add3A_547 = arith.addf %mul3A_541, %mul3A_546 : vector<16xf32>
      %swap3A_548 = arith.index_cast %scan3A_45 : i32 to index
      %swap3A_549 = arith.constant 480 : index
      %swap3A_550 = tpu.vector_load %arg8[%swap3A_548, %swap3A_549] {strides = array<i32>} : memref<32x1024xf32, #tpu.memory_space<vmem>>, vector<1x16xf32>,
      %swap3A_551 = vector.shape_cast %swap3A_550 : vector<1x16xf32> to vector<16xf32>
      %swap3A_552 = vector.shape_cast %add3A_547 : vector<16xf32> to vector<1x16xf32>
      tpu.vector_store %arg8[%swap3A_548, %swap3A_549], %swap3A_552 {strides = array<i32>} : memref<32x1024xf32, #tpu.memory_space<vmem>>, vector<1x16xf32>,
      %get3A_553 = arith.index_cast %scan3A_45 : i32 to index
      %get3A_554 = arith.constant 496 : index
      %get3A_555 = tpu.vector_load %arg8[%get3A_553, %get3A_554] {strides = array<i32>} : memref<32x1024xf32, #tpu.memory_space<vmem>>, vector<1x16xf32>,
      %get3A_556 = vector.shape_cast %get3A_555 : vector<1x16xf32> to vector<16xf32>
      %mul3A_557 = arith.mulf %get3A_51, %get3A_556 : vector<16xf32>
      %get3A_558 = arith.index_cast %scan3A_45 : i32 to index
      %get3A_559 = arith.constant 496 : index
      %get3A_560 = tpu.vector_load %arg9[%get3A_558, %get3A_559] {strides = array<i32>} : memref<32x1024xf32, #tpu.memory_space<vmem>>, vector<1x16xf32>,
      %get3A_561 = vector.shape_cast %get3A_560 : vector<1x16xf32> to vector<16xf32>
      %mul3A_562 = arith.mulf %get3A_57, %get3A_561 : vector<16xf32>
      %add3A_563 = arith.addf %mul3A_557, %mul3A_562 : vector<16xf32>
      %swap3A_564 = arith.index_cast %scan3A_45 : i32 to index
      %swap3A_565 = arith.constant 496 : index
      %swap3A_566 = tpu.vector_load %arg8[%swap3A_564, %swap3A_565] {strides = array<i32>} : memref<32x1024xf32, #tpu.memory_space<vmem>>, vector<1x16xf32>,
      %swap3A_567 = vector.shape_cast %swap3A_566 : vector<1x16xf32> to vector<16xf32>
      %swap3A_568 = vector.shape_cast %add3A_563 : vector<16xf32> to vector<1x16xf32>
      tpu.vector_store %arg8[%swap3A_564, %swap3A_565], %swap3A_568 {strides = array<i32>} : memref<32x1024xf32, #tpu.memory_space<vmem>>, vector<1x16xf32>,
      %get3A_569 = arith.index_cast %scan3A_45 : i32 to index
      %get3A_570 = arith.constant 512 : index
      %get3A_571 = tpu.vector_load %arg8[%get3A_569, %get3A_570] {strides = array<i32>} : memref<32x1024xf32, #tpu.memory_space<vmem>>, vector<1x16xf32>,
      %get3A_572 = vector.shape_cast %get3A_571 : vector<1x16xf32> to vector<16xf32>
      %mul3A_573 = arith.mulf %get3A_51, %get3A_572 : vector<16xf32>
      %get3A_574 = arith.index_cast %scan3A_45 : i32 to index
      %get3A_575 = arith.constant 512 : index
      %get3A_576 = tpu.vector_load %arg9[%get3A_574, %get3A_575] {strides = array<i32>} : memref<32x1024xf32, #tpu.memory_space<vmem>>, vector<1x16xf32>,
      %get3A_577 = vector.shape_cast %get3A_576 : vector<1x16xf32> to vector<16xf32>
      %mul3A_578 = arith.mulf %get3A_57, %get3A_577 : vector<16xf32>
      %add3A_579 = arith.addf %mul3A_573, %mul3A_578 : vector<16xf32>
      %swap3A_580 = arith.index_cast %scan3A_45 : i32 to index
      %swap3A_581 = arith.constant 512 : index
      %swap3A_582 = tpu.vector_load %arg8[%swap3A_580, %swap3A_581] {strides = array<i32>} : memref<32x1024xf32, #tpu.memory_space<vmem>>, vector<1x16xf32>,
      %swap3A_583 = vector.shape_cast %swap3A_582 : vector<1x16xf32> to vector<16xf32>
      %swap3A_584 = vector.shape_cast %add3A_579 : vector<16xf32> to vector<1x16xf32>
      tpu.vector_store %arg8[%swap3A_580, %swap3A_581], %swap3A_584 {strides = array<i32>} : memref<32x1024xf32, #tpu.memory_space<vmem>>, vector<1x16xf32>,
      %get3A_585 = arith.index_cast %scan3A_45 : i32 to index
      %get3A_586 = arith.constant 528 : index
      %get3A_587 = tpu.vector_load %arg8[%get3A_585, %get3A_586] {strides = array<i32>} : memref<32x1024xf32, #tpu.memory_space<vmem>>, vector<1x16xf32>,
      %get3A_588 = vector.shape_cast %get3A_587 : vector<1x16xf32> to vector<16xf32>
      %mul3A_589 = arith.mulf %get3A_51, %get3A_588 : vector<16xf32>
      %get3A_590 = arith.index_cast %scan3A_45 : i32 to index
      %get3A_591 = arith.constant 528 : index
      %get3A_592 = tpu.vector_load %arg9[%get3A_590, %get3A_591] {strides = array<i32>} : memref<32x1024xf32, #tpu.memory_space<vmem>>, vector<1x16xf32>,
      %get3A_593 = vector.shape_cast %get3A_592 : vector<1x16xf32> to vector<16xf32>
      %mul3A_594 = arith.mulf %get3A_57, %get3A_593 : vector<16xf32>
      %add3A_595 = arith.addf %mul3A_589, %mul3A_594 : vector<16xf32>
      %swap3A_596 = arith.index_cast %scan3A_45 : i32 to index
      %swap3A_597 = arith.constant 528 : index
      %swap3A_598 = tpu.vector_load %arg8[%swap3A_596, %swap3A_597] {strides = array<i32>} : memref<32x1024xf32, #tpu.memory_space<vmem>>, vector<1x16xf32>,
      %swap3A_599 = vector.shape_cast %swap3A_598 : vector<1x16xf32> to vector<16xf32>
      %swap3A_600 = vector.shape_cast %add3A_595 : vector<16xf32> to vector<1x16xf32>
      tpu.vector_store %arg8[%swap3A_596, %swap3A_597], %swap3A_600 {strides = array<i32>} : memref<32x1024xf32, #tpu.memory_space<vmem>>, vector<1x16xf32>,
      %get3A_601 = arith.index_cast %scan3A_45 : i32 to index
      %get3A_602 = arith.constant 544 : index
      %get3A_603 = tpu.vector_load %arg8[%get3A_601, %get3A_602] {strides = array<i32>} : memref<32x1024xf32, #tpu.memory_space<vmem>>, vector<1x16xf32>,
      %get3A_604 = vector.shape_cast %get3A_603 : vector<1x16xf32> to vector<16xf32>
      %mul3A_605 = arith.mulf %get3A_51, %get3A_604 : vector<16xf32>
      %get3A_606 = arith.index_cast %scan3A_45 : i32 to index
      %get3A_607 = arith.constant 544 : index
      %get3A_608 = tpu.vector_load %arg9[%get3A_606, %get3A_607] {strides = array<i32>} : memref<32x1024xf32, #tpu.memory_space<vmem>>, vector<1x16xf32>,
      %get3A_609 = vector.shape_cast %get3A_608 : vector<1x16xf32> to vector<16xf32>
      %mul3A_610 = arith.mulf %get3A_57, %get3A_609 : vector<16xf32>
      %add3A_611 = arith.addf %mul3A_605, %mul3A_610 : vector<16xf32>
      %swap3A_612 = arith.index_cast %scan3A_45 : i32 to index
      %swap3A_613 = arith.constant 544 : index
      %swap3A_614 = tpu.vector_load %arg8[%swap3A_612, %swap3A_613] {strides = array<i32>} : memref<32x1024xf32, #tpu.memory_space<vmem>>, vector<1x16xf32>,
      %swap3A_615 = vector.shape_cast %swap3A_614 : vector<1x16xf32> to vector<16xf32>
      %swap3A_616 = vector.shape_cast %add3A_611 : vector<16xf32> to vector<1x16xf32>
      tpu.vector_store %arg8[%swap3A_612, %swap3A_613], %swap3A_616 {strides = array<i32>} : memref<32x1024xf32, #tpu.memory_space<vmem>>, vector<1x16xf32>,
      %get3A_617 = arith.index_cast %scan3A_45 : i32 to index
      %get3A_618 = arith.constant 560 : index
      %get3A_619 = tpu.vector_load %arg8[%get3A_617, %get3A_618] {strides = array<i32>} : memref<32x1024xf32, #tpu.memory_space<vmem>>, vector<1x16xf32>,
      %get3A_620 = vector.shape_cast %get3A_619 : vector<1x16xf32> to vector<16xf32>
      %mul3A_621 = arith.mulf %get3A_51, %get3A_620 : vector<16xf32>
      %get3A_622 = arith.index_cast %scan3A_45 : i32 to index
      %get3A_623 = arith.constant 560 : index
      %get3A_624 = tpu.vector_load %arg9[%get3A_622, %get3A_623] {strides = array<i32>} : memref<32x1024xf32, #tpu.memory_space<vmem>>, vector<1x16xf32>,
      %get3A_625 = vector.shape_cast %get3A_624 : vector<1x16xf32> to vector<16xf32>
      %mul3A_626 = arith.mulf %get3A_57, %get3A_625 : vector<16xf32>
      %add3A_627 = arith.addf %mul3A_621, %mul3A_626 : vector<16xf32>
      %swap3A_628 = arith.index_cast %scan3A_45 : i32 to index
      %swap3A_629 = arith.constant 560 : index
      %swap3A_630 = tpu.vector_load %arg8[%swap3A_628, %swap3A_629] {strides = array<i32>} : memref<32x1024xf32, #tpu.memory_space<vmem>>, vector<1x16xf32>,
      %swap3A_631 = vector.shape_cast %swap3A_630 : vector<1x16xf32> to vector<16xf32>
      %swap3A_632 = vector.shape_cast %add3A_627 : vector<16xf32> to vector<1x16xf32>
      tpu.vector_store %arg8[%swap3A_628, %swap3A_629], %swap3A_632 {strides = array<i32>} : memref<32x1024xf32, #tpu.memory_space<vmem>>, vector<1x16xf32>,
      %get3A_633 = arith.index_cast %scan3A_45 : i32 to index
      %get3A_634 = arith.constant 576 : index
      %get3A_635 = tpu.vector_load %arg8[%get3A_633, %get3A_634] {strides = array<i32>} : memref<32x1024xf32, #tpu.memory_space<vmem>>, vector<1x16xf32>,
      %get3A_636 = vector.shape_cast %get3A_635 : vector<1x16xf32> to vector<16xf32>
      %mul3A_637 = arith.mulf %get3A_51, %get3A_636 : vector<16xf32>
      %get3A_638 = arith.index_cast %scan3A_45 : i32 to index
      %get3A_639 = arith.constant 576 : index
      %get3A_640 = tpu.vector_load %arg9[%get3A_638, %get3A_639] {strides = array<i32>} : memref<32x1024xf32, #tpu.memory_space<vmem>>, vector<1x16xf32>,
      %get3A_641 = vector.shape_cast %get3A_640 : vector<1x16xf32> to vector<16xf32>
      %mul3A_642 = arith.mulf %get3A_57, %get3A_641 : vector<16xf32>
      %add3A_643 = arith.addf %mul3A_637, %mul3A_642 : vector<16xf32>
      %swap3A_644 = arith.index_cast %scan3A_45 : i32 to index
      %swap3A_645 = arith.constant 576 : index
      %swap3A_646 = tpu.vector_load %arg8[%swap3A_644, %swap3A_645] {strides = array<i32>} : memref<32x1024xf32, #tpu.memory_space<vmem>>, vector<1x16xf32>,
      %swap3A_647 = vector.shape_cast %swap3A_646 : vector<1x16xf32> to vector<16xf32>
      %swap3A_648 = vector.shape_cast %add3A_643 : vector<16xf32> to vector<1x16xf32>
      tpu.vector_store %arg8[%swap3A_644, %swap3A_645], %swap3A_648 {strides = array<i32>} : memref<32x1024xf32, #tpu.memory_space<vmem>>, vector<1x16xf32>,
      %get3A_649 = arith.index_cast %scan3A_45 : i32 to index
      %get3A_650 = arith.constant 592 : index
      %get3A_651 = tpu.vector_load %arg8[%get3A_649, %get3A_650] {strides = array<i32>} : memref<32x1024xf32, #tpu.memory_space<vmem>>, vector<1x16xf32>,
      %get3A_652 = vector.shape_cast %get3A_651 : vector<1x16xf32> to vector<16xf32>
      %mul3A_653 = arith.mulf %get3A_51, %get3A_652 : vector<16xf32>
      %get3A_654 = arith.index_cast %scan3A_45 : i32 to index
      %get3A_655 = arith.constant 592 : index
      %get3A_656 = tpu.vector_load %arg9[%get3A_654, %get3A_655] {strides = array<i32>} : memref<32x1024xf32, #tpu.memory_space<vmem>>, vector<1x16xf32>,
      %get3A_657 = vector.shape_cast %get3A_656 : vector<1x16xf32> to vector<16xf32>
      %mul3A_658 = arith.mulf %get3A_57, %get3A_657 : vector<16xf32>
      %add3A_659 = arith.addf %mul3A_653, %mul3A_658 : vector<16xf32>
      %swap3A_660 = arith.index_cast %scan3A_45 : i32 to index
      %swap3A_661 = arith.constant 592 : index
      %swap3A_662 = tpu.vector_load %arg8[%swap3A_660, %swap3A_661] {strides = array<i32>} : memref<32x1024xf32, #tpu.memory_space<vmem>>, vector<1x16xf32>,
      %swap3A_663 = vector.shape_cast %swap3A_662 : vector<1x16xf32> to vector<16xf32>
      %swap3A_664 = vector.shape_cast %add3A_659 : vector<16xf32> to vector<1x16xf32>
      tpu.vector_store %arg8[%swap3A_660, %swap3A_661], %swap3A_664 {strides = array<i32>} : memref<32x1024xf32, #tpu.memory_space<vmem>>, vector<1x16xf32>,
      %get3A_665 = arith.index_cast %scan3A_45 : i32 to index
      %get3A_666 = arith.constant 608 : index
      %get3A_667 = tpu.vector_load %arg8[%get3A_665, %get3A_666] {strides = array<i32>} : memref<32x1024xf32, #tpu.memory_space<vmem>>, vector<1x16xf32>,
      %get3A_668 = vector.shape_cast %get3A_667 : vector<1x16xf32> to vector<16xf32>
      %mul3A_669 = arith.mulf %get3A_51, %get3A_668 : vector<16xf32>
      %get3A_670 = arith.index_cast %scan3A_45 : i32 to index
      %get3A_671 = arith.constant 608 : index
      %get3A_672 = tpu.vector_load %arg9[%get3A_670, %get3A_671] {strides = array<i32>} : memref<32x1024xf32, #tpu.memory_space<vmem>>, vector<1x16xf32>,
      %get3A_673 = vector.shape_cast %get3A_672 : vector<1x16xf32> to vector<16xf32>
      %mul3A_674 = arith.mulf %get3A_57, %get3A_673 : vector<16xf32>
      %add3A_675 = arith.addf %mul3A_669, %mul3A_674 : vector<16xf32>
      %swap3A_676 = arith.index_cast %scan3A_45 : i32 to index
      %swap3A_677 = arith.constant 608 : index
      %swap3A_678 = tpu.vector_load %arg8[%swap3A_676, %swap3A_677] {strides = array<i32>} : memref<32x1024xf32, #tpu.memory_space<vmem>>, vector<1x16xf32>,
      %swap3A_679 = vector.shape_cast %swap3A_678 : vector<1x16xf32> to vector<16xf32>
      %swap3A_680 = vector.shape_cast %add3A_675 : vector<16xf32> to vector<1x16xf32>
      tpu.vector_store %arg8[%swap3A_676, %swap3A_677], %swap3A_680 {strides = array<i32>} : memref<32x1024xf32, #tpu.memory_space<vmem>>, vector<1x16xf32>,
      %get3A_681 = arith.index_cast %scan3A_45 : i32 to index
      %get3A_682 = arith.constant 624 : index
      %get3A_683 = tpu.vector_load %arg8[%get3A_681, %get3A_682] {strides = array<i32>} : memref<32x1024xf32, #tpu.memory_space<vmem>>, vector<1x16xf32>,
      %get3A_684 = vector.shape_cast %get3A_683 : vector<1x16xf32> to vector<16xf32>
      %mul3A_685 = arith.mulf %get3A_51, %get3A_684 : vector<16xf32>
      %get3A_686 = arith.index_cast %scan3A_45 : i32 to index
      %get3A_687 = arith.constant 624 : index
      %get3A_688 = tpu.vector_load %arg9[%get3A_686, %get3A_687] {strides = array<i32>} : memref<32x1024xf32, #tpu.memory_space<vmem>>, vector<1x16xf32>,
      %get3A_689 = vector.shape_cast %get3A_688 : vector<1x16xf32> to vector<16xf32>
      %mul3A_690 = arith.mulf %get3A_57, %get3A_689 : vector<16xf32>
      %add3A_691 = arith.addf %mul3A_685, %mul3A_690 : vector<16xf32>
      %swap3A_692 = arith.index_cast %scan3A_45 : i32 to index
      %swap3A_693 = arith.constant 624 : index
      %swap3A_694 = tpu.vector_load %arg8[%swap3A_692, %swap3A_693] {strides = array<i32>} : memref<32x1024xf32, #tpu.memory_space<vmem>>, vector<1x16xf32>,
      %swap3A_695 = vector.shape_cast %swap3A_694 : vector<1x16xf32> to vector<16xf32>
      %swap3A_696 = vector.shape_cast %add3A_691 : vector<16xf32> to vector<1x16xf32>
      tpu.vector_store %arg8[%swap3A_692, %swap3A_693], %swap3A_696 {strides = array<i32>} : memref<32x1024xf32, #tpu.memory_space<vmem>>, vector<1x16xf32>,
      %get3A_697 = arith.index_cast %scan3A_45 : i32 to index
      %get3A_698 = arith.constant 640 : index
      %get3A_699 = tpu.vector_load %arg8[%get3A_697, %get3A_698] {strides = array<i32>} : memref<32x1024xf32, #tpu.memory_space<vmem>>, vector<1x16xf32>,
      %get3A_700 = vector.shape_cast %get3A_699 : vector<1x16xf32> to vector<16xf32>
      %mul3A_701 = arith.mulf %get3A_51, %get3A_700 : vector<16xf32>
      %get3A_702 = arith.index_cast %scan3A_45 : i32 to index
      %get3A_703 = arith.constant 640 : index
      %get3A_704 = tpu.vector_load %arg9[%get3A_702, %get3A_703] {strides = array<i32>} : memref<32x1024xf32, #tpu.memory_space<vmem>>, vector<1x16xf32>,
      %get3A_705 = vector.shape_cast %get3A_704 : vector<1x16xf32> to vector<16xf32>
      %mul3A_706 = arith.mulf %get3A_57, %get3A_705 : vector<16xf32>
      %add3A_707 = arith.addf %mul3A_701, %mul3A_706 : vector<16xf32>
      %swap3A_708 = arith.index_cast %scan3A_45 : i32 to index
      %swap3A_709 = arith.constant 640 : index
      %swap3A_710 = tpu.vector_load %arg8[%swap3A_708, %swap3A_709] {strides = array<i32>} : memref<32x1024xf32, #tpu.memory_space<vmem>>, vector<1x16xf32>,
      %swap3A_711 = vector.shape_cast %swap3A_710 : vector<1x16xf32> to vector<16xf32>
      %swap3A_712 = vector.shape_cast %add3A_707 : vector<16xf32> to vector<1x16xf32>
      tpu.vector_store %arg8[%swap3A_708, %swap3A_709], %swap3A_712 {strides = array<i32>} : memref<32x1024xf32, #tpu.memory_space<vmem>>, vector<1x16xf32>,
      %get3A_713 = arith.index_cast %scan3A_45 : i32 to index
      %get3A_714 = arith.constant 656 : index
      %get3A_715 = tpu.vector_load %arg8[%get3A_713, %get3A_714] {strides = array<i32>} : memref<32x1024xf32, #tpu.memory_space<vmem>>, vector<1x16xf32>,
      %get3A_716 = vector.shape_cast %get3A_715 : vector<1x16xf32> to vector<16xf32>
      %mul3A_717 = arith.mulf %get3A_51, %get3A_716 : vector<16xf32>
      %get3A_718 = arith.index_cast %scan3A_45 : i32 to index
      %get3A_719 = arith.constant 656 : index
      %get3A_720 = tpu.vector_load %arg9[%get3A_718, %get3A_719] {strides = array<i32>} : memref<32x1024xf32, #tpu.memory_space<vmem>>, vector<1x16xf32>,
      %get3A_721 = vector.shape_cast %get3A_720 : vector<1x16xf32> to vector<16xf32>
      %mul3A_722 = arith.mulf %get3A_57, %get3A_721 : vector<16xf32>
      %add3A_723 = arith.addf %mul3A_717, %mul3A_722 : vector<16xf32>
      %swap3A_724 = arith.index_cast %scan3A_45 : i32 to index
      %swap3A_725 = arith.constant 656 : index
      %swap3A_726 = tpu.vector_load %arg8[%swap3A_724, %swap3A_725] {strides = array<i32>} : memref<32x1024xf32, #tpu.memory_space<vmem>>, vector<1x16xf32>,
      %swap3A_727 = vector.shape_cast %swap3A_726 : vector<1x16xf32> to vector<16xf32>
      %swap3A_728 = vector.shape_cast %add3A_723 : vector<16xf32> to vector<1x16xf32>
      tpu.vector_store %arg8[%swap3A_724, %swap3A_725], %swap3A_728 {strides = array<i32>} : memref<32x1024xf32, #tpu.memory_space<vmem>>, vector<1x16xf32>,
      %get3A_729 = arith.index_cast %scan3A_45 : i32 to index
      %get3A_730 = arith.constant 672 : index
      %get3A_731 = tpu.vector_load %arg8[%get3A_729, %get3A_730] {strides = array<i32>} : memref<32x1024xf32, #tpu.memory_space<vmem>>, vector<1x16xf32>,
      %get3A_732 = vector.shape_cast %get3A_731 : vector<1x16xf32> to vector<16xf32>
      %mul3A_733 = arith.mulf %get3A_51, %get3A_732 : vector<16xf32>
      %get3A_734 = arith.index_cast %scan3A_45 : i32 to index
      %get3A_735 = arith.constant 672 : index
      %get3A_736 = tpu.vector_load %arg9[%get3A_734, %get3A_735] {strides = array<i32>} : memref<32x1024xf32, #tpu.memory_space<vmem>>, vector<1x16xf32>,
      %get3A_737 = vector.shape_cast %get3A_736 : vector<1x16xf32> to vector<16xf32>
      %mul3A_738 = arith.mulf %get3A_57, %get3A_737 : vector<16xf32>
      %add3A_739 = arith.addf %mul3A_733, %mul3A_738 : vector<16xf32>
      %swap3A_740 = arith.index_cast %scan3A_45 : i32 to index
      %swap3A_741 = arith.constant 672 : index
      %swap3A_742 = tpu.vector_load %arg8[%swap3A_740, %swap3A_741] {strides = array<i32>} : memref<32x1024xf32, #tpu.memory_space<vmem>>, vector<1x16xf32>,
      %swap3A_743 = vector.shape_cast %swap3A_742 : vector<1x16xf32> to vector<16xf32>
      %swap3A_744 = vector.shape_cast %add3A_739 : vector<16xf32> to vector<1x16xf32>
      tpu.vector_store %arg8[%swap3A_740, %swap3A_741], %swap3A_744 {strides = array<i32>} : memref<32x1024xf32, #tpu.memory_space<vmem>>, vector<1x16xf32>,
      %get3A_745 = arith.index_cast %scan3A_45 : i32 to index
      %get3A_746 = arith.constant 688 : index
      %get3A_747 = tpu.vector_load %arg8[%get3A_745, %get3A_746] {strides = array<i32>} : memref<32x1024xf32, #tpu.memory_space<vmem>>, vector<1x16xf32>,
      %get3A_748 = vector.shape_cast %get3A_747 : vector<1x16xf32> to vector<16xf32>
      %mul3A_749 = arith.mulf %get3A_51, %get3A_748 : vector<16xf32>
      %get3A_750 = arith.index_cast %scan3A_45 : i32 to index
      %get3A_751 = arith.constant 688 : index
      %get3A_752 = tpu.vector_load %arg9[%get3A_750, %get3A_751] {strides = array<i32>} : memref<32x1024xf32, #tpu.memory_space<vmem>>, vector<1x16xf32>,
      %get3A_753 = vector.shape_cast %get3A_752 : vector<1x16xf32> to vector<16xf32>
      %mul3A_754 = arith.mulf %get3A_57, %get3A_753 : vector<16xf32>
      %add3A_755 = arith.addf %mul3A_749, %mul3A_754 : vector<16xf32>
      %swap3A_756 = arith.index_cast %scan3A_45 : i32 to index
      %swap3A_757 = arith.constant 688 : index
      %swap3A_758 = tpu.vector_load %arg8[%swap3A_756, %swap3A_757] {strides = array<i32>} : memref<32x1024xf32, #tpu.memory_space<vmem>>, vector<1x16xf32>,
      %swap3A_759 = vector.shape_cast %swap3A_758 : vector<1x16xf32> to vector<16xf32>
      %swap3A_760 = vector.shape_cast %add3A_755 : vector<16xf32> to vector<1x16xf32>
      tpu.vector_store %arg8[%swap3A_756, %swap3A_757], %swap3A_760 {strides = array<i32>} : memref<32x1024xf32, #tpu.memory_space<vmem>>, vector<1x16xf32>,
      %get3A_761 = arith.index_cast %scan3A_45 : i32 to index
      %get3A_762 = arith.constant 704 : index
      %get3A_763 = tpu.vector_load %arg8[%get3A_761, %get3A_762] {strides = array<i32>} : memref<32x1024xf32, #tpu.memory_space<vmem>>, vector<1x16xf32>,
      %get3A_764 = vector.shape_cast %get3A_763 : vector<1x16xf32> to vector<16xf32>
      %mul3A_765 = arith.mulf %get3A_51, %get3A_764 : vector<16xf32>
      %get3A_766 = arith.index_cast %scan3A_45 : i32 to index
      %get3A_767 = arith.constant 704 : index
      %get3A_768 = tpu.vector_load %arg9[%get3A_766, %get3A_767] {strides = array<i32>} : memref<32x1024xf32, #tpu.memory_space<vmem>>, vector<1x16xf32>,
      %get3A_769 = vector.shape_cast %get3A_768 : vector<1x16xf32> to vector<16xf32>
      %mul3A_770 = arith.mulf %get3A_57, %get3A_769 : vector<16xf32>
      %add3A_771 = arith.addf %mul3A_765, %mul3A_770 : vector<16xf32>
      %swap3A_772 = arith.index_cast %scan3A_45 : i32 to index
      %swap3A_773 = arith.constant 704 : index
      %swap3A_774 = tpu.vector_load %arg8[%swap3A_772, %swap3A_773] {strides = array<i32>} : memref<32x1024xf32, #tpu.memory_space<vmem>>, vector<1x16xf32>,
      %swap3A_775 = vector.shape_cast %swap3A_774 : vector<1x16xf32> to vector<16xf32>
      %swap3A_776 = vector.shape_cast %add3A_771 : vector<16xf32> to vector<1x16xf32>
      tpu.vector_store %arg8[%swap3A_772, %swap3A_773], %swap3A_776 {strides = array<i32>} : memref<32x1024xf32, #tpu.memory_space<vmem>>, vector<1x16xf32>,
      %get3A_777 = arith.index_cast %scan3A_45 : i32 to index
      %get3A_778 = arith.constant 720 : index
      %get3A_779 = tpu.vector_load %arg8[%get3A_777, %get3A_778] {strides = array<i32>} : memref<32x1024xf32, #tpu.memory_space<vmem>>, vector<1x16xf32>,
      %get3A_780 = vector.shape_cast %get3A_779 : vector<1x16xf32> to vector<16xf32>
      %mul3A_781 = arith.mulf %get3A_51, %get3A_780 : vector<16xf32>
      %get3A_782 = arith.index_cast %scan3A_45 : i32 to index
      %get3A_783 = arith.constant 720 : index
      %get3A_784 = tpu.vector_load %arg9[%get3A_782, %get3A_783] {strides = array<i32>} : memref<32x1024xf32, #tpu.memory_space<vmem>>, vector<1x16xf32>,
      %get3A_785 = vector.shape_cast %get3A_784 : vector<1x16xf32> to vector<16xf32>
      %mul3A_786 = arith.mulf %get3A_57, %get3A_785 : vector<16xf32>
      %add3A_787 = arith.addf %mul3A_781, %mul3A_786 : vector<16xf32>
      %swap3A_788 = arith.index_cast %scan3A_45 : i32 to index
      %swap3A_789 = arith.constant 720 : index
      %swap3A_790 = tpu.vector_load %arg8[%swap3A_788, %swap3A_789] {strides = array<i32>} : memref<32x1024xf32, #tpu.memory_space<vmem>>, vector<1x16xf32>,
      %swap3A_791 = vector.shape_cast %swap3A_790 : vector<1x16xf32> to vector<16xf32>
      %swap3A_792 = vector.shape_cast %add3A_787 : vector<16xf32> to vector<1x16xf32>
      tpu.vector_store %arg8[%swap3A_788, %swap3A_789], %swap3A_792 {strides = array<i32>} : memref<32x1024xf32, #tpu.memory_space<vmem>>, vector<1x16xf32>,
      %get3A_793 = arith.index_cast %scan3A_45 : i32 to index
      %get3A_794 = arith.constant 736 : index
      %get3A_795 = tpu.vector_load %arg8[%get3A_793, %get3A_794] {strides = array<i32>} : memref<32x1024xf32, #tpu.memory_space<vmem>>, vector<1x16xf32>,
      %get3A_796 = vector.shape_cast %get3A_795 : vector<1x16xf32> to vector<16xf32>
      %mul3A_797 = arith.mulf %get3A_51, %get3A_796 : vector<16xf32>
      %get3A_798 = arith.index_cast %scan3A_45 : i32 to index
      %get3A_799 = arith.constant 736 : index
      %get3A_800 = tpu.vector_load %arg9[%get3A_798, %get3A_799] {strides = array<i32>} : memref<32x1024xf32, #tpu.memory_space<vmem>>, vector<1x16xf32>,
      %get3A_801 = vector.shape_cast %get3A_800 : vector<1x16xf32> to vector<16xf32>
      %mul3A_802 = arith.mulf %get3A_57, %get3A_801 : vector<16xf32>
      %add3A_803 = arith.addf %mul3A_797, %mul3A_802 : vector<16xf32>
      %swap3A_804 = arith.index_cast %scan3A_45 : i32 to index
      %swap3A_805 = arith.constant 736 : index
      %swap3A_806 = tpu.vector_load %arg8[%swap3A_804, %swap3A_805] {strides = array<i32>} : memref<32x1024xf32, #tpu.memory_space<vmem>>, vector<1x16xf32>,
      %swap3A_807 = vector.shape_cast %swap3A_806 : vector<1x16xf32> to vector<16xf32>
      %swap3A_808 = vector.shape_cast %add3A_803 : vector<16xf32> to vector<1x16xf32>
      tpu.vector_store %arg8[%swap3A_804, %swap3A_805], %swap3A_808 {strides = array<i32>} : memref<32x1024xf32, #tpu.memory_space<vmem>>, vector<1x16xf32>,
      %get3A_809 = arith.index_cast %scan3A_45 : i32 to index
      %get3A_810 = arith.constant 752 : index
      %get3A_811 = tpu.vector_load %arg8[%get3A_809, %get3A_810] {strides = array<i32>} : memref<32x1024xf32, #tpu.memory_space<vmem>>, vector<1x16xf32>,
      %get3A_812 = vector.shape_cast %get3A_811 : vector<1x16xf32> to vector<16xf32>
      %mul3A_813 = arith.mulf %get3A_51, %get3A_812 : vector<16xf32>
      %get3A_814 = arith.index_cast %scan3A_45 : i32 to index
      %get3A_815 = arith.constant 752 : index
      %get3A_816 = tpu.vector_load %arg9[%get3A_814, %get3A_815] {strides = array<i32>} : memref<32x1024xf32, #tpu.memory_space<vmem>>, vector<1x16xf32>,
      %get3A_817 = vector.shape_cast %get3A_816 : vector<1x16xf32> to vector<16xf32>
      %mul3A_818 = arith.mulf %get3A_57, %get3A_817 : vector<16xf32>
      %add3A_819 = arith.addf %mul3A_813, %mul3A_818 : vector<16xf32>
      %swap3A_820 = arith.index_cast %scan3A_45 : i32 to index
      %swap3A_821 = arith.constant 752 : index
      %swap3A_822 = tpu.vector_load %arg8[%swap3A_820, %swap3A_821] {strides = array<i32>} : memref<32x1024xf32, #tpu.memory_space<vmem>>, vector<1x16xf32>,
      %swap3A_823 = vector.shape_cast %swap3A_822 : vector<1x16xf32> to vector<16xf32>
      %swap3A_824 = vector.shape_cast %add3A_819 : vector<16xf32> to vector<1x16xf32>
      tpu.vector_store %arg8[%swap3A_820, %swap3A_821], %swap3A_824 {strides = array<i32>} : memref<32x1024xf32, #tpu.memory_space<vmem>>, vector<1x16xf32>,
      %get3A_825 = arith.index_cast %scan3A_45 : i32 to index
      %get3A_826 = arith.constant 768 : index
      %get3A_827 = tpu.vector_load %arg8[%get3A_825, %get3A_826] {strides = array<i32>} : memref<32x1024xf32, #tpu.memory_space<vmem>>, vector<1x16xf32>,
      %get3A_828 = vector.shape_cast %get3A_827 : vector<1x16xf32> to vector<16xf32>
      %mul3A_829 = arith.mulf %get3A_51, %get3A_828 : vector<16xf32>
      %get3A_830 = arith.index_cast %scan3A_45 : i32 to index
      %get3A_831 = arith.constant 768 : index
      %get3A_832 = tpu.vector_load %arg9[%get3A_830, %get3A_831] {strides = array<i32>} : memref<32x1024xf32, #tpu.memory_space<vmem>>, vector<1x16xf32>,
      %get3A_833 = vector.shape_cast %get3A_832 : vector<1x16xf32> to vector<16xf32>
      %mul3A_834 = arith.mulf %get3A_57, %get3A_833 : vector<16xf32>
      %add3A_835 = arith.addf %mul3A_829, %mul3A_834 : vector<16xf32>
      %swap3A_836 = arith.index_cast %scan3A_45 : i32 to index
      %swap3A_837 = arith.constant 768 : index
      %swap3A_838 = tpu.vector_load %arg8[%swap3A_836, %swap3A_837] {strides = array<i32>} : memref<32x1024xf32, #tpu.memory_space<vmem>>, vector<1x16xf32>,
      %swap3A_839 = vector.shape_cast %swap3A_838 : vector<1x16xf32> to vector<16xf32>
      %swap3A_840 = vector.shape_cast %add3A_835 : vector<16xf32> to vector<1x16xf32>
      tpu.vector_store %arg8[%swap3A_836, %swap3A_837], %swap3A_840 {strides = array<i32>} : memref<32x1024xf32, #tpu.memory_space<vmem>>, vector<1x16xf32>,
      %get3A_841 = arith.index_cast %scan3A_45 : i32 to index
      %get3A_842 = arith.constant 784 : index
      %get3A_843 = tpu.vector_load %arg8[%get3A_841, %get3A_842] {strides = array<i32>} : memref<32x1024xf32, #tpu.memory_space<vmem>>, vector<1x16xf32>,
      %get3A_844 = vector.shape_cast %get3A_843 : vector<1x16xf32> to vector<16xf32>
      %mul3A_845 = arith.mulf %get3A_51, %get3A_844 : vector<16xf32>
      %get3A_846 = arith.index_cast %scan3A_45 : i32 to index
      %get3A_847 = arith.constant 784 : index
      %get3A_848 = tpu.vector_load %arg9[%get3A_846, %get3A_847] {strides = array<i32>} : memref<32x1024xf32, #tpu.memory_space<vmem>>, vector<1x16xf32>,
      %get3A_849 = vector.shape_cast %get3A_848 : vector<1x16xf32> to vector<16xf32>
      %mul3A_850 = arith.mulf %get3A_57, %get3A_849 : vector<16xf32>
      %add3A_851 = arith.addf %mul3A_845, %mul3A_850 : vector<16xf32>
      %swap3A_852 = arith.index_cast %scan3A_45 : i32 to index
      %swap3A_853 = arith.constant 784 : index
      %swap3A_854 = tpu.vector_load %arg8[%swap3A_852, %swap3A_853] {strides = array<i32>} : memref<32x1024xf32, #tpu.memory_space<vmem>>, vector<1x16xf32>,
      %swap3A_855 = vector.shape_cast %swap3A_854 : vector<1x16xf32> to vector<16xf32>
      %swap3A_856 = vector.shape_cast %add3A_851 : vector<16xf32> to vector<1x16xf32>
      tpu.vector_store %arg8[%swap3A_852, %swap3A_853], %swap3A_856 {strides = array<i32>} : memref<32x1024xf32, #tpu.memory_space<vmem>>, vector<1x16xf32>,
      %get3A_857 = arith.index_cast %scan3A_45 : i32 to index
      %get3A_858 = arith.constant 800 : index
      %get3A_859 = tpu.vector_load %arg8[%get3A_857, %get3A_858] {strides = array<i32>} : memref<32x1024xf32, #tpu.memory_space<vmem>>, vector<1x16xf32>,
      %get3A_860 = vector.shape_cast %get3A_859 : vector<1x16xf32> to vector<16xf32>
      %mul3A_861 = arith.mulf %get3A_51, %get3A_860 : vector<16xf32>
      %get3A_862 = arith.index_cast %scan3A_45 : i32 to index
      %get3A_863 = arith.constant 800 : index
      %get3A_864 = tpu.vector_load %arg9[%get3A_862, %get3A_863] {strides = array<i32>} : memref<32x1024xf32, #tpu.memory_space<vmem>>, vector<1x16xf32>,
      %get3A_865 = vector.shape_cast %get3A_864 : vector<1x16xf32> to vector<16xf32>
      %mul3A_866 = arith.mulf %get3A_57, %get3A_865 : vector<16xf32>
      %add3A_867 = arith.addf %mul3A_861, %mul3A_866 : vector<16xf32>
      %swap3A_868 = arith.index_cast %scan3A_45 : i32 to index
      %swap3A_869 = arith.constant 800 : index
      %swap3A_870 = tpu.vector_load %arg8[%swap3A_868, %swap3A_869] {strides = array<i32>} : memref<32x1024xf32, #tpu.memory_space<vmem>>, vector<1x16xf32>,
      %swap3A_871 = vector.shape_cast %swap3A_870 : vector<1x16xf32> to vector<16xf32>
      %swap3A_872 = vector.shape_cast %add3A_867 : vector<16xf32> to vector<1x16xf32>
      tpu.vector_store %arg8[%swap3A_868, %swap3A_869], %swap3A_872 {strides = array<i32>} : memref<32x1024xf32, #tpu.memory_space<vmem>>, vector<1x16xf32>,
      %get3A_873 = arith.index_cast %scan3A_45 : i32 to index
      %get3A_874 = arith.constant 816 : index
      %get3A_875 = tpu.vector_load %arg8[%get3A_873, %get3A_874] {strides = array<i32>} : memref<32x1024xf32, #tpu.memory_space<vmem>>, vector<1x16xf32>,
      %get3A_876 = vector.shape_cast %get3A_875 : vector<1x16xf32> to vector<16xf32>
      %mul3A_877 = arith.mulf %get3A_51, %get3A_876 : vector<16xf32>
      %get3A_878 = arith.index_cast %scan3A_45 : i32 to index
      %get3A_879 = arith.constant 816 : index
      %get3A_880 = tpu.vector_load %arg9[%get3A_878, %get3A_879] {strides = array<i32>} : memref<32x1024xf32, #tpu.memory_space<vmem>>, vector<1x16xf32>,
      %get3A_881 = vector.shape_cast %get3A_880 : vector<1x16xf32> to vector<16xf32>
      %mul3A_882 = arith.mulf %get3A_57, %get3A_881 : vector<16xf32>
      %add3A_883 = arith.addf %mul3A_877, %mul3A_882 : vector<16xf32>
      %swap3A_884 = arith.index_cast %scan3A_45 : i32 to index
      %swap3A_885 = arith.constant 816 : index
      %swap3A_886 = tpu.vector_load %arg8[%swap3A_884, %swap3A_885] {strides = array<i32>} : memref<32x1024xf32, #tpu.memory_space<vmem>>, vector<1x16xf32>,
      %swap3A_887 = vector.shape_cast %swap3A_886 : vector<1x16xf32> to vector<16xf32>
      %swap3A_888 = vector.shape_cast %add3A_883 : vector<16xf32> to vector<1x16xf32>
      tpu.vector_store %arg8[%swap3A_884, %swap3A_885], %swap3A_888 {strides = array<i32>} : memref<32x1024xf32, #tpu.memory_space<vmem>>, vector<1x16xf32>,
      %get3A_889 = arith.index_cast %scan3A_45 : i32 to index
      %get3A_890 = arith.constant 832 : index
      %get3A_891 = tpu.vector_load %arg8[%get3A_889, %get3A_890] {strides = array<i32>} : memref<32x1024xf32, #tpu.memory_space<vmem>>, vector<1x16xf32>,
      %get3A_892 = vector.shape_cast %get3A_891 : vector<1x16xf32> to vector<16xf32>
      %mul3A_893 = arith.mulf %get3A_51, %get3A_892 : vector<16xf32>
      %get3A_894 = arith.index_cast %scan3A_45 : i32 to index
      %get3A_895 = arith.constant 832 : index
      %get3A_896 = tpu.vector_load %arg9[%get3A_894, %get3A_895] {strides = array<i32>} : memref<32x1024xf32, #tpu.memory_space<vmem>>, vector<1x16xf32>,
      %get3A_897 = vector.shape_cast %get3A_896 : vector<1x16xf32> to vector<16xf32>
      %mul3A_898 = arith.mulf %get3A_57, %get3A_897 : vector<16xf32>
      %add3A_899 = arith.addf %mul3A_893, %mul3A_898 : vector<16xf32>
      %swap3A_900 = arith.index_cast %scan3A_45 : i32 to index
      %swap3A_901 = arith.constant 832 : index
      %swap3A_902 = tpu.vector_load %arg8[%swap3A_900, %swap3A_901] {strides = array<i32>} : memref<32x1024xf32, #tpu.memory_space<vmem>>, vector<1x16xf32>,
      %swap3A_903 = vector.shape_cast %swap3A_902 : vector<1x16xf32> to vector<16xf32>
      %swap3A_904 = vector.shape_cast %add3A_899 : vector<16xf32> to vector<1x16xf32>
      tpu.vector_store %arg8[%swap3A_900, %swap3A_901], %swap3A_904 {strides = array<i32>} : memref<32x1024xf32, #tpu.memory_space<vmem>>, vector<1x16xf32>,
      %get3A_905 = arith.index_cast %scan3A_45 : i32 to index
      %get3A_906 = arith.constant 848 : index
      %get3A_907 = tpu.vector_load %arg8[%get3A_905, %get3A_906] {strides = array<i32>} : memref<32x1024xf32, #tpu.memory_space<vmem>>, vector<1x16xf32>,
      %get3A_908 = vector.shape_cast %get3A_907 : vector<1x16xf32> to vector<16xf32>
      %mul3A_909 = arith.mulf %get3A_51, %get3A_908 : vector<16xf32>
      %get3A_910 = arith.index_cast %scan3A_45 : i32 to index
      %get3A_911 = arith.constant 848 : index
      %get3A_912 = tpu.vector_load %arg9[%get3A_910, %get3A_911] {strides = array<i32>} : memref<32x1024xf32, #tpu.memory_space<vmem>>, vector<1x16xf32>,
      %get3A_913 = vector.shape_cast %get3A_912 : vector<1x16xf32> to vector<16xf32>
      %mul3A_914 = arith.mulf %get3A_57, %get3A_913 : vector<16xf32>
      %add3A_915 = arith.addf %mul3A_909, %mul3A_914 : vector<16xf32>
      %swap3A_916 = arith.index_cast %scan3A_45 : i32 to index
      %swap3A_917 = arith.constant 848 : index
      %swap3A_918 = tpu.vector_load %arg8[%swap3A_916, %swap3A_917] {strides = array<i32>} : memref<32x1024xf32, #tpu.memory_space<vmem>>, vector<1x16xf32>,
      %swap3A_919 = vector.shape_cast %swap3A_918 : vector<1x16xf32> to vector<16xf32>
      %swap3A_920 = vector.shape_cast %add3A_915 : vector<16xf32> to vector<1x16xf32>
      tpu.vector_store %arg8[%swap3A_916, %swap3A_917], %swap3A_920 {strides = array<i32>} : memref<32x1024xf32, #tpu.memory_space<vmem>>, vector<1x16xf32>,
      %get3A_921 = arith.index_cast %scan3A_45 : i32 to index
      %get3A_922 = arith.constant 864 : index
      %get3A_923 = tpu.vector_load %arg8[%get3A_921, %get3A_922] {strides = array<i32>} : memref<32x1024xf32, #tpu.memory_space<vmem>>, vector<1x16xf32>,
      %get3A_924 = vector.shape_cast %get3A_923 : vector<1x16xf32> to vector<16xf32>
      %mul3A_925 = arith.mulf %get3A_51, %get3A_924 : vector<16xf32>
      %get3A_926 = arith.index_cast %scan3A_45 : i32 to index
      %get3A_927 = arith.constant 864 : index
      %get3A_928 = tpu.vector_load %arg9[%get3A_926, %get3A_927] {strides = array<i32>} : memref<32x1024xf32, #tpu.memory_space<vmem>>, vector<1x16xf32>,
      %get3A_929 = vector.shape_cast %get3A_928 : vector<1x16xf32> to vector<16xf32>
      %mul3A_930 = arith.mulf %get3A_57, %get3A_929 : vector<16xf32>
      %add3A_931 = arith.addf %mul3A_925, %mul3A_930 : vector<16xf32>
      %swap3A_932 = arith.index_cast %scan3A_45 : i32 to index
      %swap3A_933 = arith.constant 864 : index
      %swap3A_934 = tpu.vector_load %arg8[%swap3A_932, %swap3A_933] {strides = array<i32>} : memref<32x1024xf32, #tpu.memory_space<vmem>>, vector<1x16xf32>,
      %swap3A_935 = vector.shape_cast %swap3A_934 : vector<1x16xf32> to vector<16xf32>
      %swap3A_936 = vector.shape_cast %add3A_931 : vector<16xf32> to vector<1x16xf32>
      tpu.vector_store %arg8[%swap3A_932, %swap3A_933], %swap3A_936 {strides = array<i32>} : memref<32x1024xf32, #tpu.memory_space<vmem>>, vector<1x16xf32>,
      %get3A_937 = arith.index_cast %scan3A_45 : i32 to index
      %get3A_938 = arith.constant 880 : index
      %get3A_939 = tpu.vector_load %arg8[%get3A_937, %get3A_938] {strides = array<i32>} : memref<32x1024xf32, #tpu.memory_space<vmem>>, vector<1x16xf32>,
      %get3A_940 = vector.shape_cast %get3A_939 : vector<1x16xf32> to vector<16xf32>
      %mul3A_941 = arith.mulf %get3A_51, %get3A_940 : vector<16xf32>
      %get3A_942 = arith.index_cast %scan3A_45 : i32 to index
      %get3A_943 = arith.constant 880 : index
      %get3A_944 = tpu.vector_load %arg9[%get3A_942, %get3A_943] {strides = array<i32>} : memref<32x1024xf32, #tpu.memory_space<vmem>>, vector<1x16xf32>,
      %get3A_945 = vector.shape_cast %get3A_944 : vector<1x16xf32> to vector<16xf32>
      %mul3A_946 = arith.mulf %get3A_57, %get3A_945 : vector<16xf32>
      %add3A_947 = arith.addf %mul3A_941, %mul3A_946 : vector<16xf32>
      %swap3A_948 = arith.index_cast %scan3A_45 : i32 to index
      %swap3A_949 = arith.constant 880 : index
      %swap3A_950 = tpu.vector_load %arg8[%swap3A_948, %swap3A_949] {strides = array<i32>} : memref<32x1024xf32, #tpu.memory_space<vmem>>, vector<1x16xf32>,
      %swap3A_951 = vector.shape_cast %swap3A_950 : vector<1x16xf32> to vector<16xf32>
      %swap3A_952 = vector.shape_cast %add3A_947 : vector<16xf32> to vector<1x16xf32>
      tpu.vector_store %arg8[%swap3A_948, %swap3A_949], %swap3A_952 {strides = array<i32>} : memref<32x1024xf32, #tpu.memory_space<vmem>>, vector<1x16xf32>,
      %get3A_953 = arith.index_cast %scan3A_45 : i32 to index
      %get3A_954 = arith.constant 896 : index
      %get3A_955 = tpu.vector_load %arg8[%get3A_953, %get3A_954] {strides = array<i32>} : memref<32x1024xf32, #tpu.memory_space<vmem>>, vector<1x16xf32>,
      %get3A_956 = vector.shape_cast %get3A_955 : vector<1x16xf32> to vector<16xf32>
      %mul3A_957 = arith.mulf %get3A_51, %get3A_956 : vector<16xf32>
      %get3A_958 = arith.index_cast %scan3A_45 : i32 to index
      %get3A_959 = arith.constant 896 : index
      %get3A_960 = tpu.vector_load %arg9[%get3A_958, %get3A_959] {strides = array<i32>} : memref<32x1024xf32, #tpu.memory_space<vmem>>, vector<1x16xf32>,
      %get3A_961 = vector.shape_cast %get3A_960 : vector<1x16xf32> to vector<16xf32>
      %mul3A_962 = arith.mulf %get3A_57, %get3A_961 : vector<16xf32>
      %add3A_963 = arith.addf %mul3A_957, %mul3A_962 : vector<16xf32>
      %swap3A_964 = arith.index_cast %scan3A_45 : i32 to index
      %swap3A_965 = arith.constant 896 : index
      %swap3A_966 = tpu.vector_load %arg8[%swap3A_964, %swap3A_965] {strides = array<i32>} : memref<32x1024xf32, #tpu.memory_space<vmem>>, vector<1x16xf32>,
      %swap3A_967 = vector.shape_cast %swap3A_966 : vector<1x16xf32> to vector<16xf32>
      %swap3A_968 = vector.shape_cast %add3A_963 : vector<16xf32> to vector<1x16xf32>
      tpu.vector_store %arg8[%swap3A_964, %swap3A_965], %swap3A_968 {strides = array<i32>} : memref<32x1024xf32, #tpu.memory_space<vmem>>, vector<1x16xf32>,
      %get3A_969 = arith.index_cast %scan3A_45 : i32 to index
      %get3A_970 = arith.constant 912 : index
      %get3A_971 = tpu.vector_load %arg8[%get3A_969, %get3A_970] {strides = array<i32>} : memref<32x1024xf32, #tpu.memory_space<vmem>>, vector<1x16xf32>,
      %get3A_972 = vector.shape_cast %get3A_971 : vector<1x16xf32> to vector<16xf32>
      %mul3A_973 = arith.mulf %get3A_51, %get3A_972 : vector<16xf32>
      %get3A_974 = arith.index_cast %scan3A_45 : i32 to index
      %get3A_975 = arith.constant 912 : index
      %get3A_976 = tpu.vector_load %arg9[%get3A_974, %get3A_975] {strides = array<i32>} : memref<32x1024xf32, #tpu.memory_space<vmem>>, vector<1x16xf32>,
      %get3A_977 = vector.shape_cast %get3A_976 : vector<1x16xf32> to vector<16xf32>
      %mul3A_978 = arith.mulf %get3A_57, %get3A_977 : vector<16xf32>
      %add3A_979 = arith.addf %mul3A_973, %mul3A_978 : vector<16xf32>
      %swap3A_980 = arith.index_cast %scan3A_45 : i32 to index
      %swap3A_981 = arith.constant 912 : index
      %swap3A_982 = tpu.vector_load %arg8[%swap3A_980, %swap3A_981] {strides = array<i32>} : memref<32x1024xf32, #tpu.memory_space<vmem>>, vector<1x16xf32>,
      %swap3A_983 = vector.shape_cast %swap3A_982 : vector<1x16xf32> to vector<16xf32>
      %swap3A_984 = vector.shape_cast %add3A_979 : vector<16xf32> to vector<1x16xf32>
      tpu.vector_store %arg8[%swap3A_980, %swap3A_981], %swap3A_984 {strides = array<i32>} : memref<32x1024xf32, #tpu.memory_space<vmem>>, vector<1x16xf32>,
      %get3A_985 = arith.index_cast %scan3A_45 : i32 to index
      %get3A_986 = arith.constant 928 : index
      %get3A_987 = tpu.vector_load %arg8[%get3A_985, %get3A_986] {strides = array<i32>} : memref<32x1024xf32, #tpu.memory_space<vmem>>, vector<1x16xf32>,
      %get3A_988 = vector.shape_cast %get3A_987 : vector<1x16xf32> to vector<16xf32>
      %mul3A_989 = arith.mulf %get3A_51, %get3A_988 : vector<16xf32>
      %get3A_990 = arith.index_cast %scan3A_45 : i32 to index
      %get3A_991 = arith.constant 928 : index
      %get3A_992 = tpu.vector_load %arg9[%get3A_990, %get3A_991] {strides = array<i32>} : memref<32x1024xf32, #tpu.memory_space<vmem>>, vector<1x16xf32>,
      %get3A_993 = vector.shape_cast %get3A_992 : vector<1x16xf32> to vector<16xf32>
      %mul3A_994 = arith.mulf %get3A_57, %get3A_993 : vector<16xf32>
      %add3A_995 = arith.addf %mul3A_989, %mul3A_994 : vector<16xf32>
      %swap3A_996 = arith.index_cast %scan3A_45 : i32 to index
      %swap3A_997 = arith.constant 928 : index
      %swap3A_998 = tpu.vector_load %arg8[%swap3A_996, %swap3A_997] {strides = array<i32>} : memref<32x1024xf32, #tpu.memory_space<vmem>>, vector<1x16xf32>,
      %swap3A_999 = vector.shape_cast %swap3A_998 : vector<1x16xf32> to vector<16xf32>
      %swap3A_1000 = vector.shape_cast %add3A_995 : vector<16xf32> to vector<1x16xf32>
      tpu.vector_store %arg8[%swap3A_996, %swap3A_997], %swap3A_1000 {strides = array<i32>} : memref<32x1024xf32, #tpu.memory_space<vmem>>, vector<1x16xf32>,
      %get3A_1001 = arith.index_cast %scan3A_45 : i32 to index
      %get3A_1002 = arith.constant 944 : index
      %get3A_1003 = tpu.vector_load %arg8[%get3A_1001, %get3A_1002] {strides = array<i32>} : memref<32x1024xf32, #tpu.memory_space<vmem>>, vector<1x16xf32>,
      %get3A_1004 = vector.shape_cast %get3A_1003 : vector<1x16xf32> to vector<16xf32>
      %mul3A_1005 = arith.mulf %get3A_51, %get3A_1004 : vector<16xf32>
      %get3A_1006 = arith.index_cast %scan3A_45 : i32 to index
      %get3A_1007 = arith.constant 944 : index
      %get3A_1008 = tpu.vector_load %arg9[%get3A_1006, %get3A_1007] {strides = array<i32>} : memref<32x1024xf32, #tpu.memory_space<vmem>>, vector<1x16xf32>,
      %get3A_1009 = vector.shape_cast %get3A_1008 : vector<1x16xf32> to vector<16xf32>
      %mul3A_1010 = arith.mulf %get3A_57, %get3A_1009 : vector<16xf32>
      %add3A_1011 = arith.addf %mul3A_1005, %mul3A_1010 : vector<16xf32>
      %swap3A_1012 = arith.index_cast %scan3A_45 : i32 to index
      %swap3A_1013 = arith.constant 944 : index
      %swap3A_1014 = tpu.vector_load %arg8[%swap3A_1012, %swap3A_1013] {strides = array<i32>} : memref<32x1024xf32, #tpu.memory_space<vmem>>, vector<1x16xf32>,
      %swap3A_1015 = vector.shape_cast %swap3A_1014 : vector<1x16xf32> to vector<16xf32>
      %swap3A_1016 = vector.shape_cast %add3A_1011 : vector<16xf32> to vector<1x16xf32>
      tpu.vector_store %arg8[%swap3A_1012, %swap3A_1013], %swap3A_1016 {strides = array<i32>} : memref<32x1024xf32, #tpu.memory_space<vmem>>, vector<1x16xf32>,
      %get3A_1017 = arith.index_cast %scan3A_45 : i32 to index
      %get3A_1018 = arith.constant 960 : index
      %get3A_1019 = tpu.vector_load %arg8[%get3A_1017, %get3A_1018] {strides = array<i32>} : memref<32x1024xf32, #tpu.memory_space<vmem>>, vector<1x16xf32>,
      %get3A_1020 = vector.shape_cast %get3A_1019 : vector<1x16xf32> to vector<16xf32>
      %mul3A_1021 = arith.mulf %get3A_51, %get3A_1020 : vector<16xf32>
      %get3A_1022 = arith.index_cast %scan3A_45 : i32 to index
      %get3A_1023 = arith.constant 960 : index
      %get3A_1024 = tpu.vector_load %arg9[%get3A_1022, %get3A_1023] {strides = array<i32>} : memref<32x1024xf32, #tpu.memory_space<vmem>>, vector<1x16xf32>,
      %get3A_1025 = vector.shape_cast %get3A_1024 : vector<1x16xf32> to vector<16xf32>
      %mul3A_1026 = arith.mulf %get3A_57, %get3A_1025 : vector<16xf32>
      %add3A_1027 = arith.addf %mul3A_1021, %mul3A_1026 : vector<16xf32>
      %swap3A_1028 = arith.index_cast %scan3A_45 : i32 to index
      %swap3A_1029 = arith.constant 960 : index
      %swap3A_1030 = tpu.vector_load %arg8[%swap3A_1028, %swap3A_1029] {strides = array<i32>} : memref<32x1024xf32, #tpu.memory_space<vmem>>, vector<1x16xf32>,
      %swap3A_1031 = vector.shape_cast %swap3A_1030 : vector<1x16xf32> to vector<16xf32>
      %swap3A_1032 = vector.shape_cast %add3A_1027 : vector<16xf32> to vector<1x16xf32>
      tpu.vector_store %arg8[%swap3A_1028, %swap3A_1029], %swap3A_1032 {strides = array<i32>} : memref<32x1024xf32, #tpu.memory_space<vmem>>, vector<1x16xf32>,
      %get3A_1033 = arith.index_cast %scan3A_45 : i32 to index
      %get3A_1034 = arith.constant 976 : index
      %get3A_1035 = tpu.vector_load %arg8[%get3A_1033, %get3A_1034] {strides = array<i32>} : memref<32x1024xf32, #tpu.memory_space<vmem>>, vector<1x16xf32>,
      %get3A_1036 = vector.shape_cast %get3A_1035 : vector<1x16xf32> to vector<16xf32>
      %mul3A_1037 = arith.mulf %get3A_51, %get3A_1036 : vector<16xf32>
      %get3A_1038 = arith.index_cast %scan3A_45 : i32 to index
      %get3A_1039 = arith.constant 976 : index
      %get3A_1040 = tpu.vector_load %arg9[%get3A_1038, %get3A_1039] {strides = array<i32>} : memref<32x1024xf32, #tpu.memory_space<vmem>>, vector<1x16xf32>,
      %get3A_1041 = vector.shape_cast %get3A_1040 : vector<1x16xf32> to vector<16xf32>
      %mul3A_1042 = arith.mulf %get3A_57, %get3A_1041 : vector<16xf32>
      %add3A_1043 = arith.addf %mul3A_1037, %mul3A_1042 : vector<16xf32>
      %swap3A_1044 = arith.index_cast %scan3A_45 : i32 to index
      %swap3A_1045 = arith.constant 976 : index
      %swap3A_1046 = tpu.vector_load %arg8[%swap3A_1044, %swap3A_1045] {strides = array<i32>} : memref<32x1024xf32, #tpu.memory_space<vmem>>, vector<1x16xf32>,
      %swap3A_1047 = vector.shape_cast %swap3A_1046 : vector<1x16xf32> to vector<16xf32>
      %swap3A_1048 = vector.shape_cast %add3A_1043 : vector<16xf32> to vector<1x16xf32>
      tpu.vector_store %arg8[%swap3A_1044, %swap3A_1045], %swap3A_1048 {strides = array<i32>} : memref<32x1024xf32, #tpu.memory_space<vmem>>, vector<1x16xf32>,
      %get3A_1049 = arith.index_cast %scan3A_45 : i32 to index
      %get3A_1050 = arith.constant 992 : index
      %get3A_1051 = tpu.vector_load %arg8[%get3A_1049, %get3A_1050] {strides = array<i32>} : memref<32x1024xf32, #tpu.memory_space<vmem>>, vector<1x16xf32>,
      %get3A_1052 = vector.shape_cast %get3A_1051 : vector<1x16xf32> to vector<16xf32>
      %mul3A_1053 = arith.mulf %get3A_51, %get3A_1052 : vector<16xf32>
      %get3A_1054 = arith.index_cast %scan3A_45 : i32 to index
      %get3A_1055 = arith.constant 992 : index
      %get3A_1056 = tpu.vector_load %arg9[%get3A_1054, %get3A_1055] {strides = array<i32>} : memref<32x1024xf32, #tpu.memory_space<vmem>>, vector<1x16xf32>,
      %get3A_1057 = vector.shape_cast %get3A_1056 : vector<1x16xf32> to vector<16xf32>
      %mul3A_1058 = arith.mulf %get3A_57, %get3A_1057 : vector<16xf32>
      %add3A_1059 = arith.addf %mul3A_1053, %mul3A_1058 : vector<16xf32>
      %swap3A_1060 = arith.index_cast %scan3A_45 : i32 to index
      %swap3A_1061 = arith.constant 992 : index
      %swap3A_1062 = tpu.vector_load %arg8[%swap3A_1060, %swap3A_1061] {strides = array<i32>} : memref<32x1024xf32, #tpu.memory_space<vmem>>, vector<1x16xf32>,
      %swap3A_1063 = vector.shape_cast %swap3A_1062 : vector<1x16xf32> to vector<16xf32>
      %swap3A_1064 = vector.shape_cast %add3A_1059 : vector<16xf32> to vector<1x16xf32>
      tpu.vector_store %arg8[%swap3A_1060, %swap3A_1061], %swap3A_1064 {strides = array<i32>} : memref<32x1024xf32, #tpu.memory_space<vmem>>, vector<1x16xf32>,
      %get3A_1065 = arith.index_cast %scan3A_45 : i32 to index
      %get3A_1066 = arith.constant 1008 : index
      %get3A_1067 = tpu.vector_load %arg8[%get3A_1065, %get3A_1066] {strides = array<i32>} : memref<32x1024xf32, #tpu.memory_space<vmem>>, vector<1x16xf32>,
      %get3A_1068 = vector.shape_cast %get3A_1067 : vector<1x16xf32> to vector<16xf32>
      %mul3A_1069 = arith.mulf %get3A_51, %get3A_1068 : vector<16xf32>
      %get3A_1070 = arith.index_cast %scan3A_45 : i32 to index
      %get3A_1071 = arith.constant 1008 : index
      %get3A_1072 = tpu.vector_load %arg9[%get3A_1070, %get3A_1071] {strides = array<i32>} : memref<32x1024xf32, #tpu.memory_space<vmem>>, vector<1x16xf32>,
      %get3A_1073 = vector.shape_cast %get3A_1072 : vector<1x16xf32> to vector<16xf32>
      %mul3A_1074 = arith.mulf %get3A_57, %get3A_1073 : vector<16xf32>
      %add3A_1075 = arith.addf %mul3A_1069, %mul3A_1074 : vector<16xf32>
      %swap3A_1076 = arith.index_cast %scan3A_45 : i32 to index
      %swap3A_1077 = arith.constant 1008 : index
      %swap3A_1078 = tpu.vector_load %arg8[%swap3A_1076, %swap3A_1077] {strides = array<i32>} : memref<32x1024xf32, #tpu.memory_space<vmem>>, vector<1x16xf32>,
      %swap3A_1079 = vector.shape_cast %swap3A_1078 : vector<1x16xf32> to vector<16xf32>
      %swap3A_1080 = vector.shape_cast %add3A_1075 : vector<16xf32> to vector<1x16xf32>
      tpu.vector_store %arg8[%swap3A_1076, %swap3A_1077], %swap3A_1080 {strides = array<i32>} : memref<32x1024xf32, #tpu.memory_space<vmem>>, vector<1x16xf32>,
      %scan3A_1081 = arith.constant 0 : i32
      scf.yield %scan3A_1081 : i32
    }
    %scan3A_19 = arith.constant 32 : i32
    %add3A_20 = arith.constant 0 : i32
    %add3A_21 = arith.addi %mul3A_2, %add3A_20 : i32
    "tpu.region"() ({
      %run_scoped3A_45 = tpu.sem_alloc : memref<!tpu.dma_semaphore, #tpu.memory_space<semaphore_mem>>
      %dma_start3A_46 = arith.constant 0 : i32
      %dma_start3A_47 = tpu.memref_slice %arg7[%add3A_21, %dma_start3A_46] : memref<2048x1024xf32, #tpu.memory_space<hbm>> -> memref<32x1024xf32, #tpu.memory_space<hbm>>
      %dma_start3A_48 = arith.constant 0 : i32
      %dma_start3A_49 = tpu.memref_slice %arg7[%add3A_21, %dma_start3A_48] : memref<2048x1024xf32, #tpu.memory_space<hbm>> -> memref<32x1024xf32, #tpu.memory_space<hbm>>
      tpu.enqueue_dma source(%arg8 : memref<32x1024xf32, #tpu.memory_space<vmem>>) target(%dma_start3A_49 : memref<32x1024xf32, #tpu.memory_space<hbm>>) target_semaphore(%run_scoped3A_45 : memref<!tpu.dma_semaphore, #tpu.memory_space<semaphore_mem>>)
      %dma_wait3A_50 = arith.constant 0 : i32
      %dma_wait3A_51 = tpu.memref_slice %arg7[%add3A_21, %dma_wait3A_50] : memref<2048x1024xf32, #tpu.memory_space<hbm>> -> memref<32x1024xf32, #tpu.memory_space<hbm>>
      %dma_wait3A_52 = arith.constant 0 : i32
      %dma_wait3A_53 = tpu.memref_slice %arg7[%add3A_21, %dma_wait3A_52] : memref<2048x1024xf32, #tpu.memory_space<hbm>> -> memref<32x1024xf32, #tpu.memory_space<hbm>>
      tpu.wait_dma2 semaphore(%run_scoped3A_45 : memref<!tpu.dma_semaphore, #tpu.memory_space<semaphore_mem>>) src(%arg8 : memref<32x1024xf32, #tpu.memory_space<vmem>>) dst(%dma_wait3A_53 : memref<32x1024xf32, #tpu.memory_space<hbm>>)
      tpu.yield
    }) : () -> ()
    %run_scoped3A_22 = arith.constant 1 : i32
    "tpu.region"() ({
      %run_scoped3A_45 = tpu.sem_alloc : memref<!tpu.dma_semaphore, #tpu.memory_space<semaphore_mem>>
      %dma_start3A_46 = arith.constant 0 : i32
      %dma_start3A_47 = tpu.memref_slice %arg3[%add3A, %run_scoped3A_22, %dma_start3A_46] : memref<32x2x32xi32, #tpu.memory_space<hbm>> -> memref<1x1x32xi32, #tpu.memory_space<hbm>>
      %dma_start3A_48 = tpu.memref_squeeze %dma_start3A_47 : memref<1x1x32xi32, #tpu.memory_space<hbm>> -> memref<32xi32, #tpu.memory_space<hbm>>
      %dma_start3A_49 = arith.constant 0 : i32
      %dma_start3A_50 = tpu.memref_slice %arg3[%add3A, %run_scoped3A_22, %dma_start3A_49] : memref<32x2x32xi32, #tpu.memory_space<hbm>> -> memref<1x1x32xi32, #tpu.memory_space<hbm>>
      %dma_start3A_51 = tpu.memref_squeeze %dma_start3A_50 : memref<1x1x32xi32, #tpu.memory_space<hbm>> -> memref<32xi32, #tpu.memory_space<hbm>>
      tpu.enqueue_dma source(%dma_start3A_51 : memref<32xi32, #tpu.memory_space<hbm>>) target(%arg10 : memref<32xi32, #tpu.memory_space<vmem>>) target_semaphore(%run_scoped3A_45 : memref<!tpu.dma_semaphore, #tpu.memory_space<semaphore_mem>>)
      %dma_wait3A_52 = arith.constant 0 : i32
      %dma_wait3A_53 = tpu.memref_slice %arg3[%add3A, %run_scoped3A_22, %dma_wait3A_52] : memref<32x2x32xi32, #tpu.memory_space<hbm>> -> memref<1x1x32xi32, #tpu.memory_space<hbm>>
      %dma_wait3A_54 = tpu.memref_squeeze %dma_wait3A_53 : memref<1x1x32xi32, #tpu.memory_space<hbm>> -> memref<32xi32, #tpu.memory_space<hbm>>
      %dma_wait3A_55 = arith.constant 0 : i32
      %dma_wait3A_56 = tpu.memref_slice %arg3[%add3A, %run_scoped3A_22, %dma_wait3A_55] : memref<32x2x32xi32, #tpu.memory_space<hbm>> -> memref<1x1x32xi32, #tpu.memory_space<hbm>>
      %dma_wait3A_57 = tpu.memref_squeeze %dma_wait3A_56 : memref<1x1x32xi32, #tpu.memory_space<hbm>> -> memref<32xi32, #tpu.memory_space<hbm>>
      tpu.wait_dma2 semaphore(%run_scoped3A_45 : memref<!tpu.dma_semaphore, #tpu.memory_space<semaphore_mem>>) src(%dma_wait3A_57 : memref<32xi32, #tpu.memory_space<hbm>>) dst(%arg10 : memref<32xi32, #tpu.memory_space<vmem>>)
      tpu.yield
    }) : () -> ()
    %run_scoped3A_23 = arith.constant 1 : i32
    "tpu.region"() ({
      %run_scoped3A_45 = tpu.sem_alloc : memref<!tpu.dma_semaphore, #tpu.memory_space<semaphore_mem>>
      %dma_start3A_46 = arith.constant 0 : i32
      %dma_start3A_47 = tpu.memref_slice %arg4[%add3A, %run_scoped3A_23, %dma_start3A_46] : memref<32x2x32xi32, #tpu.memory_space<hbm>> -> memref<1x1x32xi32, #tpu.memory_space<hbm>>
      %dma_start3A_48 = tpu.memref_squeeze %dma_start3A_47 : memref<1x1x32xi32, #tpu.memory_space<hbm>> -> memref<32xi32, #tpu.memory_space<hbm>>
      %dma_start3A_49 = arith.constant 0 : i32
      %dma_start3A_50 = tpu.memref_slice %arg4[%add3A, %run_scoped3A_23, %dma_start3A_49] : memref<32x2x32xi32, #tpu.memory_space<hbm>> -> memref<1x1x32xi32, #tpu.memory_space<hbm>>
      %dma_start3A_51 = tpu.memref_squeeze %dma_start3A_50 : memref<1x1x32xi32, #tpu.memory_space<hbm>> -> memref<32xi32, #tpu.memory_space<hbm>>
      tpu.enqueue_dma source(%dma_start3A_51 : memref<32xi32, #tpu.memory_space<hbm>>) target(%arg11 : memref<32xi32, #tpu.memory_space<vmem>>) target_semaphore(%run_scoped3A_45 : memref<!tpu.dma_semaphore, #tpu.memory_space<semaphore_mem>>)
      %dma_wait3A_52 = arith.constant 0 : i32
      %dma_wait3A_53 = tpu.memref_slice %arg4[%add3A, %run_scoped3A_23, %dma_wait3A_52] : memref<32x2x32xi32, #tpu.memory_space<hbm>> -> memref<1x1x32xi32, #tpu.memory_space<hbm>>
      %dma_wait3A_54 = tpu.memref_squeeze %dma_wait3A_53 : memref<1x1x32xi32, #tpu.memory_space<hbm>> -> memref<32xi32, #tpu.memory_space<hbm>>
      %dma_wait3A_55 = arith.constant 0 : i32
      %dma_wait3A_56 = tpu.memref_slice %arg4[%add3A, %run_scoped3A_23, %dma_wait3A_55] : memref<32x2x32xi32, #tpu.memory_space<hbm>> -> memref<1x1x32xi32, #tpu.memory_space<hbm>>
      %dma_wait3A_57 = tpu.memref_squeeze %dma_wait3A_56 : memref<1x1x32xi32, #tpu.memory_space<hbm>> -> memref<32xi32, #tpu.memory_space<hbm>>
      tpu.wait_dma2 semaphore(%run_scoped3A_45 : memref<!tpu.dma_semaphore, #tpu.memory_space<semaphore_mem>>) src(%dma_wait3A_57 : memref<32xi32, #tpu.memory_space<hbm>>) dst(%arg11 : memref<32xi32, #tpu.memory_space<vmem>>)
      tpu.yield
    }) : () -> ()
    %dma_start3A_24 = arith.constant 0 : i32
    %dma_start3A_25 = arith.constant 0 : i32
    %dma_start3A_26 = tpu.memref_slice %arg2[%dma_start3A_24, %dma_start3A_25] : memref<5888x1024xf32, #tpu.memory_space<hbm>> -> memref<5888x1024xf32, #tpu.memory_space<hbm>>
    tpu.enqueue_indirect_dma source(%dma_start3A_26 : memref<5888x1024xf32, #tpu.memory_space<hbm>>) target(%arg8 : memref<32x1024xf32, #tpu.memory_space<vmem>>) offsets(%arg10 : memref<32xi32, #tpu.memory_space<vmem>>) semaphore(%arg14 : memref<!tpu.dma_semaphore, #tpu.memory_space<semaphore_mem>>)
    %dma_start3A_27 = arith.constant 0 : i32
    %dma_start3A_28 = arith.constant 0 : i32
    %dma_start3A_29 = tpu.memref_slice %arg2[%dma_start3A_27, %dma_start3A_28] : memref<5888x1024xf32, #tpu.memory_space<hbm>> -> memref<5888x1024xf32, #tpu.memory_space<hbm>>
    tpu.enqueue_indirect_dma source(%dma_start3A_29 : memref<5888x1024xf32, #tpu.memory_space<hbm>>) target(%arg9 : memref<32x1024xf32, #tpu.memory_space<vmem>>) offsets(%arg11 : memref<32xi32, #tpu.memory_space<vmem>>) semaphore(%arg15 : memref<!tpu.dma_semaphore, #tpu.memory_space<semaphore_mem>>)
    %dma_wait3A_30 = arith.constant 0 : i32
    %dma_wait3A_31 = arith.constant 0 : i32
    %dma_wait3A_32 = tpu.memref_slice %arg2[%dma_wait3A_30, %dma_wait3A_31] : memref<5888x1024xf32, #tpu.memory_space<hbm>> -> memref<5888x1024xf32, #tpu.memory_space<hbm>>
    tpu.wait_indirect_dma semaphore(%arg14 : memref<!tpu.dma_semaphore, #tpu.memory_space<semaphore_mem>>) src(%dma_wait3A_32 : memref<5888x1024xf32, #tpu.memory_space<hbm>>) dst(%arg8 : memref<32x1024xf32, #tpu.memory_space<vmem>>)
    %dma_wait3A_33 = arith.constant 0 : i32
    %dma_wait3A_34 = arith.constant 0 : i32
    %dma_wait3A_35 = tpu.memref_slice %arg2[%dma_wait3A_33, %dma_wait3A_34] : memref<5888x1024xf32, #tpu.memory_space<hbm>> -> memref<5888x1024xf32, #tpu.memory_space<hbm>>
    tpu.wait_indirect_dma semaphore(%arg15 : memref<!tpu.dma_semaphore, #tpu.memory_space<semaphore_mem>>) src(%dma_wait3A_35 : memref<5888x1024xf32, #tpu.memory_space<hbm>>) dst(%arg9 : memref<32x1024xf32, #tpu.memory_space<vmem>>)
    %scan3A_36 = arith.constant 0 : i32
    %scan3A_37 = arith.constant 0 : i32
    %scan3A_38 = arith.constant 32 : i32
    %scan3A_39 = arith.addi %scan3A_37, %scan3A_38 : i32
    %scan3A_40 = arith.constant 1 : i32
    %scan3A_41 = scf.for %scan3A_45 = %scan3A_37 to %scan3A_39 step %scan3A_40 iter_args(%scan3A_46 = %scan3A_36) -> (i32)  : i32 {
      %add3A_47 = arith.constant 32 : i32
      %add3A_48 = arith.addi %add3A_47, %scan3A_45 : i32
      %get3A = arith.index_cast %add3A_48 : i32 to index
      %get3A_49 = arith.constant 0 : index
      %get3A_50 = tpu.vector_load %arg12[%get3A, %get3A_49] {strides = array<i32>} : memref<64x16xf32, #tpu.memory_space<vmem>>, vector<1x16xf32>,
      %get3A_51 = vector.shape_cast %get3A_50 : vector<1x16xf32> to vector<16xf32>
      %add3A_52 = arith.constant 32 : i32
      %add3A_53 = arith.addi %add3A_52, %scan3A_45 : i32
      %get3A_54 = arith.index_cast %add3A_53 : i32 to index
      %get3A_55 = arith.constant 0 : index
      %get3A_56 = tpu.vector_load %arg13[%get3A_54, %get3A_55] {strides = array<i32>} : memref<64x16xf32, #tpu.memory_space<vmem>>, vector<1x16xf32>,
      %get3A_57 = vector.shape_cast %get3A_56 : vector<1x16xf32> to vector<16xf32>
      %get3A_58 = arith.index_cast %scan3A_45 : i32 to index
      %get3A_59 = arith.constant 0 : index
      %get3A_60 = tpu.vector_load %arg8[%get3A_58, %get3A_59] {strides = array<i32>} : memref<32x1024xf32, #tpu.memory_space<vmem>>, vector<1x16xf32>,
      %get3A_61 = vector.shape_cast %get3A_60 : vector<1x16xf32> to vector<16xf32>
      %mul3A_62 = arith.mulf %get3A_51, %get3A_61 : vector<16xf32>
      %get3A_63 = arith.index_cast %scan3A_45 : i32 to index
      %get3A_64 = arith.constant 0 : index
      %get3A_65 = tpu.vector_load %arg9[%get3A_63, %get3A_64] {strides = array<i32>} : memref<32x1024xf32, #tpu.memory_space<vmem>>, vector<1x16xf32>,
      %get3A_66 = vector.shape_cast %get3A_65 : vector<1x16xf32> to vector<16xf32>
      %mul3A_67 = arith.mulf %get3A_57, %get3A_66 : vector<16xf32>
      %add3A_68 = arith.addf %mul3A_62, %mul3A_67 : vector<16xf32>
      %swap3A = arith.index_cast %scan3A_45 : i32 to index
      %swap3A_69 = arith.constant 0 : index
      %swap3A_70 = tpu.vector_load %arg8[%swap3A, %swap3A_69] {strides = array<i32>} : memref<32x1024xf32, #tpu.memory_space<vmem>>, vector<1x16xf32>,
      %swap3A_71 = vector.shape_cast %swap3A_70 : vector<1x16xf32> to vector<16xf32>
      %swap3A_72 = vector.shape_cast %add3A_68 : vector<16xf32> to vector<1x16xf32>
      tpu.vector_store %arg8[%swap3A, %swap3A_69], %swap3A_72 {strides = array<i32>} : memref<32x1024xf32, #tpu.memory_space<vmem>>, vector<1x16xf32>,
      %get3A_73 = arith.index_cast %scan3A_45 : i32 to index
      %get3A_74 = arith.constant 16 : index
      %get3A_75 = tpu.vector_load %arg8[%get3A_73, %get3A_74] {strides = array<i32>} : memref<32x1024xf32, #tpu.memory_space<vmem>>, vector<1x16xf32>,
      %get3A_76 = vector.shape_cast %get3A_75 : vector<1x16xf32> to vector<16xf32>
      %mul3A_77 = arith.mulf %get3A_51, %get3A_76 : vector<16xf32>
      %get3A_78 = arith.index_cast %scan3A_45 : i32 to index
      %get3A_79 = arith.constant 16 : index
      %get3A_80 = tpu.vector_load %arg9[%get3A_78, %get3A_79] {strides = array<i32>} : memref<32x1024xf32, #tpu.memory_space<vmem>>, vector<1x16xf32>,
      %get3A_81 = vector.shape_cast %get3A_80 : vector<1x16xf32> to vector<16xf32>
      %mul3A_82 = arith.mulf %get3A_57, %get3A_81 : vector<16xf32>
      %add3A_83 = arith.addf %mul3A_77, %mul3A_82 : vector<16xf32>
      %swap3A_84 = arith.index_cast %scan3A_45 : i32 to index
      %swap3A_85 = arith.constant 16 : index
      %swap3A_86 = tpu.vector_load %arg8[%swap3A_84, %swap3A_85] {strides = array<i32>} : memref<32x1024xf32, #tpu.memory_space<vmem>>, vector<1x16xf32>,
      %swap3A_87 = vector.shape_cast %swap3A_86 : vector<1x16xf32> to vector<16xf32>
      %swap3A_88 = vector.shape_cast %add3A_83 : vector<16xf32> to vector<1x16xf32>
      tpu.vector_store %arg8[%swap3A_84, %swap3A_85], %swap3A_88 {strides = array<i32>} : memref<32x1024xf32, #tpu.memory_space<vmem>>, vector<1x16xf32>,
      %get3A_89 = arith.index_cast %scan3A_45 : i32 to index
      %get3A_90 = arith.constant 32 : index
      %get3A_91 = tpu.vector_load %arg8[%get3A_89, %get3A_90] {strides = array<i32>} : memref<32x1024xf32, #tpu.memory_space<vmem>>, vector<1x16xf32>,
      %get3A_92 = vector.shape_cast %get3A_91 : vector<1x16xf32> to vector<16xf32>
      %mul3A_93 = arith.mulf %get3A_51, %get3A_92 : vector<16xf32>
      %get3A_94 = arith.index_cast %scan3A_45 : i32 to index
      %get3A_95 = arith.constant 32 : index
      %get3A_96 = tpu.vector_load %arg9[%get3A_94, %get3A_95] {strides = array<i32>} : memref<32x1024xf32, #tpu.memory_space<vmem>>, vector<1x16xf32>,
      %get3A_97 = vector.shape_cast %get3A_96 : vector<1x16xf32> to vector<16xf32>
      %mul3A_98 = arith.mulf %get3A_57, %get3A_97 : vector<16xf32>
      %add3A_99 = arith.addf %mul3A_93, %mul3A_98 : vector<16xf32>
      %swap3A_100 = arith.index_cast %scan3A_45 : i32 to index
      %swap3A_101 = arith.constant 32 : index
      %swap3A_102 = tpu.vector_load %arg8[%swap3A_100, %swap3A_101] {strides = array<i32>} : memref<32x1024xf32, #tpu.memory_space<vmem>>, vector<1x16xf32>,
      %swap3A_103 = vector.shape_cast %swap3A_102 : vector<1x16xf32> to vector<16xf32>
      %swap3A_104 = vector.shape_cast %add3A_99 : vector<16xf32> to vector<1x16xf32>
      tpu.vector_store %arg8[%swap3A_100, %swap3A_101], %swap3A_104 {strides = array<i32>} : memref<32x1024xf32, #tpu.memory_space<vmem>>, vector<1x16xf32>,
      %get3A_105 = arith.index_cast %scan3A_45 : i32 to index
      %get3A_106 = arith.constant 48 : index
      %get3A_107 = tpu.vector_load %arg8[%get3A_105, %get3A_106] {strides = array<i32>} : memref<32x1024xf32, #tpu.memory_space<vmem>>, vector<1x16xf32>,
      %get3A_108 = vector.shape_cast %get3A_107 : vector<1x16xf32> to vector<16xf32>
      %mul3A_109 = arith.mulf %get3A_51, %get3A_108 : vector<16xf32>
      %get3A_110 = arith.index_cast %scan3A_45 : i32 to index
      %get3A_111 = arith.constant 48 : index
      %get3A_112 = tpu.vector_load %arg9[%get3A_110, %get3A_111] {strides = array<i32>} : memref<32x1024xf32, #tpu.memory_space<vmem>>, vector<1x16xf32>,
      %get3A_113 = vector.shape_cast %get3A_112 : vector<1x16xf32> to vector<16xf32>
      %mul3A_114 = arith.mulf %get3A_57, %get3A_113 : vector<16xf32>
      %add3A_115 = arith.addf %mul3A_109, %mul3A_114 : vector<16xf32>
      %swap3A_116 = arith.index_cast %scan3A_45 : i32 to index
      %swap3A_117 = arith.constant 48 : index
      %swap3A_118 = tpu.vector_load %arg8[%swap3A_116, %swap3A_117] {strides = array<i32>} : memref<32x1024xf32, #tpu.memory_space<vmem>>, vector<1x16xf32>,
      %swap3A_119 = vector.shape_cast %swap3A_118 : vector<1x16xf32> to vector<16xf32>
      %swap3A_120 = vector.shape_cast %add3A_115 : vector<16xf32> to vector<1x16xf32>
      tpu.vector_store %arg8[%swap3A_116, %swap3A_117], %swap3A_120 {strides = array<i32>} : memref<32x1024xf32, #tpu.memory_space<vmem>>, vector<1x16xf32>,
      %get3A_121 = arith.index_cast %scan3A_45 : i32 to index
      %get3A_122 = arith.constant 64 : index
      %get3A_123 = tpu.vector_load %arg8[%get3A_121, %get3A_122] {strides = array<i32>} : memref<32x1024xf32, #tpu.memory_space<vmem>>, vector<1x16xf32>,
      %get3A_124 = vector.shape_cast %get3A_123 : vector<1x16xf32> to vector<16xf32>
      %mul3A_125 = arith.mulf %get3A_51, %get3A_124 : vector<16xf32>
      %get3A_126 = arith.index_cast %scan3A_45 : i32 to index
      %get3A_127 = arith.constant 64 : index
      %get3A_128 = tpu.vector_load %arg9[%get3A_126, %get3A_127] {strides = array<i32>} : memref<32x1024xf32, #tpu.memory_space<vmem>>, vector<1x16xf32>,
      %get3A_129 = vector.shape_cast %get3A_128 : vector<1x16xf32> to vector<16xf32>
      %mul3A_130 = arith.mulf %get3A_57, %get3A_129 : vector<16xf32>
      %add3A_131 = arith.addf %mul3A_125, %mul3A_130 : vector<16xf32>
      %swap3A_132 = arith.index_cast %scan3A_45 : i32 to index
      %swap3A_133 = arith.constant 64 : index
      %swap3A_134 = tpu.vector_load %arg8[%swap3A_132, %swap3A_133] {strides = array<i32>} : memref<32x1024xf32, #tpu.memory_space<vmem>>, vector<1x16xf32>,
      %swap3A_135 = vector.shape_cast %swap3A_134 : vector<1x16xf32> to vector<16xf32>
      %swap3A_136 = vector.shape_cast %add3A_131 : vector<16xf32> to vector<1x16xf32>
      tpu.vector_store %arg8[%swap3A_132, %swap3A_133], %swap3A_136 {strides = array<i32>} : memref<32x1024xf32, #tpu.memory_space<vmem>>, vector<1x16xf32>,
      %get3A_137 = arith.index_cast %scan3A_45 : i32 to index
      %get3A_138 = arith.constant 80 : index
      %get3A_139 = tpu.vector_load %arg8[%get3A_137, %get3A_138] {strides = array<i32>} : memref<32x1024xf32, #tpu.memory_space<vmem>>, vector<1x16xf32>,
      %get3A_140 = vector.shape_cast %get3A_139 : vector<1x16xf32> to vector<16xf32>
      %mul3A_141 = arith.mulf %get3A_51, %get3A_140 : vector<16xf32>
      %get3A_142 = arith.index_cast %scan3A_45 : i32 to index
      %get3A_143 = arith.constant 80 : index
      %get3A_144 = tpu.vector_load %arg9[%get3A_142, %get3A_143] {strides = array<i32>} : memref<32x1024xf32, #tpu.memory_space<vmem>>, vector<1x16xf32>,
      %get3A_145 = vector.shape_cast %get3A_144 : vector<1x16xf32> to vector<16xf32>
      %mul3A_146 = arith.mulf %get3A_57, %get3A_145 : vector<16xf32>
      %add3A_147 = arith.addf %mul3A_141, %mul3A_146 : vector<16xf32>
      %swap3A_148 = arith.index_cast %scan3A_45 : i32 to index
      %swap3A_149 = arith.constant 80 : index
      %swap3A_150 = tpu.vector_load %arg8[%swap3A_148, %swap3A_149] {strides = array<i32>} : memref<32x1024xf32, #tpu.memory_space<vmem>>, vector<1x16xf32>,
      %swap3A_151 = vector.shape_cast %swap3A_150 : vector<1x16xf32> to vector<16xf32>
      %swap3A_152 = vector.shape_cast %add3A_147 : vector<16xf32> to vector<1x16xf32>
      tpu.vector_store %arg8[%swap3A_148, %swap3A_149], %swap3A_152 {strides = array<i32>} : memref<32x1024xf32, #tpu.memory_space<vmem>>, vector<1x16xf32>,
      %get3A_153 = arith.index_cast %scan3A_45 : i32 to index
      %get3A_154 = arith.constant 96 : index
      %get3A_155 = tpu.vector_load %arg8[%get3A_153, %get3A_154] {strides = array<i32>} : memref<32x1024xf32, #tpu.memory_space<vmem>>, vector<1x16xf32>,
      %get3A_156 = vector.shape_cast %get3A_155 : vector<1x16xf32> to vector<16xf32>
      %mul3A_157 = arith.mulf %get3A_51, %get3A_156 : vector<16xf32>
      %get3A_158 = arith.index_cast %scan3A_45 : i32 to index
      %get3A_159 = arith.constant 96 : index
      %get3A_160 = tpu.vector_load %arg9[%get3A_158, %get3A_159] {strides = array<i32>} : memref<32x1024xf32, #tpu.memory_space<vmem>>, vector<1x16xf32>,
      %get3A_161 = vector.shape_cast %get3A_160 : vector<1x16xf32> to vector<16xf32>
      %mul3A_162 = arith.mulf %get3A_57, %get3A_161 : vector<16xf32>
      %add3A_163 = arith.addf %mul3A_157, %mul3A_162 : vector<16xf32>
      %swap3A_164 = arith.index_cast %scan3A_45 : i32 to index
      %swap3A_165 = arith.constant 96 : index
      %swap3A_166 = tpu.vector_load %arg8[%swap3A_164, %swap3A_165] {strides = array<i32>} : memref<32x1024xf32, #tpu.memory_space<vmem>>, vector<1x16xf32>,
      %swap3A_167 = vector.shape_cast %swap3A_166 : vector<1x16xf32> to vector<16xf32>
      %swap3A_168 = vector.shape_cast %add3A_163 : vector<16xf32> to vector<1x16xf32>
      tpu.vector_store %arg8[%swap3A_164, %swap3A_165], %swap3A_168 {strides = array<i32>} : memref<32x1024xf32, #tpu.memory_space<vmem>>, vector<1x16xf32>,
      %get3A_169 = arith.index_cast %scan3A_45 : i32 to index
      %get3A_170 = arith.constant 112 : index
      %get3A_171 = tpu.vector_load %arg8[%get3A_169, %get3A_170] {strides = array<i32>} : memref<32x1024xf32, #tpu.memory_space<vmem>>, vector<1x16xf32>,
      %get3A_172 = vector.shape_cast %get3A_171 : vector<1x16xf32> to vector<16xf32>
      %mul3A_173 = arith.mulf %get3A_51, %get3A_172 : vector<16xf32>
      %get3A_174 = arith.index_cast %scan3A_45 : i32 to index
      %get3A_175 = arith.constant 112 : index
      %get3A_176 = tpu.vector_load %arg9[%get3A_174, %get3A_175] {strides = array<i32>} : memref<32x1024xf32, #tpu.memory_space<vmem>>, vector<1x16xf32>,
      %get3A_177 = vector.shape_cast %get3A_176 : vector<1x16xf32> to vector<16xf32>
      %mul3A_178 = arith.mulf %get3A_57, %get3A_177 : vector<16xf32>
      %add3A_179 = arith.addf %mul3A_173, %mul3A_178 : vector<16xf32>
      %swap3A_180 = arith.index_cast %scan3A_45 : i32 to index
      %swap3A_181 = arith.constant 112 : index
      %swap3A_182 = tpu.vector_load %arg8[%swap3A_180, %swap3A_181] {strides = array<i32>} : memref<32x1024xf32, #tpu.memory_space<vmem>>, vector<1x16xf32>,
      %swap3A_183 = vector.shape_cast %swap3A_182 : vector<1x16xf32> to vector<16xf32>
      %swap3A_184 = vector.shape_cast %add3A_179 : vector<16xf32> to vector<1x16xf32>
      tpu.vector_store %arg8[%swap3A_180, %swap3A_181], %swap3A_184 {strides = array<i32>} : memref<32x1024xf32, #tpu.memory_space<vmem>>, vector<1x16xf32>,
      %get3A_185 = arith.index_cast %scan3A_45 : i32 to index
      %get3A_186 = arith.constant 128 : index
      %get3A_187 = tpu.vector_load %arg8[%get3A_185, %get3A_186] {strides = array<i32>} : memref<32x1024xf32, #tpu.memory_space<vmem>>, vector<1x16xf32>,
      %get3A_188 = vector.shape_cast %get3A_187 : vector<1x16xf32> to vector<16xf32>
      %mul3A_189 = arith.mulf %get3A_51, %get3A_188 : vector<16xf32>
      %get3A_190 = arith.index_cast %scan3A_45 : i32 to index
      %get3A_191 = arith.constant 128 : index
      %get3A_192 = tpu.vector_load %arg9[%get3A_190, %get3A_191] {strides = array<i32>} : memref<32x1024xf32, #tpu.memory_space<vmem>>, vector<1x16xf32>,
      %get3A_193 = vector.shape_cast %get3A_192 : vector<1x16xf32> to vector<16xf32>
      %mul3A_194 = arith.mulf %get3A_57, %get3A_193 : vector<16xf32>
      %add3A_195 = arith.addf %mul3A_189, %mul3A_194 : vector<16xf32>
      %swap3A_196 = arith.index_cast %scan3A_45 : i32 to index
      %swap3A_197 = arith.constant 128 : index
      %swap3A_198 = tpu.vector_load %arg8[%swap3A_196, %swap3A_197] {strides = array<i32>} : memref<32x1024xf32, #tpu.memory_space<vmem>>, vector<1x16xf32>,
      %swap3A_199 = vector.shape_cast %swap3A_198 : vector<1x16xf32> to vector<16xf32>
      %swap3A_200 = vector.shape_cast %add3A_195 : vector<16xf32> to vector<1x16xf32>
      tpu.vector_store %arg8[%swap3A_196, %swap3A_197], %swap3A_200 {strides = array<i32>} : memref<32x1024xf32, #tpu.memory_space<vmem>>, vector<1x16xf32>,
      %get3A_201 = arith.index_cast %scan3A_45 : i32 to index
      %get3A_202 = arith.constant 144 : index
      %get3A_203 = tpu.vector_load %arg8[%get3A_201, %get3A_202] {strides = array<i32>} : memref<32x1024xf32, #tpu.memory_space<vmem>>, vector<1x16xf32>,
      %get3A_204 = vector.shape_cast %get3A_203 : vector<1x16xf32> to vector<16xf32>
      %mul3A_205 = arith.mulf %get3A_51, %get3A_204 : vector<16xf32>
      %get3A_206 = arith.index_cast %scan3A_45 : i32 to index
      %get3A_207 = arith.constant 144 : index
      %get3A_208 = tpu.vector_load %arg9[%get3A_206, %get3A_207] {strides = array<i32>} : memref<32x1024xf32, #tpu.memory_space<vmem>>, vector<1x16xf32>,
      %get3A_209 = vector.shape_cast %get3A_208 : vector<1x16xf32> to vector<16xf32>
      %mul3A_210 = arith.mulf %get3A_57, %get3A_209 : vector<16xf32>
      %add3A_211 = arith.addf %mul3A_205, %mul3A_210 : vector<16xf32>
      %swap3A_212 = arith.index_cast %scan3A_45 : i32 to index
      %swap3A_213 = arith.constant 144 : index
      %swap3A_214 = tpu.vector_load %arg8[%swap3A_212, %swap3A_213] {strides = array<i32>} : memref<32x1024xf32, #tpu.memory_space<vmem>>, vector<1x16xf32>,
      %swap3A_215 = vector.shape_cast %swap3A_214 : vector<1x16xf32> to vector<16xf32>
      %swap3A_216 = vector.shape_cast %add3A_211 : vector<16xf32> to vector<1x16xf32>
      tpu.vector_store %arg8[%swap3A_212, %swap3A_213], %swap3A_216 {strides = array<i32>} : memref<32x1024xf32, #tpu.memory_space<vmem>>, vector<1x16xf32>,
      %get3A_217 = arith.index_cast %scan3A_45 : i32 to index
      %get3A_218 = arith.constant 160 : index
      %get3A_219 = tpu.vector_load %arg8[%get3A_217, %get3A_218] {strides = array<i32>} : memref<32x1024xf32, #tpu.memory_space<vmem>>, vector<1x16xf32>,
      %get3A_220 = vector.shape_cast %get3A_219 : vector<1x16xf32> to vector<16xf32>
      %mul3A_221 = arith.mulf %get3A_51, %get3A_220 : vector<16xf32>
      %get3A_222 = arith.index_cast %scan3A_45 : i32 to index
      %get3A_223 = arith.constant 160 : index
      %get3A_224 = tpu.vector_load %arg9[%get3A_222, %get3A_223] {strides = array<i32>} : memref<32x1024xf32, #tpu.memory_space<vmem>>, vector<1x16xf32>,
      %get3A_225 = vector.shape_cast %get3A_224 : vector<1x16xf32> to vector<16xf32>
      %mul3A_226 = arith.mulf %get3A_57, %get3A_225 : vector<16xf32>
      %add3A_227 = arith.addf %mul3A_221, %mul3A_226 : vector<16xf32>
      %swap3A_228 = arith.index_cast %scan3A_45 : i32 to index
      %swap3A_229 = arith.constant 160 : index
      %swap3A_230 = tpu.vector_load %arg8[%swap3A_228, %swap3A_229] {strides = array<i32>} : memref<32x1024xf32, #tpu.memory_space<vmem>>, vector<1x16xf32>,
      %swap3A_231 = vector.shape_cast %swap3A_230 : vector<1x16xf32> to vector<16xf32>
      %swap3A_232 = vector.shape_cast %add3A_227 : vector<16xf32> to vector<1x16xf32>
      tpu.vector_store %arg8[%swap3A_228, %swap3A_229], %swap3A_232 {strides = array<i32>} : memref<32x1024xf32, #tpu.memory_space<vmem>>, vector<1x16xf32>,
      %get3A_233 = arith.index_cast %scan3A_45 : i32 to index
      %get3A_234 = arith.constant 176 : index
      %get3A_235 = tpu.vector_load %arg8[%get3A_233, %get3A_234] {strides = array<i32>} : memref<32x1024xf32, #tpu.memory_space<vmem>>, vector<1x16xf32>,
      %get3A_236 = vector.shape_cast %get3A_235 : vector<1x16xf32> to vector<16xf32>
      %mul3A_237 = arith.mulf %get3A_51, %get3A_236 : vector<16xf32>
      %get3A_238 = arith.index_cast %scan3A_45 : i32 to index
      %get3A_239 = arith.constant 176 : index
      %get3A_240 = tpu.vector_load %arg9[%get3A_238, %get3A_239] {strides = array<i32>} : memref<32x1024xf32, #tpu.memory_space<vmem>>, vector<1x16xf32>,
      %get3A_241 = vector.shape_cast %get3A_240 : vector<1x16xf32> to vector<16xf32>
      %mul3A_242 = arith.mulf %get3A_57, %get3A_241 : vector<16xf32>
      %add3A_243 = arith.addf %mul3A_237, %mul3A_242 : vector<16xf32>
      %swap3A_244 = arith.index_cast %scan3A_45 : i32 to index
      %swap3A_245 = arith.constant 176 : index
      %swap3A_246 = tpu.vector_load %arg8[%swap3A_244, %swap3A_245] {strides = array<i32>} : memref<32x1024xf32, #tpu.memory_space<vmem>>, vector<1x16xf32>,
      %swap3A_247 = vector.shape_cast %swap3A_246 : vector<1x16xf32> to vector<16xf32>
      %swap3A_248 = vector.shape_cast %add3A_243 : vector<16xf32> to vector<1x16xf32>
      tpu.vector_store %arg8[%swap3A_244, %swap3A_245], %swap3A_248 {strides = array<i32>} : memref<32x1024xf32, #tpu.memory_space<vmem>>, vector<1x16xf32>,
      %get3A_249 = arith.index_cast %scan3A_45 : i32 to index
      %get3A_250 = arith.constant 192 : index
      %get3A_251 = tpu.vector_load %arg8[%get3A_249, %get3A_250] {strides = array<i32>} : memref<32x1024xf32, #tpu.memory_space<vmem>>, vector<1x16xf32>,
      %get3A_252 = vector.shape_cast %get3A_251 : vector<1x16xf32> to vector<16xf32>
      %mul3A_253 = arith.mulf %get3A_51, %get3A_252 : vector<16xf32>
      %get3A_254 = arith.index_cast %scan3A_45 : i32 to index
      %get3A_255 = arith.constant 192 : index
      %get3A_256 = tpu.vector_load %arg9[%get3A_254, %get3A_255] {strides = array<i32>} : memref<32x1024xf32, #tpu.memory_space<vmem>>, vector<1x16xf32>,
      %get3A_257 = vector.shape_cast %get3A_256 : vector<1x16xf32> to vector<16xf32>
      %mul3A_258 = arith.mulf %get3A_57, %get3A_257 : vector<16xf32>
      %add3A_259 = arith.addf %mul3A_253, %mul3A_258 : vector<16xf32>
      %swap3A_260 = arith.index_cast %scan3A_45 : i32 to index
      %swap3A_261 = arith.constant 192 : index
      %swap3A_262 = tpu.vector_load %arg8[%swap3A_260, %swap3A_261] {strides = array<i32>} : memref<32x1024xf32, #tpu.memory_space<vmem>>, vector<1x16xf32>,
      %swap3A_263 = vector.shape_cast %swap3A_262 : vector<1x16xf32> to vector<16xf32>
      %swap3A_264 = vector.shape_cast %add3A_259 : vector<16xf32> to vector<1x16xf32>
      tpu.vector_store %arg8[%swap3A_260, %swap3A_261], %swap3A_264 {strides = array<i32>} : memref<32x1024xf32, #tpu.memory_space<vmem>>, vector<1x16xf32>,
      %get3A_265 = arith.index_cast %scan3A_45 : i32 to index
      %get3A_266 = arith.constant 208 : index
      %get3A_267 = tpu.vector_load %arg8[%get3A_265, %get3A_266] {strides = array<i32>} : memref<32x1024xf32, #tpu.memory_space<vmem>>, vector<1x16xf32>,
      %get3A_268 = vector.shape_cast %get3A_267 : vector<1x16xf32> to vector<16xf32>
      %mul3A_269 = arith.mulf %get3A_51, %get3A_268 : vector<16xf32>
      %get3A_270 = arith.index_cast %scan3A_45 : i32 to index
      %get3A_271 = arith.constant 208 : index
      %get3A_272 = tpu.vector_load %arg9[%get3A_270, %get3A_271] {strides = array<i32>} : memref<32x1024xf32, #tpu.memory_space<vmem>>, vector<1x16xf32>,
      %get3A_273 = vector.shape_cast %get3A_272 : vector<1x16xf32> to vector<16xf32>
      %mul3A_274 = arith.mulf %get3A_57, %get3A_273 : vector<16xf32>
      %add3A_275 = arith.addf %mul3A_269, %mul3A_274 : vector<16xf32>
      %swap3A_276 = arith.index_cast %scan3A_45 : i32 to index
      %swap3A_277 = arith.constant 208 : index
      %swap3A_278 = tpu.vector_load %arg8[%swap3A_276, %swap3A_277] {strides = array<i32>} : memref<32x1024xf32, #tpu.memory_space<vmem>>, vector<1x16xf32>,
      %swap3A_279 = vector.shape_cast %swap3A_278 : vector<1x16xf32> to vector<16xf32>
      %swap3A_280 = vector.shape_cast %add3A_275 : vector<16xf32> to vector<1x16xf32>
      tpu.vector_store %arg8[%swap3A_276, %swap3A_277], %swap3A_280 {strides = array<i32>} : memref<32x1024xf32, #tpu.memory_space<vmem>>, vector<1x16xf32>,
      %get3A_281 = arith.index_cast %scan3A_45 : i32 to index
      %get3A_282 = arith.constant 224 : index
      %get3A_283 = tpu.vector_load %arg8[%get3A_281, %get3A_282] {strides = array<i32>} : memref<32x1024xf32, #tpu.memory_space<vmem>>, vector<1x16xf32>,
      %get3A_284 = vector.shape_cast %get3A_283 : vector<1x16xf32> to vector<16xf32>
      %mul3A_285 = arith.mulf %get3A_51, %get3A_284 : vector<16xf32>
      %get3A_286 = arith.index_cast %scan3A_45 : i32 to index
      %get3A_287 = arith.constant 224 : index
      %get3A_288 = tpu.vector_load %arg9[%get3A_286, %get3A_287] {strides = array<i32>} : memref<32x1024xf32, #tpu.memory_space<vmem>>, vector<1x16xf32>,
      %get3A_289 = vector.shape_cast %get3A_288 : vector<1x16xf32> to vector<16xf32>
      %mul3A_290 = arith.mulf %get3A_57, %get3A_289 : vector<16xf32>
      %add3A_291 = arith.addf %mul3A_285, %mul3A_290 : vector<16xf32>
      %swap3A_292 = arith.index_cast %scan3A_45 : i32 to index
      %swap3A_293 = arith.constant 224 : index
      %swap3A_294 = tpu.vector_load %arg8[%swap3A_292, %swap3A_293] {strides = array<i32>} : memref<32x1024xf32, #tpu.memory_space<vmem>>, vector<1x16xf32>,
      %swap3A_295 = vector.shape_cast %swap3A_294 : vector<1x16xf32> to vector<16xf32>
      %swap3A_296 = vector.shape_cast %add3A_291 : vector<16xf32> to vector<1x16xf32>
      tpu.vector_store %arg8[%swap3A_292, %swap3A_293], %swap3A_296 {strides = array<i32>} : memref<32x1024xf32, #tpu.memory_space<vmem>>, vector<1x16xf32>,
      %get3A_297 = arith.index_cast %scan3A_45 : i32 to index
      %get3A_298 = arith.constant 240 : index
      %get3A_299 = tpu.vector_load %arg8[%get3A_297, %get3A_298] {strides = array<i32>} : memref<32x1024xf32, #tpu.memory_space<vmem>>, vector<1x16xf32>,
      %get3A_300 = vector.shape_cast %get3A_299 : vector<1x16xf32> to vector<16xf32>
      %mul3A_301 = arith.mulf %get3A_51, %get3A_300 : vector<16xf32>
      %get3A_302 = arith.index_cast %scan3A_45 : i32 to index
      %get3A_303 = arith.constant 240 : index
      %get3A_304 = tpu.vector_load %arg9[%get3A_302, %get3A_303] {strides = array<i32>} : memref<32x1024xf32, #tpu.memory_space<vmem>>, vector<1x16xf32>,
      %get3A_305 = vector.shape_cast %get3A_304 : vector<1x16xf32> to vector<16xf32>
      %mul3A_306 = arith.mulf %get3A_57, %get3A_305 : vector<16xf32>
      %add3A_307 = arith.addf %mul3A_301, %mul3A_306 : vector<16xf32>
      %swap3A_308 = arith.index_cast %scan3A_45 : i32 to index
      %swap3A_309 = arith.constant 240 : index
      %swap3A_310 = tpu.vector_load %arg8[%swap3A_308, %swap3A_309] {strides = array<i32>} : memref<32x1024xf32, #tpu.memory_space<vmem>>, vector<1x16xf32>,
      %swap3A_311 = vector.shape_cast %swap3A_310 : vector<1x16xf32> to vector<16xf32>
      %swap3A_312 = vector.shape_cast %add3A_307 : vector<16xf32> to vector<1x16xf32>
      tpu.vector_store %arg8[%swap3A_308, %swap3A_309], %swap3A_312 {strides = array<i32>} : memref<32x1024xf32, #tpu.memory_space<vmem>>, vector<1x16xf32>,
      %get3A_313 = arith.index_cast %scan3A_45 : i32 to index
      %get3A_314 = arith.constant 256 : index
      %get3A_315 = tpu.vector_load %arg8[%get3A_313, %get3A_314] {strides = array<i32>} : memref<32x1024xf32, #tpu.memory_space<vmem>>, vector<1x16xf32>,
      %get3A_316 = vector.shape_cast %get3A_315 : vector<1x16xf32> to vector<16xf32>
      %mul3A_317 = arith.mulf %get3A_51, %get3A_316 : vector<16xf32>
      %get3A_318 = arith.index_cast %scan3A_45 : i32 to index
      %get3A_319 = arith.constant 256 : index
      %get3A_320 = tpu.vector_load %arg9[%get3A_318, %get3A_319] {strides = array<i32>} : memref<32x1024xf32, #tpu.memory_space<vmem>>, vector<1x16xf32>,
      %get3A_321 = vector.shape_cast %get3A_320 : vector<1x16xf32> to vector<16xf32>
      %mul3A_322 = arith.mulf %get3A_57, %get3A_321 : vector<16xf32>
      %add3A_323 = arith.addf %mul3A_317, %mul3A_322 : vector<16xf32>
      %swap3A_324 = arith.index_cast %scan3A_45 : i32 to index
      %swap3A_325 = arith.constant 256 : index
      %swap3A_326 = tpu.vector_load %arg8[%swap3A_324, %swap3A_325] {strides = array<i32>} : memref<32x1024xf32, #tpu.memory_space<vmem>>, vector<1x16xf32>,
      %swap3A_327 = vector.shape_cast %swap3A_326 : vector<1x16xf32> to vector<16xf32>
      %swap3A_328 = vector.shape_cast %add3A_323 : vector<16xf32> to vector<1x16xf32>
      tpu.vector_store %arg8[%swap3A_324, %swap3A_325], %swap3A_328 {strides = array<i32>} : memref<32x1024xf32, #tpu.memory_space<vmem>>, vector<1x16xf32>,
      %get3A_329 = arith.index_cast %scan3A_45 : i32 to index
      %get3A_330 = arith.constant 272 : index
      %get3A_331 = tpu.vector_load %arg8[%get3A_329, %get3A_330] {strides = array<i32>} : memref<32x1024xf32, #tpu.memory_space<vmem>>, vector<1x16xf32>,
      %get3A_332 = vector.shape_cast %get3A_331 : vector<1x16xf32> to vector<16xf32>
      %mul3A_333 = arith.mulf %get3A_51, %get3A_332 : vector<16xf32>
      %get3A_334 = arith.index_cast %scan3A_45 : i32 to index
      %get3A_335 = arith.constant 272 : index
      %get3A_336 = tpu.vector_load %arg9[%get3A_334, %get3A_335] {strides = array<i32>} : memref<32x1024xf32, #tpu.memory_space<vmem>>, vector<1x16xf32>,
      %get3A_337 = vector.shape_cast %get3A_336 : vector<1x16xf32> to vector<16xf32>
      %mul3A_338 = arith.mulf %get3A_57, %get3A_337 : vector<16xf32>
      %add3A_339 = arith.addf %mul3A_333, %mul3A_338 : vector<16xf32>
      %swap3A_340 = arith.index_cast %scan3A_45 : i32 to index
      %swap3A_341 = arith.constant 272 : index
      %swap3A_342 = tpu.vector_load %arg8[%swap3A_340, %swap3A_341] {strides = array<i32>} : memref<32x1024xf32, #tpu.memory_space<vmem>>, vector<1x16xf32>,
      %swap3A_343 = vector.shape_cast %swap3A_342 : vector<1x16xf32> to vector<16xf32>
      %swap3A_344 = vector.shape_cast %add3A_339 : vector<16xf32> to vector<1x16xf32>
      tpu.vector_store %arg8[%swap3A_340, %swap3A_341], %swap3A_344 {strides = array<i32>} : memref<32x1024xf32, #tpu.memory_space<vmem>>, vector<1x16xf32>,
      %get3A_345 = arith.index_cast %scan3A_45 : i32 to index
      %get3A_346 = arith.constant 288 : index
      %get3A_347 = tpu.vector_load %arg8[%get3A_345, %get3A_346] {strides = array<i32>} : memref<32x1024xf32, #tpu.memory_space<vmem>>, vector<1x16xf32>,
      %get3A_348 = vector.shape_cast %get3A_347 : vector<1x16xf32> to vector<16xf32>
      %mul3A_349 = arith.mulf %get3A_51, %get3A_348 : vector<16xf32>
      %get3A_350 = arith.index_cast %scan3A_45 : i32 to index
      %get3A_351 = arith.constant 288 : index
      %get3A_352 = tpu.vector_load %arg9[%get3A_350, %get3A_351] {strides = array<i32>} : memref<32x1024xf32, #tpu.memory_space<vmem>>, vector<1x16xf32>,
      %get3A_353 = vector.shape_cast %get3A_352 : vector<1x16xf32> to vector<16xf32>
      %mul3A_354 = arith.mulf %get3A_57, %get3A_353 : vector<16xf32>
      %add3A_355 = arith.addf %mul3A_349, %mul3A_354 : vector<16xf32>
      %swap3A_356 = arith.index_cast %scan3A_45 : i32 to index
      %swap3A_357 = arith.constant 288 : index
      %swap3A_358 = tpu.vector_load %arg8[%swap3A_356, %swap3A_357] {strides = array<i32>} : memref<32x1024xf32, #tpu.memory_space<vmem>>, vector<1x16xf32>,
      %swap3A_359 = vector.shape_cast %swap3A_358 : vector<1x16xf32> to vector<16xf32>
      %swap3A_360 = vector.shape_cast %add3A_355 : vector<16xf32> to vector<1x16xf32>
      tpu.vector_store %arg8[%swap3A_356, %swap3A_357], %swap3A_360 {strides = array<i32>} : memref<32x1024xf32, #tpu.memory_space<vmem>>, vector<1x16xf32>,
      %get3A_361 = arith.index_cast %scan3A_45 : i32 to index
      %get3A_362 = arith.constant 304 : index
      %get3A_363 = tpu.vector_load %arg8[%get3A_361, %get3A_362] {strides = array<i32>} : memref<32x1024xf32, #tpu.memory_space<vmem>>, vector<1x16xf32>,
      %get3A_364 = vector.shape_cast %get3A_363 : vector<1x16xf32> to vector<16xf32>
      %mul3A_365 = arith.mulf %get3A_51, %get3A_364 : vector<16xf32>
      %get3A_366 = arith.index_cast %scan3A_45 : i32 to index
      %get3A_367 = arith.constant 304 : index
      %get3A_368 = tpu.vector_load %arg9[%get3A_366, %get3A_367] {strides = array<i32>} : memref<32x1024xf32, #tpu.memory_space<vmem>>, vector<1x16xf32>,
      %get3A_369 = vector.shape_cast %get3A_368 : vector<1x16xf32> to vector<16xf32>
      %mul3A_370 = arith.mulf %get3A_57, %get3A_369 : vector<16xf32>
      %add3A_371 = arith.addf %mul3A_365, %mul3A_370 : vector<16xf32>
      %swap3A_372 = arith.index_cast %scan3A_45 : i32 to index
      %swap3A_373 = arith.constant 304 : index
      %swap3A_374 = tpu.vector_load %arg8[%swap3A_372, %swap3A_373] {strides = array<i32>} : memref<32x1024xf32, #tpu.memory_space<vmem>>, vector<1x16xf32>,
      %swap3A_375 = vector.shape_cast %swap3A_374 : vector<1x16xf32> to vector<16xf32>
      %swap3A_376 = vector.shape_cast %add3A_371 : vector<16xf32> to vector<1x16xf32>
      tpu.vector_store %arg8[%swap3A_372, %swap3A_373], %swap3A_376 {strides = array<i32>} : memref<32x1024xf32, #tpu.memory_space<vmem>>, vector<1x16xf32>,
      %get3A_377 = arith.index_cast %scan3A_45 : i32 to index
      %get3A_378 = arith.constant 320 : index
      %get3A_379 = tpu.vector_load %arg8[%get3A_377, %get3A_378] {strides = array<i32>} : memref<32x1024xf32, #tpu.memory_space<vmem>>, vector<1x16xf32>,
      %get3A_380 = vector.shape_cast %get3A_379 : vector<1x16xf32> to vector<16xf32>
      %mul3A_381 = arith.mulf %get3A_51, %get3A_380 : vector<16xf32>
      %get3A_382 = arith.index_cast %scan3A_45 : i32 to index
      %get3A_383 = arith.constant 320 : index
      %get3A_384 = tpu.vector_load %arg9[%get3A_382, %get3A_383] {strides = array<i32>} : memref<32x1024xf32, #tpu.memory_space<vmem>>, vector<1x16xf32>,
      %get3A_385 = vector.shape_cast %get3A_384 : vector<1x16xf32> to vector<16xf32>
      %mul3A_386 = arith.mulf %get3A_57, %get3A_385 : vector<16xf32>
      %add3A_387 = arith.addf %mul3A_381, %mul3A_386 : vector<16xf32>
      %swap3A_388 = arith.index_cast %scan3A_45 : i32 to index
      %swap3A_389 = arith.constant 320 : index
      %swap3A_390 = tpu.vector_load %arg8[%swap3A_388, %swap3A_389] {strides = array<i32>} : memref<32x1024xf32, #tpu.memory_space<vmem>>, vector<1x16xf32>,
      %swap3A_391 = vector.shape_cast %swap3A_390 : vector<1x16xf32> to vector<16xf32>
      %swap3A_392 = vector.shape_cast %add3A_387 : vector<16xf32> to vector<1x16xf32>
      tpu.vector_store %arg8[%swap3A_388, %swap3A_389], %swap3A_392 {strides = array<i32>} : memref<32x1024xf32, #tpu.memory_space<vmem>>, vector<1x16xf32>,
      %get3A_393 = arith.index_cast %scan3A_45 : i32 to index
      %get3A_394 = arith.constant 336 : index
      %get3A_395 = tpu.vector_load %arg8[%get3A_393, %get3A_394] {strides = array<i32>} : memref<32x1024xf32, #tpu.memory_space<vmem>>, vector<1x16xf32>,
      %get3A_396 = vector.shape_cast %get3A_395 : vector<1x16xf32> to vector<16xf32>
      %mul3A_397 = arith.mulf %get3A_51, %get3A_396 : vector<16xf32>
      %get3A_398 = arith.index_cast %scan3A_45 : i32 to index
      %get3A_399 = arith.constant 336 : index
      %get3A_400 = tpu.vector_load %arg9[%get3A_398, %get3A_399] {strides = array<i32>} : memref<32x1024xf32, #tpu.memory_space<vmem>>, vector<1x16xf32>,
      %get3A_401 = vector.shape_cast %get3A_400 : vector<1x16xf32> to vector<16xf32>
      %mul3A_402 = arith.mulf %get3A_57, %get3A_401 : vector<16xf32>
      %add3A_403 = arith.addf %mul3A_397, %mul3A_402 : vector<16xf32>
      %swap3A_404 = arith.index_cast %scan3A_45 : i32 to index
      %swap3A_405 = arith.constant 336 : index
      %swap3A_406 = tpu.vector_load %arg8[%swap3A_404, %swap3A_405] {strides = array<i32>} : memref<32x1024xf32, #tpu.memory_space<vmem>>, vector<1x16xf32>,
      %swap3A_407 = vector.shape_cast %swap3A_406 : vector<1x16xf32> to vector<16xf32>
      %swap3A_408 = vector.shape_cast %add3A_403 : vector<16xf32> to vector<1x16xf32>
      tpu.vector_store %arg8[%swap3A_404, %swap3A_405], %swap3A_408 {strides = array<i32>} : memref<32x1024xf32, #tpu.memory_space<vmem>>, vector<1x16xf32>,
      %get3A_409 = arith.index_cast %scan3A_45 : i32 to index
      %get3A_410 = arith.constant 352 : index
      %get3A_411 = tpu.vector_load %arg8[%get3A_409, %get3A_410] {strides = array<i32>} : memref<32x1024xf32, #tpu.memory_space<vmem>>, vector<1x16xf32>,
      %get3A_412 = vector.shape_cast %get3A_411 : vector<1x16xf32> to vector<16xf32>
      %mul3A_413 = arith.mulf %get3A_51, %get3A_412 : vector<16xf32>
      %get3A_414 = arith.index_cast %scan3A_45 : i32 to index
      %get3A_415 = arith.constant 352 : index
      %get3A_416 = tpu.vector_load %arg9[%get3A_414, %get3A_415] {strides = array<i32>} : memref<32x1024xf32, #tpu.memory_space<vmem>>, vector<1x16xf32>,
      %get3A_417 = vector.shape_cast %get3A_416 : vector<1x16xf32> to vector<16xf32>
      %mul3A_418 = arith.mulf %get3A_57, %get3A_417 : vector<16xf32>
      %add3A_419 = arith.addf %mul3A_413, %mul3A_418 : vector<16xf32>
      %swap3A_420 = arith.index_cast %scan3A_45 : i32 to index
      %swap3A_421 = arith.constant 352 : index
      %swap3A_422 = tpu.vector_load %arg8[%swap3A_420, %swap3A_421] {strides = array<i32>} : memref<32x1024xf32, #tpu.memory_space<vmem>>, vector<1x16xf32>,
      %swap3A_423 = vector.shape_cast %swap3A_422 : vector<1x16xf32> to vector<16xf32>
      %swap3A_424 = vector.shape_cast %add3A_419 : vector<16xf32> to vector<1x16xf32>
      tpu.vector_store %arg8[%swap3A_420, %swap3A_421], %swap3A_424 {strides = array<i32>} : memref<32x1024xf32, #tpu.memory_space<vmem>>, vector<1x16xf32>,
      %get3A_425 = arith.index_cast %scan3A_45 : i32 to index
      %get3A_426 = arith.constant 368 : index
      %get3A_427 = tpu.vector_load %arg8[%get3A_425, %get3A_426] {strides = array<i32>} : memref<32x1024xf32, #tpu.memory_space<vmem>>, vector<1x16xf32>,
      %get3A_428 = vector.shape_cast %get3A_427 : vector<1x16xf32> to vector<16xf32>
      %mul3A_429 = arith.mulf %get3A_51, %get3A_428 : vector<16xf32>
      %get3A_430 = arith.index_cast %scan3A_45 : i32 to index
      %get3A_431 = arith.constant 368 : index
      %get3A_432 = tpu.vector_load %arg9[%get3A_430, %get3A_431] {strides = array<i32>} : memref<32x1024xf32, #tpu.memory_space<vmem>>, vector<1x16xf32>,
      %get3A_433 = vector.shape_cast %get3A_432 : vector<1x16xf32> to vector<16xf32>
      %mul3A_434 = arith.mulf %get3A_57, %get3A_433 : vector<16xf32>
      %add3A_435 = arith.addf %mul3A_429, %mul3A_434 : vector<16xf32>
      %swap3A_436 = arith.index_cast %scan3A_45 : i32 to index
      %swap3A_437 = arith.constant 368 : index
      %swap3A_438 = tpu.vector_load %arg8[%swap3A_436, %swap3A_437] {strides = array<i32>} : memref<32x1024xf32, #tpu.memory_space<vmem>>, vector<1x16xf32>,
      %swap3A_439 = vector.shape_cast %swap3A_438 : vector<1x16xf32> to vector<16xf32>
      %swap3A_440 = vector.shape_cast %add3A_435 : vector<16xf32> to vector<1x16xf32>
      tpu.vector_store %arg8[%swap3A_436, %swap3A_437], %swap3A_440 {strides = array<i32>} : memref<32x1024xf32, #tpu.memory_space<vmem>>, vector<1x16xf32>,
      %get3A_441 = arith.index_cast %scan3A_45 : i32 to index
      %get3A_442 = arith.constant 384 : index
      %get3A_443 = tpu.vector_load %arg8[%get3A_441, %get3A_442] {strides = array<i32>} : memref<32x1024xf32, #tpu.memory_space<vmem>>, vector<1x16xf32>,
      %get3A_444 = vector.shape_cast %get3A_443 : vector<1x16xf32> to vector<16xf32>
      %mul3A_445 = arith.mulf %get3A_51, %get3A_444 : vector<16xf32>
      %get3A_446 = arith.index_cast %scan3A_45 : i32 to index
      %get3A_447 = arith.constant 384 : index
      %get3A_448 = tpu.vector_load %arg9[%get3A_446, %get3A_447] {strides = array<i32>} : memref<32x1024xf32, #tpu.memory_space<vmem>>, vector<1x16xf32>,
      %get3A_449 = vector.shape_cast %get3A_448 : vector<1x16xf32> to vector<16xf32>
      %mul3A_450 = arith.mulf %get3A_57, %get3A_449 : vector<16xf32>
      %add3A_451 = arith.addf %mul3A_445, %mul3A_450 : vector<16xf32>
      %swap3A_452 = arith.index_cast %scan3A_45 : i32 to index
      %swap3A_453 = arith.constant 384 : index
      %swap3A_454 = tpu.vector_load %arg8[%swap3A_452, %swap3A_453] {strides = array<i32>} : memref<32x1024xf32, #tpu.memory_space<vmem>>, vector<1x16xf32>,
      %swap3A_455 = vector.shape_cast %swap3A_454 : vector<1x16xf32> to vector<16xf32>
      %swap3A_456 = vector.shape_cast %add3A_451 : vector<16xf32> to vector<1x16xf32>
      tpu.vector_store %arg8[%swap3A_452, %swap3A_453], %swap3A_456 {strides = array<i32>} : memref<32x1024xf32, #tpu.memory_space<vmem>>, vector<1x16xf32>,
      %get3A_457 = arith.index_cast %scan3A_45 : i32 to index
      %get3A_458 = arith.constant 400 : index
      %get3A_459 = tpu.vector_load %arg8[%get3A_457, %get3A_458] {strides = array<i32>} : memref<32x1024xf32, #tpu.memory_space<vmem>>, vector<1x16xf32>,
      %get3A_460 = vector.shape_cast %get3A_459 : vector<1x16xf32> to vector<16xf32>
      %mul3A_461 = arith.mulf %get3A_51, %get3A_460 : vector<16xf32>
      %get3A_462 = arith.index_cast %scan3A_45 : i32 to index
      %get3A_463 = arith.constant 400 : index
      %get3A_464 = tpu.vector_load %arg9[%get3A_462, %get3A_463] {strides = array<i32>} : memref<32x1024xf32, #tpu.memory_space<vmem>>, vector<1x16xf32>,
      %get3A_465 = vector.shape_cast %get3A_464 : vector<1x16xf32> to vector<16xf32>
      %mul3A_466 = arith.mulf %get3A_57, %get3A_465 : vector<16xf32>
      %add3A_467 = arith.addf %mul3A_461, %mul3A_466 : vector<16xf32>
      %swap3A_468 = arith.index_cast %scan3A_45 : i32 to index
      %swap3A_469 = arith.constant 400 : index
      %swap3A_470 = tpu.vector_load %arg8[%swap3A_468, %swap3A_469] {strides = array<i32>} : memref<32x1024xf32, #tpu.memory_space<vmem>>, vector<1x16xf32>,
      %swap3A_471 = vector.shape_cast %swap3A_470 : vector<1x16xf32> to vector<16xf32>
      %swap3A_472 = vector.shape_cast %add3A_467 : vector<16xf32> to vector<1x16xf32>
      tpu.vector_store %arg8[%swap3A_468, %swap3A_469], %swap3A_472 {strides = array<i32>} : memref<32x1024xf32, #tpu.memory_space<vmem>>, vector<1x16xf32>,
      %get3A_473 = arith.index_cast %scan3A_45 : i32 to index
      %get3A_474 = arith.constant 416 : index
      %get3A_475 = tpu.vector_load %arg8[%get3A_473, %get3A_474] {strides = array<i32>} : memref<32x1024xf32, #tpu.memory_space<vmem>>, vector<1x16xf32>,
      %get3A_476 = vector.shape_cast %get3A_475 : vector<1x16xf32> to vector<16xf32>
      %mul3A_477 = arith.mulf %get3A_51, %get3A_476 : vector<16xf32>
      %get3A_478 = arith.index_cast %scan3A_45 : i32 to index
      %get3A_479 = arith.constant 416 : index
      %get3A_480 = tpu.vector_load %arg9[%get3A_478, %get3A_479] {strides = array<i32>} : memref<32x1024xf32, #tpu.memory_space<vmem>>, vector<1x16xf32>,
      %get3A_481 = vector.shape_cast %get3A_480 : vector<1x16xf32> to vector<16xf32>
      %mul3A_482 = arith.mulf %get3A_57, %get3A_481 : vector<16xf32>
      %add3A_483 = arith.addf %mul3A_477, %mul3A_482 : vector<16xf32>
      %swap3A_484 = arith.index_cast %scan3A_45 : i32 to index
      %swap3A_485 = arith.constant 416 : index
      %swap3A_486 = tpu.vector_load %arg8[%swap3A_484, %swap3A_485] {strides = array<i32>} : memref<32x1024xf32, #tpu.memory_space<vmem>>, vector<1x16xf32>,
      %swap3A_487 = vector.shape_cast %swap3A_486 : vector<1x16xf32> to vector<16xf32>
      %swap3A_488 = vector.shape_cast %add3A_483 : vector<16xf32> to vector<1x16xf32>
      tpu.vector_store %arg8[%swap3A_484, %swap3A_485], %swap3A_488 {strides = array<i32>} : memref<32x1024xf32, #tpu.memory_space<vmem>>, vector<1x16xf32>,
      %get3A_489 = arith.index_cast %scan3A_45 : i32 to index
      %get3A_490 = arith.constant 432 : index
      %get3A_491 = tpu.vector_load %arg8[%get3A_489, %get3A_490] {strides = array<i32>} : memref<32x1024xf32, #tpu.memory_space<vmem>>, vector<1x16xf32>,
      %get3A_492 = vector.shape_cast %get3A_491 : vector<1x16xf32> to vector<16xf32>
      %mul3A_493 = arith.mulf %get3A_51, %get3A_492 : vector<16xf32>
      %get3A_494 = arith.index_cast %scan3A_45 : i32 to index
      %get3A_495 = arith.constant 432 : index
      %get3A_496 = tpu.vector_load %arg9[%get3A_494, %get3A_495] {strides = array<i32>} : memref<32x1024xf32, #tpu.memory_space<vmem>>, vector<1x16xf32>,
      %get3A_497 = vector.shape_cast %get3A_496 : vector<1x16xf32> to vector<16xf32>
      %mul3A_498 = arith.mulf %get3A_57, %get3A_497 : vector<16xf32>
      %add3A_499 = arith.addf %mul3A_493, %mul3A_498 : vector<16xf32>
      %swap3A_500 = arith.index_cast %scan3A_45 : i32 to index
      %swap3A_501 = arith.constant 432 : index
      %swap3A_502 = tpu.vector_load %arg8[%swap3A_500, %swap3A_501] {strides = array<i32>} : memref<32x1024xf32, #tpu.memory_space<vmem>>, vector<1x16xf32>,
      %swap3A_503 = vector.shape_cast %swap3A_502 : vector<1x16xf32> to vector<16xf32>
      %swap3A_504 = vector.shape_cast %add3A_499 : vector<16xf32> to vector<1x16xf32>
      tpu.vector_store %arg8[%swap3A_500, %swap3A_501], %swap3A_504 {strides = array<i32>} : memref<32x1024xf32, #tpu.memory_space<vmem>>, vector<1x16xf32>,
      %get3A_505 = arith.index_cast %scan3A_45 : i32 to index
      %get3A_506 = arith.constant 448 : index
      %get3A_507 = tpu.vector_load %arg8[%get3A_505, %get3A_506] {strides = array<i32>} : memref<32x1024xf32, #tpu.memory_space<vmem>>, vector<1x16xf32>,
      %get3A_508 = vector.shape_cast %get3A_507 : vector<1x16xf32> to vector<16xf32>
      %mul3A_509 = arith.mulf %get3A_51, %get3A_508 : vector<16xf32>
      %get3A_510 = arith.index_cast %scan3A_45 : i32 to index
      %get3A_511 = arith.constant 448 : index
      %get3A_512 = tpu.vector_load %arg9[%get3A_510, %get3A_511] {strides = array<i32>} : memref<32x1024xf32, #tpu.memory_space<vmem>>, vector<1x16xf32>,
      %get3A_513 = vector.shape_cast %get3A_512 : vector<1x16xf32> to vector<16xf32>
      %mul3A_514 = arith.mulf %get3A_57, %get3A_513 : vector<16xf32>
      %add3A_515 = arith.addf %mul3A_509, %mul3A_514 : vector<16xf32>
      %swap3A_516 = arith.index_cast %scan3A_45 : i32 to index
      %swap3A_517 = arith.constant 448 : index
      %swap3A_518 = tpu.vector_load %arg8[%swap3A_516, %swap3A_517] {strides = array<i32>} : memref<32x1024xf32, #tpu.memory_space<vmem>>, vector<1x16xf32>,
      %swap3A_519 = vector.shape_cast %swap3A_518 : vector<1x16xf32> to vector<16xf32>
      %swap3A_520 = vector.shape_cast %add3A_515 : vector<16xf32> to vector<1x16xf32>
      tpu.vector_store %arg8[%swap3A_516, %swap3A_517], %swap3A_520 {strides = array<i32>} : memref<32x1024xf32, #tpu.memory_space<vmem>>, vector<1x16xf32>,
      %get3A_521 = arith.index_cast %scan3A_45 : i32 to index
      %get3A_522 = arith.constant 464 : index
      %get3A_523 = tpu.vector_load %arg8[%get3A_521, %get3A_522] {strides = array<i32>} : memref<32x1024xf32, #tpu.memory_space<vmem>>, vector<1x16xf32>,
      %get3A_524 = vector.shape_cast %get3A_523 : vector<1x16xf32> to vector<16xf32>
      %mul3A_525 = arith.mulf %get3A_51, %get3A_524 : vector<16xf32>
      %get3A_526 = arith.index_cast %scan3A_45 : i32 to index
      %get3A_527 = arith.constant 464 : index
      %get3A_528 = tpu.vector_load %arg9[%get3A_526, %get3A_527] {strides = array<i32>} : memref<32x1024xf32, #tpu.memory_space<vmem>>, vector<1x16xf32>,
      %get3A_529 = vector.shape_cast %get3A_528 : vector<1x16xf32> to vector<16xf32>
      %mul3A_530 = arith.mulf %get3A_57, %get3A_529 : vector<16xf32>
      %add3A_531 = arith.addf %mul3A_525, %mul3A_530 : vector<16xf32>
      %swap3A_532 = arith.index_cast %scan3A_45 : i32 to index
      %swap3A_533 = arith.constant 464 : index
      %swap3A_534 = tpu.vector_load %arg8[%swap3A_532, %swap3A_533] {strides = array<i32>} : memref<32x1024xf32, #tpu.memory_space<vmem>>, vector<1x16xf32>,
      %swap3A_535 = vector.shape_cast %swap3A_534 : vector<1x16xf32> to vector<16xf32>
      %swap3A_536 = vector.shape_cast %add3A_531 : vector<16xf32> to vector<1x16xf32>
      tpu.vector_store %arg8[%swap3A_532, %swap3A_533], %swap3A_536 {strides = array<i32>} : memref<32x1024xf32, #tpu.memory_space<vmem>>, vector<1x16xf32>,
      %get3A_537 = arith.index_cast %scan3A_45 : i32 to index
      %get3A_538 = arith.constant 480 : index
      %get3A_539 = tpu.vector_load %arg8[%get3A_537, %get3A_538] {strides = array<i32>} : memref<32x1024xf32, #tpu.memory_space<vmem>>, vector<1x16xf32>,
      %get3A_540 = vector.shape_cast %get3A_539 : vector<1x16xf32> to vector<16xf32>
      %mul3A_541 = arith.mulf %get3A_51, %get3A_540 : vector<16xf32>
      %get3A_542 = arith.index_cast %scan3A_45 : i32 to index
      %get3A_543 = arith.constant 480 : index
      %get3A_544 = tpu.vector_load %arg9[%get3A_542, %get3A_543] {strides = array<i32>} : memref<32x1024xf32, #tpu.memory_space<vmem>>, vector<1x16xf32>,
      %get3A_545 = vector.shape_cast %get3A_544 : vector<1x16xf32> to vector<16xf32>
      %mul3A_546 = arith.mulf %get3A_57, %get3A_545 : vector<16xf32>
      %add3A_547 = arith.addf %mul3A_541, %mul3A_546 : vector<16xf32>
      %swap3A_548 = arith.index_cast %scan3A_45 : i32 to index
      %swap3A_549 = arith.constant 480 : index
      %swap3A_550 = tpu.vector_load %arg8[%swap3A_548, %swap3A_549] {strides = array<i32>} : memref<32x1024xf32, #tpu.memory_space<vmem>>, vector<1x16xf32>,
      %swap3A_551 = vector.shape_cast %swap3A_550 : vector<1x16xf32> to vector<16xf32>
      %swap3A_552 = vector.shape_cast %add3A_547 : vector<16xf32> to vector<1x16xf32>
      tpu.vector_store %arg8[%swap3A_548, %swap3A_549], %swap3A_552 {strides = array<i32>} : memref<32x1024xf32, #tpu.memory_space<vmem>>, vector<1x16xf32>,
      %get3A_553 = arith.index_cast %scan3A_45 : i32 to index
      %get3A_554 = arith.constant 496 : index
      %get3A_555 = tpu.vector_load %arg8[%get3A_553, %get3A_554] {strides = array<i32>} : memref<32x1024xf32, #tpu.memory_space<vmem>>, vector<1x16xf32>,
      %get3A_556 = vector.shape_cast %get3A_555 : vector<1x16xf32> to vector<16xf32>
      %mul3A_557 = arith.mulf %get3A_51, %get3A_556 : vector<16xf32>
      %get3A_558 = arith.index_cast %scan3A_45 : i32 to index
      %get3A_559 = arith.constant 496 : index
      %get3A_560 = tpu.vector_load %arg9[%get3A_558, %get3A_559] {strides = array<i32>} : memref<32x1024xf32, #tpu.memory_space<vmem>>, vector<1x16xf32>,
      %get3A_561 = vector.shape_cast %get3A_560 : vector<1x16xf32> to vector<16xf32>
      %mul3A_562 = arith.mulf %get3A_57, %get3A_561 : vector<16xf32>
      %add3A_563 = arith.addf %mul3A_557, %mul3A_562 : vector<16xf32>
      %swap3A_564 = arith.index_cast %scan3A_45 : i32 to index
      %swap3A_565 = arith.constant 496 : index
      %swap3A_566 = tpu.vector_load %arg8[%swap3A_564, %swap3A_565] {strides = array<i32>} : memref<32x1024xf32, #tpu.memory_space<vmem>>, vector<1x16xf32>,
      %swap3A_567 = vector.shape_cast %swap3A_566 : vector<1x16xf32> to vector<16xf32>
      %swap3A_568 = vector.shape_cast %add3A_563 : vector<16xf32> to vector<1x16xf32>
      tpu.vector_store %arg8[%swap3A_564, %swap3A_565], %swap3A_568 {strides = array<i32>} : memref<32x1024xf32, #tpu.memory_space<vmem>>, vector<1x16xf32>,
      %get3A_569 = arith.index_cast %scan3A_45 : i32 to index
      %get3A_570 = arith.constant 512 : index
      %get3A_571 = tpu.vector_load %arg8[%get3A_569, %get3A_570] {strides = array<i32>} : memref<32x1024xf32, #tpu.memory_space<vmem>>, vector<1x16xf32>,
      %get3A_572 = vector.shape_cast %get3A_571 : vector<1x16xf32> to vector<16xf32>
      %mul3A_573 = arith.mulf %get3A_51, %get3A_572 : vector<16xf32>
      %get3A_574 = arith.index_cast %scan3A_45 : i32 to index
      %get3A_575 = arith.constant 512 : index
      %get3A_576 = tpu.vector_load %arg9[%get3A_574, %get3A_575] {strides = array<i32>} : memref<32x1024xf32, #tpu.memory_space<vmem>>, vector<1x16xf32>,
      %get3A_577 = vector.shape_cast %get3A_576 : vector<1x16xf32> to vector<16xf32>
      %mul3A_578 = arith.mulf %get3A_57, %get3A_577 : vector<16xf32>
      %add3A_579 = arith.addf %mul3A_573, %mul3A_578 : vector<16xf32>
      %swap3A_580 = arith.index_cast %scan3A_45 : i32 to index
      %swap3A_581 = arith.constant 512 : index
      %swap3A_582 = tpu.vector_load %arg8[%swap3A_580, %swap3A_581] {strides = array<i32>} : memref<32x1024xf32, #tpu.memory_space<vmem>>, vector<1x16xf32>,
      %swap3A_583 = vector.shape_cast %swap3A_582 : vector<1x16xf32> to vector<16xf32>
      %swap3A_584 = vector.shape_cast %add3A_579 : vector<16xf32> to vector<1x16xf32>
      tpu.vector_store %arg8[%swap3A_580, %swap3A_581], %swap3A_584 {strides = array<i32>} : memref<32x1024xf32, #tpu.memory_space<vmem>>, vector<1x16xf32>,
      %get3A_585 = arith.index_cast %scan3A_45 : i32 to index
      %get3A_586 = arith.constant 528 : index
      %get3A_587 = tpu.vector_load %arg8[%get3A_585, %get3A_586] {strides = array<i32>} : memref<32x1024xf32, #tpu.memory_space<vmem>>, vector<1x16xf32>,
      %get3A_588 = vector.shape_cast %get3A_587 : vector<1x16xf32> to vector<16xf32>
      %mul3A_589 = arith.mulf %get3A_51, %get3A_588 : vector<16xf32>
      %get3A_590 = arith.index_cast %scan3A_45 : i32 to index
      %get3A_591 = arith.constant 528 : index
      %get3A_592 = tpu.vector_load %arg9[%get3A_590, %get3A_591] {strides = array<i32>} : memref<32x1024xf32, #tpu.memory_space<vmem>>, vector<1x16xf32>,
      %get3A_593 = vector.shape_cast %get3A_592 : vector<1x16xf32> to vector<16xf32>
      %mul3A_594 = arith.mulf %get3A_57, %get3A_593 : vector<16xf32>
      %add3A_595 = arith.addf %mul3A_589, %mul3A_594 : vector<16xf32>
      %swap3A_596 = arith.index_cast %scan3A_45 : i32 to index
      %swap3A_597 = arith.constant 528 : index
      %swap3A_598 = tpu.vector_load %arg8[%swap3A_596, %swap3A_597] {strides = array<i32>} : memref<32x1024xf32, #tpu.memory_space<vmem>>, vector<1x16xf32>,
      %swap3A_599 = vector.shape_cast %swap3A_598 : vector<1x16xf32> to vector<16xf32>
      %swap3A_600 = vector.shape_cast %add3A_595 : vector<16xf32> to vector<1x16xf32>
      tpu.vector_store %arg8[%swap3A_596, %swap3A_597], %swap3A_600 {strides = array<i32>} : memref<32x1024xf32, #tpu.memory_space<vmem>>, vector<1x16xf32>,
      %get3A_601 = arith.index_cast %scan3A_45 : i32 to index
      %get3A_602 = arith.constant 544 : index
      %get3A_603 = tpu.vector_load %arg8[%get3A_601, %get3A_602] {strides = array<i32>} : memref<32x1024xf32, #tpu.memory_space<vmem>>, vector<1x16xf32>,
      %get3A_604 = vector.shape_cast %get3A_603 : vector<1x16xf32> to vector<16xf32>
      %mul3A_605 = arith.mulf %get3A_51, %get3A_604 : vector<16xf32>
      %get3A_606 = arith.index_cast %scan3A_45 : i32 to index
      %get3A_607 = arith.constant 544 : index
      %get3A_608 = tpu.vector_load %arg9[%get3A_606, %get3A_607] {strides = array<i32>} : memref<32x1024xf32, #tpu.memory_space<vmem>>, vector<1x16xf32>,
      %get3A_609 = vector.shape_cast %get3A_608 : vector<1x16xf32> to vector<16xf32>
      %mul3A_610 = arith.mulf %get3A_57, %get3A_609 : vector<16xf32>
      %add3A_611 = arith.addf %mul3A_605, %mul3A_610 : vector<16xf32>
      %swap3A_612 = arith.index_cast %scan3A_45 : i32 to index
      %swap3A_613 = arith.constant 544 : index
      %swap3A_614 = tpu.vector_load %arg8[%swap3A_612, %swap3A_613] {strides = array<i32>} : memref<32x1024xf32, #tpu.memory_space<vmem>>, vector<1x16xf32>,
      %swap3A_615 = vector.shape_cast %swap3A_614 : vector<1x16xf32> to vector<16xf32>
      %swap3A_616 = vector.shape_cast %add3A_611 : vector<16xf32> to vector<1x16xf32>
      tpu.vector_store %arg8[%swap3A_612, %swap3A_613], %swap3A_616 {strides = array<i32>} : memref<32x1024xf32, #tpu.memory_space<vmem>>, vector<1x16xf32>,
      %get3A_617 = arith.index_cast %scan3A_45 : i32 to index
      %get3A_618 = arith.constant 560 : index
      %get3A_619 = tpu.vector_load %arg8[%get3A_617, %get3A_618] {strides = array<i32>} : memref<32x1024xf32, #tpu.memory_space<vmem>>, vector<1x16xf32>,
      %get3A_620 = vector.shape_cast %get3A_619 : vector<1x16xf32> to vector<16xf32>
      %mul3A_621 = arith.mulf %get3A_51, %get3A_620 : vector<16xf32>
      %get3A_622 = arith.index_cast %scan3A_45 : i32 to index
      %get3A_623 = arith.constant 560 : index
      %get3A_624 = tpu.vector_load %arg9[%get3A_622, %get3A_623] {strides = array<i32>} : memref<32x1024xf32, #tpu.memory_space<vmem>>, vector<1x16xf32>,
      %get3A_625 = vector.shape_cast %get3A_624 : vector<1x16xf32> to vector<16xf32>
      %mul3A_626 = arith.mulf %get3A_57, %get3A_625 : vector<16xf32>
      %add3A_627 = arith.addf %mul3A_621, %mul3A_626 : vector<16xf32>
      %swap3A_628 = arith.index_cast %scan3A_45 : i32 to index
      %swap3A_629 = arith.constant 560 : index
      %swap3A_630 = tpu.vector_load %arg8[%swap3A_628, %swap3A_629] {strides = array<i32>} : memref<32x1024xf32, #tpu.memory_space<vmem>>, vector<1x16xf32>,
      %swap3A_631 = vector.shape_cast %swap3A_630 : vector<1x16xf32> to vector<16xf32>
      %swap3A_632 = vector.shape_cast %add3A_627 : vector<16xf32> to vector<1x16xf32>
      tpu.vector_store %arg8[%swap3A_628, %swap3A_629], %swap3A_632 {strides = array<i32>} : memref<32x1024xf32, #tpu.memory_space<vmem>>, vector<1x16xf32>,
      %get3A_633 = arith.index_cast %scan3A_45 : i32 to index
      %get3A_634 = arith.constant 576 : index
      %get3A_635 = tpu.vector_load %arg8[%get3A_633, %get3A_634] {strides = array<i32>} : memref<32x1024xf32, #tpu.memory_space<vmem>>, vector<1x16xf32>,
      %get3A_636 = vector.shape_cast %get3A_635 : vector<1x16xf32> to vector<16xf32>
      %mul3A_637 = arith.mulf %get3A_51, %get3A_636 : vector<16xf32>
      %get3A_638 = arith.index_cast %scan3A_45 : i32 to index
      %get3A_639 = arith.constant 576 : index
      %get3A_640 = tpu.vector_load %arg9[%get3A_638, %get3A_639] {strides = array<i32>} : memref<32x1024xf32, #tpu.memory_space<vmem>>, vector<1x16xf32>,
      %get3A_641 = vector.shape_cast %get3A_640 : vector<1x16xf32> to vector<16xf32>
      %mul3A_642 = arith.mulf %get3A_57, %get3A_641 : vector<16xf32>
      %add3A_643 = arith.addf %mul3A_637, %mul3A_642 : vector<16xf32>
      %swap3A_644 = arith.index_cast %scan3A_45 : i32 to index
      %swap3A_645 = arith.constant 576 : index
      %swap3A_646 = tpu.vector_load %arg8[%swap3A_644, %swap3A_645] {strides = array<i32>} : memref<32x1024xf32, #tpu.memory_space<vmem>>, vector<1x16xf32>,
      %swap3A_647 = vector.shape_cast %swap3A_646 : vector<1x16xf32> to vector<16xf32>
      %swap3A_648 = vector.shape_cast %add3A_643 : vector<16xf32> to vector<1x16xf32>
      tpu.vector_store %arg8[%swap3A_644, %swap3A_645], %swap3A_648 {strides = array<i32>} : memref<32x1024xf32, #tpu.memory_space<vmem>>, vector<1x16xf32>,
      %get3A_649 = arith.index_cast %scan3A_45 : i32 to index
      %get3A_650 = arith.constant 592 : index
      %get3A_651 = tpu.vector_load %arg8[%get3A_649, %get3A_650] {strides = array<i32>} : memref<32x1024xf32, #tpu.memory_space<vmem>>, vector<1x16xf32>,
      %get3A_652 = vector.shape_cast %get3A_651 : vector<1x16xf32> to vector<16xf32>
      %mul3A_653 = arith.mulf %get3A_51, %get3A_652 : vector<16xf32>
      %get3A_654 = arith.index_cast %scan3A_45 : i32 to index
      %get3A_655 = arith.constant 592 : index
      %get3A_656 = tpu.vector_load %arg9[%get3A_654, %get3A_655] {strides = array<i32>} : memref<32x1024xf32, #tpu.memory_space<vmem>>, vector<1x16xf32>,
      %get3A_657 = vector.shape_cast %get3A_656 : vector<1x16xf32> to vector<16xf32>
      %mul3A_658 = arith.mulf %get3A_57, %get3A_657 : vector<16xf32>
      %add3A_659 = arith.addf %mul3A_653, %mul3A_658 : vector<16xf32>
      %swap3A_660 = arith.index_cast %scan3A_45 : i32 to index
      %swap3A_661 = arith.constant 592 : index
      %swap3A_662 = tpu.vector_load %arg8[%swap3A_660, %swap3A_661] {strides = array<i32>} : memref<32x1024xf32, #tpu.memory_space<vmem>>, vector<1x16xf32>,
      %swap3A_663 = vector.shape_cast %swap3A_662 : vector<1x16xf32> to vector<16xf32>
      %swap3A_664 = vector.shape_cast %add3A_659 : vector<16xf32> to vector<1x16xf32>
      tpu.vector_store %arg8[%swap3A_660, %swap3A_661], %swap3A_664 {strides = array<i32>} : memref<32x1024xf32, #tpu.memory_space<vmem>>, vector<1x16xf32>,
      %get3A_665 = arith.index_cast %scan3A_45 : i32 to index
      %get3A_666 = arith.constant 608 : index
      %get3A_667 = tpu.vector_load %arg8[%get3A_665, %get3A_666] {strides = array<i32>} : memref<32x1024xf32, #tpu.memory_space<vmem>>, vector<1x16xf32>,
      %get3A_668 = vector.shape_cast %get3A_667 : vector<1x16xf32> to vector<16xf32>
      %mul3A_669 = arith.mulf %get3A_51, %get3A_668 : vector<16xf32>
      %get3A_670 = arith.index_cast %scan3A_45 : i32 to index
      %get3A_671 = arith.constant 608 : index
      %get3A_672 = tpu.vector_load %arg9[%get3A_670, %get3A_671] {strides = array<i32>} : memref<32x1024xf32, #tpu.memory_space<vmem>>, vector<1x16xf32>,
      %get3A_673 = vector.shape_cast %get3A_672 : vector<1x16xf32> to vector<16xf32>
      %mul3A_674 = arith.mulf %get3A_57, %get3A_673 : vector<16xf32>
      %add3A_675 = arith.addf %mul3A_669, %mul3A_674 : vector<16xf32>
      %swap3A_676 = arith.index_cast %scan3A_45 : i32 to index
      %swap3A_677 = arith.constant 608 : index
      %swap3A_678 = tpu.vector_load %arg8[%swap3A_676, %swap3A_677] {strides = array<i32>} : memref<32x1024xf32, #tpu.memory_space<vmem>>, vector<1x16xf32>,
      %swap3A_679 = vector.shape_cast %swap3A_678 : vector<1x16xf32> to vector<16xf32>
      %swap3A_680 = vector.shape_cast %add3A_675 : vector<16xf32> to vector<1x16xf32>
      tpu.vector_store %arg8[%swap3A_676, %swap3A_677], %swap3A_680 {strides = array<i32>} : memref<32x1024xf32, #tpu.memory_space<vmem>>, vector<1x16xf32>,
      %get3A_681 = arith.index_cast %scan3A_45 : i32 to index
      %get3A_682 = arith.constant 624 : index
      %get3A_683 = tpu.vector_load %arg8[%get3A_681, %get3A_682] {strides = array<i32>} : memref<32x1024xf32, #tpu.memory_space<vmem>>, vector<1x16xf32>,
      %get3A_684 = vector.shape_cast %get3A_683 : vector<1x16xf32> to vector<16xf32>
      %mul3A_685 = arith.mulf %get3A_51, %get3A_684 : vector<16xf32>
      %get3A_686 = arith.index_cast %scan3A_45 : i32 to index
      %get3A_687 = arith.constant 624 : index
      %get3A_688 = tpu.vector_load %arg9[%get3A_686, %get3A_687] {strides = array<i32>} : memref<32x1024xf32, #tpu.memory_space<vmem>>, vector<1x16xf32>,
      %get3A_689 = vector.shape_cast %get3A_688 : vector<1x16xf32> to vector<16xf32>
      %mul3A_690 = arith.mulf %get3A_57, %get3A_689 : vector<16xf32>
      %add3A_691 = arith.addf %mul3A_685, %mul3A_690 : vector<16xf32>
      %swap3A_692 = arith.index_cast %scan3A_45 : i32 to index
      %swap3A_693 = arith.constant 624 : index
      %swap3A_694 = tpu.vector_load %arg8[%swap3A_692, %swap3A_693] {strides = array<i32>} : memref<32x1024xf32, #tpu.memory_space<vmem>>, vector<1x16xf32>,
      %swap3A_695 = vector.shape_cast %swap3A_694 : vector<1x16xf32> to vector<16xf32>
      %swap3A_696 = vector.shape_cast %add3A_691 : vector<16xf32> to vector<1x16xf32>
      tpu.vector_store %arg8[%swap3A_692, %swap3A_693], %swap3A_696 {strides = array<i32>} : memref<32x1024xf32, #tpu.memory_space<vmem>>, vector<1x16xf32>,
      %get3A_697 = arith.index_cast %scan3A_45 : i32 to index
      %get3A_698 = arith.constant 640 : index
      %get3A_699 = tpu.vector_load %arg8[%get3A_697, %get3A_698] {strides = array<i32>} : memref<32x1024xf32, #tpu.memory_space<vmem>>, vector<1x16xf32>,
      %get3A_700 = vector.shape_cast %get3A_699 : vector<1x16xf32> to vector<16xf32>
      %mul3A_701 = arith.mulf %get3A_51, %get3A_700 : vector<16xf32>
      %get3A_702 = arith.index_cast %scan3A_45 : i32 to index
      %get3A_703 = arith.constant 640 : index
      %get3A_704 = tpu.vector_load %arg9[%get3A_702, %get3A_703] {strides = array<i32>} : memref<32x1024xf32, #tpu.memory_space<vmem>>, vector<1x16xf32>,
      %get3A_705 = vector.shape_cast %get3A_704 : vector<1x16xf32> to vector<16xf32>
      %mul3A_706 = arith.mulf %get3A_57, %get3A_705 : vector<16xf32>
      %add3A_707 = arith.addf %mul3A_701, %mul3A_706 : vector<16xf32>
      %swap3A_708 = arith.index_cast %scan3A_45 : i32 to index
      %swap3A_709 = arith.constant 640 : index
      %swap3A_710 = tpu.vector_load %arg8[%swap3A_708, %swap3A_709] {strides = array<i32>} : memref<32x1024xf32, #tpu.memory_space<vmem>>, vector<1x16xf32>,
      %swap3A_711 = vector.shape_cast %swap3A_710 : vector<1x16xf32> to vector<16xf32>
      %swap3A_712 = vector.shape_cast %add3A_707 : vector<16xf32> to vector<1x16xf32>
      tpu.vector_store %arg8[%swap3A_708, %swap3A_709], %swap3A_712 {strides = array<i32>} : memref<32x1024xf32, #tpu.memory_space<vmem>>, vector<1x16xf32>,
      %get3A_713 = arith.index_cast %scan3A_45 : i32 to index
      %get3A_714 = arith.constant 656 : index
      %get3A_715 = tpu.vector_load %arg8[%get3A_713, %get3A_714] {strides = array<i32>} : memref<32x1024xf32, #tpu.memory_space<vmem>>, vector<1x16xf32>,
      %get3A_716 = vector.shape_cast %get3A_715 : vector<1x16xf32> to vector<16xf32>
      %mul3A_717 = arith.mulf %get3A_51, %get3A_716 : vector<16xf32>
      %get3A_718 = arith.index_cast %scan3A_45 : i32 to index
      %get3A_719 = arith.constant 656 : index
      %get3A_720 = tpu.vector_load %arg9[%get3A_718, %get3A_719] {strides = array<i32>} : memref<32x1024xf32, #tpu.memory_space<vmem>>, vector<1x16xf32>,
      %get3A_721 = vector.shape_cast %get3A_720 : vector<1x16xf32> to vector<16xf32>
      %mul3A_722 = arith.mulf %get3A_57, %get3A_721 : vector<16xf32>
      %add3A_723 = arith.addf %mul3A_717, %mul3A_722 : vector<16xf32>
      %swap3A_724 = arith.index_cast %scan3A_45 : i32 to index
      %swap3A_725 = arith.constant 656 : index
      %swap3A_726 = tpu.vector_load %arg8[%swap3A_724, %swap3A_725] {strides = array<i32>} : memref<32x1024xf32, #tpu.memory_space<vmem>>, vector<1x16xf32>,
      %swap3A_727 = vector.shape_cast %swap3A_726 : vector<1x16xf32> to vector<16xf32>
      %swap3A_728 = vector.shape_cast %add3A_723 : vector<16xf32> to vector<1x16xf32>
      tpu.vector_store %arg8[%swap3A_724, %swap3A_725], %swap3A_728 {strides = array<i32>} : memref<32x1024xf32, #tpu.memory_space<vmem>>, vector<1x16xf32>,
      %get3A_729 = arith.index_cast %scan3A_45 : i32 to index
      %get3A_730 = arith.constant 672 : index
      %get3A_731 = tpu.vector_load %arg8[%get3A_729, %get3A_730] {strides = array<i32>} : memref<32x1024xf32, #tpu.memory_space<vmem>>, vector<1x16xf32>,
      %get3A_732 = vector.shape_cast %get3A_731 : vector<1x16xf32> to vector<16xf32>
      %mul3A_733 = arith.mulf %get3A_51, %get3A_732 : vector<16xf32>
      %get3A_734 = arith.index_cast %scan3A_45 : i32 to index
      %get3A_735 = arith.constant 672 : index
      %get3A_736 = tpu.vector_load %arg9[%get3A_734, %get3A_735] {strides = array<i32>} : memref<32x1024xf32, #tpu.memory_space<vmem>>, vector<1x16xf32>,
      %get3A_737 = vector.shape_cast %get3A_736 : vector<1x16xf32> to vector<16xf32>
      %mul3A_738 = arith.mulf %get3A_57, %get3A_737 : vector<16xf32>
      %add3A_739 = arith.addf %mul3A_733, %mul3A_738 : vector<16xf32>
      %swap3A_740 = arith.index_cast %scan3A_45 : i32 to index
      %swap3A_741 = arith.constant 672 : index
      %swap3A_742 = tpu.vector_load %arg8[%swap3A_740, %swap3A_741] {strides = array<i32>} : memref<32x1024xf32, #tpu.memory_space<vmem>>, vector<1x16xf32>,
      %swap3A_743 = vector.shape_cast %swap3A_742 : vector<1x16xf32> to vector<16xf32>
      %swap3A_744 = vector.shape_cast %add3A_739 : vector<16xf32> to vector<1x16xf32>
      tpu.vector_store %arg8[%swap3A_740, %swap3A_741], %swap3A_744 {strides = array<i32>} : memref<32x1024xf32, #tpu.memory_space<vmem>>, vector<1x16xf32>,
      %get3A_745 = arith.index_cast %scan3A_45 : i32 to index
      %get3A_746 = arith.constant 688 : index
      %get3A_747 = tpu.vector_load %arg8[%get3A_745, %get3A_746] {strides = array<i32>} : memref<32x1024xf32, #tpu.memory_space<vmem>>, vector<1x16xf32>,
      %get3A_748 = vector.shape_cast %get3A_747 : vector<1x16xf32> to vector<16xf32>
      %mul3A_749 = arith.mulf %get3A_51, %get3A_748 : vector<16xf32>
      %get3A_750 = arith.index_cast %scan3A_45 : i32 to index
      %get3A_751 = arith.constant 688 : index
      %get3A_752 = tpu.vector_load %arg9[%get3A_750, %get3A_751] {strides = array<i32>} : memref<32x1024xf32, #tpu.memory_space<vmem>>, vector<1x16xf32>,
      %get3A_753 = vector.shape_cast %get3A_752 : vector<1x16xf32> to vector<16xf32>
      %mul3A_754 = arith.mulf %get3A_57, %get3A_753 : vector<16xf32>
      %add3A_755 = arith.addf %mul3A_749, %mul3A_754 : vector<16xf32>
      %swap3A_756 = arith.index_cast %scan3A_45 : i32 to index
      %swap3A_757 = arith.constant 688 : index
      %swap3A_758 = tpu.vector_load %arg8[%swap3A_756, %swap3A_757] {strides = array<i32>} : memref<32x1024xf32, #tpu.memory_space<vmem>>, vector<1x16xf32>,
      %swap3A_759 = vector.shape_cast %swap3A_758 : vector<1x16xf32> to vector<16xf32>
      %swap3A_760 = vector.shape_cast %add3A_755 : vector<16xf32> to vector<1x16xf32>
      tpu.vector_store %arg8[%swap3A_756, %swap3A_757], %swap3A_760 {strides = array<i32>} : memref<32x1024xf32, #tpu.memory_space<vmem>>, vector<1x16xf32>,
      %get3A_761 = arith.index_cast %scan3A_45 : i32 to index
      %get3A_762 = arith.constant 704 : index
      %get3A_763 = tpu.vector_load %arg8[%get3A_761, %get3A_762] {strides = array<i32>} : memref<32x1024xf32, #tpu.memory_space<vmem>>, vector<1x16xf32>,
      %get3A_764 = vector.shape_cast %get3A_763 : vector<1x16xf32> to vector<16xf32>
      %mul3A_765 = arith.mulf %get3A_51, %get3A_764 : vector<16xf32>
      %get3A_766 = arith.index_cast %scan3A_45 : i32 to index
      %get3A_767 = arith.constant 704 : index
      %get3A_768 = tpu.vector_load %arg9[%get3A_766, %get3A_767] {strides = array<i32>} : memref<32x1024xf32, #tpu.memory_space<vmem>>, vector<1x16xf32>,
      %get3A_769 = vector.shape_cast %get3A_768 : vector<1x16xf32> to vector<16xf32>
      %mul3A_770 = arith.mulf %get3A_57, %get3A_769 : vector<16xf32>
      %add3A_771 = arith.addf %mul3A_765, %mul3A_770 : vector<16xf32>
      %swap3A_772 = arith.index_cast %scan3A_45 : i32 to index
      %swap3A_773 = arith.constant 704 : index
      %swap3A_774 = tpu.vector_load %arg8[%swap3A_772, %swap3A_773] {strides = array<i32>} : memref<32x1024xf32, #tpu.memory_space<vmem>>, vector<1x16xf32>,
      %swap3A_775 = vector.shape_cast %swap3A_774 : vector<1x16xf32> to vector<16xf32>
      %swap3A_776 = vector.shape_cast %add3A_771 : vector<16xf32> to vector<1x16xf32>
      tpu.vector_store %arg8[%swap3A_772, %swap3A_773], %swap3A_776 {strides = array<i32>} : memref<32x1024xf32, #tpu.memory_space<vmem>>, vector<1x16xf32>,
      %get3A_777 = arith.index_cast %scan3A_45 : i32 to index
      %get3A_778 = arith.constant 720 : index
      %get3A_779 = tpu.vector_load %arg8[%get3A_777, %get3A_778] {strides = array<i32>} : memref<32x1024xf32, #tpu.memory_space<vmem>>, vector<1x16xf32>,
      %get3A_780 = vector.shape_cast %get3A_779 : vector<1x16xf32> to vector<16xf32>
      %mul3A_781 = arith.mulf %get3A_51, %get3A_780 : vector<16xf32>
      %get3A_782 = arith.index_cast %scan3A_45 : i32 to index
      %get3A_783 = arith.constant 720 : index
      %get3A_784 = tpu.vector_load %arg9[%get3A_782, %get3A_783] {strides = array<i32>} : memref<32x1024xf32, #tpu.memory_space<vmem>>, vector<1x16xf32>,
      %get3A_785 = vector.shape_cast %get3A_784 : vector<1x16xf32> to vector<16xf32>
      %mul3A_786 = arith.mulf %get3A_57, %get3A_785 : vector<16xf32>
      %add3A_787 = arith.addf %mul3A_781, %mul3A_786 : vector<16xf32>
      %swap3A_788 = arith.index_cast %scan3A_45 : i32 to index
      %swap3A_789 = arith.constant 720 : index
      %swap3A_790 = tpu.vector_load %arg8[%swap3A_788, %swap3A_789] {strides = array<i32>} : memref<32x1024xf32, #tpu.memory_space<vmem>>, vector<1x16xf32>,
      %swap3A_791 = vector.shape_cast %swap3A_790 : vector<1x16xf32> to vector<16xf32>
      %swap3A_792 = vector.shape_cast %add3A_787 : vector<16xf32> to vector<1x16xf32>
      tpu.vector_store %arg8[%swap3A_788, %swap3A_789], %swap3A_792 {strides = array<i32>} : memref<32x1024xf32, #tpu.memory_space<vmem>>, vector<1x16xf32>,
      %get3A_793 = arith.index_cast %scan3A_45 : i32 to index
      %get3A_794 = arith.constant 736 : index
      %get3A_795 = tpu.vector_load %arg8[%get3A_793, %get3A_794] {strides = array<i32>} : memref<32x1024xf32, #tpu.memory_space<vmem>>, vector<1x16xf32>,
      %get3A_796 = vector.shape_cast %get3A_795 : vector<1x16xf32> to vector<16xf32>
      %mul3A_797 = arith.mulf %get3A_51, %get3A_796 : vector<16xf32>
      %get3A_798 = arith.index_cast %scan3A_45 : i32 to index
      %get3A_799 = arith.constant 736 : index
      %get3A_800 = tpu.vector_load %arg9[%get3A_798, %get3A_799] {strides = array<i32>} : memref<32x1024xf32, #tpu.memory_space<vmem>>, vector<1x16xf32>,
      %get3A_801 = vector.shape_cast %get3A_800 : vector<1x16xf32> to vector<16xf32>
      %mul3A_802 = arith.mulf %get3A_57, %get3A_801 : vector<16xf32>
      %add3A_803 = arith.addf %mul3A_797, %mul3A_802 : vector<16xf32>
      %swap3A_804 = arith.index_cast %scan3A_45 : i32 to index
      %swap3A_805 = arith.constant 736 : index
      %swap3A_806 = tpu.vector_load %arg8[%swap3A_804, %swap3A_805] {strides = array<i32>} : memref<32x1024xf32, #tpu.memory_space<vmem>>, vector<1x16xf32>,
      %swap3A_807 = vector.shape_cast %swap3A_806 : vector<1x16xf32> to vector<16xf32>
      %swap3A_808 = vector.shape_cast %add3A_803 : vector<16xf32> to vector<1x16xf32>
      tpu.vector_store %arg8[%swap3A_804, %swap3A_805], %swap3A_808 {strides = array<i32>} : memref<32x1024xf32, #tpu.memory_space<vmem>>, vector<1x16xf32>,
      %get3A_809 = arith.index_cast %scan3A_45 : i32 to index
      %get3A_810 = arith.constant 752 : index
      %get3A_811 = tpu.vector_load %arg8[%get3A_809, %get3A_810] {strides = array<i32>} : memref<32x1024xf32, #tpu.memory_space<vmem>>, vector<1x16xf32>,
      %get3A_812 = vector.shape_cast %get3A_811 : vector<1x16xf32> to vector<16xf32>
      %mul3A_813 = arith.mulf %get3A_51, %get3A_812 : vector<16xf32>
      %get3A_814 = arith.index_cast %scan3A_45 : i32 to index
      %get3A_815 = arith.constant 752 : index
      %get3A_816 = tpu.vector_load %arg9[%get3A_814, %get3A_815] {strides = array<i32>} : memref<32x1024xf32, #tpu.memory_space<vmem>>, vector<1x16xf32>,
      %get3A_817 = vector.shape_cast %get3A_816 : vector<1x16xf32> to vector<16xf32>
      %mul3A_818 = arith.mulf %get3A_57, %get3A_817 : vector<16xf32>
      %add3A_819 = arith.addf %mul3A_813, %mul3A_818 : vector<16xf32>
      %swap3A_820 = arith.index_cast %scan3A_45 : i32 to index
      %swap3A_821 = arith.constant 752 : index
      %swap3A_822 = tpu.vector_load %arg8[%swap3A_820, %swap3A_821] {strides = array<i32>} : memref<32x1024xf32, #tpu.memory_space<vmem>>, vector<1x16xf32>,
      %swap3A_823 = vector.shape_cast %swap3A_822 : vector<1x16xf32> to vector<16xf32>
      %swap3A_824 = vector.shape_cast %add3A_819 : vector<16xf32> to vector<1x16xf32>
      tpu.vector_store %arg8[%swap3A_820, %swap3A_821], %swap3A_824 {strides = array<i32>} : memref<32x1024xf32, #tpu.memory_space<vmem>>, vector<1x16xf32>,
      %get3A_825 = arith.index_cast %scan3A_45 : i32 to index
      %get3A_826 = arith.constant 768 : index
      %get3A_827 = tpu.vector_load %arg8[%get3A_825, %get3A_826] {strides = array<i32>} : memref<32x1024xf32, #tpu.memory_space<vmem>>, vector<1x16xf32>,
      %get3A_828 = vector.shape_cast %get3A_827 : vector<1x16xf32> to vector<16xf32>
      %mul3A_829 = arith.mulf %get3A_51, %get3A_828 : vector<16xf32>
      %get3A_830 = arith.index_cast %scan3A_45 : i32 to index
      %get3A_831 = arith.constant 768 : index
      %get3A_832 = tpu.vector_load %arg9[%get3A_830, %get3A_831] {strides = array<i32>} : memref<32x1024xf32, #tpu.memory_space<vmem>>, vector<1x16xf32>,
      %get3A_833 = vector.shape_cast %get3A_832 : vector<1x16xf32> to vector<16xf32>
      %mul3A_834 = arith.mulf %get3A_57, %get3A_833 : vector<16xf32>
      %add3A_835 = arith.addf %mul3A_829, %mul3A_834 : vector<16xf32>
      %swap3A_836 = arith.index_cast %scan3A_45 : i32 to index
      %swap3A_837 = arith.constant 768 : index
      %swap3A_838 = tpu.vector_load %arg8[%swap3A_836, %swap3A_837] {strides = array<i32>} : memref<32x1024xf32, #tpu.memory_space<vmem>>, vector<1x16xf32>,
      %swap3A_839 = vector.shape_cast %swap3A_838 : vector<1x16xf32> to vector<16xf32>
      %swap3A_840 = vector.shape_cast %add3A_835 : vector<16xf32> to vector<1x16xf32>
      tpu.vector_store %arg8[%swap3A_836, %swap3A_837], %swap3A_840 {strides = array<i32>} : memref<32x1024xf32, #tpu.memory_space<vmem>>, vector<1x16xf32>,
      %get3A_841 = arith.index_cast %scan3A_45 : i32 to index
      %get3A_842 = arith.constant 784 : index
      %get3A_843 = tpu.vector_load %arg8[%get3A_841, %get3A_842] {strides = array<i32>} : memref<32x1024xf32, #tpu.memory_space<vmem>>, vector<1x16xf32>,
      %get3A_844 = vector.shape_cast %get3A_843 : vector<1x16xf32> to vector<16xf32>
      %mul3A_845 = arith.mulf %get3A_51, %get3A_844 : vector<16xf32>
      %get3A_846 = arith.index_cast %scan3A_45 : i32 to index
      %get3A_847 = arith.constant 784 : index
      %get3A_848 = tpu.vector_load %arg9[%get3A_846, %get3A_847] {strides = array<i32>} : memref<32x1024xf32, #tpu.memory_space<vmem>>, vector<1x16xf32>,
      %get3A_849 = vector.shape_cast %get3A_848 : vector<1x16xf32> to vector<16xf32>
      %mul3A_850 = arith.mulf %get3A_57, %get3A_849 : vector<16xf32>
      %add3A_851 = arith.addf %mul3A_845, %mul3A_850 : vector<16xf32>
      %swap3A_852 = arith.index_cast %scan3A_45 : i32 to index
      %swap3A_853 = arith.constant 784 : index
      %swap3A_854 = tpu.vector_load %arg8[%swap3A_852, %swap3A_853] {strides = array<i32>} : memref<32x1024xf32, #tpu.memory_space<vmem>>, vector<1x16xf32>,
      %swap3A_855 = vector.shape_cast %swap3A_854 : vector<1x16xf32> to vector<16xf32>
      %swap3A_856 = vector.shape_cast %add3A_851 : vector<16xf32> to vector<1x16xf32>
      tpu.vector_store %arg8[%swap3A_852, %swap3A_853], %swap3A_856 {strides = array<i32>} : memref<32x1024xf32, #tpu.memory_space<vmem>>, vector<1x16xf32>,
      %get3A_857 = arith.index_cast %scan3A_45 : i32 to index
      %get3A_858 = arith.constant 800 : index
      %get3A_859 = tpu.vector_load %arg8[%get3A_857, %get3A_858] {strides = array<i32>} : memref<32x1024xf32, #tpu.memory_space<vmem>>, vector<1x16xf32>,
      %get3A_860 = vector.shape_cast %get3A_859 : vector<1x16xf32> to vector<16xf32>
      %mul3A_861 = arith.mulf %get3A_51, %get3A_860 : vector<16xf32>
      %get3A_862 = arith.index_cast %scan3A_45 : i32 to index
      %get3A_863 = arith.constant 800 : index
      %get3A_864 = tpu.vector_load %arg9[%get3A_862, %get3A_863] {strides = array<i32>} : memref<32x1024xf32, #tpu.memory_space<vmem>>, vector<1x16xf32>,
      %get3A_865 = vector.shape_cast %get3A_864 : vector<1x16xf32> to vector<16xf32>
      %mul3A_866 = arith.mulf %get3A_57, %get3A_865 : vector<16xf32>
      %add3A_867 = arith.addf %mul3A_861, %mul3A_866 : vector<16xf32>
      %swap3A_868 = arith.index_cast %scan3A_45 : i32 to index
      %swap3A_869 = arith.constant 800 : index
      %swap3A_870 = tpu.vector_load %arg8[%swap3A_868, %swap3A_869] {strides = array<i32>} : memref<32x1024xf32, #tpu.memory_space<vmem>>, vector<1x16xf32>,
      %swap3A_871 = vector.shape_cast %swap3A_870 : vector<1x16xf32> to vector<16xf32>
      %swap3A_872 = vector.shape_cast %add3A_867 : vector<16xf32> to vector<1x16xf32>
      tpu.vector_store %arg8[%swap3A_868, %swap3A_869], %swap3A_872 {strides = array<i32>} : memref<32x1024xf32, #tpu.memory_space<vmem>>, vector<1x16xf32>,
      %get3A_873 = arith.index_cast %scan3A_45 : i32 to index
      %get3A_874 = arith.constant 816 : index
      %get3A_875 = tpu.vector_load %arg8[%get3A_873, %get3A_874] {strides = array<i32>} : memref<32x1024xf32, #tpu.memory_space<vmem>>, vector<1x16xf32>,
      %get3A_876 = vector.shape_cast %get3A_875 : vector<1x16xf32> to vector<16xf32>
      %mul3A_877 = arith.mulf %get3A_51, %get3A_876 : vector<16xf32>
      %get3A_878 = arith.index_cast %scan3A_45 : i32 to index
      %get3A_879 = arith.constant 816 : index
      %get3A_880 = tpu.vector_load %arg9[%get3A_878, %get3A_879] {strides = array<i32>} : memref<32x1024xf32, #tpu.memory_space<vmem>>, vector<1x16xf32>,
      %get3A_881 = vector.shape_cast %get3A_880 : vector<1x16xf32> to vector<16xf32>
      %mul3A_882 = arith.mulf %get3A_57, %get3A_881 : vector<16xf32>
      %add3A_883 = arith.addf %mul3A_877, %mul3A_882 : vector<16xf32>
      %swap3A_884 = arith.index_cast %scan3A_45 : i32 to index
      %swap3A_885 = arith.constant 816 : index
      %swap3A_886 = tpu.vector_load %arg8[%swap3A_884, %swap3A_885] {strides = array<i32>} : memref<32x1024xf32, #tpu.memory_space<vmem>>, vector<1x16xf32>,
      %swap3A_887 = vector.shape_cast %swap3A_886 : vector<1x16xf32> to vector<16xf32>
      %swap3A_888 = vector.shape_cast %add3A_883 : vector<16xf32> to vector<1x16xf32>
      tpu.vector_store %arg8[%swap3A_884, %swap3A_885], %swap3A_888 {strides = array<i32>} : memref<32x1024xf32, #tpu.memory_space<vmem>>, vector<1x16xf32>,
      %get3A_889 = arith.index_cast %scan3A_45 : i32 to index
      %get3A_890 = arith.constant 832 : index
      %get3A_891 = tpu.vector_load %arg8[%get3A_889, %get3A_890] {strides = array<i32>} : memref<32x1024xf32, #tpu.memory_space<vmem>>, vector<1x16xf32>,
      %get3A_892 = vector.shape_cast %get3A_891 : vector<1x16xf32> to vector<16xf32>
      %mul3A_893 = arith.mulf %get3A_51, %get3A_892 : vector<16xf32>
      %get3A_894 = arith.index_cast %scan3A_45 : i32 to index
      %get3A_895 = arith.constant 832 : index
      %get3A_896 = tpu.vector_load %arg9[%get3A_894, %get3A_895] {strides = array<i32>} : memref<32x1024xf32, #tpu.memory_space<vmem>>, vector<1x16xf32>,
      %get3A_897 = vector.shape_cast %get3A_896 : vector<1x16xf32> to vector<16xf32>
      %mul3A_898 = arith.mulf %get3A_57, %get3A_897 : vector<16xf32>
      %add3A_899 = arith.addf %mul3A_893, %mul3A_898 : vector<16xf32>
      %swap3A_900 = arith.index_cast %scan3A_45 : i32 to index
      %swap3A_901 = arith.constant 832 : index
      %swap3A_902 = tpu.vector_load %arg8[%swap3A_900, %swap3A_901] {strides = array<i32>} : memref<32x1024xf32, #tpu.memory_space<vmem>>, vector<1x16xf32>,
      %swap3A_903 = vector.shape_cast %swap3A_902 : vector<1x16xf32> to vector<16xf32>
      %swap3A_904 = vector.shape_cast %add3A_899 : vector<16xf32> to vector<1x16xf32>
      tpu.vector_store %arg8[%swap3A_900, %swap3A_901], %swap3A_904 {strides = array<i32>} : memref<32x1024xf32, #tpu.memory_space<vmem>>, vector<1x16xf32>,
      %get3A_905 = arith.index_cast %scan3A_45 : i32 to index
      %get3A_906 = arith.constant 848 : index
      %get3A_907 = tpu.vector_load %arg8[%get3A_905, %get3A_906] {strides = array<i32>} : memref<32x1024xf32, #tpu.memory_space<vmem>>, vector<1x16xf32>,
      %get3A_908 = vector.shape_cast %get3A_907 : vector<1x16xf32> to vector<16xf32>
      %mul3A_909 = arith.mulf %get3A_51, %get3A_908 : vector<16xf32>
      %get3A_910 = arith.index_cast %scan3A_45 : i32 to index
      %get3A_911 = arith.constant 848 : index
      %get3A_912 = tpu.vector_load %arg9[%get3A_910, %get3A_911] {strides = array<i32>} : memref<32x1024xf32, #tpu.memory_space<vmem>>, vector<1x16xf32>,
      %get3A_913 = vector.shape_cast %get3A_912 : vector<1x16xf32> to vector<16xf32>
      %mul3A_914 = arith.mulf %get3A_57, %get3A_913 : vector<16xf32>
      %add3A_915 = arith.addf %mul3A_909, %mul3A_914 : vector<16xf32>
      %swap3A_916 = arith.index_cast %scan3A_45 : i32 to index
      %swap3A_917 = arith.constant 848 : index
      %swap3A_918 = tpu.vector_load %arg8[%swap3A_916, %swap3A_917] {strides = array<i32>} : memref<32x1024xf32, #tpu.memory_space<vmem>>, vector<1x16xf32>,
      %swap3A_919 = vector.shape_cast %swap3A_918 : vector<1x16xf32> to vector<16xf32>
      %swap3A_920 = vector.shape_cast %add3A_915 : vector<16xf32> to vector<1x16xf32>
      tpu.vector_store %arg8[%swap3A_916, %swap3A_917], %swap3A_920 {strides = array<i32>} : memref<32x1024xf32, #tpu.memory_space<vmem>>, vector<1x16xf32>,
      %get3A_921 = arith.index_cast %scan3A_45 : i32 to index
      %get3A_922 = arith.constant 864 : index
      %get3A_923 = tpu.vector_load %arg8[%get3A_921, %get3A_922] {strides = array<i32>} : memref<32x1024xf32, #tpu.memory_space<vmem>>, vector<1x16xf32>,
      %get3A_924 = vector.shape_cast %get3A_923 : vector<1x16xf32> to vector<16xf32>
      %mul3A_925 = arith.mulf %get3A_51, %get3A_924 : vector<16xf32>
      %get3A_926 = arith.index_cast %scan3A_45 : i32 to index
      %get3A_927 = arith.constant 864 : index
      %get3A_928 = tpu.vector_load %arg9[%get3A_926, %get3A_927] {strides = array<i32>} : memref<32x1024xf32, #tpu.memory_space<vmem>>, vector<1x16xf32>,
      %get3A_929 = vector.shape_cast %get3A_928 : vector<1x16xf32> to vector<16xf32>
      %mul3A_930 = arith.mulf %get3A_57, %get3A_929 : vector<16xf32>
      %add3A_931 = arith.addf %mul3A_925, %mul3A_930 : vector<16xf32>
      %swap3A_932 = arith.index_cast %scan3A_45 : i32 to index
      %swap3A_933 = arith.constant 864 : index
      %swap3A_934 = tpu.vector_load %arg8[%swap3A_932, %swap3A_933] {strides = array<i32>} : memref<32x1024xf32, #tpu.memory_space<vmem>>, vector<1x16xf32>,
      %swap3A_935 = vector.shape_cast %swap3A_934 : vector<1x16xf32> to vector<16xf32>
      %swap3A_936 = vector.shape_cast %add3A_931 : vector<16xf32> to vector<1x16xf32>
      tpu.vector_store %arg8[%swap3A_932, %swap3A_933], %swap3A_936 {strides = array<i32>} : memref<32x1024xf32, #tpu.memory_space<vmem>>, vector<1x16xf32>,
      %get3A_937 = arith.index_cast %scan3A_45 : i32 to index
      %get3A_938 = arith.constant 880 : index
      %get3A_939 = tpu.vector_load %arg8[%get3A_937, %get3A_938] {strides = array<i32>} : memref<32x1024xf32, #tpu.memory_space<vmem>>, vector<1x16xf32>,
      %get3A_940 = vector.shape_cast %get3A_939 : vector<1x16xf32> to vector<16xf32>
      %mul3A_941 = arith.mulf %get3A_51, %get3A_940 : vector<16xf32>
      %get3A_942 = arith.index_cast %scan3A_45 : i32 to index
      %get3A_943 = arith.constant 880 : index
      %get3A_944 = tpu.vector_load %arg9[%get3A_942, %get3A_943] {strides = array<i32>} : memref<32x1024xf32, #tpu.memory_space<vmem>>, vector<1x16xf32>,
      %get3A_945 = vector.shape_cast %get3A_944 : vector<1x16xf32> to vector<16xf32>
      %mul3A_946 = arith.mulf %get3A_57, %get3A_945 : vector<16xf32>
      %add3A_947 = arith.addf %mul3A_941, %mul3A_946 : vector<16xf32>
      %swap3A_948 = arith.index_cast %scan3A_45 : i32 to index
      %swap3A_949 = arith.constant 880 : index
      %swap3A_950 = tpu.vector_load %arg8[%swap3A_948, %swap3A_949] {strides = array<i32>} : memref<32x1024xf32, #tpu.memory_space<vmem>>, vector<1x16xf32>,
      %swap3A_951 = vector.shape_cast %swap3A_950 : vector<1x16xf32> to vector<16xf32>
      %swap3A_952 = vector.shape_cast %add3A_947 : vector<16xf32> to vector<1x16xf32>
      tpu.vector_store %arg8[%swap3A_948, %swap3A_949], %swap3A_952 {strides = array<i32>} : memref<32x1024xf32, #tpu.memory_space<vmem>>, vector<1x16xf32>,
      %get3A_953 = arith.index_cast %scan3A_45 : i32 to index
      %get3A_954 = arith.constant 896 : index
      %get3A_955 = tpu.vector_load %arg8[%get3A_953, %get3A_954] {strides = array<i32>} : memref<32x1024xf32, #tpu.memory_space<vmem>>, vector<1x16xf32>,
      %get3A_956 = vector.shape_cast %get3A_955 : vector<1x16xf32> to vector<16xf32>
      %mul3A_957 = arith.mulf %get3A_51, %get3A_956 : vector<16xf32>
      %get3A_958 = arith.index_cast %scan3A_45 : i32 to index
      %get3A_959 = arith.constant 896 : index
      %get3A_960 = tpu.vector_load %arg9[%get3A_958, %get3A_959] {strides = array<i32>} : memref<32x1024xf32, #tpu.memory_space<vmem>>, vector<1x16xf32>,
      %get3A_961 = vector.shape_cast %get3A_960 : vector<1x16xf32> to vector<16xf32>
      %mul3A_962 = arith.mulf %get3A_57, %get3A_961 : vector<16xf32>
      %add3A_963 = arith.addf %mul3A_957, %mul3A_962 : vector<16xf32>
      %swap3A_964 = arith.index_cast %scan3A_45 : i32 to index
      %swap3A_965 = arith.constant 896 : index
      %swap3A_966 = tpu.vector_load %arg8[%swap3A_964, %swap3A_965] {strides = array<i32>} : memref<32x1024xf32, #tpu.memory_space<vmem>>, vector<1x16xf32>,
      %swap3A_967 = vector.shape_cast %swap3A_966 : vector<1x16xf32> to vector<16xf32>
      %swap3A_968 = vector.shape_cast %add3A_963 : vector<16xf32> to vector<1x16xf32>
      tpu.vector_store %arg8[%swap3A_964, %swap3A_965], %swap3A_968 {strides = array<i32>} : memref<32x1024xf32, #tpu.memory_space<vmem>>, vector<1x16xf32>,
      %get3A_969 = arith.index_cast %scan3A_45 : i32 to index
      %get3A_970 = arith.constant 912 : index
      %get3A_971 = tpu.vector_load %arg8[%get3A_969, %get3A_970] {strides = array<i32>} : memref<32x1024xf32, #tpu.memory_space<vmem>>, vector<1x16xf32>,
      %get3A_972 = vector.shape_cast %get3A_971 : vector<1x16xf32> to vector<16xf32>
      %mul3A_973 = arith.mulf %get3A_51, %get3A_972 : vector<16xf32>
      %get3A_974 = arith.index_cast %scan3A_45 : i32 to index
      %get3A_975 = arith.constant 912 : index
      %get3A_976 = tpu.vector_load %arg9[%get3A_974, %get3A_975] {strides = array<i32>} : memref<32x1024xf32, #tpu.memory_space<vmem>>, vector<1x16xf32>,
      %get3A_977 = vector.shape_cast %get3A_976 : vector<1x16xf32> to vector<16xf32>
      %mul3A_978 = arith.mulf %get3A_57, %get3A_977 : vector<16xf32>
      %add3A_979 = arith.addf %mul3A_973, %mul3A_978 : vector<16xf32>
      %swap3A_980 = arith.index_cast %scan3A_45 : i32 to index
      %swap3A_981 = arith.constant 912 : index
      %swap3A_982 = tpu.vector_load %arg8[%swap3A_980, %swap3A_981] {strides = array<i32>} : memref<32x1024xf32, #tpu.memory_space<vmem>>, vector<1x16xf32>,
      %swap3A_983 = vector.shape_cast %swap3A_982 : vector<1x16xf32> to vector<16xf32>
      %swap3A_984 = vector.shape_cast %add3A_979 : vector<16xf32> to vector<1x16xf32>
      tpu.vector_store %arg8[%swap3A_980, %swap3A_981], %swap3A_984 {strides = array<i32>} : memref<32x1024xf32, #tpu.memory_space<vmem>>, vector<1x16xf32>,
      %get3A_985 = arith.index_cast %scan3A_45 : i32 to index
      %get3A_986 = arith.constant 928 : index
      %get3A_987 = tpu.vector_load %arg8[%get3A_985, %get3A_986] {strides = array<i32>} : memref<32x1024xf32, #tpu.memory_space<vmem>>, vector<1x16xf32>,
      %get3A_988 = vector.shape_cast %get3A_987 : vector<1x16xf32> to vector<16xf32>
      %mul3A_989 = arith.mulf %get3A_51, %get3A_988 : vector<16xf32>
      %get3A_990 = arith.index_cast %scan3A_45 : i32 to index
      %get3A_991 = arith.constant 928 : index
      %get3A_992 = tpu.vector_load %arg9[%get3A_990, %get3A_991] {strides = array<i32>} : memref<32x1024xf32, #tpu.memory_space<vmem>>, vector<1x16xf32>,
      %get3A_993 = vector.shape_cast %get3A_992 : vector<1x16xf32> to vector<16xf32>
      %mul3A_994 = arith.mulf %get3A_57, %get3A_993 : vector<16xf32>
      %add3A_995 = arith.addf %mul3A_989, %mul3A_994 : vector<16xf32>
      %swap3A_996 = arith.index_cast %scan3A_45 : i32 to index
      %swap3A_997 = arith.constant 928 : index
      %swap3A_998 = tpu.vector_load %arg8[%swap3A_996, %swap3A_997] {strides = array<i32>} : memref<32x1024xf32, #tpu.memory_space<vmem>>, vector<1x16xf32>,
      %swap3A_999 = vector.shape_cast %swap3A_998 : vector<1x16xf32> to vector<16xf32>
      %swap3A_1000 = vector.shape_cast %add3A_995 : vector<16xf32> to vector<1x16xf32>
      tpu.vector_store %arg8[%swap3A_996, %swap3A_997], %swap3A_1000 {strides = array<i32>} : memref<32x1024xf32, #tpu.memory_space<vmem>>, vector<1x16xf32>,
      %get3A_1001 = arith.index_cast %scan3A_45 : i32 to index
      %get3A_1002 = arith.constant 944 : index
      %get3A_1003 = tpu.vector_load %arg8[%get3A_1001, %get3A_1002] {strides = array<i32>} : memref<32x1024xf32, #tpu.memory_space<vmem>>, vector<1x16xf32>,
      %get3A_1004 = vector.shape_cast %get3A_1003 : vector<1x16xf32> to vector<16xf32>
      %mul3A_1005 = arith.mulf %get3A_51, %get3A_1004 : vector<16xf32>
      %get3A_1006 = arith.index_cast %scan3A_45 : i32 to index
      %get3A_1007 = arith.constant 944 : index
      %get3A_1008 = tpu.vector_load %arg9[%get3A_1006, %get3A_1007] {strides = array<i32>} : memref<32x1024xf32, #tpu.memory_space<vmem>>, vector<1x16xf32>,
      %get3A_1009 = vector.shape_cast %get3A_1008 : vector<1x16xf32> to vector<16xf32>
      %mul3A_1010 = arith.mulf %get3A_57, %get3A_1009 : vector<16xf32>
      %add3A_1011 = arith.addf %mul3A_1005, %mul3A_1010 : vector<16xf32>
      %swap3A_1012 = arith.index_cast %scan3A_45 : i32 to index
      %swap3A_1013 = arith.constant 944 : index
      %swap3A_1014 = tpu.vector_load %arg8[%swap3A_1012, %swap3A_1013] {strides = array<i32>} : memref<32x1024xf32, #tpu.memory_space<vmem>>, vector<1x16xf32>,
      %swap3A_1015 = vector.shape_cast %swap3A_1014 : vector<1x16xf32> to vector<16xf32>
      %swap3A_1016 = vector.shape_cast %add3A_1011 : vector<16xf32> to vector<1x16xf32>
      tpu.vector_store %arg8[%swap3A_1012, %swap3A_1013], %swap3A_1016 {strides = array<i32>} : memref<32x1024xf32, #tpu.memory_space<vmem>>, vector<1x16xf32>,
      %get3A_1017 = arith.index_cast %scan3A_45 : i32 to index
      %get3A_1018 = arith.constant 960 : index
      %get3A_1019 = tpu.vector_load %arg8[%get3A_1017, %get3A_1018] {strides = array<i32>} : memref<32x1024xf32, #tpu.memory_space<vmem>>, vector<1x16xf32>,
      %get3A_1020 = vector.shape_cast %get3A_1019 : vector<1x16xf32> to vector<16xf32>
      %mul3A_1021 = arith.mulf %get3A_51, %get3A_1020 : vector<16xf32>
      %get3A_1022 = arith.index_cast %scan3A_45 : i32 to index
      %get3A_1023 = arith.constant 960 : index
      %get3A_1024 = tpu.vector_load %arg9[%get3A_1022, %get3A_1023] {strides = array<i32>} : memref<32x1024xf32, #tpu.memory_space<vmem>>, vector<1x16xf32>,
      %get3A_1025 = vector.shape_cast %get3A_1024 : vector<1x16xf32> to vector<16xf32>
      %mul3A_1026 = arith.mulf %get3A_57, %get3A_1025 : vector<16xf32>
      %add3A_1027 = arith.addf %mul3A_1021, %mul3A_1026 : vector<16xf32>
      %swap3A_1028 = arith.index_cast %scan3A_45 : i32 to index
      %swap3A_1029 = arith.constant 960 : index
      %swap3A_1030 = tpu.vector_load %arg8[%swap3A_1028, %swap3A_1029] {strides = array<i32>} : memref<32x1024xf32, #tpu.memory_space<vmem>>, vector<1x16xf32>,
      %swap3A_1031 = vector.shape_cast %swap3A_1030 : vector<1x16xf32> to vector<16xf32>
      %swap3A_1032 = vector.shape_cast %add3A_1027 : vector<16xf32> to vector<1x16xf32>
      tpu.vector_store %arg8[%swap3A_1028, %swap3A_1029], %swap3A_1032 {strides = array<i32>} : memref<32x1024xf32, #tpu.memory_space<vmem>>, vector<1x16xf32>,
      %get3A_1033 = arith.index_cast %scan3A_45 : i32 to index
      %get3A_1034 = arith.constant 976 : index
      %get3A_1035 = tpu.vector_load %arg8[%get3A_1033, %get3A_1034] {strides = array<i32>} : memref<32x1024xf32, #tpu.memory_space<vmem>>, vector<1x16xf32>,
      %get3A_1036 = vector.shape_cast %get3A_1035 : vector<1x16xf32> to vector<16xf32>
      %mul3A_1037 = arith.mulf %get3A_51, %get3A_1036 : vector<16xf32>
      %get3A_1038 = arith.index_cast %scan3A_45 : i32 to index
      %get3A_1039 = arith.constant 976 : index
      %get3A_1040 = tpu.vector_load %arg9[%get3A_1038, %get3A_1039] {strides = array<i32>} : memref<32x1024xf32, #tpu.memory_space<vmem>>, vector<1x16xf32>,
      %get3A_1041 = vector.shape_cast %get3A_1040 : vector<1x16xf32> to vector<16xf32>
      %mul3A_1042 = arith.mulf %get3A_57, %get3A_1041 : vector<16xf32>
      %add3A_1043 = arith.addf %mul3A_1037, %mul3A_1042 : vector<16xf32>
      %swap3A_1044 = arith.index_cast %scan3A_45 : i32 to index
      %swap3A_1045 = arith.constant 976 : index
      %swap3A_1046 = tpu.vector_load %arg8[%swap3A_1044, %swap3A_1045] {strides = array<i32>} : memref<32x1024xf32, #tpu.memory_space<vmem>>, vector<1x16xf32>,
      %swap3A_1047 = vector.shape_cast %swap3A_1046 : vector<1x16xf32> to vector<16xf32>
      %swap3A_1048 = vector.shape_cast %add3A_1043 : vector<16xf32> to vector<1x16xf32>
      tpu.vector_store %arg8[%swap3A_1044, %swap3A_1045], %swap3A_1048 {strides = array<i32>} : memref<32x1024xf32, #tpu.memory_space<vmem>>, vector<1x16xf32>,
      %get3A_1049 = arith.index_cast %scan3A_45 : i32 to index
      %get3A_1050 = arith.constant 992 : index
      %get3A_1051 = tpu.vector_load %arg8[%get3A_1049, %get3A_1050] {strides = array<i32>} : memref<32x1024xf32, #tpu.memory_space<vmem>>, vector<1x16xf32>,
      %get3A_1052 = vector.shape_cast %get3A_1051 : vector<1x16xf32> to vector<16xf32>
      %mul3A_1053 = arith.mulf %get3A_51, %get3A_1052 : vector<16xf32>
      %get3A_1054 = arith.index_cast %scan3A_45 : i32 to index
      %get3A_1055 = arith.constant 992 : index
      %get3A_1056 = tpu.vector_load %arg9[%get3A_1054, %get3A_1055] {strides = array<i32>} : memref<32x1024xf32, #tpu.memory_space<vmem>>, vector<1x16xf32>,
      %get3A_1057 = vector.shape_cast %get3A_1056 : vector<1x16xf32> to vector<16xf32>
      %mul3A_1058 = arith.mulf %get3A_57, %get3A_1057 : vector<16xf32>
      %add3A_1059 = arith.addf %mul3A_1053, %mul3A_1058 : vector<16xf32>
      %swap3A_1060 = arith.index_cast %scan3A_45 : i32 to index
      %swap3A_1061 = arith.constant 992 : index
      %swap3A_1062 = tpu.vector_load %arg8[%swap3A_1060, %swap3A_1061] {strides = array<i32>} : memref<32x1024xf32, #tpu.memory_space<vmem>>, vector<1x16xf32>,
      %swap3A_1063 = vector.shape_cast %swap3A_1062 : vector<1x16xf32> to vector<16xf32>
      %swap3A_1064 = vector.shape_cast %add3A_1059 : vector<16xf32> to vector<1x16xf32>
      tpu.vector_store %arg8[%swap3A_1060, %swap3A_1061], %swap3A_1064 {strides = array<i32>} : memref<32x1024xf32, #tpu.memory_space<vmem>>, vector<1x16xf32>,
      %get3A_1065 = arith.index_cast %scan3A_45 : i32 to index
      %get3A_1066 = arith.constant 1008 : index
      %get3A_1067 = tpu.vector_load %arg8[%get3A_1065, %get3A_1066] {strides = array<i32>} : memref<32x1024xf32, #tpu.memory_space<vmem>>, vector<1x16xf32>,
      %get3A_1068 = vector.shape_cast %get3A_1067 : vector<1x16xf32> to vector<16xf32>
      %mul3A_1069 = arith.mulf %get3A_51, %get3A_1068 : vector<16xf32>
      %get3A_1070 = arith.index_cast %scan3A_45 : i32 to index
      %get3A_1071 = arith.constant 1008 : index
      %get3A_1072 = tpu.vector_load %arg9[%get3A_1070, %get3A_1071] {strides = array<i32>} : memref<32x1024xf32, #tpu.memory_space<vmem>>, vector<1x16xf32>,
      %get3A_1073 = vector.shape_cast %get3A_1072 : vector<1x16xf32> to vector<16xf32>
      %mul3A_1074 = arith.mulf %get3A_57, %get3A_1073 : vector<16xf32>
      %add3A_1075 = arith.addf %mul3A_1069, %mul3A_1074 : vector<16xf32>
      %swap3A_1076 = arith.index_cast %scan3A_45 : i32 to index
      %swap3A_1077 = arith.constant 1008 : index
      %swap3A_1078 = tpu.vector_load %arg8[%swap3A_1076, %swap3A_1077] {strides = array<i32>} : memref<32x1024xf32, #tpu.memory_space<vmem>>, vector<1x16xf32>,
      %swap3A_1079 = vector.shape_cast %swap3A_1078 : vector<1x16xf32> to vector<16xf32>
      %swap3A_1080 = vector.shape_cast %add3A_1075 : vector<16xf32> to vector<1x16xf32>
      tpu.vector_store %arg8[%swap3A_1076, %swap3A_1077], %swap3A_1080 {strides = array<i32>} : memref<32x1024xf32, #tpu.memory_space<vmem>>, vector<1x16xf32>,
      %scan3A_1081 = arith.constant 0 : i32
      scf.yield %scan3A_1081 : i32
    }
    %scan3A_42 = arith.constant 32 : i32
    %add3A_43 = arith.constant 32 : i32
    %add3A_44 = arith.addi %mul3A_2, %add3A_43 : i32
    "tpu.region"() ({
      %run_scoped3A_45 = tpu.sem_alloc : memref<!tpu.dma_semaphore, #tpu.memory_space<semaphore_mem>>
      %dma_start3A_46 = arith.constant 0 : i32
      %dma_start3A_47 = tpu.memref_slice %arg7[%add3A_44, %dma_start3A_46] : memref<2048x1024xf32, #tpu.memory_space<hbm>> -> memref<32x1024xf32, #tpu.memory_space<hbm>>
      %dma_start3A_48 = arith.constant 0 : i32
      %dma_start3A_49 = tpu.memref_slice %arg7[%add3A_44, %dma_start3A_48] : memref<2048x1024xf32, #tpu.memory_space<hbm>> -> memref<32x1024xf32, #tpu.memory_space<hbm>>
      tpu.enqueue_dma source(%arg8 : memref<32x1024xf32, #tpu.memory_space<vmem>>) target(%dma_start3A_49 : memref<32x1024xf32, #tpu.memory_space<hbm>>) target_semaphore(%run_scoped3A_45 : memref<!tpu.dma_semaphore, #tpu.memory_space<semaphore_mem>>)
      %dma_wait3A_50 = arith.constant 0 : i32
      %dma_wait3A_51 = tpu.memref_slice %arg7[%add3A_44, %dma_wait3A_50] : memref<2048x1024xf32, #tpu.memory_space<hbm>> -> memref<32x1024xf32, #tpu.memory_space<hbm>>
      %dma_wait3A_52 = arith.constant 0 : i32
      %dma_wait3A_53 = tpu.memref_slice %arg7[%add3A_44, %dma_wait3A_52] : memref<2048x1024xf32, #tpu.memory_space<hbm>> -> memref<32x1024xf32, #tpu.memory_space<hbm>>
      tpu.wait_dma2 semaphore(%run_scoped3A_45 : memref<!tpu.dma_semaphore, #tpu.memory_space<semaphore_mem>>) src(%arg8 : memref<32x1024xf32, #tpu.memory_space<vmem>>) dst(%dma_wait3A_53 : memref<32x1024xf32, #tpu.memory_space<hbm>>)
      tpu.yield
    }) : () -> ()
    return
  }
}

module attributes {stable_mosaic.version = 14 : i64} {
  func.func @_router_body(%arg0: memref<2048x1024xf32, #tpu.memory_space<vmem>>, %arg1: memref<1024x8xf32, #tpu.memory_space<vmem>>, %arg2: memref<1x8xf32, #tpu.memory_space<vmem>>, %arg3: memref<2048x8xf32, #tpu.memory_space<vmem>>, %arg4: memref<2048x2xi32, #tpu.memory_space<vmem>>, %arg5: memref<2048x2xf32, #tpu.memory_space<vmem>>) attributes {dimension_semantics = [], scalar_prefetch = 0 : i64, scratch_operands = 0 : i64, tpu.core_type = #tpu.core_type<tc>} {
    %get3A = arith.constant 0 : index
    %get3A_0 = arith.constant 0 : index
    %get3A_1 = vector.load %arg0[%get3A, %get3A_0] : memref<2048x1024xf32, #tpu.memory_space<vmem>>, vector<2048x1024xf32>
    %get3A_2 = arith.constant 0 : index
    %get3A_3 = arith.constant 0 : index
    %get3A_4 = vector.load %arg1[%get3A_2, %get3A_3] : memref<1024x8xf32, #tpu.memory_space<vmem>>, vector<1024x8xf32>
    %dot_general3A = arith.constant dense<0.000000e+00> : vector<2048x8xf32>
    %dot_general3A_5 = tpu.matmul %get3A_1, %get3A_4, %dot_general3A {dimension_numbers = #tpu.dot_dimension_numbers<[1], [0], [0], [1], [0, 0, 1, 1], [], []>, transpose_lhs_hint = false} : vector<2048x1024xf32>, vector<1024x8xf32>, vector<2048x8xf32> -> vector<2048x8xf32>
    %get3A_6 = arith.constant 0 : index
    %get3A_7 = arith.constant 0 : index
    %get3A_8 = vector.load %arg2[%get3A_6, %get3A_7] : memref<1x8xf32, #tpu.memory_space<vmem>>, vector<1x8xf32>
    %add3A = vector.broadcast %get3A_8 : vector<1x8xf32> to vector<2048x8xf32>
    %add3A_9 = arith.addf %dot_general3A_5, %add3A : vector<2048x8xf32>
    %swap3A = arith.constant 0 : index
    %swap3A_10 = arith.constant 0 : index
    %swap3A_11 = vector.load %arg3[%swap3A, %swap3A_10] : memref<2048x8xf32, #tpu.memory_space<vmem>>, vector<2048x8xf32>
    tpu.vector_store %arg3[%swap3A, %swap3A_10], %add3A_9 {strides = array<i32>} : memref<2048x8xf32, #tpu.memory_space<vmem>>, vector<2048x8xf32>,
    %reduce_max3A = arith.constant dense<0xFF800000> : vector<2048xf32>
    %reduce_max3A_12 = vector.multi_reduction <maximumf>, %add3A_9, %reduce_max3A [1] : vector<2048x8xf32> to vector<2048xf32>
    %broadcast_in_dim3A = vector.shape_cast %reduce_max3A_12 : vector<2048xf32> to vector<2048x1xf32>
    %sub3A = vector.broadcast %broadcast_in_dim3A : vector<2048x1xf32> to vector<2048x8xf32>
    %sub3A_13 = arith.subf %add3A_9, %sub3A : vector<2048x8xf32>
    %exp3A = math.exp %sub3A_13 : vector<2048x8xf32>
    %reduce_sum3A = arith.constant dense<0.000000e+00> : vector<2048xf32>
    %reduce_sum3A_14 = vector.multi_reduction <add>, %exp3A, %reduce_sum3A [1] : vector<2048x8xf32> to vector<2048xf32>
    %broadcast_in_dim3A_15 = vector.shape_cast %reduce_sum3A_14 : vector<2048xf32> to vector<2048x1xf32>
    %div3A = vector.broadcast %broadcast_in_dim3A_15 : vector<2048x1xf32> to vector<2048x8xf32>
    %div3A_16 = arith.divf %exp3A, %div3A : vector<2048x8xf32>
    %iota3A = tpu.iota {dimensions = array<i32: 1>} : vector<2048x8xi32>
    %reduce_max3A_17 = arith.constant dense<0xFF800000> : vector<2048xf32>
    %reduce_max3A_18 = vector.multi_reduction <maximumf>, %div3A_16, %reduce_max3A_17 [1] : vector<2048x8xf32> to vector<2048xf32>
    %broadcast_in_dim3A_19 = vector.shape_cast %reduce_max3A_18 : vector<2048xf32> to vector<2048x1xf32>
    %eq3A = vector.broadcast %broadcast_in_dim3A_19 : vector<2048x1xf32> to vector<2048x8xf32>
    %eq3A_20 = arith.cmpf oeq, %div3A_16, %eq3A : vector<2048x8xf32>
    %jit3A = arith.constant 8 : i32
    %broadcast_in_dim3A_21 = vector.broadcast %jit3A : i32 to vector<2048x8xi32>
    %select_n3A = arith.select %eq3A_20, %iota3A, %broadcast_in_dim3A_21 : vector<2048x8xi1>, vector<2048x8xi32>
    %reduce_min3A = arith.constant dense<2147483647> : vector<2048xi32>
    %reduce_min3A_22 = vector.multi_reduction <minsi>, %select_n3A, %reduce_min3A [1] : vector<2048x8xi32> to vector<2048xi32>
    %broadcast_in_dim3A_23 = vector.shape_cast %reduce_min3A_22 : vector<2048xi32> to vector<2048x1xi32>
    %eq3A_24 = vector.broadcast %broadcast_in_dim3A_23 : vector<2048x1xi32> to vector<2048x8xi32>
    %eq3A_25 = arith.cmpi eq, %iota3A, %eq3A_24 : vector<2048x8xi32>
    %jit3A_26 = arith.constant -1.000000e+00 : f32
    %broadcast_in_dim3A_27 = vector.broadcast %jit3A_26 : f32 to vector<2048x8xf32>
    %select_n3A_28 = arith.select %eq3A_25, %broadcast_in_dim3A_27, %div3A_16 : vector<2048x8xi1>, vector<2048x8xf32>
    %reduce_max3A_29 = arith.constant dense<0xFF800000> : vector<2048xf32>
    %reduce_max3A_30 = vector.multi_reduction <maximumf>, %select_n3A_28, %reduce_max3A_29 [1] : vector<2048x8xf32> to vector<2048xf32>
    %broadcast_in_dim3A_31 = vector.shape_cast %reduce_max3A_30 : vector<2048xf32> to vector<2048x1xf32>
    %eq3A_32 = vector.broadcast %broadcast_in_dim3A_31 : vector<2048x1xf32> to vector<2048x8xf32>
    %eq3A_33 = arith.cmpf oeq, %select_n3A_28, %eq3A_32 : vector<2048x8xf32>
    %jit3A_34 = arith.constant 8 : i32
    %broadcast_in_dim3A_35 = vector.broadcast %jit3A_34 : i32 to vector<2048x8xi32>
    %select_n3A_36 = arith.select %eq3A_33, %iota3A, %broadcast_in_dim3A_35 : vector<2048x8xi1>, vector<2048x8xi32>
    %reduce_min3A_37 = arith.constant dense<2147483647> : vector<2048xi32>
    %reduce_min3A_38 = vector.multi_reduction <minsi>, %select_n3A_36, %reduce_min3A_37 [1] : vector<2048x8xi32> to vector<2048xi32>
    %broadcast_in_dim3A_39 = vector.shape_cast %reduce_min3A_38 : vector<2048xi32> to vector<2048x1xi32>
    %add3A_40 = arith.addf %broadcast_in_dim3A_19, %broadcast_in_dim3A_31 : vector<2048x1xf32>
    %div3A_41 = arith.divf %broadcast_in_dim3A_19, %add3A_40 : vector<2048x1xf32>
    %div3A_42 = arith.divf %broadcast_in_dim3A_31, %add3A_40 : vector<2048x1xf32>
    %concatenate3A = tpu.concatenate %div3A_41, %div3A_42 in 1 : vector<2048x1xf32>, vector<2048x1xf32> -> vector<2048x2xf32>
    %swap3A_43 = arith.constant 0 : index
    %swap3A_44 = arith.constant 0 : index
    %swap3A_45 = vector.load %arg5[%swap3A_43, %swap3A_44] : memref<2048x2xf32, #tpu.memory_space<vmem>>, vector<2048x2xf32>
    tpu.vector_store %arg5[%swap3A_43, %swap3A_44], %concatenate3A {strides = array<i32>} : memref<2048x2xf32, #tpu.memory_space<vmem>>, vector<2048x2xf32>,
    %concatenate3A_46 = tpu.concatenate %broadcast_in_dim3A_23, %broadcast_in_dim3A_39 in 1 : vector<2048x1xi32>, vector<2048x1xi32> -> vector<2048x2xi32>
    %swap3A_47 = arith.constant 0 : index
    %swap3A_48 = arith.constant 0 : index
    %swap3A_49 = vector.load %arg4[%swap3A_47, %swap3A_48] : memref<2048x2xi32, #tpu.memory_space<vmem>>, vector<2048x2xi32>
    tpu.vector_store %arg4[%swap3A_47, %swap3A_48], %concatenate3A_46 {strides = array<i32>} : memref<2048x2xi32, #tpu.memory_space<vmem>>, vector<2048x2xi32>,
    return
  }
}

module attributes {stable_mosaic.version = 14 : i64} {
  func.func @_mlp_body(%arg0: i32, %arg1: memref<23xi32, #tpu.memory_space<smem>>, %arg2: memref<256x1024xf32, #tpu.memory_space<vmem>>, %arg3: memref<1x1024x1024xf32, #tpu.memory_space<vmem>>, %arg4: memref<1x1x1024xf32, #tpu.memory_space<vmem>>, %arg5: memref<1x1024x2730xf32, #tpu.memory_space<vmem>>, %arg6: memref<1x1x2730xf32, #tpu.memory_space<vmem>>, %arg7: memref<1x2730x1024xf32, #tpu.memory_space<vmem>>, %arg8: memref<1x1x1024xf32, #tpu.memory_space<vmem>>, %arg9: memref<256x1024xf32, #tpu.memory_space<vmem>>) attributes {dimension_semantics = [#tpu.dimension_semantics<arbitrary>], iteration_bounds = array<i64: 23>, scalar_prefetch = 1 : i64, scratch_operands = 0 : i64, tpu.core_type = #tpu.core_type<tc>, window_params = [{transform_indices = @transform_0, window_bounds = array<i64: 256, 1024>}, {transform_indices = @transform_1, window_bounds = array<i64: 1, 1024, 1024>}, {transform_indices = @transform_2, window_bounds = array<i64: 1, 1, 1024>}, {transform_indices = @transform_3, window_bounds = array<i64: 1, 1024, 2730>}, {transform_indices = @transform_4, window_bounds = array<i64: 1, 1, 2730>}, {transform_indices = @transform_5, window_bounds = array<i64: 1, 2730, 1024>}, {transform_indices = @transform_6, window_bounds = array<i64: 1, 1, 1024>}, {transform_indices = @transform_7, window_bounds = array<i64: 256, 1024>}]} {
    %get3A = arith.constant 0 : index
    %get3A_0 = arith.constant 0 : index
    %get3A_1 = vector.load %arg2[%get3A, %get3A_0] : memref<256x1024xf32, #tpu.memory_space<vmem>>, vector<256x1024xf32>
    %convert_element_type3A = arith.truncf %get3A_1 : vector<256x1024xf32> to vector<256x1024xbf16>
    %get3A_2 = arith.constant 0 : index
    %get3A_3 = arith.constant 0 : index
    %get3A_4 = arith.constant 0 : index
    %get3A_5 = vector.load %arg3[%get3A_2, %get3A_3, %get3A_4] : memref<1x1024x1024xf32, #tpu.memory_space<vmem>>, vector<1x1024x1024xf32>
    %get3A_6 = vector.shape_cast %get3A_5 : vector<1x1024x1024xf32> to vector<1024x1024xf32>
    %convert_element_type3A_7 = arith.truncf %get3A_6 : vector<1024x1024xf32> to vector<1024x1024xbf16>
    %dot_general3A = arith.constant dense<0.000000e+00> : vector<256x1024xf32>
    %dot_general3A_8 = tpu.matmul %convert_element_type3A, %convert_element_type3A_7, %dot_general3A {dimension_numbers = #tpu.dot_dimension_numbers<[1], [0], [0], [1], [0, 0, 1, 1], [], []>, transpose_lhs_hint = false} : vector<256x1024xbf16>, vector<1024x1024xbf16>, vector<256x1024xf32> -> vector<256x1024xf32>
    %get3A_9 = arith.constant 0 : index
    %get3A_10 = arith.constant 0 : index
    %get3A_11 = arith.constant 0 : index
    %get3A_12 = vector.load %arg4[%get3A_9, %get3A_10, %get3A_11] : memref<1x1x1024xf32, #tpu.memory_space<vmem>>, vector<1x1x1024xf32>
    %get3A_13 = vector.shape_cast %get3A_12 : vector<1x1x1024xf32> to vector<1x1024xf32>
    %add3A = vector.broadcast %get3A_13 : vector<1x1024xf32> to vector<256x1024xf32>
    %add3A_14 = arith.addf %dot_general3A_8, %add3A : vector<256x1024xf32>
    %convert_element_type3A_15 = arith.truncf %add3A_14 : vector<256x1024xf32> to vector<256x1024xbf16>
    %get3A_16 = arith.constant 0 : index
    %get3A_17 = arith.constant 0 : index
    %get3A_18 = arith.constant 0 : index
    %get3A_19 = vector.load %arg5[%get3A_16, %get3A_17, %get3A_18] : memref<1x1024x2730xf32, #tpu.memory_space<vmem>>, vector<1x1024x2730xf32>
    %get3A_20 = vector.shape_cast %get3A_19 : vector<1x1024x2730xf32> to vector<1024x2730xf32>
    %convert_element_type3A_21 = arith.truncf %get3A_20 : vector<1024x2730xf32> to vector<1024x2730xbf16>
    %dot_general3A_22 = arith.constant dense<0.000000e+00> : vector<256x2730xf32>
    %dot_general3A_23 = tpu.matmul %convert_element_type3A_15, %convert_element_type3A_21, %dot_general3A_22 {dimension_numbers = #tpu.dot_dimension_numbers<[1], [0], [0], [1], [0, 0, 1, 1], [], []>, transpose_lhs_hint = false} : vector<256x1024xbf16>, vector<1024x2730xbf16>, vector<256x2730xf32> -> vector<256x2730xf32>
    %get3A_24 = arith.constant 0 : index
    %get3A_25 = arith.constant 0 : index
    %get3A_26 = arith.constant 0 : index
    %get3A_27 = vector.load %arg6[%get3A_24, %get3A_25, %get3A_26] : memref<1x1x2730xf32, #tpu.memory_space<vmem>>, vector<1x1x2730xf32>
    %get3A_28 = vector.shape_cast %get3A_27 : vector<1x1x2730xf32> to vector<1x2730xf32>
    %add3A_29 = vector.broadcast %get3A_28 : vector<1x2730xf32> to vector<256x2730xf32>
    %add3A_30 = arith.addf %dot_general3A_23, %add3A_29 : vector<256x2730xf32>
    %logistic3A = arith.negf %add3A_30 : vector<256x2730xf32>
    %logistic3A_31 = math.exp %logistic3A : vector<256x2730xf32>
    %logistic3A_32 = arith.constant 1.000000e+00 : f32
    %logistic3A_33 = vector.broadcast %logistic3A_32 : f32 to vector<256x2730xf32>
    %logistic3A_34 = arith.addf %logistic3A_33, %logistic3A_31 : vector<256x2730xf32>
    %logistic3A_35 = arith.divf %logistic3A_33, %logistic3A_34 : vector<256x2730xf32>
    %mul3A = arith.mulf %add3A_30, %logistic3A_35 : vector<256x2730xf32>
    %convert_element_type3A_36 = arith.truncf %mul3A : vector<256x2730xf32> to vector<256x2730xbf16>
    %get3A_37 = arith.constant 0 : index
    %get3A_38 = arith.constant 0 : index
    %get3A_39 = arith.constant 0 : index
    %get3A_40 = vector.load %arg7[%get3A_37, %get3A_38, %get3A_39] : memref<1x2730x1024xf32, #tpu.memory_space<vmem>>, vector<1x2730x1024xf32>
    %get3A_41 = vector.shape_cast %get3A_40 : vector<1x2730x1024xf32> to vector<2730x1024xf32>
    %convert_element_type3A_42 = arith.truncf %get3A_41 : vector<2730x1024xf32> to vector<2730x1024xbf16>
    %dot_general3A_43 = arith.constant dense<0.000000e+00> : vector<256x1024xf32>
    %dot_general3A_44 = tpu.matmul %convert_element_type3A_36, %convert_element_type3A_42, %dot_general3A_43 {dimension_numbers = #tpu.dot_dimension_numbers<[1], [0], [0], [1], [0, 0, 1, 1], [], []>, transpose_lhs_hint = false} : vector<256x2730xbf16>, vector<2730x1024xbf16>, vector<256x1024xf32> -> vector<256x1024xf32>
    %get3A_45 = arith.constant 0 : index
    %get3A_46 = arith.constant 0 : index
    %get3A_47 = arith.constant 0 : index
    %get3A_48 = vector.load %arg8[%get3A_45, %get3A_46, %get3A_47] : memref<1x1x1024xf32, #tpu.memory_space<vmem>>, vector<1x1x1024xf32>
    %get3A_49 = vector.shape_cast %get3A_48 : vector<1x1x1024xf32> to vector<1x1024xf32>
    %add3A_50 = vector.broadcast %get3A_49 : vector<1x1024xf32> to vector<256x1024xf32>
    %add3A_51 = arith.addf %dot_general3A_44, %add3A_50 : vector<256x1024xf32>
    %swap3A = arith.constant 0 : index
    %swap3A_52 = arith.constant 0 : index
    %swap3A_53 = vector.load %arg9[%swap3A, %swap3A_52] : memref<256x1024xf32, #tpu.memory_space<vmem>>, vector<256x1024xf32>
    tpu.vector_store %arg9[%swap3A, %swap3A_52], %add3A_51 {strides = array<i32>} : memref<256x1024xf32, #tpu.memory_space<vmem>>, vector<256x1024xf32>,
    return
  }
  func.func @transform_0(%arg0: i32, %arg1: memref<23xi32, #tpu.memory_space<smem>>) -> (i32, i32) {
    %c0_i32 = arith.constant 0 : i32
    %c0_i32_0 = arith.constant 0 : i32
    return %arg0, %c0_i32 : i32, i32
  }
  func.func @transform_1(%arg0: i32, %arg1: memref<23xi32, #tpu.memory_space<smem>>) -> (i32, i32, i32) {
    %get3A = arith.index_cast %arg0 : i32 to index
    %get3A_0 = memref.load %arg1[%get3A] : memref<23xi32, #tpu.memory_space<smem>>
    %c0_i32 = arith.constant 0 : i32
    %c0_i32_1 = arith.constant 0 : i32
    %c0_i32_2 = arith.constant 0 : i32
    return %get3A_0, %c0_i32, %c0_i32_1 : i32, i32, i32
  }
  func.func @transform_2(%arg0: i32, %arg1: memref<23xi32, #tpu.memory_space<smem>>) -> (i32, i32, i32) {
    %get3A = arith.index_cast %arg0 : i32 to index
    %get3A_0 = memref.load %arg1[%get3A] : memref<23xi32, #tpu.memory_space<smem>>
    %c0_i32 = arith.constant 0 : i32
    %c0_i32_1 = arith.constant 0 : i32
    %c0_i32_2 = arith.constant 0 : i32
    return %get3A_0, %c0_i32, %c0_i32_1 : i32, i32, i32
  }
  func.func @transform_3(%arg0: i32, %arg1: memref<23xi32, #tpu.memory_space<smem>>) -> (i32, i32, i32) {
    %get3A = arith.index_cast %arg0 : i32 to index
    %get3A_0 = memref.load %arg1[%get3A] : memref<23xi32, #tpu.memory_space<smem>>
    %c0_i32 = arith.constant 0 : i32
    %c0_i32_1 = arith.constant 0 : i32
    %c0_i32_2 = arith.constant 0 : i32
    return %get3A_0, %c0_i32, %c0_i32_1 : i32, i32, i32
  }
  func.func @transform_4(%arg0: i32, %arg1: memref<23xi32, #tpu.memory_space<smem>>) -> (i32, i32, i32) {
    %get3A = arith.index_cast %arg0 : i32 to index
    %get3A_0 = memref.load %arg1[%get3A] : memref<23xi32, #tpu.memory_space<smem>>
    %c0_i32 = arith.constant 0 : i32
    %c0_i32_1 = arith.constant 0 : i32
    %c0_i32_2 = arith.constant 0 : i32
    return %get3A_0, %c0_i32, %c0_i32_1 : i32, i32, i32
  }
  func.func @transform_5(%arg0: i32, %arg1: memref<23xi32, #tpu.memory_space<smem>>) -> (i32, i32, i32) {
    %get3A = arith.index_cast %arg0 : i32 to index
    %get3A_0 = memref.load %arg1[%get3A] : memref<23xi32, #tpu.memory_space<smem>>
    %c0_i32 = arith.constant 0 : i32
    %c0_i32_1 = arith.constant 0 : i32
    %c0_i32_2 = arith.constant 0 : i32
    return %get3A_0, %c0_i32, %c0_i32_1 : i32, i32, i32
  }
  func.func @transform_6(%arg0: i32, %arg1: memref<23xi32, #tpu.memory_space<smem>>) -> (i32, i32, i32) {
    %get3A = arith.index_cast %arg0 : i32 to index
    %get3A_0 = memref.load %arg1[%get3A] : memref<23xi32, #tpu.memory_space<smem>>
    %c0_i32 = arith.constant 0 : i32
    %c0_i32_1 = arith.constant 0 : i32
    %c0_i32_2 = arith.constant 0 : i32
    return %get3A_0, %c0_i32, %c0_i32_1 : i32, i32, i32
  }
  func.func @transform_7(%arg0: i32, %arg1: memref<23xi32, #tpu.memory_space<smem>>) -> (i32, i32) {
    %c0_i32 = arith.constant 0 : i32
    %c0_i32_0 = arith.constant 0 : i32
    return %arg0, %c0_i32 : i32, i32
  }
}

</mosaic_0001>

<sc_bundles>
// kernel: kernel.6.cloned.1.call-start
scs
__scs_entry_jumppad:
0x0: {  	(pc) =	sbr.rel $0x88, $3  }
0x1: {  	(tag) =	ssettag $0x0;
	lr =	simm.s32 $0x1  }
0x2: {  	[smem:$0x3F98] =	sst lr;
	_ =	strace $0xD0000000  }
0x3: {  	_ = 	snop  }
0x4: {  	_ = 	snop  }
0x5: {  	_ = 	snop  }
0x6: {  	_ = 	snop  }
0x7: {  	_ = 	snop  }
__scs_overlays_trampoline_lowered:
0x8: {  	[smem:$0x3FA7] =	sst s0  }
0x9: {  	[smem:$0x3FA8] =	sst s1  }
0xa: {  	[smem:$0x3FA9] =	sst s2  }
0xb: {  	[smem:$0x3FAA] =	sst s3  }
0xc: {  	[smem:$0x3FAB] =	sst s4  }
0xd: {  	[smem:$0x3FAC] =	sst s5  }
0xe: {  	[smem:$0x3FAD] =	sst s6  }
0xf: {  	[smem:$0x3FAE] =	sst s7  }
0x10: {  	[smem:$0x3FAF] =	sst s8  }
0x11: {  	[smem:$0x3FB0] =	sst s9;
	s0 =	simm.s32 @!p0 $0x0  }
0x12: {  	s1 =	sld [smem:$0x3F96];
	s0 =	simm.s32 @p0 $0x1  }
0x13: {  	[smem:$0x3FB1] =	sst s0;
	s0 =	simm.s32 @!p1 $0x0  }
0x14: {  	s2 =	sld [smem:$0x3F95];
	s0 =	simm.s32 @p1 $0x1  }
0x15: {  	[smem:$0x3FB2] =	sst s0;
	s0 =	simm.s32 @!p2 $0x0  }
0x16: {  	s3 =	sld [smem:$0x3FDB];
	s0 =	simm.s32 @p2 $0x1  }
0x17: {  	s4 =	simm.s32 $0x1BF5;
	[smem:$0x3FB4] =	sst s0  }
0x18: {  	s0 =	sld [smem:$0x3F97];
	_ =	swait.ge [sflag:s4], $0x0  }
0x19: {  	s7 =	sld [smem:$0x3F98]  }
0x1a: {  	s8 =	sadd.s32 $0xFFFFE003, lr  }
0x1b: {  	s9 =	sadd.s32 $0xFFFFFEF7, lr;
	s5 =	simm.s32 $0xFFFFFFFF;
	p2 =	slt.u32 s8, $0xFFFFF086  }
0x1c: {  	p1 =	slt.u32 s9, $0xF7A;
	s5 =	simm.s32 @!p2 $0x0  }
0x1d: {  	s5 =	simm.s32 @p1 $0x1;
	p0 =	seq.s32 s7, s2  }
0x1e: {  	s7 =	smul.u32 @!p0 $0xF7A, s2;
	p2 =	seq.s32 @!p0 s5, $0x0  }
0x1f: {  	s9 =	smul.u32 $0xF7A, s1;
	s8 =	simm.s32 @!p0 $0x1BF5;
	p2 =	por !p2, p0  }
0x20: {  	[sflag:s8] =	ssyncset.s32 @!p0 $0xFFFFF086;
	s6 =	sadd.s32 @!p0 s3, s7;
	s7 =	simm.s32 @!p0 $0x108  }
0x21: {  	s3 =	sadd.s32 s3, s9;
	s6 =	sadd.s32 @!p0 $0x88, s6;
	s7 =	simm.s32 @p2 $0x1082  }
0x22: {  	[simem:s7], [sflag:s8] =	dma.local @!p0 [hbm:s6], $0xF7A  }
0x23: {  	s9 =	sor.u32 $0xD0000000, s2;
	s6 =	simm.s32 $0x108;
	_ =	swait.ge @!p0 [sflag:s8], $0x0  }
0x24: {  	s3 =	sadd.s32 $0x88, s3;
	s6 =	simm.s32 @!p1 $0x1082;
	[sflag:s4] =	ssyncset.s32 $0xFFFFF086  }
0x25: {  	[simem:s6], [sflag:s4] =	dma.local [hbm:s3], $0xF7A  }
0x26: {  	[smem:$0x3F98] =	sst s1;
	(tag) =	ssettag s2;
	_ =	strace s9  }
0x27: {  	s1 =	sld [smem:$0x3FA8]  }
0x28: {  	s2 =	sld [smem:$0x3FA9]  }
0x29: {  	s4 =	sld [smem:$0x3FAB]  }
0x2a: {  	p0 =	seq.s32 s5, $0x0;
	s5 =	sld [smem:$0x3FAC]  }
0x2b: {  	s6 =	sld [smem:$0x3FAD]  }
0x2c: {  	s7 =	sld [smem:$0x3FAE]  }
0x2d: {  	s3 =	simm.s32 $0x108;
	s8 =	sld [smem:$0x3FAF]  }
0x2e: {  	s3 =	simm.s32 @!p0 $0x1082;
	s9 =	sld [smem:$0x3FB0]  }
0x2f: {  	lr =	sadd.s32 s0, s3;
	s0 =	sld [smem:$0x3FA7]  }
0x30: {  	s3 =	sld [smem:$0x3FAA]  }
0x31: {  	[smem:$0x3FB3] =	sst s10  }
0x32: {  	s10 =	sld [smem:$0x3FB1];
	_ =	sdelay $0x3  }
0x33: {  	p0 =	seq.s32 s10, $0x1;
	s10 =	sld [smem:$0x3FB3];
	_ =	sdelay $0x3  }
0x34: {  	[smem:$0x3FB3] =	sst s10  }
0x35: {  	s10 =	sld [smem:$0x3FB2];
	_ =	sdelay $0x3  }
0x36: {  	p1 =	seq.s32 s10, $0x1;
	s10 =	sld [smem:$0x3FB3];
	_ =	sdelay $0x3  }
0x37: {  	[smem:$0x3FB3] =	sst s10  }
0x38: {  	s10 =	sld [smem:$0x3FB4]  }
0x39: {  	_ = 	snop;
	(pc) =	sbr.ind lr, $3  }
0x3a: {  	_ = 	snop  }
0x3b: {  	_ = 	snop  }
0x3c: {  	p2 =	seq.s32 s10, $0x1;
	s10 =	sld [smem:$0x3FB3]  }
0x3d: {  	_ =	shalt  }
0x3e: {  	_ =	shalt  }
0x3f: {  	_ =	shalt  }
0x40: {  	_ =	shalt  }
0x41: {  	_ =	shalt  }
0x42: {  	_ =	shalt  }
0x43: {  	_ =	shalt  }
0x44: {  	_ =	shalt  }
0x45: {  	_ =	shalt  }
0x46: {  	_ =	shalt  }
0x47: {  	_ =	shalt  }
0x48: {  	_ =	shalt  }
0x49: {  	_ =	shalt  }
0x4a: {  	_ =	shalt  }
0x4b: {  	_ =	shalt  }
0x4c: {  	_ =	shalt  }
0x4d: {  	_ =	shalt  }
0x4e: {  	_ =	shalt  }
0x4f: {  	_ =	shalt  }
0x50: {  	_ =	shalt  }
0x51: {  	_ =	shalt  }
0x52: {  	_ =	shalt  }
0x53: {  	_ =	shalt  }
0x54: {  	_ =	shalt  }
0x55: {  	_ =	shalt  }
0x56: {  	_ =	shalt  }
0x57: {  	_ =	shalt  }
0x58: {  	_ =	shalt  }
0x59: {  	_ =	shalt  }
0x5a: {  	_ =	shalt  }
0x5b: {  	_ =	shalt  }
0x5c: {  	_ =	shalt  }
0x5d: {  	_ =	shalt  }
0x5e: {  	_ =	shalt  }
0x5f: {  	_ =	shalt  }
0x60: {  	_ =	shalt  }
0x61: {  	_ =	shalt  }
0x62: {  	_ =	shalt  }
0x63: {  	_ =	shalt  }
0x64: {  	_ =	shalt  }
0x65: {  	_ =	shalt  }
0x66: {  	_ =	shalt  }
0x67: {  	_ =	shalt  }
0x68: {  	_ =	shalt  }
0x69: {  	_ =	shalt  }
0x6a: {  	_ =	shalt  }
0x6b: {  	_ =	shalt  }
0x6c: {  	_ =	shalt  }
0x6d: {  	_ =	shalt  }
0x6e: {  	_ =	shalt  }
0x6f: {  	_ =	shalt  }
0x70: {  	_ =	shalt  }
0x71: {  	_ =	shalt  }
0x72: {  	_ =	shalt  }
0x73: {  	_ =	shalt  }
0x74: {  	_ =	shalt  }
0x75: {  	_ =	shalt  }
0x76: {  	_ =	shalt  }
0x77: {  	_ =	shalt  }
0x78: {  	_ =	shalt  }
0x79: {  	_ =	shalt  }
0x7a: {  	_ =	shalt  }
0x7b: {  	_ =	shalt  }
0x7c: {  	_ =	shalt  }
0x7d: {  	_ =	shalt  }
0x7e: {  	_ =	shalt  }
0x7f: {  	_ =	shalt  }
0x80: {  	_ =	shalt  }
0x81: {  	_ =	shalt  }
0x82: {  	_ =	shalt  }
0x83: {  	_ =	shalt  }
0x84: {  	_ =	shalt  }
0x85: {  	_ =	shalt  }
0x86: {  	_ =	shalt  }
0x87: {  	_ =	shalt  }
.Lfunc_end0:
.L_simem_size_0:
called_computation_lowered:
.L_overlay_start_0:
0x88: {  	s2 =	sld [smem:$0x3FD9]  }
0x89: {  	s3 =	sld [smem:$0x3FFE];
	_ =	sdelay $0x1  }
0x8a: {  	s1 =	srdreg.scid  }
0x8b: {  	s0 =	sand.u32 $0x1, s1  }
0x8c: {  	s17 =	sshll.u32 s0, $0xA;
	s2 =	sadd.s32 s3, s2  }
0x8d: {  	s2 =	sadd.s32 s2, s17  }
0x8e: {  	[smem:$0x3FBF] =	sst s2  }
0x8f: {  	_ = 	snop  }
0x90: {  	s2 =	sld [smem:$0x3FC9];
	(tm) =	ssettm $0x1  }
0x91: {  	s18 =	sld [smem:$0x3FFB];
	_ =	sdelay $0x3  }
0x92: {  	_ =	strace s18  }
0x93: {  	s3 =	sld [smem:$0x3FFC];
	_ =	sdelay $0x3  }
0x94: {  	_ =	strace s3  }
0x95: {  	s3 =	sld [smem:$0x3FFD];
	_ =	sdelay $0x3  }
0x96: {  	_ =	strace s3  }
0x97: {  	_ =	strace $0x8FFFFFFF  }
0x98: {  	s19 =	sld [smem:$0x3FDB];
	_ =	sdelay $0x1  }
0x99: {  	s4 =	simm.s32 $_scs_section_size  }
0x9a: {  	s5 =	simm.s32 $_size__tile_overlayer_lowered;
	s6 =	simm.s32 $_tile_overlayer_lowered  }
0x9b: {  	s22 =	simm.s32 $0x1BFF;
	s21 =	sshll.u32 s6, $0x1;
	s3 =	sadd.s32 s4, s19  }
0x9c: {  	s7 =	simm.s32 $0x0;
	s20 =	sshll.u32 s5, $0x1;
	s5 =	sadd.s32 s21, s3  }
0x9d: {  	[timem:s7], [sflag:s22] =	dma.local [hbm:s5], s20  }
0x9e: {  	_ =	swait.ge [sflag:s22], s20  }
0x9f: {  	s4 =	ssub.s32 $0x0, s20;
	[sflag:s22] =	ssyncset.done $0x0  }
0xa0: {  	[sflag:s22] =	ssyncadd.s32 s4;
	_ =	sdelay $0x1  }
0xa1: {  	s23 =	simm.s32 $0x1B8B  }
0xa2: {  	_ =	swait.ge [sflag:s23], $0x1  }
0xa3: {  	[sflag:s23] =	ssyncset.done $0x0  }
0xa4: {  	s25 =	simm.s32 $0x1B8E;
	s24 =	sld [smem:$0x3FFE];
	[sflag:s23] =	ssyncadd.s32 $0xFFFFFFFF  }
0xa5: {  	s26 =	simm.s32 $execute0_lowered;
	[smem:$0x3FD2] =	sst s25  }
0xa6: {  	s5 =	sshll.u32 s26, $0x1;
	_ =	strace $0x80000046;
	[dreg:$0x1] =	wrdreg $0xFFFFFFFF  }
0xa7: {  	s28 =	simm.s32 $_size_execute0_lowered;
	s3 =	sadd.s32 s3, s5;
	[dreg:$0x0] =	wrdreg $0x0  }
0xa8: {  	s5 =	sshll.u32 s28, $0x1;
	[dreg:$0x2] =	wrdreg s3  }
0xa9: {  	[dreg:$0x3] =	wrdreg s5  }
0xaa: {  	[dreg:$0x4] =	wrdreg $0xC0  }
0xab: {  	_ =	task [dreg:s7], $0x5FFFF  }
0xac: {  	[dreg:$0x1] =	wrdreg $0xFFFFFFFF  }
0xad: {  	[dreg:$0x0] =	wrdreg $0x60  }
0xae: {  	[dreg:$0x2] =	wrdreg s2  }
0xaf: {  	[dreg:$0x3] =	wrdreg s24  }
0xb0: {  	[dreg:$0x4] =	wrdreg $0x9  }
0xb1: {  	_ =	task.clear_ibuf [dreg:s7], $0x5FFFF;
	_ =	strace $0x90000046  }
0xb2: {  	s29 =	simm.s32 $0x9;
	_ =	strace $0x80000048  }
0xb3: {  	_ =	swait.ge [sflag:s29], $0x1  }
0xb4: {  	[sflag:s29] =	ssyncadd.s32 $0xFFFFFFFF  }
0xb5: {  	_ =	strace $0x90000048  }
0xb6: {  	_ =	sfence  }
0xb7: {  	s30 =	sld [smem:$0x0];
	_ =	sdelay $0x2  }
0xb8: {  	s31 =	sshll.u32 s1, $0xD;
	s1 =	sshrl.u32 s1, $0x2  }
0xb9: {  	s3 =	sand.u32 $0x4000, s31;
	s1 =	sadd.s32 s1, s30  }
0xba: {  	s0 =	sor.u32 s3, s0;
	s1 =	sshll.u32 s1, $0x11  }
0xbb: {  	s0 =	sor.u32 s1, s0  }
0xbc: {  	s0 =	sadd.s32 $0x8F2B, s0  }
0xbd: {  	[sflag:s0] =	ssyncadd.remote.s32 $0x1  }
0xbe: {  	_ =	sfence.sel $0xFFFF  }
0xbf: {  	[dreg:$0x0] =	wrdreg $0xFFFFFFFF;
	(pc) =	sbr.abs _section_cstart, $3  }
0xc0: {  	[dreg:$0x1] =	wrdreg $0xFFFFFFFF  }
0xc1: {  	_ =	task.clear_ibuf [dreg:s7], $0x2FFFF;
	_ =	strace $0x9FFFFFFF  }
0xc2: {  	(tm) =	ssettm $0x7FFFFFFF  }
0xc3: {  	_ =	shalt  }
tec
execute0_lowered:
.L_overlay_start_1:
0x0: {  	(tag) =	ssettag $0x1  }
0x1: {  	s0 =	srdreg.scid  }
0x2: {  	s1 =	rddreg [dreg:$0x0];
	s5 =	stileid.u32  }
0x3: {  	s6 =	rddreg [dreg:$0x1];
	s25 =	simm.s32 $0x10000;
	s26 =	simm.s32 $0x10080  }
0x4: {  	s8 =	simm.s32 $0x3;
	s20 =	simm.s32 $0x1800;
	s21 =	simm.s32 $0x2000  }
0x5: {  	s28 =	simm.s32 $0x5000;
	s29 =	simm.s32 $0x5800;
	s30 =	simm.s32 $0x6000  }
0x6: {  	s31 =	simm.s32 $0x6800;
	s9 =	simm.s32 $0x8000;
	s10 =	simm.s32 $0x8800  }
0x7: {  	s11 =	simm.s32 $0x9000;
	s12 =	simm.s32 $0x9800;
	s13 =	simm.s32 $0xA000  }
0x8: {  	s14 =	simm.s32 $0xA800;
	s15 =	simm.s32 $0xB000;
	s0 =	sand.u32 $0x1, s0  }
0x9: {  	s16 =	simm.s32 $0xB800;
	s17 =	simm.s32 $0xC000;
	s2 =	sshll.u32 s0, $0x4  }
0xa: {  	s0 =	ssub.s32 $0x2, s0;
	s3 =	sor.u32 s5, s2;
	s5 =	sshll.u32 s5, $0x4  }
0xb: {  	s2 =	simm.s32 $0x0;
	s23 =	sshrl.u32 s0, $0x1;
	s4 =	sshll.u32 s3, $0x4  }
0xc: {  	s5 =	sand.u32 $0x70, s5;
	[smem:$0x7FF] =	sst s2;
	s3 =	sshll.u32 s3, $0xD  }
0xd: {  	s0 =	ssub.s32 s0, s23;
	s23 =	simm.s32 $0x3000;
	s4 =	sand.u32 $0x180, s4  }
0xe: {  	_ =	strace $0x80000047;
	s1 =	sadd.s32 s1, s3;
	[dreg:$0x6] =	wrdreg s25  }
0xf: {  	s3 =	sadd.s32 $0x8400, s6;
	s7 =	smax.u32 s0, $0x1;
	[dreg:$0x7] =	wrdreg s26  }
0x10: {  	s25 =	simm.s32 $0x4000;
	s26 =	simm.s32 $0x4800;
	s4 =	sor.u32 s5, s4  }
0x11: {  	[dreg:$0x3] =	wrdreg s1;
	s5 =	sadd.s32 $0x8600, s6;
	s4 =	sadd.s32 s4, s6  }
0x12: {  	v2 =	vlaneseq.u32;
	s1 =	simm.s32 $0x7000;
	s22 =	sadd.s32 $0x8000, s4;
	s24 =	sadd.s32 $0x8200, s4  }
0x13: {  	vm0 =	vmmov $0xffff;
	v1 =	vshrl.u32 v2, $0x3;
	s4 =	sadd.s32 $0x8500, s6;
	s6 =	sadd.s32 $0x8700, s6;
	[dreg:$0x4] =	wrdreg s22  }
0x14: {  	v0 =	vand.u32 $0x7, v2;
	v2 =	vor.u32 $0x8, v2;
	v1 =	vmul.u32 $0x8, v1;
	[dreg:$0x5] =	wrdreg s24;
	s22 =	simm.s32 $0x2800;
	s24 =	simm.s32 $0x3800  }
.LBB2_1:
0x15: {  	s18 =	rddreg [dreg:$0x3]  }
0x16: {  	[tilespmem:s2], [sflag:$0x3] =	stream.linear.gather [hbm4b:s18+s2], $0x10000, $0x38;
	[tilespmem:$0x10100] =	vst v63  }
0x17: {  	_ =	swait.ge [sflag:s8], $0x10000  }
0x18: {  	s0 =	rddreg [dreg:$0x4];
	[sflag:s8] =	ssyncset.done $0x0  }
0x19: {  	s19 =	rddreg [dreg:$0x6];
	[sflag:s8] =	ssyncadd.s32 $0xFFFF0000  }
0x1a: {  	[tilespmem:s19], [sflag:$0x3] =	stream.linear.gather [hbm4b:s0+s2], $0x80, $0x38;
	[tilespmem:$0x10100] =	vst v63  }
0x1b: {  	_ =	swait.ge [sflag:s8], $0x80  }
0x1c: {  	s19 =	rddreg [dreg:$0x5];
	[sflag:s8] =	ssyncset.done $0x0  }
0x1d: {  	s0 =	rddreg [dreg:$0x7];
	[sflag:s8] =	ssyncadd.s32 $0xFFFFFF80  }
0x1e: {  	[tilespmem:s0], [sflag:$0x3] =	stream.linear.gather [hbm4b:s19+s2], $0x80, $0x38;
	[tilespmem:$0x10100] =	vst v63  }
0x1f: {  	_ =	swait.ge [sflag:s8], $0x80  }
0x20: {  	[sflag:s8] =	ssyncset.done $0x0  }
0x21: {  	[sflag:s8] =	ssyncadd.s32 $0xFFFFFF80  }
0x22: {  	v3 =	vld [tilespmem:$0x10000];
	_ =	sdelay $0x4  }
0x23: {  	v4 =	vshll.u32 v3, $0x3  }
0x24: {  	v3 =	vand.u32 $0x7, v3;
	v4 =	vand.u32 $0xFFFFFFC0, v4  }
0x25: {  	v3 =	vor.u32 v3, v4  }
0x26: {  	v4 =	vperm.xlane v3, v0;
	_ =	sdelay $0x1  }
0x27: {  	v4 =	vadd.s32 v1, v4;
	_ =	sdelay $0x4  }
0x28: {  	[hbm4b:s3+s2] =	stream.indirect_vreg.scatter [tilespmem:s2], [sflag:$0x1], $0x80, v4, vm0, $0xb8;
	[tilespmem:$0x10100] =	vst v63  }
0x29: {  	s18 =	simm.s32 $0x800;
	v3 =	vperm.xlane v3, v2  }
0x2a: {  	[hbm4b:s4+s2] =	stream.indirect_vreg.scatter [tilespmem:s18], [sflag:$0x1], $0x80, v4, vm0, $0xb8;
	[tilespmem:$0x10100] =	vst v63  }
0x2b: {  	s19 =	simm.s32 $0x1000;
	v3 =	vadd.s32 v1, v3  }
0x2c: {  	[hbm4b:s5+s2] =	stream.indirect_vreg.scatter [tilespmem:s19], [sflag:$0x1], $0x80, v4, vm0, $0xb8;
	[tilespmem:$0x10100] =	vst v63  }
0x2d: {  	_ = 	snop  }
0x2e: {  	[hbm4b:s6+s2] =	stream.indirect_vreg.scatter [tilespmem:s20], [sflag:$0x1], $0x80, v4, vm0, $0xb8;
	[tilespmem:$0x10100] =	vst v63  }
0x2f: {  	_ = 	snop  }
0x30: {  	[hbm4b:s3+s2] =	stream.indirect_vreg.scatter [tilespmem:s21], [sflag:$0x1], $0x80, v3, vm0, $0xb8;
	[tilespmem:$0x10100] =	vst v63  }
0x31: {  	_ = 	snop  }
0x32: {  	[hbm4b:s4+s2] =	stream.indirect_vreg.scatter [tilespmem:s22], [sflag:$0x1], $0x80, v3, vm0, $0xb8;
	[tilespmem:$0x10100] =	vst v63  }
0x33: {  	_ = 	snop  }
0x34: {  	[hbm4b:s5+s2] =	stream.indirect_vreg.scatter [tilespmem:s23], [sflag:$0x1], $0x80, v3, vm0, $0xb8;
	[tilespmem:$0x10100] =	vst v63  }
0x35: {  	_ = 	snop  }
0x36: {  	[hbm4b:s6+s2] =	stream.indirect_vreg.scatter [tilespmem:s24], [sflag:$0x1], $0x80, v3, vm0, $0xb8;
	[tilespmem:$0x10100] =	vst v63  }
0x37: {  	v3 =	vld [tilespmem:$0x10010];
	_ =	sdelay $0x4  }
0x38: {  	v57 =	vshll.u32 v3, $0x3  }
0x39: {  	v3 =	vand.u32 $0x7, v3;
	v4 =	vand.u32 $0xFFFFFFC0, v57  }
0x3a: {  	v3 =	vor.u32 v3, v4  }
0x3b: {  	v4 =	vperm.xlane v3, v0;
	_ =	sdelay $0x1  }
0x3c: {  	v4 =	vadd.s32 v1, v4;
	_ =	sdelay $0x4  }
0x3d: {  	[hbm4b:s3+s2] =	stream.indirect_vreg.scatter [tilespmem:s25], [sflag:$0x1], $0x80, v4, vm0, $0xb8;
	[tilespmem:$0x10100] =	vst v63  }
0x3e: {  	v3 =	vperm.xlane v3, v2  }
0x3f: {  	[hbm4b:s4+s2] =	stream.indirect_vreg.scatter [tilespmem:s26], [sflag:$0x1], $0x80, v4, vm0, $0xb8;
	[tilespmem:$0x10100] =	vst v63  }
0x40: {  	v3 =	vadd.s32 v1, v3  }
0x41: {  	[hbm4b:s5+s2] =	stream.indirect_vreg.scatter [tilespmem:s28], [sflag:$0x1], $0x80, v4, vm0, $0xb8;
	[tilespmem:$0x10100] =	vst v63  }
0x42: {  	_ = 	snop  }
0x43: {  	[hbm4b:s6+s2] =	stream.indirect_vreg.scatter [tilespmem:s29], [sflag:$0x1], $0x80, v4, vm0, $0xb8;
	[tilespmem:$0x10100] =	vst v63  }
0x44: {  	_ = 	snop  }
0x45: {  	[hbm4b:s3+s2] =	stream.indirect_vreg.scatter [tilespmem:s30], [sflag:$0x1], $0x80, v3, vm0, $0xb8;
	[tilespmem:$0x10100] =	vst v63  }
0x46: {  	_ = 	snop  }
0x47: {  	[hbm4b:s4+s2] =	stream.indirect_vreg.scatter [tilespmem:s31], [sflag:$0x1], $0x80, v3, vm0, $0xb8;
	[tilespmem:$0x10100] =	vst v63  }
0x48: {  	_ = 	snop  }
0x49: {  	[hbm4b:s5+s2] =	stream.indirect_vreg.scatter [tilespmem:s1], [sflag:$0x1], $0x80, v3, vm0, $0xb8;
	[tilespmem:$0x10100] =	vst v63  }
0x4a: {  	s0 =	simm.s32 $0x7800  }
0x4b: {  	[hbm4b:s6+s2] =	stream.indirect_vreg.scatter [tilespmem:s0], [sflag:$0x1], $0x80, v3, vm0, $0xb8;
	[tilespmem:$0x10100] =	vst v63  }
0x4c: {  	v3 =	vld [tilespmem:$0x10020];
	_ =	sdelay $0x4  }
0x4d: {  	v58 =	vshll.u32 v3, $0x3  }
0x4e: {  	v3 =	vand.u32 $0x7, v3;
	v4 =	vand.u32 $0xFFFFFFC0, v58  }
0x4f: {  	v3 =	vor.u32 v3, v4  }
0x50: {  	v4 =	vperm.xlane v3, v0;
	_ =	sdelay $0x1  }
0x51: {  	v4 =	vadd.s32 v1, v4;
	_ =	sdelay $0x4  }
0x52: {  	[hbm4b:s3+s2] =	stream.indirect_vreg.scatter [tilespmem:s9], [sflag:$0x1], $0x80, v4, vm0, $0xb8;
	[tilespmem:$0x10100] =	vst v63  }
0x53: {  	v3 =	vperm.xlane v3, v2  }
0x54: {  	[hbm4b:s4+s2] =	stream.indirect_vreg.scatter [tilespmem:s10], [sflag:$0x1], $0x80, v4, vm0, $0xb8;
	[tilespmem:$0x10100] =	vst v63  }
0x55: {  	v3 =	vadd.s32 v1, v3  }
0x56: {  	[hbm4b:s5+s2] =	stream.indirect_vreg.scatter [tilespmem:s11], [sflag:$0x1], $0x80, v4, vm0, $0xb8;
	[tilespmem:$0x10100] =	vst v63  }
0x57: {  	_ = 	snop  }
0x58: {  	[hbm4b:s6+s2] =	stream.indirect_vreg.scatter [tilespmem:s12], [sflag:$0x1], $0x80, v4, vm0, $0xb8;
	[tilespmem:$0x10100] =	vst v63  }
0x59: {  	_ = 	snop  }
0x5a: {  	[hbm4b:s3+s2] =	stream.indirect_vreg.scatter [tilespmem:s13], [sflag:$0x1], $0x80, v3, vm0, $0xb8;
	[tilespmem:$0x10100] =	vst v63  }
0x5b: {  	_ = 	snop  }
0x5c: {  	[hbm4b:s4+s2] =	stream.indirect_vreg.scatter [tilespmem:s14], [sflag:$0x1], $0x80, v3, vm0, $0xb8;
	[tilespmem:$0x10100] =	vst v63  }
0x5d: {  	_ = 	snop  }
0x5e: {  	[hbm4b:s5+s2] =	stream.indirect_vreg.scatter [tilespmem:s15], [sflag:$0x1], $0x80, v3, vm0, $0xb8;
	[tilespmem:$0x10100] =	vst v63  }
0x5f: {  	_ = 	snop  }
0x60: {  	[hbm4b:s6+s2] =	stream.indirect_vreg.scatter [tilespmem:s16], [sflag:$0x1], $0x80, v3, vm0, $0xb8;
	[tilespmem:$0x10100] =	vst v63  }
0x61: {  	v3 =	vld [tilespmem:$0x10030];
	_ =	sdelay $0x4  }
0x62: {  	v59 =	vshll.u32 v3, $0x3  }
0x63: {  	v3 =	vand.u32 $0x7, v3;
	v4 =	vand.u32 $0xFFFFFFC0, v59  }
0x64: {  	v3 =	vor.u32 v3, v4  }
0x65: {  	v4 =	vperm.xlane v3, v0;
	_ =	sdelay $0x1  }
0x66: {  	v4 =	vadd.s32 v1, v4;
	_ =	sdelay $0x4  }
0x67: {  	[hbm4b:s3+s2] =	stream.indirect_vreg.scatter [tilespmem:s17], [sflag:$0x1], $0x80, v4, vm0, $0xb8;
	[tilespmem:$0x10100] =	vst v63  }
0x68: {  	s0 =	simm.s32 $0xC800;
	v3 =	vperm.xlane v3, v2  }
0x69: {  	[hbm4b:s4+s2] =	stream.indirect_vreg.scatter [tilespmem:s0], [sflag:$0x1], $0x80, v4, vm0, $0xb8;
	[tilespmem:$0x10100] =	vst v63  }
0x6a: {  	v3 =	vadd.s32 v1, v3;
	s0 =	simm.s32 $0xD000  }
0x6b: {  	[hbm4b:s5+s2] =	stream.indirect_vreg.scatter [tilespmem:s0], [sflag:$0x1], $0x80, v4, vm0, $0xb8;
	[tilespmem:$0x10100] =	vst v63  }
0x6c: {  	s0 =	simm.s32 $0xD800  }
0x6d: {  	[hbm4b:s6+s2] =	stream.indirect_vreg.scatter [tilespmem:s0], [sflag:$0x1], $0x80, v4, vm0, $0xb8;
	[tilespmem:$0x10100] =	vst v63  }
0x6e: {  	s0 =	simm.s32 $0xE000  }
0x6f: {  	[hbm4b:s3+s2] =	stream.indirect_vreg.scatter [tilespmem:s0], [sflag:$0x1], $0x80, v3, vm0, $0xb8;
	[tilespmem:$0x10100] =	vst v63  }
0x70: {  	s0 =	simm.s32 $0xE800  }
0x71: {  	[hbm4b:s4+s2] =	stream.indirect_vreg.scatter [tilespmem:s0], [sflag:$0x1], $0x80, v3, vm0, $0xb8;
	[tilespmem:$0x10100] =	vst v63  }
0x72: {  	s0 =	simm.s32 $0xF000  }
0x73: {  	[hbm4b:s5+s2] =	stream.indirect_vreg.scatter [tilespmem:s0], [sflag:$0x1], $0x80, v3, vm0, $0xb8;
	[tilespmem:$0x10100] =	vst v63  }
0x74: {  	s0 =	simm.s32 $0xF800  }
0x75: {  	[hbm4b:s6+s2] =	stream.indirect_vreg.scatter [tilespmem:s0], [sflag:$0x1], $0x80, v3, vm0, $0xb8;
	[tilespmem:$0x10100] =	vst v63  }
0x76: {  	v3 =	vld [tilespmem:$0x10080];
	_ =	sdelay $0x4  }
0x77: {  	v60 =	vshll.u32 v3, $0x3  }
0x78: {  	v3 =	vand.u32 $0x7, v3;
	v4 =	vand.u32 $0xFFFFFFC0, v60  }
0x79: {  	v3 =	vor.u32 v3, v4  }
0x7a: {  	v4 =	vperm.xlane v3, v0;
	_ =	sdelay $0x1  }
0x7b: {  	v4 =	vadd.s32 v1, v4;
	_ =	sdelay $0x4  }
0x7c: {  	[hbm4b:s3+s2] =	stream.indirect_vreg.scatter [tilespmem:s2], [sflag:$0x2], $0x80, v4, vm0, $0xb8;
	[tilespmem:$0x10100] =	vst v63  }
0x7d: {  	v3 =	vperm.xlane v3, v2  }
0x7e: {  	[hbm4b:s4+s2] =	stream.indirect_vreg.scatter [tilespmem:s18], [sflag:$0x2], $0x80, v4, vm0, $0xb8;
	[tilespmem:$0x10100] =	vst v63  }
0x7f: {  	v3 =	vadd.s32 v1, v3  }
0x80: {  	[hbm4b:s5+s2] =	stream.indirect_vreg.scatter [tilespmem:s19], [sflag:$0x2], $0x80, v4, vm0, $0xb8;
	[tilespmem:$0x10100] =	vst v63  }
0x81: {  	_ = 	snop  }
0x82: {  	[hbm4b:s6+s2] =	stream.indirect_vreg.scatter [tilespmem:s20], [sflag:$0x2], $0x80, v4, vm0, $0xb8;
	[tilespmem:$0x10100] =	vst v63  }
0x83: {  	_ = 	snop  }
0x84: {  	[hbm4b:s3+s2] =	stream.indirect_vreg.scatter [tilespmem:s21], [sflag:$0x2], $0x80, v3, vm0, $0xb8;
	[tilespmem:$0x10100] =	vst v63  }
0x85: {  	_ = 	snop  }
0x86: {  	[hbm4b:s4+s2] =	stream.indirect_vreg.scatter [tilespmem:s22], [sflag:$0x2], $0x80, v3, vm0, $0xb8;
	[tilespmem:$0x10100] =	vst v63  }
0x87: {  	_ = 	snop  }
0x88: {  	[hbm4b:s5+s2] =	stream.indirect_vreg.scatter [tilespmem:s23], [sflag:$0x2], $0x80, v3, vm0, $0xb8;
	[tilespmem:$0x10100] =	vst v63  }
0x89: {  	_ = 	snop  }
0x8a: {  	[hbm4b:s6+s2] =	stream.indirect_vreg.scatter [tilespmem:s24], [sflag:$0x2], $0x80, v3, vm0, $0xb8;
	[tilespmem:$0x10100] =	vst v63  }
0x8b: {  	v3 =	vld [tilespmem:$0x10090];
	_ =	sdelay $0x4  }
0x8c: {  	v61 =	vshll.u32 v3, $0x3  }
0x8d: {  	v3 =	vand.u32 $0x7, v3;
	v4 =	vand.u32 $0xFFFFFFC0, v61  }
0x8e: {  	v3 =	vor.u32 v3, v4  }
0x8f: {  	v4 =	vperm.xlane v3, v0;
	_ =	sdelay $0x1  }
0x90: {  	v4 =	vadd.s32 v1, v4;
	_ =	sdelay $0x4  }
0x91: {  	[hbm4b:s3+s2] =	stream.indirect_vreg.scatter [tilespmem:s25], [sflag:$0x2], $0x80, v4, vm0, $0xb8;
	[tilespmem:$0x10100] =	vst v63  }
0x92: {  	v3 =	vperm.xlane v3, v2  }
0x93: {  	[hbm4b:s4+s2] =	stream.indirect_vreg.scatter [tilespmem:s26], [sflag:$0x2], $0x80, v4, vm0, $0xb8;
	[tilespmem:$0x10100] =	vst v63  }
0x94: {  	v3 =	vadd.s32 v1, v3  }
0x95: {  	[hbm4b:s5+s2] =	stream.indirect_vreg.scatter [tilespmem:s28], [sflag:$0x2], $0x80, v4, vm0, $0xb8;
	[tilespmem:$0x10100] =	vst v63  }
0x96: {  	_ = 	snop  }
0x97: {  	[hbm4b:s6+s2] =	stream.indirect_vreg.scatter [tilespmem:s29], [sflag:$0x2], $0x80, v4, vm0, $0xb8;
	[tilespmem:$0x10100] =	vst v63  }
0x98: {  	_ = 	snop  }
0x99: {  	[hbm4b:s3+s2] =	stream.indirect_vreg.scatter [tilespmem:s30], [sflag:$0x2], $0x80, v3, vm0, $0xb8;
	[tilespmem:$0x10100] =	vst v63  }
0x9a: {  	_ = 	snop  }
0x9b: {  	[hbm4b:s4+s2] =	stream.indirect_vreg.scatter [tilespmem:s31], [sflag:$0x2], $0x80, v3, vm0, $0xb8;
	[tilespmem:$0x10100] =	vst v63  }
0x9c: {  	_ = 	snop  }
0x9d: {  	[hbm4b:s5+s2] =	stream.indirect_vreg.scatter [tilespmem:s1], [sflag:$0x2], $0x80, v3, vm0, $0xb8;
	[tilespmem:$0x10100] =	vst v63  }
0x9e: {  	s18 =	simm.s32 $0x7800  }
0x9f: {  	[hbm4b:s6+s2] =	stream.indirect_vreg.scatter [tilespmem:s18], [sflag:$0x2], $0x80, v3, vm0, $0xb8;
	[tilespmem:$0x10100] =	vst v63  }
0xa0: {  	v3 =	vld [tilespmem:$0x100A0];
	_ =	sdelay $0x4  }
0xa1: {  	v62 =	vshll.u32 v3, $0x3  }
0xa2: {  	v3 =	vand.u32 $0x7, v3;
	v4 =	vand.u32 $0xFFFFFFC0, v62  }
0xa3: {  	v3 =	vor.u32 v3, v4  }
0xa4: {  	v4 =	vperm.xlane v3, v0;
	_ =	sdelay $0x1  }
0xa5: {  	v4 =	vadd.s32 v1, v4;
	_ =	sdelay $0x4  }
0xa6: {  	[hbm4b:s3+s2] =	stream.indirect_vreg.scatter [tilespmem:s9], [sflag:$0x2], $0x80, v4, vm0, $0xb8;
	[tilespmem:$0x10100] =	vst v63  }
0xa7: {  	v3 =	vperm.xlane v3, v2  }
0xa8: {  	[hbm4b:s4+s2] =	stream.indirect_vreg.scatter [tilespmem:s10], [sflag:$0x2], $0x80, v4, vm0, $0xb8;
	[tilespmem:$0x10100] =	vst v63  }
0xa9: {  	v3 =	vadd.s32 v1, v3  }
0xaa: {  	[hbm4b:s5+s2] =	stream.indirect_vreg.scatter [tilespmem:s11], [sflag:$0x2], $0x80, v4, vm0, $0xb8;
	[tilespmem:$0x10100] =	vst v63  }
0xab: {  	_ = 	snop  }
0xac: {  	[hbm4b:s6+s2] =	stream.indirect_vreg.scatter [tilespmem:s12], [sflag:$0x2], $0x80, v4, vm0, $0xb8;
	[tilespmem:$0x10100] =	vst v63  }
0xad: {  	_ = 	snop  }
0xae: {  	[hbm4b:s3+s2] =	stream.indirect_vreg.scatter [tilespmem:s13], [sflag:$0x2], $0x80, v3, vm0, $0xb8;
	[tilespmem:$0x10100] =	vst v63  }
0xaf: {  	_ = 	snop  }
0xb0: {  	[hbm4b:s4+s2] =	stream.indirect_vreg.scatter [tilespmem:s14], [sflag:$0x2], $0x80, v3, vm0, $0xb8;
	[tilespmem:$0x10100] =	vst v63  }
0xb1: {  	_ = 	snop  }
0xb2: {  	[hbm4b:s5+s2] =	stream.indirect_vreg.scatter [tilespmem:s15], [sflag:$0x2], $0x80, v3, vm0, $0xb8;
	[tilespmem:$0x10100] =	vst v63  }
0xb3: {  	_ = 	snop  }
0xb4: {  	[hbm4b:s6+s2] =	stream.indirect_vreg.scatter [tilespmem:s16], [sflag:$0x2], $0x80, v3, vm0, $0xb8;
	[tilespmem:$0x10100] =	vst v63  }
0xb5: {  	v3 =	vld [tilespmem:$0x100B0];
	_ =	sdelay $0x4  }
0xb6: {  	v63 =	vshll.u32 v3, $0x3  }
0xb7: {  	v3 =	vand.u32 $0x7, v3;
	v4 =	vand.u32 $0xFFFFFFC0, v63  }
0xb8: {  	v3 =	vor.u32 v3, v4  }
0xb9: {  	v4 =	vperm.xlane v3, v0;
	_ =	sdelay $0x1  }
0xba: {  	v4 =	vadd.s32 v1, v4;
	_ =	sdelay $0x4  }
0xbb: {  	[hbm4b:s3+s2] =	stream.indirect_vreg.scatter [tilespmem:s17], [sflag:$0x2], $0x80, v4, vm0, $0xb8;
	[tilespmem:$0x10100] =	vst v63  }
0xbc: {  	s19 =	simm.s32 $0xC800;
	v3 =	vperm.xlane v3, v2  }
0xbd: {  	[hbm4b:s4+s2] =	stream.indirect_vreg.scatter [tilespmem:s19], [sflag:$0x2], $0x80, v4, vm0, $0xb8;
	[tilespmem:$0x10100] =	vst v63  }
0xbe: {  	s18 =	simm.s32 $0xD000;
	v3 =	vadd.s32 v1, v3  }
0xbf: {  	[hbm4b:s5+s2] =	stream.indirect_vreg.scatter [tilespmem:s18], [sflag:$0x2], $0x80, v4, vm0, $0xb8;
	[tilespmem:$0x10100] =	vst v63  }
0xc0: {  	s19 =	simm.s32 $0xD800  }
0xc1: {  	[hbm4b:s6+s2] =	stream.indirect_vreg.scatter [tilespmem:s19], [sflag:$0x2], $0x80, v4, vm0, $0xb8;
	[tilespmem:$0x10100] =	vst v63  }
0xc2: {  	s18 =	simm.s32 $0xE000  }
0xc3: {  	[hbm4b:s3+s2] =	stream.indirect_vreg.scatter [tilespmem:s18], [sflag:$0x2], $0x80, v3, vm0, $0xb8;
	[tilespmem:$0x10100] =	vst v63  }
0xc4: {  	s19 =	simm.s32 $0xE800  }
0xc5: {  	[hbm4b:s4+s2] =	stream.indirect_vreg.scatter [tilespmem:s19], [sflag:$0x2], $0x80, v3, vm0, $0xb8;
	[tilespmem:$0x10100] =	vst v63  }
0xc6: {  	s18 =	simm.s32 $0xF000  }
0xc7: {  	[hbm4b:s5+s2] =	stream.indirect_vreg.scatter [tilespmem:s18], [sflag:$0x2], $0x80, v3, vm0, $0xb8;
	[tilespmem:$0x10100] =	vst v63  }
0xc8: {  	s19 =	simm.s32 $0xF800;
	s18 =	simm.s32 $0x1  }
0xc9: {  	[hbm4b:s6+s2] =	stream.indirect_vreg.scatter [tilespmem:s19], [sflag:$0x2], $0x80, v3, vm0, $0xb8;
	[tilespmem:$0x10100] =	vst v63  }
0xca: {  	p0 =	sne.s32 s7, $0x1;
	_ =	swait.ge [sflag:s18], $0x10000  }
.Ltmp0:
0xcb: {  	[sflag:s18] =	ssyncset.done $0x0;
	(pc) =	sbr.rel @p0 .LBB2_1-.Ltmp0, $4  }
0xcc: {  	s19 =	simm.s32 $0x2;
	[sflag:s18] =	ssyncadd.s32 $0xFFFF0000  }
0xcd: {  	_ =	swait.ge [sflag:s19], $0x10000  }
0xce: {  	[sflag:s19] =	ssyncset.done $0x0  }
0xcf: {  	s7 =	sadd.s32 $0xFFFFFFFF, s7;
	[sflag:s19] =	ssyncadd.s32 $0xFFFF0000  }
0xd0: {  	_ =	sfence.sel $0x180000  }
0xd1: {  	[bflag:$0x0] =	sbarrier.arrive $0xFFFF  }
0xd2: {  	_ =	strace $0x90000047  }
0xd3: {  	s0 =	stileid.u32;
	[bflag:$0x2] =	sbarrier.arrive $0xFFFF  }
0xd4: {  	p0 =	sne.s32 s0, $0x0;
	s0 =	rddreg [dreg:$0x2]  }
0xd5: {  	s0 =	sadd.s32 @!p0 $0x100000, s0  }
0xd6: {  	[sflag:s0] =	ssyncadd.tile.s32 @!p0 $0x1;
	_ =	shalt  }
.Lfunc_end2:
_tile_overlayer_lowered:
.L_overlay_start_2:
0xd7: {  	(tag) =	ssettag $0x2  }
0xd8: {  	s0 =	rddreg [dreg:$0x0];
	s2 =	stileid.u32  }
0xd9: {  	s1 =	rddreg [dreg:$0x1];
	p0 =	sne.s32 s2, $0x0  }
0xda: {  	s3 =	rddreg [dreg:$0x2];
	[bflag:$0x3] =	sbarrier.arrive $0xFFFF;
	s2 =	simm.s32 @!p0 $0x1C03  }
0xdb: {  	[timem:s3], [sflag:s2] =	dma.local @!p0 [hbm:s0], s1  }
0xdc: {  	s0 =	simm.s32 @!p0 $0x3  }
0xdd: {  	_ =	swait.ge @!p0 [sflag:s0], s1  }
0xde: {  	s1 =	ssub.s32 @!p0 $0x0, s1;
	[sflag:s0] =	ssyncset.done @!p0 $0x0  }
0xdf: {  	[sflag:s0] =	ssyncadd.s32 @!p0 s1  }
0xe0: {  	[bflag:$0x3] =	sbarrier.arrive $0xFFFF  }
0xe1: {  	_ =	shalt  }

// kernel: kernel.9.cloned.1.call-start
scs
__scs_entry_jumppad:
0x0: {  	(pc) =	sbr.rel $0x88, $3  }
0x1: {  	(tag) =	ssettag $0x0;
	lr =	simm.s32 $0x1  }
0x2: {  	[smem:$0x3F98] =	sst lr;
	_ =	strace $0xD0000000  }
0x3: {  	_ = 	snop  }
0x4: {  	_ = 	snop  }
0x5: {  	_ = 	snop  }
0x6: {  	_ = 	snop  }
0x7: {  	_ = 	snop  }
__scs_overlays_trampoline_lowered:
0x8: {  	[smem:$0x3FA7] =	sst s0  }
0x9: {  	[smem:$0x3FA8] =	sst s1  }
0xa: {  	[smem:$0x3FA9] =	sst s2  }
0xb: {  	[smem:$0x3FAA] =	sst s3  }
0xc: {  	[smem:$0x3FAB] =	sst s4  }
0xd: {  	[smem:$0x3FAC] =	sst s5  }
0xe: {  	[smem:$0x3FAD] =	sst s6  }
0xf: {  	[smem:$0x3FAE] =	sst s7  }
0x10: {  	[smem:$0x3FAF] =	sst s8  }
0x11: {  	[smem:$0x3FB0] =	sst s9;
	s0 =	simm.s32 @!p0 $0x0  }
0x12: {  	s1 =	sld [smem:$0x3F96];
	s0 =	simm.s32 @p0 $0x1  }
0x13: {  	[smem:$0x3FB1] =	sst s0;
	s0 =	simm.s32 @!p1 $0x0  }
0x14: {  	s2 =	sld [smem:$0x3F95];
	s0 =	simm.s32 @p1 $0x1  }
0x15: {  	[smem:$0x3FB2] =	sst s0;
	s0 =	simm.s32 @!p2 $0x0  }
0x16: {  	s3 =	sld [smem:$0x3FDB];
	s0 =	simm.s32 @p2 $0x1  }
0x17: {  	s4 =	simm.s32 $0x1BF5;
	[smem:$0x3FB4] =	sst s0  }
0x18: {  	s0 =	sld [smem:$0x3F97];
	_ =	swait.ge [sflag:s4], $0x0  }
0x19: {  	s7 =	sld [smem:$0x3F98]  }
0x1a: {  	s8 =	sadd.s32 $0xFFFFE003, lr  }
0x1b: {  	s9 =	sadd.s32 $0xFFFFFEF7, lr;
	s5 =	simm.s32 $0xFFFFFFFF;
	p2 =	slt.u32 s8, $0xFFFFF086  }
0x1c: {  	p1 =	slt.u32 s9, $0xF7A;
	s5 =	simm.s32 @!p2 $0x0  }
0x1d: {  	s5 =	simm.s32 @p1 $0x1;
	p0 =	seq.s32 s7, s2  }
0x1e: {  	s7 =	smul.u32 @!p0 $0xF7A, s2;
	p2 =	seq.s32 @!p0 s5, $0x0  }
0x1f: {  	s9 =	smul.u32 $0xF7A, s1;
	s8 =	simm.s32 @!p0 $0x1BF5;
	p2 =	por !p2, p0  }
0x20: {  	[sflag:s8] =	ssyncset.s32 @!p0 $0xFFFFF086;
	s6 =	sadd.s32 @!p0 s3, s7;
	s7 =	simm.s32 @!p0 $0x108  }
0x21: {  	s3 =	sadd.s32 s3, s9;
	s6 =	sadd.s32 @!p0 $0x88, s6;
	s7 =	simm.s32 @p2 $0x1082  }
0x22: {  	[simem:s7], [sflag:s8] =	dma.local @!p0 [hbm:s6], $0xF7A  }
0x23: {  	s9 =	sor.u32 $0xD0000000, s2;
	s6 =	simm.s32 $0x108;
	_ =	swait.ge @!p0 [sflag:s8], $0x0  }
0x24: {  	s3 =	sadd.s32 $0x88, s3;
	s6 =	simm.s32 @!p1 $0x1082;
	[sflag:s4] =	ssyncset.s32 $0xFFFFF086  }
0x25: {  	[simem:s6], [sflag:s4] =	dma.local [hbm:s3], $0xF7A  }
0x26: {  	[smem:$0x3F98] =	sst s1;
	(tag) =	ssettag s2;
	_ =	strace s9  }
0x27: {  	s1 =	sld [smem:$0x3FA8]  }
0x28: {  	s2 =	sld [smem:$0x3FA9]  }
0x29: {  	s4 =	sld [smem:$0x3FAB]  }
0x2a: {  	p0 =	seq.s32 s5, $0x0;
	s5 =	sld [smem:$0x3FAC]  }
0x2b: {  	s6 =	sld [smem:$0x3FAD]  }
0x2c: {  	s7 =	sld [smem:$0x3FAE]  }
0x2d: {  	s3 =	simm.s32 $0x108;
	s8 =	sld [smem:$0x3FAF]  }
0x2e: {  	s3 =	simm.s32 @!p0 $0x1082;
	s9 =	sld [smem:$0x3FB0]  }
0x2f: {  	lr =	sadd.s32 s0, s3;
	s0 =	sld [smem:$0x3FA7]  }
0x30: {  	s3 =	sld [smem:$0x3FAA]  }
0x31: {  	[smem:$0x3FB3] =	sst s10  }
0x32: {  	s10 =	sld [smem:$0x3FB1];
	_ =	sdelay $0x3  }
0x33: {  	p0 =	seq.s32 s10, $0x1;
	s10 =	sld [smem:$0x3FB3];
	_ =	sdelay $0x3  }
0x34: {  	[smem:$0x3FB3] =	sst s10  }
0x35: {  	s10 =	sld [smem:$0x3FB2];
	_ =	sdelay $0x3  }
0x36: {  	p1 =	seq.s32 s10, $0x1;
	s10 =	sld [smem:$0x3FB3];
	_ =	sdelay $0x3  }
0x37: {  	[smem:$0x3FB3] =	sst s10  }
0x38: {  	s10 =	sld [smem:$0x3FB4]  }
0x39: {  	_ = 	snop;
	(pc) =	sbr.ind lr, $3  }
0x3a: {  	_ = 	snop  }
0x3b: {  	_ = 	snop  }
0x3c: {  	p2 =	seq.s32 s10, $0x1;
	s10 =	sld [smem:$0x3FB3]  }
0x3d: {  	_ =	shalt  }
0x3e: {  	_ =	shalt  }
0x3f: {  	_ =	shalt  }
0x40: {  	_ =	shalt  }
0x41: {  	_ =	shalt  }
0x42: {  	_ =	shalt  }
0x43: {  	_ =	shalt  }
0x44: {  	_ =	shalt  }
0x45: {  	_ =	shalt  }
0x46: {  	_ =	shalt  }
0x47: {  	_ =	shalt  }
0x48: {  	_ =	shalt  }
0x49: {  	_ =	shalt  }
0x4a: {  	_ =	shalt  }
0x4b: {  	_ =	shalt  }
0x4c: {  	_ =	shalt  }
0x4d: {  	_ =	shalt  }
0x4e: {  	_ =	shalt  }
0x4f: {  	_ =	shalt  }
0x50: {  	_ =	shalt  }
0x51: {  	_ =	shalt  }
0x52: {  	_ =	shalt  }
0x53: {  	_ =	shalt  }
0x54: {  	_ =	shalt  }
0x55: {  	_ =	shalt  }
0x56: {  	_ =	shalt  }
0x57: {  	_ =	shalt  }
0x58: {  	_ =	shalt  }
0x59: {  	_ =	shalt  }
0x5a: {  	_ =	shalt  }
0x5b: {  	_ =	shalt  }
0x5c: {  	_ =	shalt  }
0x5d: {  	_ =	shalt  }
0x5e: {  	_ =	shalt  }
0x5f: {  	_ =	shalt  }
0x60: {  	_ =	shalt  }
0x61: {  	_ =	shalt  }
0x62: {  	_ =	shalt  }
0x63: {  	_ =	shalt  }
0x64: {  	_ =	shalt  }
0x65: {  	_ =	shalt  }
0x66: {  	_ =	shalt  }
0x67: {  	_ =	shalt  }
0x68: {  	_ =	shalt  }
0x69: {  	_ =	shalt  }
0x6a: {  	_ =	shalt  }
0x6b: {  	_ =	shalt  }
0x6c: {  	_ =	shalt  }
0x6d: {  	_ =	shalt  }
0x6e: {  	_ =	shalt  }
0x6f: {  	_ =	shalt  }
0x70: {  	_ =	shalt  }
0x71: {  	_ =	shalt  }
0x72: {  	_ =	shalt  }
0x73: {  	_ =	shalt  }
0x74: {  	_ =	shalt  }
0x75: {  	_ =	shalt  }
0x76: {  	_ =	shalt  }
0x77: {  	_ =	shalt  }
0x78: {  	_ =	shalt  }
0x79: {  	_ =	shalt  }
0x7a: {  	_ =	shalt  }
0x7b: {  	_ =	shalt  }
0x7c: {  	_ =	shalt  }
0x7d: {  	_ =	shalt  }
0x7e: {  	_ =	shalt  }
0x7f: {  	_ =	shalt  }
0x80: {  	_ =	shalt  }
0x81: {  	_ =	shalt  }
0x82: {  	_ =	shalt  }
0x83: {  	_ =	shalt  }
0x84: {  	_ =	shalt  }
0x85: {  	_ =	shalt  }
0x86: {  	_ =	shalt  }
0x87: {  	_ =	shalt  }
.Lfunc_end0:
.L_simem_size_0:
called_computation.1_lowered:
.L_overlay_start_0:
0x88: {  	s2 =	sld [smem:$0x3FD9]  }
0x89: {  	s3 =	sld [smem:$0x3FFE];
	_ =	sdelay $0x1  }
0x8a: {  	s1 =	srdreg.scid  }
0x8b: {  	s0 =	sand.u32 $0x1, s1  }
0x8c: {  	s14 =	sshll.u32 s0, $0xA;
	s2 =	sadd.s32 s3, s2  }
0x8d: {  	s2 =	sadd.s32 s2, s14  }
0x8e: {  	[smem:$0x3FBF] =	sst s2  }
0x8f: {  	_ = 	snop  }
0x90: {  	s2 =	sld [smem:$0x3FD0];
	_ =	sdelay $0x2  }
0x91: {  	s15 =	simm.s32 $0xA;
	s4 =	simm.s32 $0x10  }
0x92: {  	[smem:s4], [sflag:s15] =	dma.local [hbm:s2], $0x1  }
0x93: {  	_ =	swait.eq [sflag:s15], $0x1  }
0x94: {  	[sflag:s15] =	ssyncset.done $0x0  }
0x95: {  	[sflag:s15] =	ssyncadd.s32 $0xFFFFFFFF  }
0x96: {  	s16 =	sld [smem:$0x10];
	(tm) =	ssettm $0x1  }
0x97: {  	s17 =	sld [smem:$0x3FFB];
	_ =	sdelay $0x3  }
0x98: {  	_ =	strace s17  }
0x99: {  	s3 =	sld [smem:$0x3FFC];
	_ =	sdelay $0x3  }
0x9a: {  	_ =	strace s3  }
0x9b: {  	s3 =	sld [smem:$0x3FFD];
	_ =	sdelay $0x3  }
0x9c: {  	_ =	strace s3  }
0x9d: {  	_ =	strace $0x8FFFFFFF  }
0x9e: {  	s18 =	sld [smem:$0x3FDB];
	_ =	sdelay $0x1  }
0x9f: {  	s19 =	simm.s32 $_scs_section_size  }
0xa0: {  	s5 =	simm.s32 $_size__tile_overlayer_lowered;
	s6 =	simm.s32 $_tile_overlayer_lowered  }
0xa1: {  	s22 =	simm.s32 $0x1BFF;
	s21 =	sshll.u32 s6, $0x1;
	s3 =	sadd.s32 s19, s18  }
0xa2: {  	s7 =	simm.s32 $0x0;
	s20 =	sshll.u32 s5, $0x1;
	s5 =	sadd.s32 s21, s3  }
0xa3: {  	[timem:s7], [sflag:s22] =	dma.local [hbm:s5], s20  }
0xa4: {  	_ =	swait.ge [sflag:s22], s20  }
0xa5: {  	s4 =	ssub.s32 $0x0, s20;
	[sflag:s22] =	ssyncset.done $0x0  }
0xa6: {  	[sflag:s22] =	ssyncadd.s32 s4;
	_ =	sdelay $0x1  }
0xa7: {  	s23 =	simm.s32 $0x1B8B  }
0xa8: {  	_ =	swait.ge [sflag:s23], $0x1  }
0xa9: {  	[sflag:s23] =	ssyncset.done $0x0  }
0xaa: {  	s25 =	simm.s32 $0x1B8E;
	s24 =	sld [smem:$0x3FFE];
	[sflag:s23] =	ssyncadd.s32 $0xFFFFFFFF  }
0xab: {  	s26 =	simm.s32 $execute0_lowered;
	[smem:$0x3FD2] =	sst s25  }
0xac: {  	s5 =	sshll.u32 s26, $0x1;
	_ =	strace $0x80000049;
	[dreg:$0x1] =	wrdreg $0xFFFFFFFF  }
0xad: {  	s28 =	simm.s32 $_size_execute0_lowered;
	s3 =	sadd.s32 s3, s5;
	[dreg:$0x0] =	wrdreg $0x0  }
0xae: {  	s5 =	sshll.u32 s28, $0x1;
	[dreg:$0x2] =	wrdreg s3  }
0xaf: {  	[dreg:$0x3] =	wrdreg s5  }
0xb0: {  	[dreg:$0x4] =	wrdreg $0xC0  }
0xb1: {  	_ =	task [dreg:s7], $0x5FFFF  }
0xb2: {  	[dreg:$0x1] =	wrdreg $0xFFFFFFFF  }
0xb3: {  	[dreg:$0x0] =	wrdreg $0x60  }
0xb4: {  	[dreg:$0x2] =	wrdreg s24  }
0xb5: {  	[dreg:$0x3] =	wrdreg s16  }
0xb6: {  	[dreg:$0x4] =	wrdreg $0x9  }
0xb7: {  	_ =	task.clear_ibuf [dreg:s7], $0x5FFFF;
	_ =	strace $0x90000049  }
0xb8: {  	s29 =	simm.s32 $0x9;
	_ =	strace $0x8000004B  }
0xb9: {  	_ =	swait.ge [sflag:s29], $0x1  }
0xba: {  	[sflag:s29] =	ssyncadd.s32 $0xFFFFFFFF  }
0xbb: {  	_ =	strace $0x9000004B  }
0xbc: {  	_ =	sfence  }
0xbd: {  	s30 =	sld [smem:$0x0];
	_ =	sdelay $0x2  }
0xbe: {  	s31 =	sshll.u32 s1, $0xD;
	s1 =	sshrl.u32 s1, $0x2  }
0xbf: {  	s3 =	sand.u32 $0x4000, s31;
	s1 =	sadd.s32 s1, s30  }
0xc0: {  	s0 =	sor.u32 s3, s0;
	s1 =	sshll.u32 s1, $0x11  }
0xc1: {  	s0 =	sor.u32 s1, s0  }
0xc2: {  	s0 =	sadd.s32 $0x8F2B, s0  }
0xc3: {  	[sflag:s0] =	ssyncadd.remote.s32 $0x1  }
0xc4: {  	_ =	sfence.sel $0xFFFF  }
0xc5: {  	[dreg:$0x0] =	wrdreg $0xFFFFFFFF;
	(pc) =	sbr.abs _section_cstart, $3  }
0xc6: {  	[dreg:$0x1] =	wrdreg $0xFFFFFFFF  }
0xc7: {  	_ =	task.clear_ibuf [dreg:s7], $0x2FFFF;
	_ =	strace $0x9FFFFFFF  }
0xc8: {  	(tm) =	ssettm $0x7FFFFFFF  }
0xc9: {  	_ =	shalt  }
tec
execute0_lowered:
.L_overlay_start_1:
0x0: {  	(tag) =	ssettag $0x1  }
0x1: {  	s0 =	rddreg [dreg:$0x0]  }
0x2: {  	s2 =	rddreg [dreg:$0x1];
	s1 =	simm.s32 $0x0;
	s3 =	srdreg.scid  }
0x3: {  	s7 =	stileid.u32;
	s16 =	simm.s32 $0x3;
	s28 =	simm.s32 $0xE800  }
0x4: {  	s29 =	simm.s32 $0xF000;
	s12 =	simm.s32 $0xF800;
	s30 =	simm.s32 $0x1  }
0x5: {  	s13 =	simm.s32 $0x2;
	s31 =	simm.s32 $0x0;
	[smem:$0x7FF] =	sst s1  }
0x6: {  	s4 =	sand.u32 $0x1, s3;
	s3 =	sadd.s32 $0x62D600, s0;
	s6 =	sadd.s32 $0xC0600, s0  }
0x7: {  	s17 =	sadd.s32 $0xC0A00, s0;
	s10 =	sadd.s32 $0x62D900, s0;
	s5 =	sshll.u32 s4, $0x4  }
0x8: {  	_ =	strace $0x8000004A;
	s4 =	ssub.s32 $0x2, s4;
	s5 =	sor.u32 s7, s5  }
0x9: {  	s9 =	sshrl.u32 s4, $0x1;
	s7 =	simm.s32 $0xB800;
	s8 =	sshll.u32 s5, $0xA  }
0xa: {  	s4 =	ssub.s32 s4, s9;
	s11 =	sshll.u32 s5, $0x5;
	s9 =	sadd.s32 $0x62D800, s0  }
0xb: {  	s21 =	sshll.u32 s5, $0xD;
	s5 =	simm.s32 $0x9800;
	s19 =	sadd.s32 s6, s11  }
0xc: {  	s8 =	sadd.s32 s8, s0;
	s20 =	sadd.s32 s17, s11;
	[dreg:$0x5] =	wrdreg s19  }
0xd: {  	s22 =	sor.u32 $0x10, s11;
	s26 =	smax.u32 s4, $0x1;
	[dreg:$0x6] =	wrdreg s20  }
0xe: {  	s11 =	sadd.s32 s2, s21;
	s18 =	sadd.s32 $0x8000, s8;
	[dreg:$0xa] =	wrdreg s26  }
0xf: {  	s21 =	simm.s32 $0xB000;
	s8 =	sadd.s32 $0x10000, s8;
	[dreg:$0x3] =	wrdreg s18  }
0x10: {  	v2 =	vlaneseq.u32;
	s23 =	sadd.s32 s6, s22;
	s24 =	sadd.s32 s17, s22;
	[dreg:$0x4] =	wrdreg s8  }
0x11: {  	v0 =	vand.u32 $0x7, v2;
	v1 =	vshrl.u32 v2, $0x3;
	s25 =	sadd.s32 $0x1000, s11;
	s20 =	simm.s32 $0xA000;
	[dreg:$0x7] =	wrdreg s23  }
0x12: {  	v63 =	vor.u32 $0x8, v2;
	[tilespmem:$0x1FFD0] =	vst v0;
	v62 =	vmul.u32 $0x8, v1;
	s6 =	simm.s32 $0xA800;
	s22 =	simm.s32 $0xC000;
	[dreg:$0x8] =	wrdreg s24  }
0x13: {  	[tilespmem:$0x1FFF0] =	vst v63;
	s26 =	simm.s32 $0xE000;
	s8 =	sadd.s32 $0x62D700, s0;
	[dreg:$0x9] =	wrdreg s25  }
0x14: {  	vm0 =	vmmov $0xffff;
	[tilespmem:$0x1FFE0] =	vst v62;
	s23 =	simm.s32 $0xC800;
	s24 =	simm.s32 $0xD000;
	s25 =	simm.s32 $0xD800  }
.LBB2_1:
0x15: {  	s14 =	simm.s32 $0x10100;
	s0 =	rddreg [dreg:$0x3]  }
0x16: {  	[tilespmem:s14], [sflag:$0x3] =	stream.linear.gather [hbm4b:s0+s1], $0x2000, $0x38;
	[tilespmem:$0x14100] =	vst v63  }
0x17: {  	_ =	swait.ge [sflag:s16], $0x2000  }
0x18: {  	[sflag:s16] =	ssyncset.done $0x0  }
0x19: {  	s0 =	simm.s32 $0x12100;
	s2 =	rddreg [dreg:$0x4];
	[sflag:s16] =	ssyncadd.s32 $0xFFFFE000  }
0x1a: {  	[tilespmem:s0], [sflag:$0x3] =	stream.linear.gather [hbm4b:s2+s1], $0x2000, $0x38;
	[tilespmem:$0x14100] =	vst v63  }
0x1b: {  	_ =	swait.ge [sflag:s16], $0x2000  }
0x1c: {  	[sflag:s16] =	ssyncset.done $0x0  }
0x1d: {  	s4 =	simm.s32 $0x10000;
	s19 =	rddreg [dreg:$0x5];
	[sflag:s16] =	ssyncadd.s32 $0xFFFFE000  }
0x1e: {  	[tilespmem:s4], [sflag:$0x3] =	stream.linear.gather [hbm4b:s19+s1], $0x80, $0x38;
	[tilespmem:$0x14100] =	vst v63  }
0x1f: {  	_ =	swait.ge [sflag:s16], $0x80  }
0x20: {  	[sflag:s16] =	ssyncset.done $0x0  }
0x21: {  	s15 =	simm.s32 $0x10080;
	s4 =	rddreg [dreg:$0x6];
	[sflag:s16] =	ssyncadd.s32 $0xFFFFFF80  }
0x22: {  	[tilespmem:s15], [sflag:$0x3] =	stream.linear.gather [hbm4b:s4+s1], $0x80, $0x38;
	[tilespmem:$0x14100] =	vst v63  }
0x23: {  	_ =	swait.ge [sflag:s16], $0x80  }
0x24: {  	[sflag:s16] =	ssyncset.done $0x0  }
0x25: {  	[sflag:s16] =	ssyncadd.s32 $0xFFFFFF80  }
0x26: {  	v3 =	vld [tilespmem:$0x10000];
	_ =	sdelay $0x2  }
0x27: {  	v0 =	vld [tilespmem:$0x1FFD0];
	_ =	sdelay $0x1  }
0x28: {  	v1 =	vld [tilespmem:$0x1FFE0];
	v4 =	vshll.u32 v3, $0x3  }
0x29: {  	v3 =	vand.u32 $0x7, v3;
	v4 =	vand.u32 $0xFFFFFFC0, v4  }
0x2a: {  	v3 =	vor.u32 v3, v4  }
0x2b: {  	v4 =	vperm.xlane v3, v0;
	_ =	sdelay $0x1  }
0x2c: {  	v4 =	vadd.s32 v1, v4  }
0x2d: {  	v2 =	vld [tilespmem:$0x1FFF0];
	_ =	sdelay $0x3  }
0x2e: {  	[tilespmem:s1], [sflag:$0x1] =	stream.indirect_vreg.gather [hbm4b:s3+s1], $0x80, v4, vm0, $0xb8;
	[tilespmem:$0x14100] =	vst v63  }
0x2f: {  	s17 =	simm.s32 $0x800;
	v3 =	vperm.xlane v3, v2  }
0x30: {  	[tilespmem:s17], [sflag:$0x1] =	stream.indirect_vreg.gather [hbm4b:s8+s1], $0x80, v4, vm0, $0xb8;
	[tilespmem:$0x14100] =	vst v63  }
0x31: {  	s18 =	simm.s32 $0x1000;
	v3 =	vadd.s32 v1, v3  }
0x32: {  	[tilespmem:s18], [sflag:$0x1] =	stream.indirect_vreg.gather [hbm4b:s9+s1], $0x80, v4, vm0, $0xb8;
	[tilespmem:$0x14100] =	vst v63  }
0x33: {  	s19 =	simm.s32 $0x1800  }
0x34: {  	[tilespmem:s19], [sflag:$0x1] =	stream.indirect_vreg.gather [hbm4b:s10+s1], $0x80, v4, vm0, $0xb8;
	[tilespmem:$0x14100] =	vst v63  }
0x35: {  	s4 =	simm.s32 $0x2000  }
0x36: {  	[tilespmem:s4], [sflag:$0x1] =	stream.indirect_vreg.gather [hbm4b:s3+s1], $0x80, v3, vm0, $0xb8;
	[tilespmem:$0x14100] =	vst v63  }
0x37: {  	s15 =	simm.s32 $0x2800  }
0x38: {  	[tilespmem:s15], [sflag:$0x1] =	stream.indirect_vreg.gather [hbm4b:s8+s1], $0x80, v3, vm0, $0xb8;
	[tilespmem:$0x14100] =	vst v63  }
0x39: {  	s17 =	simm.s32 $0x3000  }
0x3a: {  	[tilespmem:s17], [sflag:$0x1] =	stream.indirect_vreg.gather [hbm4b:s9+s1], $0x80, v3, vm0, $0xb8;
	[tilespmem:$0x14100] =	vst v63  }
0x3b: {  	s18 =	simm.s32 $0x3800  }
0x3c: {  	[tilespmem:s18], [sflag:$0x1] =	stream.indirect_vreg.gather [hbm4b:s10+s1], $0x80, v3, vm0, $0xb8;
	[tilespmem:$0x14100] =	vst v63  }
0x3d: {  	v3 =	vld [tilespmem:$0x10010];
	_ =	sdelay $0x4  }
0x3e: {  	v61 =	vshll.u32 v3, $0x3  }
0x3f: {  	v3 =	vand.u32 $0x7, v3;
	v4 =	vand.u32 $0xFFFFFFC0, v61  }
0x40: {  	v3 =	vor.u32 v3, v4  }
0x41: {  	v4 =	vperm.xlane v3, v0;
	_ =	sdelay $0x1  }
0x42: {  	v4 =	vadd.s32 v1, v4;
	_ =	sdelay $0x3  }
0x43: {  	s19 =	simm.s32 $0x4000  }
0x44: {  	[tilespmem:s19], [sflag:$0x1] =	stream.indirect_vreg.gather [hbm4b:s3+s1], $0x80, v4, vm0, $0xb8;
	[tilespmem:$0x14100] =	vst v63  }
0x45: {  	s4 =	simm.s32 $0x4800;
	v3 =	vperm.xlane v3, v2  }
0x46: {  	[tilespmem:s4], [sflag:$0x1] =	stream.indirect_vreg.gather [hbm4b:s8+s1], $0x80, v4, vm0, $0xb8;
	[tilespmem:$0x14100] =	vst v63  }
0x47: {  	s15 =	simm.s32 $0x5000;
	v3 =	vadd.s32 v1, v3  }
0x48: {  	[tilespmem:s15], [sflag:$0x1] =	stream.indirect_vreg.gather [hbm4b:s9+s1], $0x80, v4, vm0, $0xb8;
	[tilespmem:$0x14100] =	vst v63  }
0x49: {  	s17 =	simm.s32 $0x5800  }
0x4a: {  	[tilespmem:s17], [sflag:$0x1] =	stream.indirect_vreg.gather [hbm4b:s10+s1], $0x80, v4, vm0, $0xb8;
	[tilespmem:$0x14100] =	vst v63  }
0x4b: {  	s18 =	simm.s32 $0x6000  }
0x4c: {  	[tilespmem:s18], [sflag:$0x1] =	stream.indirect_vreg.gather [hbm4b:s3+s1], $0x80, v3, vm0, $0xb8;
	[tilespmem:$0x14100] =	vst v63  }
0x4d: {  	s19 =	simm.s32 $0x6800  }
0x4e: {  	[tilespmem:s19], [sflag:$0x1] =	stream.indirect_vreg.gather [hbm4b:s8+s1], $0x80, v3, vm0, $0xb8;
	[tilespmem:$0x14100] =	vst v63  }
0x4f: {  	s4 =	simm.s32 $0x7000  }
0x50: {  	[tilespmem:s4], [sflag:$0x1] =	stream.indirect_vreg.gather [hbm4b:s9+s1], $0x80, v3, vm0, $0xb8;
	[tilespmem:$0x14100] =	vst v63  }
0x51: {  	s15 =	simm.s32 $0x7800  }
0x52: {  	[tilespmem:s15], [sflag:$0x1] =	stream.indirect_vreg.gather [hbm4b:s10+s1], $0x80, v3, vm0, $0xb8;
	[tilespmem:$0x14100] =	vst v63  }
0x53: {  	v3 =	vld [tilespmem:$0x10080];
	_ =	sdelay $0x4  }
0x54: {  	v62 =	vshll.u32 v3, $0x3  }
0x55: {  	v3 =	vand.u32 $0x7, v3;
	v4 =	vand.u32 $0xFFFFFFC0, v62  }
0x56: {  	v3 =	vor.u32 v3, v4  }
0x57: {  	v4 =	vperm.xlane v3, v0;
	_ =	sdelay $0x1  }
0x58: {  	v4 =	vadd.s32 v1, v4;
	_ =	sdelay $0x3  }
0x59: {  	s17 =	simm.s32 $0x8000  }
0x5a: {  	[tilespmem:s17], [sflag:$0x2] =	stream.indirect_vreg.gather [hbm4b:s3+s1], $0x80, v4, vm0, $0xb8;
	[tilespmem:$0x14100] =	vst v63  }
0x5b: {  	s18 =	simm.s32 $0x8800;
	v3 =	vperm.xlane v3, v2  }
0x5c: {  	[tilespmem:s18], [sflag:$0x2] =	stream.indirect_vreg.gather [hbm4b:s8+s1], $0x80, v4, vm0, $0xb8;
	[tilespmem:$0x14100] =	vst v63  }
0x5d: {  	s19 =	simm.s32 $0x9000;
	v3 =	vadd.s32 v1, v3  }
0x5e: {  	[tilespmem:s19], [sflag:$0x2] =	stream.indirect_vreg.gather [hbm4b:s9+s1], $0x80, v4, vm0, $0xb8;
	[tilespmem:$0x14100] =	vst v63  }
0x5f: {  	_ = 	snop  }
0x60: {  	[tilespmem:s5], [sflag:$0x2] =	stream.indirect_vreg.gather [hbm4b:s10+s1], $0x80, v4, vm0, $0xb8;
	[tilespmem:$0x14100] =	vst v63  }
0x61: {  	_ = 	snop  }
0x62: {  	[tilespmem:s20], [sflag:$0x2] =	stream.indirect_vreg.gather [hbm4b:s3+s1], $0x80, v3, vm0, $0xb8;
	[tilespmem:$0x14100] =	vst v63  }
0x63: {  	_ = 	snop  }
0x64: {  	[tilespmem:s6], [sflag:$0x2] =	stream.indirect_vreg.gather [hbm4b:s8+s1], $0x80, v3, vm0, $0xb8;
	[tilespmem:$0x14100] =	vst v63  }
0x65: {  	_ = 	snop  }
0x66: {  	[tilespmem:s21], [sflag:$0x2] =	stream.indirect_vreg.gather [hbm4b:s9+s1], $0x80, v3, vm0, $0xb8;
	[tilespmem:$0x14100] =	vst v63  }
0x67: {  	_ = 	snop  }
0x68: {  	[tilespmem:s7], [sflag:$0x2] =	stream.indirect_vreg.gather [hbm4b:s10+s1], $0x80, v3, vm0, $0xb8;
	[tilespmem:$0x14100] =	vst v63  }
0x69: {  	v3 =	vld [tilespmem:$0x10090];
	_ =	sdelay $0x4  }
0x6a: {  	v63 =	vshll.u32 v3, $0x3  }
0x6b: {  	v3 =	vand.u32 $0x7, v3;
	v4 =	vand.u32 $0xFFFFFFC0, v63  }
0x6c: {  	v3 =	vor.u32 v3, v4  }
0x6d: {  	v4 =	vperm.xlane v3, v0;
	_ =	sdelay $0x1  }
0x6e: {  	v4 =	vadd.s32 v1, v4;
	_ =	sdelay $0x4  }
0x6f: {  	[tilespmem:s22], [sflag:$0x2] =	stream.indirect_vreg.gather [hbm4b:s3+s1], $0x80, v4, vm0, $0xb8;
	[tilespmem:$0x14100] =	vst v63  }
0x70: {  	v3 =	vperm.xlane v3, v2  }
0x71: {  	[tilespmem:s23], [sflag:$0x2] =	stream.indirect_vreg.gather [hbm4b:s8+s1], $0x80, v4, vm0, $0xb8;
	[tilespmem:$0x14100] =	vst v63  }
0x72: {  	v3 =	vadd.s32 v1, v3  }
0x73: {  	[tilespmem:s24], [sflag:$0x2] =	stream.indirect_vreg.gather [hbm4b:s9+s1], $0x80, v4, vm0, $0xb8;
	[tilespmem:$0x14100] =	vst v63  }
0x74: {  	_ = 	snop  }
0x75: {  	[tilespmem:s25], [sflag:$0x2] =	stream.indirect_vreg.gather [hbm4b:s10+s1], $0x80, v4, vm0, $0xb8;
	[tilespmem:$0x14100] =	vst v63  }
0x76: {  	_ = 	snop  }
0x77: {  	[tilespmem:s26], [sflag:$0x2] =	stream.indirect_vreg.gather [hbm4b:s3+s1], $0x80, v3, vm0, $0xb8;
	[tilespmem:$0x14100] =	vst v63  }
0x78: {  	_ = 	snop  }
0x79: {  	[tilespmem:s28], [sflag:$0x2] =	stream.indirect_vreg.gather [hbm4b:s8+s1], $0x80, v3, vm0, $0xb8;
	[tilespmem:$0x14100] =	vst v63  }
0x7a: {  	_ = 	snop  }
0x7b: {  	[tilespmem:s29], [sflag:$0x2] =	stream.indirect_vreg.gather [hbm4b:s9+s1], $0x80, v3, vm0, $0xb8;
	[tilespmem:$0x14100] =	vst v63  }
0x7c: {  	_ = 	snop  }
0x7d: {  	[tilespmem:s12], [sflag:$0x2] =	stream.indirect_vreg.gather [hbm4b:s10+s1], $0x80, v3, vm0, $0xb8;
	[tilespmem:$0x14100] =	vst v63  }
0x7e: {  	_ =	swait.ge [sflag:s30], $0x8000  }
0x7f: {  	[sflag:s30] =	ssyncset.done $0x0  }
0x80: {  	[sflag:s30] =	ssyncadd.s32 $0xFFFF8000  }
0x81: {  	_ =	swait.ge [sflag:s13], $0x8000  }
0x82: {  	s2 =	simm.s32 $0x0;
	[sflag:s13] =	ssyncset.done $0x0  }
0x83: {  	s15 =	simm.s32 $0x0;
	s17 =	simm.s32 $0x0;
	[sflag:s13] =	ssyncadd.s32 $0xFFFF8000  }
.LBB2_2:
0x84: {  	v3 =	vld [tilespmem:s14+$0x0];
	s18 =	sand.u32 $0x6000, s2;
	s4 =	sand.u32 $0x380, s17  }
0x85: {  	v4 =	vld [tilespmem:s0+$0x0];
	s18 =	sor.u32 s4, s18  }
0x86: {  	v6 =	vld [tilespmem:s18+$0x0]  }
0x87: {  	v7 =	vld [tilespmem:s18+$0x8000]  }
0x88: {  	v10 =	vld [tilespmem:s18+$0x10]  }
0x89: {  	v11 =	vld [tilespmem:s18+$0x8010]  }
0x8a: {  	v14 =	vld [tilespmem:s18+$0x20]  }
0x8b: {  	v17 =	vld [tilespmem:s18+$0x8020]  }
0x8c: {  	v20 =	vld [tilespmem:s18+$0x30]  }
0x8d: {  	v21 =	vld [tilespmem:s18+$0x8030]  }
0x8e: {  	v26 =	vld [tilespmem:s18+$0x40]  }
0x8f: {  	v27 =	vld [tilespmem:s18+$0x8040]  }
0x90: {  	v28 =	vld [tilespmem:s18+$0x50]  }
0x91: {  	v29 =	vld [tilespmem:s18+$0x8050]  }
0x92: {  	v30 =	vld [tilespmem:s18+$0x60]  }
0x93: {  	v31 =	vld [tilespmem:s18+$0x8060]  }
0x94: {  	v32 =	vld [tilespmem:s18+$0x70]  }
0x95: {  	v33 =	vld [tilespmem:s18+$0x8070]  }
0x96: {  	v34 =	vld [tilespmem:s18+$0x400]  }
0x97: {  	v35 =	vld [tilespmem:s18+$0x8400]  }
0x98: {  	v36 =	vld [tilespmem:s18+$0x410]  }
0x99: {  	v37 =	vld [tilespmem:s18+$0x8410]  }
0x9a: {  	v38 =	vld [tilespmem:s18+$0x420]  }
0x9b: {  	v39 =	vld [tilespmem:s18+$0x8420]  }
0x9c: {  	v40 =	vld [tilespmem:s18+$0x430]  }
0x9d: {  	v41 =	vld [tilespmem:s18+$0x8430]  }
0x9e: {  	v42 =	vld [tilespmem:s18+$0x440]  }
0x9f: {  	v43 =	vld [tilespmem:s18+$0x8440]  }
0xa0: {  	v44 =	vld [tilespmem:s18+$0x450]  }
0xa1: {  	v45 =	vld [tilespmem:s18+$0x8450]  }
0xa2: {  	v46 =	vld [tilespmem:s18+$0x460]  }
0xa3: {  	v47 =	vld [tilespmem:s18+$0x8460]  }
0xa4: {  	v48 =	vld [tilespmem:s18+$0x470]  }
0xa5: {  	v49 =	vld [tilespmem:s18+$0x8470]  }
0xa6: {  	v50 =	vld [tilespmem:s18+$0x800]  }
0xa7: {  	v51 =	vld [tilespmem:s18+$0x8800]  }
0xa8: {  	v52 =	vld [tilespmem:s18+$0x810]  }
0xa9: {  	v53 =	vld [tilespmem:s18+$0x8810]  }
0xaa: {  	v54 =	vld [tilespmem:s18+$0x820]  }
0xab: {  	v55 =	vld [tilespmem:s18+$0x8820]  }
0xac: {  	v56 =	vld [tilespmem:s18+$0x830]  }
0xad: {  	v57 =	vld [tilespmem:s18+$0x8830]  }
0xae: {  	v58 =	vld [tilespmem:s18+$0x840]  }
0xaf: {  	v59 =	vld [tilespmem:s18+$0x8840]  }
0xb0: {  	v60 =	vld [tilespmem:s18+$0x850]  }
0xb1: {  	v61 =	vld [tilespmem:s18+$0x8850]  }
0xb2: {  	v62 =	vld [tilespmem:s18+$0x860]  }
0xb3: {  	v63 =	vld [tilespmem:s18+$0x8860]  }
0xb4: {  	v5 =	vld [tilespmem:s18+$0x870]  }
0xb5: {  	v2 =	vld [tilespmem:s18+$0x8870]  }
0xb6: {  	v24 =	vld [tilespmem:s18+$0xC00]  }
0xb7: {  	v25 =	vld [tilespmem:s18+$0x8C00]  }
0xb8: {  	v22 =	vld [tilespmem:s18+$0xC10]  }
0xb9: {  	v23 =	vld [tilespmem:s18+$0x8C10]  }
0xba: {  	v18 =	vld [tilespmem:s18+$0xC20]  }
0xbb: {  	v0 =	vld [tilespmem:s18+$0xC60]  }
0xbc: {  	v19 =	vld [tilespmem:s18+$0x8C20]  }
0xbd: {  	v15 =	vld [tilespmem:s18+$0xC30]  }
0xbe: {  	v16 =	vld [tilespmem:s18+$0x8C30]  }
0xbf: {  	v12 =	vld [tilespmem:s18+$0xC40];
	v1 =	vmul.f32 v6, v3  }
0xc0: {  	v13 =	vld [tilespmem:s18+$0x8C40];
	[tilespmem:$0x1FFC0] =	vst v0;
	v0 =	vmul.f32 v7, v4;
	v10 =	vmul.f32 v10, v3  }
0xc1: {  	v8 =	vld [tilespmem:s18+$0xC50];
	v11 =	vmul.f32 v11, v4;
	v14 =	vmul.f32 v14, v3  }
0xc2: {  	v9 =	vld [tilespmem:s18+$0x8C50];
	v17 =	vmul.f32 v17, v4;
	v20 =	vmul.f32 v20, v3  }
0xc3: {  	v7 =	vld [tilespmem:s18+$0x8C60];
	v21 =	vmul.f32 v21, v4;
	v26 =	vmul.f32 v26, v3  }
0xc4: {  	v6 =	vld [tilespmem:s18+$0xC70];
	v27 =	vmul.f32 v27, v4;
	v34 =	vmul.f32 v34, v3  }
0xc5: {  	v35 =	vmul.f32 v35, v4;
	v38 =	vmul.f32 v38, v3;
	v1 =	vadd.f32 v0, v1;
	v0 =	vld [tilespmem:s18+$0x8C70]  }
0xc6: {  	v39 =	vmul.f32 v39, v4;
	v40 =	vmul.f32 v40, v3;
	v10 =	vadd.f32 v11, v10;
	v11 =	vld [tilespmem:s18+$0x1000]  }
0xc7: {  	v5 =	vmul.f32 v5, v3;
	v2 =	vmul.f32 v2, v4;
	[tilespmem:s18+$0x0] =	vst v1;
	v1 =	vadd.f32 v17, v14;
	v14 =	vld [tilespmem:s18+$0x9000]  }
0xc8: {  	[tilespmem:s18+$0x10] =	vst v10;
	v10 =	vadd.f32 v21, v20;
	v21 =	vmul.f32 v28, v3;
	v28 =	vmul.f32 v29, v4;
	v17 =	vld [tilespmem:s18+$0x1010]  }
0xc9: {  	v52 =	vmul.f32 v52, v3;
	v2 =	vadd.f32 v2, v5;
	v20 =	vld [tilespmem:s18+$0x9010];
	v29 =	vmul.f32 v33, v4;
	[tilespmem:s18+$0x20] =	vst v1  }
0xca: {  	v1 =	vadd.f32 v27, v26;
	v26 =	vmul.f32 v30, v3;
	[tilespmem:s18+$0x30] =	vst v10;
	v10 =	vadd.f32 v28, v21;
	v21 =	vld [tilespmem:s18+$0x1020]  }
0xcb: {  	v27 =	vmul.f32 v31, v4;
	v28 =	vmul.f32 v32, v3;
	v31 =	vld [tilespmem:s18+$0x1030]  }
0xcc: {  	v24 =	vmul.f32 v24, v3;
	v25 =	vmul.f32 v25, v4;
	[tilespmem:s18+$0x870] =	vst v2;
	v32 =	vld [tilespmem:s18+$0x9030]  }
0xcd: {  	v18 =	vmul.f32 v18, v3;
	v33 =	vadd.f32 v27, v26;
	v26 =	vld [tilespmem:s18+$0x9020];
	[tilespmem:s18+$0x50] =	vst v10;
	v10 =	vadd.f32 v29, v28  }
0xce: {  	[tilespmem:s18+$0x40] =	vst v1;
	v28 =	vmul.f32 v36, v3;
	v36 =	vmul.f32 v37, v4;
	v37 =	vadd.f32 v35, v34;
	v34 =	vld [tilespmem:s18+$0x9040]  }
0xcf: {  	v19 =	vmul.f32 v19, v4;
	v12 =	vmul.f32 v12, v3;
	v35 =	vld [tilespmem:s18+$0x1050];
	[tilespmem:s18+$0x60] =	vst v33  }
0xd0: {  	v13 =	vmul.f32 v13, v4;
	v27 =	vld [tilespmem:s18+$0x9420];
	v29 =	vadd.f32 v25, v24;
	[tilespmem:s18+$0x70] =	vst v10;
	v10 =	vadd.f32 v36, v28  }
0xd1: {  	v36 =	vmul.f32 v41, v4;
	v33 =	vld [tilespmem:s18+$0x1040];
	[tilespmem:s18+$0x400] =	vst v37;
	v37 =	vadd.f32 v39, v38;
	v38 =	vmul.f32 v42, v3  }
0xd2: {  	v39 =	vmul.f32 v43, v4;
	v41 =	vmul.f32 v45, v4;
	v28 =	vld [tilespmem:s18+$0x1420];
	[tilespmem:s18+$0xC00] =	vst v29  }
0xd3: {  	v43 =	vmul.f32 v46, v3;
	[tilespmem:s18+$0x410] =	vst v10;
	v10 =	vadd.f32 v36, v40;
	v40 =	vmul.f32 v44, v3;
	v36 =	vld [tilespmem:s18+$0x9050]  }
0xd4: {  	v46 =	vmul.f32 v48, v3;
	[tilespmem:s18+$0x420] =	vst v37;
	v42 =	vadd.f32 v39, v38;
	v44 =	vmul.f32 v47, v4;
	v37 =	vld [tilespmem:s18+$0x1060]  }
0xd5: {  	v47 =	vmul.f32 v49, v4;
	v49 =	vmul.f32 v50, v3;
	v38 =	vld [tilespmem:s18+$0x9060];
	[tilespmem:s18+$0x430] =	vst v10;
	v45 =	vadd.f32 v41, v40  }
0xd6: {  	v50 =	vmul.f32 v51, v4;
	v39 =	vld [tilespmem:s18+$0x1070];
	[tilespmem:s18+$0x440] =	vst v42;
	v48 =	vadd.f32 v44, v43;
	v44 =	vmul.f32 v53, v4  }
0xd7: {  	v51 =	vadd.f32 v47, v46;
	v46 =	vmul.f32 v54, v3;
	v47 =	vmul.f32 v55, v4;
	v40 =	vld [tilespmem:s18+$0x9070];
	[tilespmem:s18+$0x450] =	vst v45  }
0xd8: {  	v41 =	vld [tilespmem:s18+$0x1400];
	v53 =	vmul.f32 v59, v4;
	v55 =	vmul.f32 v60, v3;
	[tilespmem:s18+$0x460] =	vst v48;
	v45 =	vadd.f32 v50, v49  }
0xd9: {  	v42 =	vld [tilespmem:s18+$0x9400];
	v59 =	vmul.f32 v63, v4;
	v63 =	vmul.f32 v23, v4;
	[tilespmem:s18+$0x470] =	vst v51;
	v48 =	vadd.f32 v44, v52  }
0xda: {  	v43 =	vld [tilespmem:s18+$0x1410];
	v49 =	vmul.f32 v56, v3;
	v50 =	vmul.f32 v57, v4;
	v51 =	vadd.f32 v47, v46;
	[tilespmem:s18+$0x800] =	vst v45  }
0xdb: {  	v23 =	vld [tilespmem:s18+$0x9430];
	v25 =	vmul.f32 v33, v3;
	v52 =	vmul.f32 v58, v3;
	v47 =	vadd.f32 v19, v18;
	[tilespmem:s18+$0x810] =	vst v48  }
0xdc: {  	v56 =	vmul.f32 v61, v4;
	v58 =	vmul.f32 v62, v3;
	v44 =	vld [tilespmem:s18+$0x9410];
	v54 =	vadd.f32 v50, v49;
	[tilespmem:s18+$0x820] =	vst v51  }
0xdd: {  	v62 =	vmul.f32 v22, v3;
	v22 =	vld [tilespmem:s18+$0x1430];
	v46 =	vmul.f32 v16, v4;
	v57 =	vadd.f32 v53, v52;
	[tilespmem:s18+$0xC20] =	vst v47  }
0xde: {  	v16 =	vld [tilespmem:s18+$0x9440];
	v33 =	vmul.f32 v37, v3;
	v60 =	vadd.f32 v56, v55;
	v45 =	vmul.f32 v15, v3;
	[tilespmem:s18+$0x830] =	vst v54  }
0xdf: {  	v18 =	vld [tilespmem:s18+$0x1810];
	v61 =	vadd.f32 v59, v58;
	v49 =	vmul.f32 v8, v3;
	v50 =	vmul.f32 v9, v4;
	[tilespmem:s18+$0x840] =	vst v57  }
0xe0: {  	v19 =	vld [tilespmem:s18+$0x9810];
	v30 =	vadd.f32 v63, v62;
	v56 =	vmul.f32 v11, v3;
	v58 =	vmul.f32 v17, v3;
	[tilespmem:s18+$0x850] =	vst v60  }
0xe1: {  	v15 =	vld [tilespmem:s18+$0x1440];
	v51 =	vadd.f32 v13, v12;
	v59 =	vmul.f32 v20, v4;
	v62 =	vmul.f32 v26, v4;
	[tilespmem:s18+$0x860] =	vst v61  }
0xe2: {  	v9 =	vld [tilespmem:s18+$0x1450];
	v20 =	vmul.f32 v31, v3;
	v26 =	vmul.f32 v34, v4;
	[tilespmem:s18+$0xC10] =	vst v30;
	v48 =	vadd.f32 v46, v45  }
0xe3: {  	v52 =	vld [tilespmem:$0x1FFC0];
	v31 =	vmul.f32 v36, v4;
	v34 =	vmul.f32 v38, v4;
	v53 =	vadd.f32 v50, v49;
	[tilespmem:s18+$0xC40] =	vst v51  }
0xe4: {  	v12 =	vld [tilespmem:s18+$0x9450];
	v36 =	vmul.f32 v39, v3;
	v37 =	vmul.f32 v40, v4;
	v63 =	vadd.f32 v59, v58;
	[tilespmem:s18+$0xC30] =	vst v48  }
0xe5: {  	v11 =	vld [tilespmem:s18+$0x1470];
	v61 =	vmul.f32 v21, v3;
	v21 =	vmul.f32 v32, v4;
	v32 =	vadd.f32 v26, v25;
	[tilespmem:s18+$0xC50] =	vst v53  }
0xe6: {  	v13 =	vld [tilespmem:s18+$0x9470];
	v39 =	vmul.f32 v41, v3;
	v40 =	vmul.f32 v42, v4;
	v38 =	vadd.f32 v34, v33;
	[tilespmem:s18+$0x1010] =	vst v63  }
0xe7: {  	v0 =	vmul.f32 v0, v4;
	v17 =	vld [tilespmem:s18+$0x9800];
	v54 =	vmul.f32 v6, v3;
	v42 =	vadd.f32 v37, v36;
	[tilespmem:s18+$0x1040] =	vst v32  }
0xe8: {  	v41 =	vld [tilespmem:s18+$0x9820];
	v57 =	vmul.f32 v14, v4;
	v47 =	vadd.f32 v40, v39;
	[tilespmem:s18+$0x1060] =	vst v38  }
0xe9: {  	v6 =	vld [tilespmem:s18+$0x1460];
	v0 =	vadd.f32 v0, v54;
	[tilespmem:s18+$0x1070] =	vst v42  }
0xea: {  	v14 =	vld [tilespmem:s18+$0x1800];
	v60 =	vadd.f32 v57, v56;
	[tilespmem:s18+$0x1400] =	vst v47  }
0xeb: {  	v7 =	vmul.f32 v7, v4;
	v30 =	vmul.f32 v35, v3;
	v46 =	vld [tilespmem:s18+$0x1830];
	v24 =	vadd.f32 v62, v61;
	[tilespmem:s18+$0xC70] =	vst v0  }
0xec: {  	v43 =	vmul.f32 v43, v3;
	v50 =	vld [tilespmem:s18+$0x9830];
	v45 =	vmul.f32 v44, v4;
	v29 =	vadd.f32 v21, v20;
	[tilespmem:s18+$0x1000] =	vst v60  }
0xed: {  	v49 =	vmul.f32 v27, v4;
	v58 =	vld [tilespmem:s18+$0x1850];
	v35 =	vadd.f32 v31, v30;
	v10 =	vmul.f32 v52, v3;
	[tilespmem:s18+$0x1020] =	vst v24  }
0xee: {  	v36 =	vld [tilespmem:s18+$0x9870];
	v53 =	vmul.f32 v23, v4;
	v51 =	vadd.f32 v45, v43;
	v52 =	vmul.f32 v22, v3;
	[tilespmem:s18+$0x1030] =	vst v29  }
0xef: {  	v40 =	vld [tilespmem:s18+$0x9840];
	v57 =	vmul.f32 v16, v4;
	v56 =	vmul.f32 v15, v3;
	[tilespmem:s18+$0x1050] =	vst v35;
	v55 =	vadd.f32 v7, v10  }
0xf0: {  	v20 =	vld [tilespmem:s18+$0x1820];
	v26 =	vmul.f32 v11, v3;
	v27 =	vmul.f32 v13, v4;
	[tilespmem:s18+$0x1410] =	vst v51;
	v59 =	vadd.f32 v53, v52  }
0xf1: {  	v62 =	vld [tilespmem:s18+$0x9850];
	v61 =	vmul.f32 v12, v4;
	v60 =	vmul.f32 v9, v3;
	v63 =	vadd.f32 v57, v56;
	[tilespmem:s18+$0xC60] =	vst v55  }
0xf2: {  	v34 =	vmul.f32 v18, v3;
	v16 =	vld [tilespmem:s18+$0x1860];
	v35 =	vmul.f32 v19, v4;
	v33 =	vadd.f32 v27, v26;
	[tilespmem:s18+$0x1430] =	vst v59  }
0xf3: {  	v48 =	vmul.f32 v28, v3;
	v28 =	vld [tilespmem:s18+$0x9860];
	v31 =	vmul.f32 v17, v4;
	v23 =	vadd.f32 v61, v60;
	[tilespmem:s18+$0x1440] =	vst v63  }
0xf4: {  	v32 =	vld [tilespmem:s18+$0x1870];
	v39 =	vmul.f32 v41, v4;
	v30 =	vmul.f32 v14, v3;
	v41 =	vadd.f32 v35, v34;
	[tilespmem:s18+$0x1470] =	vst v33  }
0xf5: {  	v10 =	vld [tilespmem:s18+$0x9460];
	v42 =	vmul.f32 v46, v3;
	v43 =	vmul.f32 v50, v4;
	v55 =	vadd.f32 v49, v48;
	[tilespmem:s18+$0x1450] =	vst v23  }
0xf6: {  	v54 =	vld [tilespmem:s18+$0x1840];
	v37 =	vadd.f32 v31, v30;
	v38 =	vmul.f32 v20, v3;
	[tilespmem:s18+$0x1810] =	vst v41  }
0xf7: {  	v45 =	vmul.f32 v58, v3;
	v46 =	vmul.f32 v62, v4;
	v47 =	vadd.f32 v43, v42;
	[tilespmem:s18+$0x1420] =	vst v55  }
0xf8: {  	v48 =	vmul.f32 v16, v3;
	v49 =	vmul.f32 v28, v4;
	[tilespmem:s18+$0x1800] =	vst v37;
	v44 =	vadd.f32 v39, v38  }
0xf9: {  	v52 =	vmul.f32 v36, v4;
	v51 =	vmul.f32 v32, v3;
	v50 =	vadd.f32 v46, v45;
	[tilespmem:s18+$0x1830] =	vst v47  }
0xfa: {  	v6 =	vmul.f32 v6, v3;
	v53 =	vadd.f32 v49, v48;
	v12 =	vmul.f32 v10, v4;
	[tilespmem:s18+$0x1820] =	vst v44  }
0xfb: {  	s19 =	sand.u32 $0x7, s15;
	v54 =	vmul.f32 v54, v3;
	v55 =	vmul.f32 v40, v4;
	v56 =	vadd.f32 v52, v51;
	[tilespmem:s18+$0x1850] =	vst v50  }
0xfc: {  	s4 =	sshll.u32 s19, $0x7;
	[tilespmem:s18+$0x1860] =	vst v53;
	v29 =	vadd.f32 v12, v6  }
0xfd: {  	s4 =	sadd.s32 s4, s2;
	v2 =	vadd.f32 v55, v54;
	[tilespmem:s18+$0x1870] =	vst v56  }
0xfe: {  	s19 =	sor.u32 $0x1C00, s4;
	[tilespmem:s18+$0x1460] =	vst v29  }
0xff: {  	[tilespmem:s18+$0x1840] =	vst v2;
	v0 =	vld [tilespmem:s19+$0x0]  }
0x100: {  	v1 =	vld [tilespmem:s19+$0x8000];
	_ =	sdelay $0x4  }
0x101: {  	v0 =	vmul.f32 v0, v3;
	v1 =	vmul.f32 v1, v4;
	_ =	sdelay $0x1  }
0x102: {  	v0 =	vadd.f32 v1, v0;
	_ =	sdelay $0x1  }
0x103: {  	[tilespmem:s19+$0x0] =	vst v0;
	s19 =	sor.u32 $0x1C10, s4  }
0x104: {  	v0 =	vld [tilespmem:s19+$0x0]  }
0x105: {  	v57 =	vld [tilespmem:s19+$0x8000];
	_ =	sdelay $0x4  }
0x106: {  	v0 =	vmul.f32 v0, v3;
	v1 =	vmul.f32 v57, v4;
	_ =	sdelay $0x1  }
0x107: {  	v0 =	vadd.f32 v1, v0;
	_ =	sdelay $0x1  }
0x108: {  	[tilespmem:s19+$0x0] =	vst v0;
	s19 =	sor.u32 $0x1C20, s4  }
0x109: {  	v0 =	vld [tilespmem:s19+$0x0]  }
0x10a: {  	v58 =	vld [tilespmem:s19+$0x8000];
	_ =	sdelay $0x4  }
0x10b: {  	v0 =	vmul.f32 v0, v3;
	v1 =	vmul.f32 v58, v4;
	_ =	sdelay $0x1  }
0x10c: {  	v0 =	vadd.f32 v1, v0;
	_ =	sdelay $0x1  }
0x10d: {  	[tilespmem:s19+$0x0] =	vst v0;
	s19 =	sor.u32 $0x1C30, s4  }
0x10e: {  	v0 =	vld [tilespmem:s19+$0x0]  }
0x10f: {  	v59 =	vld [tilespmem:s19+$0x8000];
	_ =	sdelay $0x4  }
0x110: {  	v0 =	vmul.f32 v0, v3;
	v1 =	vmul.f32 v59, v4;
	_ =	sdelay $0x1  }
0x111: {  	v0 =	vadd.f32 v1, v0;
	_ =	sdelay $0x1  }
0x112: {  	[tilespmem:s19+$0x0] =	vst v0;
	s19 =	sor.u32 $0x1C40, s4  }
0x113: {  	v0 =	vld [tilespmem:s19+$0x0]  }
0x114: {  	v60 =	vld [tilespmem:s19+$0x8000];
	_ =	sdelay $0x4  }
0x115: {  	v0 =	vmul.f32 v0, v3;
	v1 =	vmul.f32 v60, v4;
	_ =	sdelay $0x1  }
0x116: {  	v0 =	vadd.f32 v1, v0;
	_ =	sdelay $0x1  }
0x117: {  	[tilespmem:s19+$0x0] =	vst v0;
	s19 =	sor.u32 $0x1C50, s4  }
0x118: {  	v0 =	vld [tilespmem:s19+$0x0]  }
0x119: {  	v61 =	vld [tilespmem:s19+$0x8000];
	_ =	sdelay $0x4  }
0x11a: {  	v0 =	vmul.f32 v0, v3;
	v1 =	vmul.f32 v61, v4;
	_ =	sdelay $0x1  }
0x11b: {  	v0 =	vadd.f32 v1, v0;
	_ =	sdelay $0x1  }
0x11c: {  	[tilespmem:s19+$0x0] =	vst v0;
	s19 =	sor.u32 $0x1C60, s4  }
0x11d: {  	v0 =	vld [tilespmem:s19+$0x0]  }
0x11e: {  	v62 =	vld [tilespmem:s19+$0x8000];
	_ =	sdelay $0x4  }
0x11f: {  	v0 =	vmul.f32 v0, v3;
	v1 =	vmul.f32 v62, v4;
	_ =	sdelay $0x1  }
0x120: {  	v0 =	vadd.f32 v1, v0;
	_ =	sdelay $0x1  }
0x121: {  	s4 =	sor.u32 $0x1C70, s4;
	[tilespmem:s19+$0x0] =	vst v0  }
0x122: {  	v0 =	vld [tilespmem:s4+$0x0]  }
0x123: {  	v63 =	vld [tilespmem:s4+$0x8000];
	_ =	sdelay $0x3  }
0x124: {  	p0 =	sne.s32 s17, $0xF80  }
.Ltmp0:
0x125: {  	v0 =	vmul.f32 v0, v3;
	v1 =	vmul.f32 v63, v4;
	(pc) =	sbr.rel @p0 .LBB2_2-.Ltmp0, $4  }
0x126: {  	_ = 	snop  }
0x127: {  	v0 =	vadd.f32 v1, v0  }
0x128: {  	s15 =	sadd.s32 $0x1, s15;
	s14 =	sadd.s32 $0x80, s14  }
0x129: {  	s0 =	sadd.s32 $0x80, s0;
	s17 =	sadd.s32 $0x80, s17;
	s2 =	sadd.s32 $0x400, s2;
	[tilespmem:s4+$0x0] =	vst v0  }
0x12a: {  	s14 =	simm.s32 $0x0  }
0x12b: {  	[hbm4b:s11+s14] =	stream.linear.scatter [tilespmem:s14], [sflag:$0x3], $0x8000, $0x38;
	[tilespmem:$0x14100] =	vst v63  }
0x12c: {  	_ =	swait.ge [sflag:s16], $0x8000  }
0x12d: {  	[sflag:s16] =	ssyncset.done $0x0  }
0x12e: {  	s2 =	simm.s32 $0x10000;
	s0 =	rddreg [dreg:$0x7];
	[sflag:s16] =	ssyncadd.s32 $0xFFFF8000  }
0x12f: {  	[tilespmem:s2], [sflag:$0x3] =	stream.linear.gather [hbm4b:s0+s14], $0x80, $0x38;
	[tilespmem:$0x14100] =	vst v63  }
0x130: {  	_ =	swait.ge [sflag:s16], $0x80  }
0x131: {  	[sflag:s16] =	ssyncset.done $0x0  }
0x132: {  	s19 =	simm.s32 $0x10080;
	s18 =	rddreg [dreg:$0x8];
	[sflag:s16] =	ssyncadd.s32 $0xFFFFFF80  }
0x133: {  	[tilespmem:s19], [sflag:$0x3] =	stream.linear.gather [hbm4b:s18+s14], $0x80, $0x38;
	[tilespmem:$0x14100] =	vst v63  }
0x134: {  	_ =	swait.ge [sflag:s16], $0x80  }
0x135: {  	[sflag:s16] =	ssyncset.done $0x0  }
0x136: {  	[sflag:s16] =	ssyncadd.s32 $0xFFFFFF80  }
0x137: {  	v0 =	vld [tilespmem:$0x10000];
	_ =	sdelay $0x2  }
0x138: {  	v2 =	vld [tilespmem:$0x1FFD0];
	_ =	sdelay $0x1  }
0x139: {  	v3 =	vld [tilespmem:$0x1FFE0];
	v1 =	vshll.u32 v0, $0x3  }
0x13a: {  	v0 =	vand.u32 $0x7, v0;
	v1 =	vand.u32 $0xFFFFFFC0, v1  }
0x13b: {  	v0 =	vor.u32 v0, v1  }
0x13c: {  	v1 =	vperm.xlane v0, v2;
	_ =	sdelay $0x1  }
0x13d: {  	v1 =	vadd.s32 v3, v1  }
0x13e: {  	v4 =	vld [tilespmem:$0x1FFF0];
	_ =	sdelay $0x3  }
0x13f: {  	[tilespmem:s14], [sflag:$0x1] =	stream.indirect_vreg.gather [hbm4b:s3+s14], $0x80, v1, vm0, $0xb8;
	[tilespmem:$0x14100] =	vst v63  }
0x140: {  	s2 =	simm.s32 $0x800;
	v0 =	vperm.xlane v0, v4  }
0x141: {  	[tilespmem:s2], [sflag:$0x1] =	stream.indirect_vreg.gather [hbm4b:s8+s14], $0x80, v1, vm0, $0xb8;
	[tilespmem:$0x14100] =	vst v63  }
0x142: {  	s4 =	simm.s32 $0x1000;
	v0 =	vadd.s32 v3, v0  }
0x143: {  	[tilespmem:s4], [sflag:$0x1] =	stream.indirect_vreg.gather [hbm4b:s9+s14], $0x80, v1, vm0, $0xb8;
	[tilespmem:$0x14100] =	vst v63  }
0x144: {  	s15 =	simm.s32 $0x1800  }
0x145: {  	[tilespmem:s15], [sflag:$0x1] =	stream.indirect_vreg.gather [hbm4b:s10+s14], $0x80, v1, vm0, $0xb8;
	[tilespmem:$0x14100] =	vst v63  }
0x146: {  	s17 =	simm.s32 $0x2000  }
0x147: {  	[tilespmem:s17], [sflag:$0x1] =	stream.indirect_vreg.gather [hbm4b:s3+s14], $0x80, v0, vm0, $0xb8;
	[tilespmem:$0x14100] =	vst v63  }
0x148: {  	s18 =	simm.s32 $0x2800  }
0x149: {  	[tilespmem:s18], [sflag:$0x1] =	stream.indirect_vreg.gather [hbm4b:s8+s14], $0x80, v0, vm0, $0xb8;
	[tilespmem:$0x14100] =	vst v63  }
0x14a: {  	s19 =	simm.s32 $0x3000  }
0x14b: {  	[tilespmem:s19], [sflag:$0x1] =	stream.indirect_vreg.gather [hbm4b:s9+s14], $0x80, v0, vm0, $0xb8;
	[tilespmem:$0x14100] =	vst v63  }
0x14c: {  	s2 =	simm.s32 $0x3800  }
0x14d: {  	[tilespmem:s2], [sflag:$0x1] =	stream.indirect_vreg.gather [hbm4b:s10+s14], $0x80, v0, vm0, $0xb8;
	[tilespmem:$0x14100] =	vst v63  }
0x14e: {  	v0 =	vld [tilespmem:$0x10010];
	_ =	sdelay $0x4  }
0x14f: {  	v61 =	vshll.u32 v0, $0x3  }
0x150: {  	v0 =	vand.u32 $0x7, v0;
	v1 =	vand.u32 $0xFFFFFFC0, v61  }
0x151: {  	v0 =	vor.u32 v0, v1  }
0x152: {  	v1 =	vperm.xlane v0, v2;
	_ =	sdelay $0x1  }
0x153: {  	v1 =	vadd.s32 v3, v1;
	_ =	sdelay $0x3  }
0x154: {  	s4 =	simm.s32 $0x4000  }
0x155: {  	[tilespmem:s4], [sflag:$0x1] =	stream.indirect_vreg.gather [hbm4b:s3+s14], $0x80, v1, vm0, $0xb8;
	[tilespmem:$0x14100] =	vst v63  }
0x156: {  	s15 =	simm.s32 $0x4800;
	v0 =	vperm.xlane v0, v4  }
0x157: {  	[tilespmem:s15], [sflag:$0x1] =	stream.indirect_vreg.gather [hbm4b:s8+s14], $0x80, v1, vm0, $0xb8;
	[tilespmem:$0x14100] =	vst v63  }
0x158: {  	s17 =	simm.s32 $0x5000;
	v0 =	vadd.s32 v3, v0  }
0x159: {  	[tilespmem:s17], [sflag:$0x1] =	stream.indirect_vreg.gather [hbm4b:s9+s14], $0x80, v1, vm0, $0xb8;
	[tilespmem:$0x14100] =	vst v63  }
0x15a: {  	s18 =	simm.s32 $0x5800  }
0x15b: {  	[tilespmem:s18], [sflag:$0x1] =	stream.indirect_vreg.gather [hbm4b:s10+s14], $0x80, v1, vm0, $0xb8;
	[tilespmem:$0x14100] =	vst v63  }
0x15c: {  	s19 =	simm.s32 $0x6000  }
0x15d: {  	[tilespmem:s19], [sflag:$0x1] =	stream.indirect_vreg.gather [hbm4b:s3+s14], $0x80, v0, vm0, $0xb8;
	[tilespmem:$0x14100] =	vst v63  }
0x15e: {  	s2 =	simm.s32 $0x6800  }
0x15f: {  	[tilespmem:s2], [sflag:$0x1] =	stream.indirect_vreg.gather [hbm4b:s8+s14], $0x80, v0, vm0, $0xb8;
	[tilespmem:$0x14100] =	vst v63  }
0x160: {  	s4 =	simm.s32 $0x7000  }
0x161: {  	[tilespmem:s4], [sflag:$0x1] =	stream.indirect_vreg.gather [hbm4b:s9+s14], $0x80, v0, vm0, $0xb8;
	[tilespmem:$0x14100] =	vst v63  }
0x162: {  	s15 =	simm.s32 $0x7800  }
0x163: {  	[tilespmem:s15], [sflag:$0x1] =	stream.indirect_vreg.gather [hbm4b:s10+s14], $0x80, v0, vm0, $0xb8;
	[tilespmem:$0x14100] =	vst v63  }
0x164: {  	v0 =	vld [tilespmem:$0x10080];
	_ =	sdelay $0x4  }
0x165: {  	v62 =	vshll.u32 v0, $0x3  }
0x166: {  	v0 =	vand.u32 $0x7, v0;
	v1 =	vand.u32 $0xFFFFFFC0, v62  }
0x167: {  	v0 =	vor.u32 v0, v1  }
0x168: {  	v1 =	vperm.xlane v0, v2;
	_ =	sdelay $0x1  }
0x169: {  	v1 =	vadd.s32 v3, v1;
	_ =	sdelay $0x3  }
0x16a: {  	s17 =	simm.s32 $0x8000  }
0x16b: {  	[tilespmem:s17], [sflag:$0x2] =	stream.indirect_vreg.gather [hbm4b:s3+s14], $0x80, v1, vm0, $0xb8;
	[tilespmem:$0x14100] =	vst v63  }
0x16c: {  	s18 =	simm.s32 $0x8800;
	v0 =	vperm.xlane v0, v4  }
0x16d: {  	[tilespmem:s18], [sflag:$0x2] =	stream.indirect_vreg.gather [hbm4b:s8+s14], $0x80, v1, vm0, $0xb8;
	[tilespmem:$0x14100] =	vst v63  }
0x16e: {  	s19 =	simm.s32 $0x9000;
	v0 =	vadd.s32 v3, v0  }
0x16f: {  	[tilespmem:s19], [sflag:$0x2] =	stream.indirect_vreg.gather [hbm4b:s9+s14], $0x80, v1, vm0, $0xb8;
	[tilespmem:$0x14100] =	vst v63  }
0x170: {  	_ = 	snop  }
0x171: {  	[tilespmem:s5], [sflag:$0x2] =	stream.indirect_vreg.gather [hbm4b:s10+s14], $0x80, v1, vm0, $0xb8;
	[tilespmem:$0x14100] =	vst v63  }
0x172: {  	_ = 	snop  }
0x173: {  	[tilespmem:s20], [sflag:$0x2] =	stream.indirect_vreg.gather [hbm4b:s3+s14], $0x80, v0, vm0, $0xb8;
	[tilespmem:$0x14100] =	vst v63  }
0x174: {  	_ = 	snop  }
0x175: {  	[tilespmem:s6], [sflag:$0x2] =	stream.indirect_vreg.gather [hbm4b:s8+s14], $0x80, v0, vm0, $0xb8;
	[tilespmem:$0x14100] =	vst v63  }
0x176: {  	_ = 	snop  }
0x177: {  	[tilespmem:s21], [sflag:$0x2] =	stream.indirect_vreg.gather [hbm4b:s9+s14], $0x80, v0, vm0, $0xb8;
	[tilespmem:$0x14100] =	vst v63  }
0x178: {  	_ = 	snop  }
0x179: {  	[tilespmem:s7], [sflag:$0x2] =	stream.indirect_vreg.gather [hbm4b:s10+s14], $0x80, v0, vm0, $0xb8;
	[tilespmem:$0x14100] =	vst v63  }
0x17a: {  	v0 =	vld [tilespmem:$0x10090];
	_ =	sdelay $0x4  }
0x17b: {  	v63 =	vshll.u32 v0, $0x3  }
0x17c: {  	v0 =	vand.u32 $0x7, v0;
	v1 =	vand.u32 $0xFFFFFFC0, v63  }
0x17d: {  	v0 =	vor.u32 v0, v1  }
0x17e: {  	v1 =	vperm.xlane v0, v2;
	_ =	sdelay $0x1  }
0x17f: {  	v1 =	vadd.s32 v3, v1;
	_ =	sdelay $0x4  }
0x180: {  	[tilespmem:s22], [sflag:$0x2] =	stream.indirect_vreg.gather [hbm4b:s3+s14], $0x80, v1, vm0, $0xb8;
	[tilespmem:$0x14100] =	vst v63  }
0x181: {  	v0 =	vperm.xlane v0, v4  }
0x182: {  	[tilespmem:s23], [sflag:$0x2] =	stream.indirect_vreg.gather [hbm4b:s8+s14], $0x80, v1, vm0, $0xb8;
	[tilespmem:$0x14100] =	vst v63  }
0x183: {  	v0 =	vadd.s32 v3, v0  }
0x184: {  	[tilespmem:s24], [sflag:$0x2] =	stream.indirect_vreg.gather [hbm4b:s9+s14], $0x80, v1, vm0, $0xb8;
	[tilespmem:$0x14100] =	vst v63  }
0x185: {  	_ = 	snop  }
0x186: {  	[tilespmem:s25], [sflag:$0x2] =	stream.indirect_vreg.gather [hbm4b:s10+s14], $0x80, v1, vm0, $0xb8;
	[tilespmem:$0x14100] =	vst v63  }
0x187: {  	_ = 	snop  }
0x188: {  	[tilespmem:s26], [sflag:$0x2] =	stream.indirect_vreg.gather [hbm4b:s3+s14], $0x80, v0, vm0, $0xb8;
	[tilespmem:$0x14100] =	vst v63  }
0x189: {  	_ = 	snop  }
0x18a: {  	[tilespmem:s28], [sflag:$0x2] =	stream.indirect_vreg.gather [hbm4b:s8+s14], $0x80, v0, vm0, $0xb8;
	[tilespmem:$0x14100] =	vst v63  }
0x18b: {  	_ = 	snop  }
0x18c: {  	[tilespmem:s29], [sflag:$0x2] =	stream.indirect_vreg.gather [hbm4b:s9+s14], $0x80, v0, vm0, $0xb8;
	[tilespmem:$0x14100] =	vst v63  }
0x18d: {  	_ = 	snop  }
0x18e: {  	[tilespmem:s12], [sflag:$0x2] =	stream.indirect_vreg.gather [hbm4b:s10+s14], $0x80, v0, vm0, $0xb8;
	[tilespmem:$0x14100] =	vst v63  }
0x18f: {  	_ =	swait.ge [sflag:s30], $0x8000  }
0x190: {  	[sflag:s30] =	ssyncset.done $0x0  }
0x191: {  	[sflag:s30] =	ssyncadd.s32 $0xFFFF8000  }
0x192: {  	_ =	swait.ge [sflag:s13], $0x8000  }
0x193: {  	s0 =	simm.s32 $0x11100;
	s2 =	simm.s32 $0x0;
	[sflag:s13] =	ssyncset.done $0x0  }
0x194: {  	s15 =	simm.s32 $0x13100;
	s17 =	simm.s32 $0x0;
	[sflag:s13] =	ssyncadd.s32 $0xFFFF8000  }
.LBB2_4:
0x195: {  	v3 =	vld [tilespmem:s0+$0x0];
	s4 =	sand.u32 $0x6000, s2;
	s18 =	sand.u32 $0x380, s17  }
0x196: {  	v4 =	vld [tilespmem:s15+$0x0];
	s18 =	sor.u32 s18, s4  }
0x197: {  	v0 =	vld [tilespmem:s18+$0x0]  }
0x198: {  	v1 =	vld [tilespmem:s18+$0x8000]  }
0x199: {  	v2 =	vld [tilespmem:s18+$0x10]  }
0x19a: {  	v6 =	vld [tilespmem:s18+$0x8010]  }
0x19b: {  	v10 =	vld [tilespmem:s18+$0x20]  }
0x19c: {  	v11 =	vld [tilespmem:s18+$0x8020]  }
0x19d: {  	v14 =	vld [tilespmem:s18+$0x30]  }
0x19e: {  	v17 =	vld [tilespmem:s18+$0x8030]  }
0x19f: {  	v20 =	vld [tilespmem:s18+$0x40]  }
0x1a0: {  	v21 =	vld [tilespmem:s18+$0x8040]  }
0x1a1: {  	v26 =	vld [tilespmem:s18+$0x50]  }
0x1a2: {  	v27 =	vld [tilespmem:s18+$0x8050]  }
0x1a3: {  	v28 =	vld [tilespmem:s18+$0x60]  }
0x1a4: {  	v29 =	vld [tilespmem:s18+$0x8060]  }
0x1a5: {  	v30 =	vld [tilespmem:s18+$0x70]  }
0x1a6: {  	v31 =	vld [tilespmem:s18+$0x8070]  }
0x1a7: {  	v32 =	vld [tilespmem:s18+$0x400]  }
0x1a8: {  	v33 =	vld [tilespmem:s18+$0x8400]  }
0x1a9: {  	v34 =	vld [tilespmem:s18+$0x410]  }
0x1aa: {  	v35 =	vld [tilespmem:s18+$0x8410]  }
0x1ab: {  	v36 =	vld [tilespmem:s18+$0x420]  }
0x1ac: {  	v37 =	vld [tilespmem:s18+$0x8420]  }
0x1ad: {  	v38 =	vld [tilespmem:s18+$0x430]  }
0x1ae: {  	v39 =	vld [tilespmem:s18+$0x8430]  }
0x1af: {  	v40 =	vld [tilespmem:s18+$0x440]  }
0x1b0: {  	v41 =	vld [tilespmem:s18+$0x8440]  }
0x1b1: {  	v42 =	vld [tilespmem:s18+$0x450]  }
0x1b2: {  	v43 =	vld [tilespmem:s18+$0x8450]  }
0x1b3: {  	v44 =	vld [tilespmem:s18+$0x460]  }
0x1b4: {  	v45 =	vld [tilespmem:s18+$0x8460]  }
0x1b5: {  	v46 =	vld [tilespmem:s18+$0x470]  }
0x1b6: {  	v47 =	vld [tilespmem:s18+$0x8470]  }
0x1b7: {  	v48 =	vld [tilespmem:s18+$0x800]  }
0x1b8: {  	v49 =	vld [tilespmem:s18+$0x8800]  }
0x1b9: {  	v50 =	vld [tilespmem:s18+$0x810]  }
0x1ba: {  	v51 =	vld [tilespmem:s18+$0x8810]  }
0x1bb: {  	v52 =	vld [tilespmem:s18+$0x820]  }
0x1bc: {  	v53 =	vld [tilespmem:s18+$0x8820]  }
0x1bd: {  	v54 =	vld [tilespmem:s18+$0x830]  }
0x1be: {  	v55 =	vld [tilespmem:s18+$0x8830]  }
0x1bf: {  	v56 =	vld [tilespmem:s18+$0x840]  }
0x1c0: {  	v57 =	vld [tilespmem:s18+$0x8840]  }
0x1c1: {  	v58 =	vld [tilespmem:s18+$0x850]  }
0x1c2: {  	v59 =	vld [tilespmem:s18+$0x8850]  }
0x1c3: {  	v60 =	vld [tilespmem:s18+$0x860]  }
0x1c4: {  	v61 =	vld [tilespmem:s18+$0x8860]  }
0x1c5: {  	v62 =	vld [tilespmem:s18+$0x870]  }
0x1c6: {  	v63 =	vld [tilespmem:s18+$0x8870]  }
0x1c7: {  	v24 =	vld [tilespmem:s18+$0xC00]  }
0x1c8: {  	v25 =	vld [tilespmem:s18+$0x8C00]  }
0x1c9: {  	v22 =	vld [tilespmem:s18+$0xC10]  }
0x1ca: {  	v23 =	vld [tilespmem:s18+$0x8C10]  }
0x1cb: {  	v18 =	vld [tilespmem:s18+$0xC20]  }
0x1cc: {  	v19 =	vld [tilespmem:s18+$0x8C20]  }
0x1cd: {  	v15 =	vld [tilespmem:s18+$0xC30]  }
0x1ce: {  	v16 =	vld [tilespmem:s18+$0x8C30]  }
0x1cf: {  	v5 =	vld [tilespmem:s18+$0xC60]  }
0x1d0: {  	v12 =	vld [tilespmem:s18+$0xC40]  }
0x1d1: {  	v13 =	vld [tilespmem:s18+$0x8C40]  }
0x1d2: {  	v8 =	vld [tilespmem:s18+$0xC50]  }
0x1d3: {  	v9 =	vld [tilespmem:s18+$0x8C50];
	v0 =	vmul.f32 v0, v3;
	v1 =	vmul.f32 v1, v4  }
0x1d4: {  	v7 =	vld [tilespmem:s18+$0x8C60];
	[tilespmem:$0x1FFA0] =	vst v5;
	v5 =	vmul.f32 v2, v3;
	v2 =	vmul.f32 v6, v4  }
0x1d5: {  	v6 =	vld [tilespmem:s18+$0xC70];
	v17 =	vmul.f32 v17, v4;
	v0 =	vadd.f32 v1, v0  }
0x1d6: {  	v1 =	vmul.f32 v10, v3;
	v10 =	vld [tilespmem:s18+$0x8C70];
	v5 =	vadd.f32 v2, v5;
	v2 =	vmul.f32 v14, v3  }
0x1d7: {  	v11 =	vmul.f32 v11, v4;
	v14 =	vld [tilespmem:s18+$0x9000]  }
0x1d8: {  	v26 =	vmul.f32 v26, v3;
	v2 =	vadd.f32 v17, v2;
	v17 =	vld [tilespmem:s18+$0x1010]  }
0x1d9: {  	[tilespmem:s18+$0x0] =	vst v0;
	v0 =	vadd.f32 v11, v1;
	v1 =	vmul.f32 v20, v3;
	v11 =	vmul.f32 v21, v4;
	v20 =	vld [tilespmem:s18+$0x9010]  }
0x1da: {  	v27 =	vmul.f32 v27, v4;
	v30 =	vmul.f32 v30, v3;
	v21 =	vld [tilespmem:s18+$0x1020];
	[tilespmem:$0x1FFB0] =	vst v6  }
0x1db: {  	v31 =	vmul.f32 v31, v4;
	v33 =	vmul.f32 v33, v4;
	v6 =	vld [tilespmem:s18+$0x1000];
	[tilespmem:s18+$0x20] =	vst v0;
	v0 =	vadd.f32 v11, v1  }
0x1dc: {  	v1 =	vmul.f32 v28, v3;
	v11 =	vmul.f32 v29, v4;
	[tilespmem:s18+$0x30] =	vst v2;
	v2 =	vadd.f32 v27, v26;
	v26 =	vld [tilespmem:s18+$0x9020]  }
0x1dd: {  	v42 =	vmul.f32 v42, v3;
	[tilespmem:s18+$0x10] =	vst v5;
	v5 =	vmul.f32 v34, v3;
	v28 =	vld [tilespmem:s18+$0x1030]  }
0x1de: {  	v34 =	vmul.f32 v37, v4;
	v29 =	vld [tilespmem:s18+$0x9030];
	[tilespmem:s18+$0x40] =	vst v0;
	v0 =	vadd.f32 v11, v1;
	v1 =	vmul.f32 v32, v3  }
0x1df: {  	v37 =	vmul.f32 v39, v4;
	[tilespmem:s18+$0x50] =	vst v2;
	v2 =	vadd.f32 v31, v30;
	v32 =	vmul.f32 v35, v4;
	v30 =	vld [tilespmem:s18+$0x1040]  }
0x1e0: {  	v31 =	vld [tilespmem:s18+$0x9040];
	[tilespmem:s18+$0x60] =	vst v0;
	v0 =	vadd.f32 v33, v1;
	v33 =	vmul.f32 v36, v3;
	v36 =	vmul.f32 v38, v3  }
0x1e1: {  	v39 =	vmul.f32 v40, v3;
	v40 =	vmul.f32 v41, v4;
	v11 =	vld [tilespmem:s18+$0x9450];
	[tilespmem:s18+$0x70] =	vst v2;
	v35 =	vadd.f32 v32, v5  }
0x1e2: {  	v56 =	vmul.f32 v56, v3;
	v32 =	vld [tilespmem:s18+$0x1050];
	[tilespmem:s18+$0x400] =	vst v0;
	v38 =	vadd.f32 v34, v33;
	v41 =	vadd.f32 v37, v36  }
0x1e3: {  	[tilespmem:s18+$0x410] =	vst v35;
	v36 =	vmul.f32 v43, v4;
	v37 =	vadd.f32 v40, v39;
	v39 =	vmul.f32 v45, v4;
	v33 =	vld [tilespmem:s18+$0x9050]  }
0x1e4: {  	v34 =	vld [tilespmem:s18+$0x1060];
	v45 =	vmul.f32 v49, v4;
	[tilespmem:s18+$0x420] =	vst v38;
	v38 =	vmul.f32 v44, v3  }
0x1e5: {  	v35 =	vld [tilespmem:s18+$0x9060];
	[tilespmem:s18+$0x430] =	vst v41;
	v40 =	vadd.f32 v36, v42;
	v41 =	vmul.f32 v46, v3;
	v42 =	vmul.f32 v47, v4  }
0x1e6: {  	[tilespmem:s18+$0x440] =	vst v37;
	v44 =	vmul.f32 v48, v3;
	v47 =	vmul.f32 v50, v3;
	v36 =	vld [tilespmem:s18+$0x1070];
	v43 =	vadd.f32 v39, v38  }
0x1e7: {  	v48 =	vmul.f32 v51, v4;
	v50 =	vmul.f32 v52, v3;
	v37 =	vld [tilespmem:s18+$0x9070];
	[tilespmem:s18+$0x450] =	vst v40;
	v46 =	vadd.f32 v42, v41  }
0x1e8: {  	v51 =	vmul.f32 v53, v4;
	v53 =	vmul.f32 v54, v3;
	v49 =	vadd.f32 v45, v44;
	v38 =	vld [tilespmem:s18+$0x1400];
	[tilespmem:s18+$0x460] =	vst v43  }
0x1e9: {  	v54 =	vmul.f32 v55, v4;
	v52 =	vadd.f32 v48, v47;
	v44 =	vmul.f32 v57, v4;
	v39 =	vld [tilespmem:s18+$0x9400];
	[tilespmem:s18+$0x470] =	vst v46  }
0x1ea: {  	v55 =	vadd.f32 v51, v50;
	v47 =	vmul.f32 v59, v4;
	v40 =	vld [tilespmem:s18+$0x1410];
	v50 =	vmul.f32 v61, v4;
	[tilespmem:s18+$0x800] =	vst v49  }
0x1eb: {  	v45 =	vadd.f32 v54, v53;
	v41 =	vld [tilespmem:s18+$0x9410];
	v53 =	vmul.f32 v63, v4;
	[tilespmem:s18+$0x810] =	vst v52;
	v46 =	vmul.f32 v58, v3  }
0x1ec: {  	v42 =	vld [tilespmem:s18+$0x1420];
	v59 =	vmul.f32 v23, v4;
	[tilespmem:s18+$0x820] =	vst v55;
	v48 =	vadd.f32 v44, v56;
	v49 =	vmul.f32 v60, v3  }
0x1ed: {  	v23 =	vld [tilespmem:s18+$0x1430];
	v61 =	vmul.f32 v18, v3;
	[tilespmem:s18+$0x830] =	vst v45;
	v52 =	vmul.f32 v62, v3;
	v51 =	vadd.f32 v47, v46  }
0x1ee: {  	v18 =	vld [tilespmem:s18+$0x9430];
	v55 =	vmul.f32 v24, v3;
	v56 =	vmul.f32 v25, v4;
	[tilespmem:s18+$0x840] =	vst v48;
	v54 =	vadd.f32 v50, v49  }
0x1ef: {  	v24 =	vld [tilespmem:s18+$0x9420];
	v58 =	vmul.f32 v22, v3;
	v62 =	vmul.f32 v19, v4;
	v57 =	vadd.f32 v53, v52;
	[tilespmem:s18+$0x850] =	vst v51  }
0x1f0: {  	v22 =	vmul.f32 v15, v3;
	v25 =	vmul.f32 v16, v4;
	v16 =	vld [tilespmem:s18+$0x1440];
	v60 =	vadd.f32 v56, v55;
	[tilespmem:s18+$0x860] =	vst v54  }
0x1f1: {  	v43 =	vmul.f32 v12, v3;
	v44 =	vmul.f32 v13, v4;
	v12 =	vld [tilespmem:s18+$0x9440];
	v63 =	vadd.f32 v59, v58;
	[tilespmem:s18+$0x870] =	vst v57  }
0x1f2: {  	v13 =	vld [tilespmem:s18+$0x1470];
	v27 =	vadd.f32 v62, v61;
	v46 =	vmul.f32 v8, v3;
	v47 =	vmul.f32 v9, v4;
	[tilespmem:s18+$0xC00] =	vst v60  }
0x1f3: {  	v15 =	vld [tilespmem:s18+$0x1800];
	v45 =	vadd.f32 v25, v22;
	v55 =	vmul.f32 v14, v4;
	v58 =	vmul.f32 v20, v4;
	[tilespmem:s18+$0xC10] =	vst v63  }
0x1f4: {  	v19 =	vld [tilespmem:s18+$0x1810];
	v48 =	vadd.f32 v44, v43;
	v22 =	vmul.f32 v30, v3;
	v25 =	vmul.f32 v31, v4;
	[tilespmem:s18+$0xC20] =	vst v27  }
0x1f5: {  	v9 =	vld [tilespmem:s18+$0x1450];
	v30 =	vmul.f32 v34, v3;
	v31 =	vmul.f32 v35, v4;
	[tilespmem:s18+$0xC30] =	vst v45;
	v50 =	vadd.f32 v47, v46  }
0x1f6: {  	v49 =	vld [tilespmem:$0x1FFA0];
	v20 =	vmul.f32 v29, v4;
	[tilespmem:s18+$0xC40] =	vst v48;
	v54 =	vmul.f32 v6, v3;
	v29 =	vadd.f32 v25, v22  }
0x1f7: {  	v52 =	vmul.f32 v10, v4;
	v10 =	vld [tilespmem:s18+$0x1460];
	v57 =	vmul.f32 v17, v3;
	v35 =	vadd.f32 v31, v30;
	[tilespmem:s18+$0xC50] =	vst v50  }
0x1f8: {  	v61 =	vmul.f32 v26, v4;
	v14 =	vld [tilespmem:s18+$0x9470];
	v60 =	vmul.f32 v21, v3;
	v59 =	vadd.f32 v55, v54;
	[tilespmem:s18+$0x1040] =	vst v29  }
0x1f9: {  	v7 =	vmul.f32 v7, v4;
	v44 =	vld [tilespmem:s18+$0x1830];
	v63 =	vmul.f32 v28, v3;
	v62 =	vadd.f32 v58, v57;
	[tilespmem:s18+$0x1060] =	vst v35  }
0x1fa: {  	v51 =	vld [tilespmem:$0x1FFB0];
	v27 =	vmul.f32 v32, v3;
	v28 =	vmul.f32 v33, v4;
	v21 =	vadd.f32 v61, v60;
	[tilespmem:s18+$0x1000] =	vst v59  }
0x1fb: {  	v34 =	vmul.f32 v37, v4;
	v17 =	vld [tilespmem:s18+$0x9800];
	v33 =	vmul.f32 v36, v3;
	v26 =	vadd.f32 v20, v63;
	[tilespmem:s18+$0x1010] =	vst v62  }
0x1fc: {  	v37 =	vmul.f32 v39, v4;
	v36 =	vmul.f32 v38, v3;
	v38 =	vld [tilespmem:s18+$0x9820];
	v32 =	vadd.f32 v28, v27;
	[tilespmem:s18+$0x1020] =	vst v21  }
0x1fd: {  	v40 =	vmul.f32 v40, v3;
	v43 =	vmul.f32 v41, v4;
	v48 =	vld [tilespmem:s18+$0x9830];
	v39 =	vadd.f32 v34, v33;
	[tilespmem:s18+$0x1030] =	vst v26  }
0x1fe: {  	v31 =	vld [tilespmem:s18+$0x1870];
	v45 =	vadd.f32 v37, v36;
	v50 =	vmul.f32 v23, v3;
	v1 =	vmul.f32 v49, v3;
	[tilespmem:s18+$0x1050] =	vst v32  }
0x1ff: {  	v20 =	vld [tilespmem:s18+$0x9810];
	v23 =	vmul.f32 v13, v3;
	v49 =	vadd.f32 v43, v40;
	[tilespmem:s18+$0x1070] =	vst v39;
	v26 =	vmul.f32 v14, v4  }
0x200: {  	v46 =	vmul.f32 v42, v3;
	v55 =	vld [tilespmem:s18+$0x1850];
	[tilespmem:s18+$0x1400] =	vst v45;
	v5 =	vmul.f32 v51, v3;
	v53 =	vadd.f32 v7, v1  }
0x201: {  	v47 =	vmul.f32 v24, v4;
	v58 =	vmul.f32 v11, v4;
	v63 =	vld [tilespmem:s18+$0x1860];
	[tilespmem:s18+$0x1410] =	vst v49;
	v32 =	vadd.f32 v26, v23  }
0x202: {  	v27 =	vld [tilespmem:s18+$0x9860];
	v29 =	vmul.f32 v15, v3;
	v57 =	vmul.f32 v9, v3;
	v56 =	vadd.f32 v52, v5;
	[tilespmem:s18+$0xC60] =	vst v53  }
0x203: {  	v35 =	vld [tilespmem:s18+$0x9870];
	v41 =	vmul.f32 v44, v3;
	v30 =	vmul.f32 v17, v4;
	v52 =	vadd.f32 v47, v46;
	[tilespmem:s18+$0x1470] =	vst v32  }
0x204: {  	v21 =	vld [tilespmem:s18+$0x1820];
	v42 =	vmul.f32 v48, v4;
	v53 =	vmul.f32 v16, v3;
	v16 =	vadd.f32 v58, v57;
	[tilespmem:s18+$0xC70] =	vst v56  }
0x205: {  	v59 =	vld [tilespmem:s18+$0x9850];
	v51 =	vmul.f32 v18, v4;
	v36 =	vadd.f32 v30, v29;
	[tilespmem:s18+$0x1420] =	vst v52  }
0x206: {  	v54 =	vmul.f32 v12, v4;
	v39 =	vld [tilespmem:s18+$0x9840];
	v46 =	vadd.f32 v42, v41;
	[tilespmem:s18+$0x1450] =	vst v16  }
0x207: {  	v33 =	vmul.f32 v19, v3;
	v7 =	vld [tilespmem:s18+$0x9460];
	v34 =	vmul.f32 v20, v4;
	v56 =	vadd.f32 v51, v50;
	[tilespmem:s18+$0x1800] =	vst v36  }
0x208: {  	v18 =	vld [tilespmem:s18+$0x1840];
	v47 =	vmul.f32 v63, v3;
	v48 =	vmul.f32 v27, v4;
	v60 =	vadd.f32 v54, v53;
	[tilespmem:s18+$0x1830] =	vst v46  }
0x209: {  	v38 =	vmul.f32 v38, v4;
	v37 =	vmul.f32 v21, v3;
	v40 =	vadd.f32 v34, v33;
	[tilespmem:s18+$0x1430] =	vst v56  }
0x20a: {  	v44 =	vmul.f32 v55, v3;
	v45 =	vmul.f32 v59, v4;
	v52 =	vadd.f32 v48, v47;
	[tilespmem:s18+$0x1440] =	vst v60  }
0x20b: {  	v50 =	vmul.f32 v31, v3;
	v51 =	vmul.f32 v35, v4;
	v43 =	vadd.f32 v38, v37;
	[tilespmem:s18+$0x1810] =	vst v40  }
0x20c: {  	v61 =	vmul.f32 v10, v3;
	v62 =	vmul.f32 v7, v4;
	v49 =	vadd.f32 v45, v44;
	[tilespmem:s18+$0x1860] =	vst v52  }
0x20d: {  	s19 =	sand.u32 $0x7, s14;
	v54 =	vmul.f32 v39, v4;
	v53 =	vmul.f32 v18, v3;
	v55 =	vadd.f32 v51, v50;
	[tilespmem:s18+$0x1820] =	vst v43  }
0x20e: {  	s4 =	sshll.u32 s19, $0x7;
	v28 =	vadd.f32 v62, v61;
	[tilespmem:s18+$0x1850] =	vst v49  }
0x20f: {  	s4 =	sadd.s32 s4, s2;
	v56 =	vadd.f32 v54, v53;
	[tilespmem:s18+$0x1870] =	vst v55  }
0x210: {  	s19 =	sor.u32 $0x1C00, s4;
	[tilespmem:s18+$0x1460] =	vst v28  }
0x211: {  	[tilespmem:s18+$0x1840] =	vst v56;
	v0 =	vld [tilespmem:s19+$0x0]  }
0x212: {  	v1 =	vld [tilespmem:s19+$0x8000];
	_ =	sdelay $0x4  }
0x213: {  	v0 =	vmul.f32 v0, v3;
	v1 =	vmul.f32 v1, v4;
	_ =	sdelay $0x1  }
0x214: {  	v0 =	vadd.f32 v1, v0;
	_ =	sdelay $0x1  }
0x215: {  	[tilespmem:s19+$0x0] =	vst v0;
	s19 =	sor.u32 $0x1C10, s4  }
0x216: {  	v0 =	vld [tilespmem:s19+$0x0]  }
0x217: {  	v57 =	vld [tilespmem:s19+$0x8000];
	_ =	sdelay $0x4  }
0x218: {  	v0 =	vmul.f32 v0, v3;
	v1 =	vmul.f32 v57, v4;
	_ =	sdelay $0x1  }
0x219: {  	v0 =	vadd.f32 v1, v0;
	_ =	sdelay $0x1  }
0x21a: {  	[tilespmem:s19+$0x0] =	vst v0;
	s19 =	sor.u32 $0x1C20, s4  }
0x21b: {  	v0 =	vld [tilespmem:s19+$0x0]  }
0x21c: {  	v58 =	vld [tilespmem:s19+$0x8000];
	_ =	sdelay $0x4  }
0x21d: {  	v0 =	vmul.f32 v0, v3;
	v1 =	vmul.f32 v58, v4;
	_ =	sdelay $0x1  }
0x21e: {  	v0 =	vadd.f32 v1, v0;
	_ =	sdelay $0x1  }
0x21f: {  	[tilespmem:s19+$0x0] =	vst v0;
	s19 =	sor.u32 $0x1C30, s4  }
0x220: {  	v0 =	vld [tilespmem:s19+$0x0]  }
0x221: {  	v59 =	vld [tilespmem:s19+$0x8000];
	_ =	sdelay $0x4  }
0x222: {  	v0 =	vmul.f32 v0, v3;
	v1 =	vmul.f32 v59, v4;
	_ =	sdelay $0x1  }
0x223: {  	v0 =	vadd.f32 v1, v0;
	_ =	sdelay $0x1  }
0x224: {  	[tilespmem:s19+$0x0] =	vst v0;
	s19 =	sor.u32 $0x1C40, s4  }
0x225: {  	v0 =	vld [tilespmem:s19+$0x0]  }
0x226: {  	v60 =	vld [tilespmem:s19+$0x8000];
	_ =	sdelay $0x4  }
0x227: {  	v0 =	vmul.f32 v0, v3;
	v1 =	vmul.f32 v60, v4;
	_ =	sdelay $0x1  }
0x228: {  	v0 =	vadd.f32 v1, v0;
	_ =	sdelay $0x1  }
0x229: {  	[tilespmem:s19+$0x0] =	vst v0;
	s19 =	sor.u32 $0x1C50, s4  }
0x22a: {  	v0 =	vld [tilespmem:s19+$0x0]  }
0x22b: {  	v61 =	vld [tilespmem:s19+$0x8000];
	_ =	sdelay $0x4  }
0x22c: {  	v0 =	vmul.f32 v0, v3;
	v1 =	vmul.f32 v61, v4;
	_ =	sdelay $0x1  }
0x22d: {  	v0 =	vadd.f32 v1, v0;
	_ =	sdelay $0x1  }
0x22e: {  	[tilespmem:s19+$0x0] =	vst v0;
	s19 =	sor.u32 $0x1C60, s4  }
0x22f: {  	v0 =	vld [tilespmem:s19+$0x0]  }
0x230: {  	v62 =	vld [tilespmem:s19+$0x8000];
	_ =	sdelay $0x4  }
0x231: {  	v0 =	vmul.f32 v0, v3;
	v1 =	vmul.f32 v62, v4;
	_ =	sdelay $0x1  }
0x232: {  	v0 =	vadd.f32 v1, v0;
	_ =	sdelay $0x1  }
0x233: {  	s4 =	sor.u32 $0x1C70, s4;
	[tilespmem:s19+$0x0] =	vst v0  }
0x234: {  	v0 =	vld [tilespmem:s4+$0x0]  }
0x235: {  	v63 =	vld [tilespmem:s4+$0x8000];
	_ =	sdelay $0x3  }
0x236: {  	p0 =	sne.s32 s17, $0xF80  }
.Ltmp1:
0x237: {  	v0 =	vmul.f32 v0, v3;
	v1 =	vmul.f32 v63, v4;
	(pc) =	sbr.rel @p0 .LBB2_4-.Ltmp1, $4  }
0x238: {  	_ = 	snop  }
0x239: {  	v0 =	vadd.f32 v1, v0  }
0x23a: {  	s14 =	sadd.s32 $0x1, s14;
	s0 =	sadd.s32 $0x80, s0  }
0x23b: {  	s15 =	sadd.s32 $0x80, s15;
	s17 =	sadd.s32 $0x80, s17;
	s2 =	sadd.s32 $0x400, s2;
	[tilespmem:s4+$0x0] =	vst v0  }
0x23c: {  	s0 =	rddreg [dreg:$0x9]  }
0x23d: {  	[hbm4b:s0+s1] =	stream.linear.scatter [tilespmem:s1], [sflag:$0x3], $0x8000, $0x38;
	[tilespmem:$0x14100] =	vst v63  }
0x23e: {  	_ =	swait.ge [sflag:s16], $0x8000  }
0x23f: {  	s31 =	sadd.s32 $0x1, s31;
	s19 =	rddreg [dreg:$0xa]  }
0x240: {  	p0 =	sne.s32 s31, s19  }
.Ltmp2:
0x241: {  	_ = 	snop;
	(pc) =	sbr.rel @p0 .LBB2_1-.Ltmp2, $3  }
0x242: {  	_ =	sdelay $0x1  }
0x243: {  	[sflag:s16] =	ssyncset.done $0x0  }
0x244: {  	[sflag:s16] =	ssyncadd.s32 $0xFFFF8000  }
0x245: {  	_ =	sfence.sel $0x180000  }
0x246: {  	[bflag:$0x0] =	sbarrier.arrive $0xFFFF  }
0x247: {  	_ =	strace $0x9000004A  }
0x248: {  	s0 =	stileid.u32;
	[bflag:$0x2] =	sbarrier.arrive $0xFFFF  }
0x249: {  	p0 =	sne.s32 s0, $0x0;
	s0 =	rddreg [dreg:$0x2]  }
0x24a: {  	s0 =	sadd.s32 @!p0 $0x100000, s0  }
0x24b: {  	[sflag:s0] =	ssyncadd.tile.s32 @!p0 $0x1;
	_ =	shalt  }
.Lfunc_end2:
_tile_overlayer_lowered:
.L_overlay_start_2:
0x24c: {  	(tag) =	ssettag $0x2  }
0x24d: {  	s0 =	rddreg [dreg:$0x0];
	s2 =	stileid.u32  }
0x24e: {  	s1 =	rddreg [dreg:$0x1];
	p0 =	sne.s32 s2, $0x0  }
0x24f: {  	s3 =	rddreg [dreg:$0x2];
	[bflag:$0x3] =	sbarrier.arrive $0xFFFF;
	s2 =	simm.s32 @!p0 $0x1C03  }
0x250: {  	[timem:s3], [sflag:s2] =	dma.local @!p0 [hbm:s0], s1  }
0x251: {  	s0 =	simm.s32 @!p0 $0x3  }
0x252: {  	_ =	swait.ge @!p0 [sflag:s0], s1  }
0x253: {  	s1 =	ssub.s32 @!p0 $0x0, s1;
	[sflag:s0] =	ssyncset.done @!p0 $0x0  }
0x254: {  	[sflag:s0] =	ssyncadd.s32 @!p0 s1  }
0x255: {  	[bflag:$0x3] =	sbarrier.arrive $0xFFFF  }
0x256: {  	_ =	shalt  }

</sc_bundles>
